<compile_context>
chip_gen: v7x
topology: tpu7x:2x2x1
jax: 0.10.2.dev20260603
libtpu: 0.0.44.dev20260713+nightly
codegen_flags: <defaults>
</compile_context>

<pallas_src>
import functools
import math

import jax
import jax.numpy as jnp
from jax import lax
from jax.experimental import pallas as pl
from jax.experimental.pallas import tpu as pltpu
from jax.experimental.pallas import tpu_sc as plsc

N = 10000
E = 320000
F = 128
H = 128
C = 40
CP = 128
EPS = 1e-5
_BN = 1.0 / math.sqrt(1.0 + EPS)

NC = 2
NS = 16
AWS = 2
AW = NC * AWS
CHUNK = 128
NCH = 640
NCL = NCH + 4
EPW = CHUNK * NCH
EPAD = EPW * AW
NPAD = 10112
NCH_A = 796
NCH_B = 484
NCLM = NCH_A + 4
RPT = NPAD // NS
DEGL = 128

_mesh = plsc.VectorSubcoreMesh(core_axis_name="c", subcore_axis_name="s")


def _deg_body(ed_hbm, ones_hbm, zeros_hbm, out_hbm, ring, onesv, accum,
              rs0, rs1, rs2, rs3):
    cid = lax.axis_index("c")
    sid = lax.axis_index("s")
    rsems = (rs0, rs1, rs2, rs3)
    wid = cid * AWS + sid
    base = wid * NCL

    def ed_copy(c, slot, sem):
        return pltpu.make_async_copy(ed_hbm.at[base + c], ring.at[slot], sem)

    pltpu.sync_copy(ones_hbm, onesv)
    pltpu.sync_copy(zeros_hbm, accum.at[pl.ds(sid * RPT, RPT)])

    @pl.when(sid < AWS)
    def _():
        for s in range(4):
            ed_copy(s, s, rsems[s]).start()

    plsc.subcore_barrier()

    @pl.when(sid < AWS)
    def _():
        def body(i, carry):
            c4 = i * 4
            for b in range(4):
                cc = c4 + b
                ed_copy(cc, b, rsems[b]).wait()
                pltpu.sync_copy(onesv, accum.at[ring.at[b, 1]], add=True)
                ed_copy(cc + 4, b, rsems[b]).start()
            return carry

        lax.fori_loop(0, NCH // 4, body, 0)
        for b in range(4):
            ed_copy(NCH + b, b, rsems[b]).wait()

    plsc.subcore_barrier()
    pltpu.sync_copy(accum.at[pl.ds(sid * RPT, RPT)],
                    out_hbm.at[cid, pl.ds(sid * RPT, RPT)])


_deg_call = functools.partial(
    pl.kernel,
    mesh=_mesh,
    out_type=jax.ShapeDtypeStruct((NC, NPAD, DEGL), jnp.float32),
    scratch_types=[
        pltpu.VMEM((4, 2, CHUNK), jnp.int32),
        pltpu.VMEM((CHUNK, DEGL), jnp.float32),
        pltpu.VMEM_SHARED((NPAD, DEGL), jnp.float32),
        pltpu.SemaphoreType.DMA,
        pltpu.SemaphoreType.DMA,
        pltpu.SemaphoreType.DMA,
        pltpu.SemaphoreType.DMA,
    ],
)(_deg_body)


def _agg_body(u_hbm, ed_hbm, zeros_hbm, out_hbm, ring, stage, accum,
              rs0, rs1, rs2, rs3, gs0, gs1):
    cid = lax.axis_index("c")
    sid = lax.axis_index("s")
    rsems = (rs0, rs1, rs2, rs3)
    gsems = (gs0, gs1)
    wid = cid * AWS + sid
    base = wid * NCLM
    nch = jnp.where(cid == 0, NCH_A, NCH_B)

    def ed_copy(c, slot, sem):
        return pltpu.make_async_copy(ed_hbm.at[base + c], ring.at[slot], sem)

    def gather(slot, sb):
        return pltpu.make_async_copy(
            u_hbm.at[ring.at[slot, 0]], stage.at[sb], gsems[sb])

    pltpu.sync_copy(zeros_hbm, accum.at[pl.ds(sid * RPT, RPT)])

    @pl.when(sid < AWS)
    def _():
        for s in range(4):
            ed_copy(s, s, rsems[s]).start()

    plsc.subcore_barrier()

    @pl.when(sid < AWS)
    def _():
        for b in range(2):
            ed_copy(b, b, rsems[b]).wait()
            gather(b, b).start()

        def body(i, carry):
            c4 = i * 4
            for b in range(4):
                cc = c4 + b
                sb = b % 2
                s2 = (b + 2) % 4
                gather(b, sb).wait()
                pltpu.sync_copy(stage.at[sb], accum.at[ring.at[b, 1]],
                                add=True)
                ed_copy(cc + 4, b, rsems[b]).start()
                ed_copy(cc + 2, s2, rsems[s2]).wait()
                gather(s2, sb).start()
            return carry

        lax.fori_loop(0, nch // 4, body, 0)

        for b in range(2):
            gather(b, b).wait()
        for b in range(2, 4):
            ed_copy(nch + b, b, rsems[b]).wait()

    plsc.subcore_barrier()
    pltpu.sync_copy(accum.at[pl.ds(sid * RPT, RPT)],
                    out_hbm.at[cid, pl.ds(sid * RPT, RPT)])


def _make_agg(d):
    return functools.partial(
        pl.kernel,
        mesh=_mesh,
        out_type=jax.ShapeDtypeStruct((NC, NPAD, d), jnp.float32),
        scratch_types=[
            pltpu.VMEM((4, 2, CHUNK), jnp.int32),
            pltpu.VMEM((2, CHUNK, d), jnp.float32),
            pltpu.VMEM_SHARED((NPAD, d), jnp.float32),
            pltpu.SemaphoreType.DMA,
            pltpu.SemaphoreType.DMA,
            pltpu.SemaphoreType.DMA,
            pltpu.SemaphoreType.DMA,
            pltpu.SemaphoreType.DMA,
            pltpu.SemaphoreType.DMA,
        ],
    )(_agg_body)


_agg128 = _make_agg(H)


R = 1000


def _tc1_body(x_ref, w0_ref, w1_ref, d0_ref, d1_ref, b0_ref, g0_ref,
              be0_ref, out_ref):
    s0 = g0_ref[...] * _BN
    h = jnp.dot(x_ref[...], w0_ref[...], preferred_element_type=jnp.float32)
    h = jnp.maximum(h * s0 + (b0_ref[...] * s0 + be0_ref[...]), 0.0)
    t = jnp.dot(h, w1_ref[...], preferred_element_type=jnp.float32)
    deg = d0_ref[...][:, :1] + d1_ref[...][:, :1] + 1.0
    out_ref[...] = t * lax.rsqrt(deg)


def _tc2_body(a0_ref, a1_ref, u1_ref, d0_ref, d1_ref, w2_ref, b1_ref,
              g1_ref, be1_ref, out_ref):
    deg = d0_ref[...][:, :1] + d1_ref[...][:, :1] + 1.0
    dinv = lax.rsqrt(deg)
    t = (a0_ref[...] + a1_ref[...] + u1_ref[...]) * dinv + b1_ref[...]
    s1 = g1_ref[...] * _BN
    h = jnp.maximum(t * s1 + be1_ref[...], 0.0)
    out_ref[...] = jnp.dot(h, w2_ref[...],
                           preferred_element_type=jnp.float32) * dinv


def _tc3_body(a0_ref, a1_ref, u2_ref, d0_ref, d1_ref, b2_ref, out_ref):
    deg = d0_ref[...][:, :1] + d1_ref[...][:, :1] + 1.0
    dinv = lax.rsqrt(deg)
    z = (a0_ref[...] + a1_ref[...] + u2_ref[...]) * dinv + b2_ref[...]
    z = z[:, :C]
    m = jnp.max(z, axis=-1, keepdims=True)
    lse = jnp.log(jnp.sum(jnp.exp(z - m), axis=-1, keepdims=True)) + m
    out_ref[...] = z - lse


def _row_spec(d):
    return pl.BlockSpec((R, d), lambda i: (i, 0))


def _full_spec(shape):
    return pl.BlockSpec(shape, lambda i: tuple(0 for _ in shape))


_tc1_call = pl.pallas_call(
    _tc1_body,
    grid=(N // R,),
    in_specs=[
        _row_spec(F), _full_spec((F, H)), _full_spec((H, H)),
        _row_spec(DEGL), _row_spec(DEGL),
        _full_spec((1, H)), _full_spec((1, H)), _full_spec((1, H)),
    ],
    out_specs=_row_spec(H),
    out_shape=jax.ShapeDtypeStruct((N, H), jnp.float32),
)

_tc2_call = pl.pallas_call(
    _tc2_body,
    grid=(N // R,),
    in_specs=[
        _row_spec(H), _row_spec(H), _row_spec(H),
        _row_spec(DEGL), _row_spec(DEGL),
        _full_spec((H, CP)),
        _full_spec((1, H)), _full_spec((1, H)), _full_spec((1, H)),
    ],
    out_specs=_row_spec(CP),
    out_shape=jax.ShapeDtypeStruct((N, CP), jnp.float32),
)

_tc3_call = pl.pallas_call(
    _tc3_body,
    grid=(N // R,),
    in_specs=[
        _row_spec(CP), _row_spec(CP), _row_spec(CP),
        _row_spec(DEGL), _row_spec(DEGL),
        _full_spec((1, CP)),
    ],
    out_specs=_row_spec(C),
    out_shape=jax.ShapeDtypeStruct((N, C), jnp.float32),
)


def kernel(aggregated_feature, edge_index, W0, b0, g0, be0, W1, b1, g1,
           be1, W2, b2):
    src = edge_index[0]
    dst = edge_index[1]
    pad = EPAD - E
    srcp = jnp.reshape(
        jnp.concatenate([src, jnp.zeros((pad,), jnp.int32)]),
        (AW, NCH, CHUNK))
    dstp = jnp.reshape(
        jnp.concatenate([dst, jnp.full((pad,), N, jnp.int32)]),
        (AW, NCH, CHUNK))
    ed = jnp.stack([srcp, dstp], axis=2)
    ed = jnp.pad(ed, ((0, 0), (0, NCL - NCH), (0, 0), (0, 0)))
    ed = jnp.reshape(ed, (AW * NCL, 2, CHUNK))

    srcz = jnp.concatenate([src, jnp.zeros((pad,), jnp.int32)])
    dstz = jnp.concatenate([dst, jnp.full((pad,), N, jnp.int32)])
    na = NCH_A * CHUNK
    nb = NCH_B * CHUNK
    bounds = (0, na, 2 * na, 2 * na + nb, EPAD)
    blocks = []
    for w in range(AW):
        cnt = NCH_A if w < AWS else NCH_B
        s_w = srcz[bounds[w]:bounds[w + 1]].reshape(cnt, CHUNK)
        d_w = dstz[bounds[w]:bounds[w + 1]].reshape(cnt, CHUNK)
        blk = jnp.stack([s_w, d_w], axis=1)
        blocks.append(jnp.pad(blk, ((0, NCLM - cnt), (0, 0), (0, 0))))
    edu = jnp.concatenate(blocks, axis=0)

    ones_deg = jnp.ones((CHUNK, DEGL), jnp.float32)
    zeros_deg = jnp.zeros((RPT, DEGL), jnp.float32)
    degp = _deg_call(ed, ones_deg, zeros_deg)
    d0 = degp[0, :N]
    d1 = degp[1, :N]

    b0r = b0.reshape(1, H)
    g0r = g0.reshape(1, H)
    be0r = be0.reshape(1, H)
    b1r = b1.reshape(1, H)
    g1r = g1.reshape(1, H)
    be1r = be1.reshape(1, H)
    w2p = jnp.pad(W2, ((0, 0), (0, CP - C)))
    b2p = jnp.pad(b2, (0, CP - C)).reshape(1, CP)

    u1 = _tc1_call(aggregated_feature, W0, W1, d0, d1, b0r, g0r, be0r)

    zeros_h = jnp.zeros((RPT, H), jnp.float32)
    a1p = _agg128(u1, edu, zeros_h)

    u2 = _tc2_call(a1p[0, :N], a1p[1, :N], u1, d0, d1, w2p, b1r, g1r, be1r)

    a2p = _agg128(u2, edu, zeros_h)

    return _tc3_call(a2p[0, :N], a2p[1, :N], u2, d0, d1, b2p)

# --- scband reference (transcript-rebuilt; emitter-appended) ---
"""Pipeline reference for scband-aggre-gcn-arxiv-80221399154957 (READ-ONLY COPY).

The authoritative reference and input builder live on the scoring server;
editing this copy changes nothing except your own understanding.
"""

import jax, jax.numpy as jnp
import numpy as np

N = 10000
E = 320000
NFEAT = 128
NHID = 128
NCLASS = 40
EPS = 1e-5


def setup_inputs(seed: int = 0) -> dict:
    key = jax.random.key(seed)
    ks = jax.random.split(key, 12)
    x = jax.random.normal(ks[0], (N, NFEAT), jnp.float32)
    edge_index = jax.random.randint(ks[1], (2, E), 0, N, dtype=jnp.int32)
    s0 = 1.0 / np.sqrt(NFEAT)
    s1 = 1.0 / np.sqrt(NHID)
    W0 = jax.random.uniform(ks[2], (NFEAT, NHID), jnp.float32, -s0, s0)
    b0 = jax.random.uniform(ks[3], (NHID,), jnp.float32, -s0, s0)
    g0 = jnp.ones((NHID,), jnp.float32)
    be0 = jnp.zeros((NHID,), jnp.float32)
    W1 = jax.random.uniform(ks[4], (NHID, NHID), jnp.float32, -s1, s1)
    b1 = jnp.zeros((NHID,), jnp.float32)
    g1 = jnp.ones((NHID,), jnp.float32)
    be1 = jnp.zeros((NHID,), jnp.float32)
    W2 = jax.random.uniform(ks[5], (NHID, NCLASS), jnp.float32, -s1, s1)
    b2 = jnp.zeros((NCLASS,), jnp.float32)
    return {"aggregated_feature": x, "edge_index": edge_index, "W0": W0, "b0": b0,
            "g0": g0, "be0": be0, "W1": W1, "b1": b1, "g1": g1, "be1": be1,
            "W2": W2, "b2": b2}


def _bn_eval(h, gamma, beta):
    # BatchNorm1d in eval mode with fresh running stats (mean=0, var=1)
    return h * (gamma / jnp.sqrt(1.0 + EPS)) + beta


def _gcn_conv(x, src, dst, W, b, n):
    h = x @ W
    loop = jnp.arange(n, dtype=src.dtype)
    src_l = jnp.concatenate([src, loop])
    dst_l = jnp.concatenate([dst, loop])
    deg = jnp.zeros((n,), h.dtype).at[dst_l].add(1.0)
    dinv = 1.0 / jnp.sqrt(jnp.maximum(deg, 1.0))
    norm = dinv[src_l] * dinv[dst_l]
    msg = h[src_l] * norm[:, None]
    out = jnp.zeros((n, W.shape[1]), h.dtype).at[dst_l].add(msg)
    return out + b


def reference(aggregated_feature, edge_index, W0, b0, g0, be0, W1, b1, g1, be1, W2, b2):
    src, dst = edge_index[0], edge_index[1]
    # layer 0: Linear + BN + ReLU (dropout off in eval)
    h = aggregated_feature @ W0 + b0
    h = _bn_eval(h, g0, be0)
    h = jax.nn.relu(h)
    # layer 1: GCNConv + BN + ReLU
    h = _gcn_conv(h, src, dst, W1, b1, N)
    h = _bn_eval(h, g1, be1)
    h = jax.nn.relu(h)
    # layer 2: GCNConv
    h = _gcn_conv(h, src, dst, W2, b2, N)
    return jax.nn.log_softmax(h, axis=-1)

if __name__ == "__main__":
    import jax
    _d = setup_inputs()
    print(jax.jit(kernel)(*tuple(_d.values())))

</pallas_src>

<mosaic_0001>
#map = affine_map<(d0, d1) -> (0, 0, 0)>
#map1 = affine_map<(d0, d1) -> (0, 0)>
module attributes {stable_mosaic.version = 14 : i64} {
  func.func @_deg_body(%arg0: i32, %arg1: i32, %arg2: memref<2576x2x128xi32, #tpu.memory_space<hbm>>, %arg3: memref<128x128xf32, #tpu.memory_space<hbm>>, %arg4: memref<632x128xf32, #tpu.memory_space<hbm>>, %arg5: memref<2x10112x128xf32, #tpu.memory_space<hbm>>, %arg6: memref<4x2x128xi32, #tpu.memory_space<vmem>>, %arg7: memref<128x128xf32, #tpu.memory_space<vmem>>, %arg8: memref<10112x128xf32, #tpu.memory_space<vmem_shared>>, %arg9: memref<!tpu.dma_semaphore, #tpu.memory_space<semaphore_mem>>, %arg10: memref<!tpu.dma_semaphore, #tpu.memory_space<semaphore_mem>>, %arg11: memref<!tpu.dma_semaphore, #tpu.memory_space<semaphore_mem>>, %arg12: memref<!tpu.dma_semaphore, #tpu.memory_space<semaphore_mem>>) attributes {dimension_semantics = [#tpu.dimension_semantics<core_parallel>, #tpu.dimension_semantics<subcore_parallel>], iteration_bounds = array<i64: 2, 16>, scalar_prefetch = 0 : i64, scratch_operands = 7 : i64, tpu.core_type = #tpu.core_type<sc_vector_subcore>, window_params = [{transform_indices = #map}, {transform_indices = #map1}, {transform_indices = #map1}, {transform_indices = #map}]} {
    %mul3A = arith.constant 2 : i32
    %mul3A_0 = arith.muli %arg0, %mul3A : i32
    %add3A = arith.addi %mul3A_0, %arg1 : i32
    %mul3A_1 = arith.constant 644 : i32
    %mul3A_2 = arith.muli %add3A, %mul3A_1 : i32
    "tpu.region"() ({
      %run_scoped3A = tpu.sem_alloc : memref<!tpu.dma_semaphore, #tpu.memory_space<semaphore_mem>>
      tpu.enqueue_dma source(%arg3 : memref<128x128xf32, #tpu.memory_space<hbm>>) target(%arg7 : memref<128x128xf32, #tpu.memory_space<vmem>>) target_semaphore(%run_scoped3A : memref<!tpu.dma_semaphore, #tpu.memory_space<semaphore_mem>>)
      tpu.wait_dma2 semaphore(%run_scoped3A : memref<!tpu.dma_semaphore, #tpu.memory_space<semaphore_mem>>) src(%arg3 : memref<128x128xf32, #tpu.memory_space<hbm>>) dst(%arg7 : memref<128x128xf32, #tpu.memory_space<vmem>>)
      tpu.yield
    }) : () -> ()
    %mul3A_3 = arith.constant 632 : i32
    %mul3A_4 = arith.muli %arg1, %mul3A_3 : i32
    "tpu.region"() ({
      %run_scoped3A = tpu.sem_alloc : memref<!tpu.dma_semaphore, #tpu.memory_space<semaphore_mem>>
      %dma_start3A = arith.constant 0 : i32
      %dma_start3A_17 = tpu.memref_slice %arg8[%mul3A_4, %dma_start3A] : memref<10112x128xf32, #tpu.memory_space<vmem_shared>> -> memref<632x128xf32, #tpu.memory_space<vmem_shared>>
      tpu.enqueue_dma source(%arg4 : memref<632x128xf32, #tpu.memory_space<hbm>>) target(%dma_start3A_17 : memref<632x128xf32, #tpu.memory_space<vmem_shared>>) target_semaphore(%run_scoped3A : memref<!tpu.dma_semaphore, #tpu.memory_space<semaphore_mem>>)
      %dma_wait3A = arith.constant 0 : i32
      %dma_wait3A_18 = tpu.memref_slice %arg8[%mul3A_4, %dma_wait3A] : memref<10112x128xf32, #tpu.memory_space<vmem_shared>> -> memref<632x128xf32, #tpu.memory_space<vmem_shared>>
      tpu.wait_dma2 semaphore(%run_scoped3A : memref<!tpu.dma_semaphore, #tpu.memory_space<semaphore_mem>>) src(%arg4 : memref<632x128xf32, #tpu.memory_space<hbm>>) dst(%dma_wait3A_18 : memref<632x128xf32, #tpu.memory_space<vmem_shared>>)
      tpu.yield
    }) : () -> ()
    %lt3A = arith.constant 2 : i32
    %lt3A_5 = arith.cmpi slt, %arg1, %lt3A : i32
    %convert_element_type3A = arith.extui %lt3A_5 : i1 to i32
    %cond3A = arith.constant 0 : i32
    %cond3A_6 = arith.cmpi ne, %convert_element_type3A, %cond3A : i32
    scf.if %cond3A_6 {
      %add3A_17 = arith.constant 0 : i32
      %add3A_18 = arith.addi %mul3A_2, %add3A_17 : i32
      %dma_start3A = arith.constant 0 : i32
      %dma_start3A_19 = arith.constant 0 : i32
      %dma_start3A_20 = arith.constant 0 : i32
      %dma_start3A_21 = tpu.memref_slice %arg6[%dma_start3A, %dma_start3A_19, %dma_start3A_20] : memref<4x2x128xi32, #tpu.memory_space<vmem>> -> memref<1x2x128xi32, #tpu.memory_space<vmem>>
      %dma_start3A_22 = tpu.memref_squeeze %dma_start3A_21 : memref<1x2x128xi32, #tpu.memory_space<vmem>> -> memref<2x128xi32, #tpu.memory_space<vmem>>
      %dma_start3A_23 = arith.constant 0 : i32
      %dma_start3A_24 = arith.constant 0 : i32
      %dma_start3A_25 = tpu.memref_slice %arg2[%add3A_18, %dma_start3A_23, %dma_start3A_24] : memref<2576x2x128xi32, #tpu.memory_space<hbm>> -> memref<1x2x128xi32, #tpu.memory_space<hbm>>
      %dma_start3A_26 = tpu.memref_squeeze %dma_start3A_25 : memref<1x2x128xi32, #tpu.memory_space<hbm>> -> memref<2x128xi32, #tpu.memory_space<hbm>>
      %dma_start3A_27 = arith.constant 0 : i32
      %dma_start3A_28 = arith.constant 0 : i32
      %dma_start3A_29 = tpu.memref_slice %arg6[%dma_start3A, %dma_start3A_27, %dma_start3A_28] : memref<4x2x128xi32, #tpu.memory_space<vmem>> -> memref<1x2x128xi32, #tpu.memory_space<vmem>>
      %dma_start3A_30 = tpu.memref_squeeze %dma_start3A_29 : memref<1x2x128xi32, #tpu.memory_space<vmem>> -> memref<2x128xi32, #tpu.memory_space<vmem>>
      %dma_start3A_31 = arith.constant 0 : i32
      %dma_start3A_32 = arith.constant 0 : i32
      %dma_start3A_33 = tpu.memref_slice %arg2[%add3A_18, %dma_start3A_31, %dma_start3A_32] : memref<2576x2x128xi32, #tpu.memory_space<hbm>> -> memref<1x2x128xi32, #tpu.memory_space<hbm>>
      %dma_start3A_34 = tpu.memref_squeeze %dma_start3A_33 : memref<1x2x128xi32, #tpu.memory_space<hbm>> -> memref<2x128xi32, #tpu.memory_space<hbm>>
      tpu.enqueue_dma source(%dma_start3A_34 : memref<2x128xi32, #tpu.memory_space<hbm>>) target(%dma_start3A_30 : memref<2x128xi32, #tpu.memory_space<vmem>>) target_semaphore(%arg9 : memref<!tpu.dma_semaphore, #tpu.memory_space<semaphore_mem>>)
      %add3A_35 = arith.constant 1 : i32
      %add3A_36 = arith.addi %mul3A_2, %add3A_35 : i32
      %dma_start3A_37 = arith.constant 1 : i32
      %dma_start3A_38 = arith.constant 0 : i32
      %dma_start3A_39 = arith.constant 0 : i32
      %dma_start3A_40 = tpu.memref_slice %arg6[%dma_start3A_37, %dma_start3A_38, %dma_start3A_39] : memref<4x2x128xi32, #tpu.memory_space<vmem>> -> memref<1x2x128xi32, #tpu.memory_space<vmem>>
      %dma_start3A_41 = tpu.memref_squeeze %dma_start3A_40 : memref<1x2x128xi32, #tpu.memory_space<vmem>> -> memref<2x128xi32, #tpu.memory_space<vmem>>
      %dma_start3A_42 = arith.constant 0 : i32
      %dma_start3A_43 = arith.constant 0 : i32
      %dma_start3A_44 = tpu.memref_slice %arg2[%add3A_36, %dma_start3A_42, %dma_start3A_43] : memref<2576x2x128xi32, #tpu.memory_space<hbm>> -> memref<1x2x128xi32, #tpu.memory_space<hbm>>
      %dma_start3A_45 = tpu.memref_squeeze %dma_start3A_44 : memref<1x2x128xi32, #tpu.memory_space<hbm>> -> memref<2x128xi32, #tpu.memory_space<hbm>>
      %dma_start3A_46 = arith.constant 0 : i32
      %dma_start3A_47 = arith.constant 0 : i32
      %dma_start3A_48 = tpu.memref_slice %arg6[%dma_start3A_37, %dma_start3A_46, %dma_start3A_47] : memref<4x2x128xi32, #tpu.memory_space<vmem>> -> memref<1x2x128xi32, #tpu.memory_space<vmem>>
      %dma_start3A_49 = tpu.memref_squeeze %dma_start3A_48 : memref<1x2x128xi32, #tpu.memory_space<vmem>> -> memref<2x128xi32, #tpu.memory_space<vmem>>
      %dma_start3A_50 = arith.constant 0 : i32
      %dma_start3A_51 = arith.constant 0 : i32
      %dma_start3A_52 = tpu.memref_slice %arg2[%add3A_36, %dma_start3A_50, %dma_start3A_51] : memref<2576x2x128xi32, #tpu.memory_space<hbm>> -> memref<1x2x128xi32, #tpu.memory_space<hbm>>
      %dma_start3A_53 = tpu.memref_squeeze %dma_start3A_52 : memref<1x2x128xi32, #tpu.memory_space<hbm>> -> memref<2x128xi32, #tpu.memory_space<hbm>>
      tpu.enqueue_dma source(%dma_start3A_53 : memref<2x128xi32, #tpu.memory_space<hbm>>) target(%dma_start3A_49 : memref<2x128xi32, #tpu.memory_space<vmem>>) target_semaphore(%arg10 : memref<!tpu.dma_semaphore, #tpu.memory_space<semaphore_mem>>)
      %add3A_54 = arith.constant 2 : i32
      %add3A_55 = arith.addi %mul3A_2, %add3A_54 : i32
      %dma_start3A_56 = arith.constant 2 : i32
      %dma_start3A_57 = arith.constant 0 : i32
      %dma_start3A_58 = arith.constant 0 : i32
      %dma_start3A_59 = tpu.memref_slice %arg6[%dma_start3A_56, %dma_start3A_57, %dma_start3A_58] : memref<4x2x128xi32, #tpu.memory_space<vmem>> -> memref<1x2x128xi32, #tpu.memory_space<vmem>>
      %dma_start3A_60 = tpu.memref_squeeze %dma_start3A_59 : memref<1x2x128xi32, #tpu.memory_space<vmem>> -> memref<2x128xi32, #tpu.memory_space<vmem>>
      %dma_start3A_61 = arith.constant 0 : i32
      %dma_start3A_62 = arith.constant 0 : i32
      %dma_start3A_63 = tpu.memref_slice %arg2[%add3A_55, %dma_start3A_61, %dma_start3A_62] : memref<2576x2x128xi32, #tpu.memory_space<hbm>> -> memref<1x2x128xi32, #tpu.memory_space<hbm>>
      %dma_start3A_64 = tpu.memref_squeeze %dma_start3A_63 : memref<1x2x128xi32, #tpu.memory_space<hbm>> -> memref<2x128xi32, #tpu.memory_space<hbm>>
      %dma_start3A_65 = arith.constant 0 : i32
      %dma_start3A_66 = arith.constant 0 : i32
      %dma_start3A_67 = tpu.memref_slice %arg6[%dma_start3A_56, %dma_start3A_65, %dma_start3A_66] : memref<4x2x128xi32, #tpu.memory_space<vmem>> -> memref<1x2x128xi32, #tpu.memory_space<vmem>>
      %dma_start3A_68 = tpu.memref_squeeze %dma_start3A_67 : memref<1x2x128xi32, #tpu.memory_space<vmem>> -> memref<2x128xi32, #tpu.memory_space<vmem>>
      %dma_start3A_69 = arith.constant 0 : i32
      %dma_start3A_70 = arith.constant 0 : i32
      %dma_start3A_71 = tpu.memref_slice %arg2[%add3A_55, %dma_start3A_69, %dma_start3A_70] : memref<2576x2x128xi32, #tpu.memory_space<hbm>> -> memref<1x2x128xi32, #tpu.memory_space<hbm>>
      %dma_start3A_72 = tpu.memref_squeeze %dma_start3A_71 : memref<1x2x128xi32, #tpu.memory_space<hbm>> -> memref<2x128xi32, #tpu.memory_space<hbm>>
      tpu.enqueue_dma source(%dma_start3A_72 : memref<2x128xi32, #tpu.memory_space<hbm>>) target(%dma_start3A_68 : memref<2x128xi32, #tpu.memory_space<vmem>>) target_semaphore(%arg11 : memref<!tpu.dma_semaphore, #tpu.memory_space<semaphore_mem>>)
      %add3A_73 = arith.constant 3 : i32
      %add3A_74 = arith.addi %mul3A_2, %add3A_73 : i32
      %dma_start3A_75 = arith.constant 3 : i32
      %dma_start3A_76 = arith.constant 0 : i32
      %dma_start3A_77 = arith.constant 0 : i32
      %dma_start3A_78 = tpu.memref_slice %arg6[%dma_start3A_75, %dma_start3A_76, %dma_start3A_77] : memref<4x2x128xi32, #tpu.memory_space<vmem>> -> memref<1x2x128xi32, #tpu.memory_space<vmem>>
      %dma_start3A_79 = tpu.memref_squeeze %dma_start3A_78 : memref<1x2x128xi32, #tpu.memory_space<vmem>> -> memref<2x128xi32, #tpu.memory_space<vmem>>
      %dma_start3A_80 = arith.constant 0 : i32
      %dma_start3A_81 = arith.constant 0 : i32
      %dma_start3A_82 = tpu.memref_slice %arg2[%add3A_74, %dma_start3A_80, %dma_start3A_81] : memref<2576x2x128xi32, #tpu.memory_space<hbm>> -> memref<1x2x128xi32, #tpu.memory_space<hbm>>
      %dma_start3A_83 = tpu.memref_squeeze %dma_start3A_82 : memref<1x2x128xi32, #tpu.memory_space<hbm>> -> memref<2x128xi32, #tpu.memory_space<hbm>>
      %dma_start3A_84 = arith.constant 0 : i32
      %dma_start3A_85 = arith.constant 0 : i32
      %dma_start3A_86 = tpu.memref_slice %arg6[%dma_start3A_75, %dma_start3A_84, %dma_start3A_85] : memref<4x2x128xi32, #tpu.memory_space<vmem>> -> memref<1x2x128xi32, #tpu.memory_space<vmem>>
      %dma_start3A_87 = tpu.memref_squeeze %dma_start3A_86 : memref<1x2x128xi32, #tpu.memory_space<vmem>> -> memref<2x128xi32, #tpu.memory_space<vmem>>
      %dma_start3A_88 = arith.constant 0 : i32
      %dma_start3A_89 = arith.constant 0 : i32
      %dma_start3A_90 = tpu.memref_slice %arg2[%add3A_74, %dma_start3A_88, %dma_start3A_89] : memref<2576x2x128xi32, #tpu.memory_space<hbm>> -> memref<1x2x128xi32, #tpu.memory_space<hbm>>
      %dma_start3A_91 = tpu.memref_squeeze %dma_start3A_90 : memref<1x2x128xi32, #tpu.memory_space<hbm>> -> memref<2x128xi32, #tpu.memory_space<hbm>>
      tpu.enqueue_dma source(%dma_start3A_91 : memref<2x128xi32, #tpu.memory_space<hbm>>) target(%dma_start3A_87 : memref<2x128xi32, #tpu.memory_space<vmem>>) target_semaphore(%arg12 : memref<!tpu.dma_semaphore, #tpu.memory_space<semaphore_mem>>)
    } else {
    }
    %barrier3A = arith.constant 0 : index
    tpu.barrier barrier_id(%barrier3A)
    %lt3A_7 = arith.constant 2 : i32
    %lt3A_8 = arith.cmpi slt, %arg1, %lt3A_7 : i32
    %convert_element_type3A_9 = arith.extui %lt3A_8 : i1 to i32
    %cond3A_10 = arith.constant 0 : i32
    %cond3A_11 = arith.cmpi ne, %convert_element_type3A_9, %cond3A_10 : i32
    scf.if %cond3A_11 {
      %scan3A = arith.constant 0 : i32
      %scan3A_17 = arith.constant 0 : i32
      %scan3A_18 = arith.constant 160 : i32
      %scan3A_19 = arith.addi %scan3A_17, %scan3A_18 : i32
      %scan3A_20 = arith.constant 1 : i32
      scf.for %scan3A_97 = %scan3A_17 to %scan3A_19 step %scan3A_20  : i32 {
        %mul3A_98 = arith.constant 4 : i32
        %mul3A_99 = arith.muli %scan3A_97, %mul3A_98 : i32
        %add3A_100 = arith.constant 0 : i32
        %add3A_101 = arith.addi %mul3A_99, %add3A_100 : i32
        %add3A_102 = arith.addi %mul3A_2, %add3A_101 : i32
        %dma_wait3A_103 = arith.constant 0 : i32
        %dma_wait3A_104 = arith.constant 0 : i32
        %dma_wait3A_105 = arith.constant 0 : i32
        %dma_wait3A_106 = tpu.memref_slice %arg6[%dma_wait3A_103, %dma_wait3A_104, %dma_wait3A_105] : memref<4x2x128xi32, #tpu.memory_space<vmem>> -> memref<1x2x128xi32, #tpu.memory_space<vmem>>
        %dma_wait3A_107 = tpu.memref_squeeze %dma_wait3A_106 : memref<1x2x128xi32, #tpu.memory_space<vmem>> -> memref<2x128xi32, #tpu.memory_space<vmem>>
        %dma_wait3A_108 = arith.constant 0 : i32
        %dma_wait3A_109 = arith.constant 0 : i32
        %dma_wait3A_110 = tpu.memref_slice %arg2[%add3A_102, %dma_wait3A_108, %dma_wait3A_109] : memref<2576x2x128xi32, #tpu.memory_space<hbm>> -> memref<1x2x128xi32, #tpu.memory_space<hbm>>
        %dma_wait3A_111 = tpu.memref_squeeze %dma_wait3A_110 : memref<1x2x128xi32, #tpu.memory_space<hbm>> -> memref<2x128xi32, #tpu.memory_space<hbm>>
        %dma_wait3A_112 = arith.constant 0 : i32
        %dma_wait3A_113 = arith.constant 0 : i32
        %dma_wait3A_114 = tpu.memref_slice %arg6[%dma_wait3A_103, %dma_wait3A_112, %dma_wait3A_113] : memref<4x2x128xi32, #tpu.memory_space<vmem>> -> memref<1x2x128xi32, #tpu.memory_space<vmem>>
        %dma_wait3A_115 = tpu.memref_squeeze %dma_wait3A_114 : memref<1x2x128xi32, #tpu.memory_space<vmem>> -> memref<2x128xi32, #tpu.memory_space<vmem>>
        %dma_wait3A_116 = arith.constant 0 : i32
        %dma_wait3A_117 = arith.constant 0 : i32
        %dma_wait3A_118 = tpu.memref_slice %arg2[%add3A_102, %dma_wait3A_116, %dma_wait3A_117] : memref<2576x2x128xi32, #tpu.memory_space<hbm>> -> memref<1x2x128xi32, #tpu.memory_space<hbm>>
        %dma_wait3A_119 = tpu.memref_squeeze %dma_wait3A_118 : memref<1x2x128xi32, #tpu.memory_space<hbm>> -> memref<2x128xi32, #tpu.memory_space<hbm>>
        tpu.wait_dma2 semaphore(%arg9 : memref<!tpu.dma_semaphore, #tpu.memory_space<semaphore_mem>>) src(%dma_wait3A_119 : memref<2x128xi32, #tpu.memory_space<hbm>>) dst(%dma_wait3A_115 : memref<2x128xi32, #tpu.memory_space<vmem>>)
        %run_scoped3A = arith.constant 0 : i32
        %run_scoped3A_120 = arith.constant 1 : i32
        "tpu.region"() ({
          %run_scoped3A_266 = tpu.sem_alloc : memref<!tpu.dma_semaphore, #tpu.memory_space<semaphore_mem>>
          %dma_start3A_267 = arith.constant 0 : i32
          %dma_start3A_268 = tpu.memref_slice %arg6[%run_scoped3A, %run_scoped3A_120, %dma_start3A_267] : memref<4x2x128xi32, #tpu.memory_space<vmem>> -> memref<1x1x128xi32, #tpu.memory_space<vmem>>
          %dma_start3A_269 = tpu.memref_squeeze %dma_start3A_268 : memref<1x1x128xi32, #tpu.memory_space<vmem>> -> memref<128xi32, #tpu.memory_space<vmem>>
          %dma_start3A_270 = arith.constant 0 : i32
          %dma_start3A_271 = arith.constant 0 : i32
          %dma_start3A_272 = tpu.memref_slice %arg8[%dma_start3A_270, %dma_start3A_271] : memref<10112x128xf32, #tpu.memory_space<vmem_shared>> -> memref<10112x128xf32, #tpu.memory_space<vmem_shared>>
          tpu.enqueue_indirect_dma source(%arg7 : memref<128x128xf32, #tpu.memory_space<vmem>>) target(%dma_start3A_272 : memref<10112x128xf32, #tpu.memory_space<vmem_shared>>) offsets(%dma_start3A_269 : memref<128xi32, #tpu.memory_space<vmem>>) semaphore(%run_scoped3A_266 : memref<!tpu.dma_semaphore, #tpu.memory_space<semaphore_mem>>) {add = true}
          %dma_wait3A_273 = arith.constant 0 : i32
          %dma_wait3A_274 = tpu.memref_slice %arg6[%run_scoped3A, %run_scoped3A_120, %dma_wait3A_273] : memref<4x2x128xi32, #tpu.memory_space<vmem>> -> memref<1x1x128xi32, #tpu.memory_space<vmem>>
          %dma_wait3A_275 = tpu.memref_squeeze %dma_wait3A_274 : memref<1x1x128xi32, #tpu.memory_space<vmem>> -> memref<128xi32, #tpu.memory_space<vmem>>
          %dma_wait3A_276 = arith.constant 0 : i32
          %dma_wait3A_277 = arith.constant 0 : i32
          %dma_wait3A_278 = tpu.memref_slice %arg8[%dma_wait3A_276, %dma_wait3A_277] : memref<10112x128xf32, #tpu.memory_space<vmem_shared>> -> memref<10112x128xf32, #tpu.memory_space<vmem_shared>>
          tpu.wait_indirect_dma semaphore(%run_scoped3A_266 : memref<!tpu.dma_semaphore, #tpu.memory_space<semaphore_mem>>) src(%arg7 : memref<128x128xf32, #tpu.memory_space<vmem>>) dst(%dma_wait3A_278 : memref<10112x128xf32, #tpu.memory_space<vmem_shared>>)
          tpu.yield
        }) : () -> ()
        %add3A_121 = arith.constant 4 : i32
        %add3A_122 = arith.addi %add3A_101, %add3A_121 : i32
        %add3A_123 = arith.addi %mul3A_2, %add3A_122 : i32
        %dma_start3A = arith.constant 0 : i32
        %dma_start3A_124 = arith.constant 0 : i32
        %dma_start3A_125 = arith.constant 0 : i32
        %dma_start3A_126 = tpu.memref_slice %arg6[%dma_start3A, %dma_start3A_124, %dma_start3A_125] : memref<4x2x128xi32, #tpu.memory_space<vmem>> -> memref<1x2x128xi32, #tpu.memory_space<vmem>>
        %dma_start3A_127 = tpu.memref_squeeze %dma_start3A_126 : memref<1x2x128xi32, #tpu.memory_space<vmem>> -> memref<2x128xi32, #tpu.memory_space<vmem>>
        %dma_start3A_128 = arith.constant 0 : i32
        %dma_start3A_129 = arith.constant 0 : i32
        %dma_start3A_130 = tpu.memref_slice %arg2[%add3A_123, %dma_start3A_128, %dma_start3A_129] : memref<2576x2x128xi32, #tpu.memory_space<hbm>> -> memref<1x2x128xi32, #tpu.memory_space<hbm>>
        %dma_start3A_131 = tpu.memref_squeeze %dma_start3A_130 : memref<1x2x128xi32, #tpu.memory_space<hbm>> -> memref<2x128xi32, #tpu.memory_space<hbm>>
        %dma_start3A_132 = arith.constant 0 : i32
        %dma_start3A_133 = arith.constant 0 : i32
        %dma_start3A_134 = tpu.memref_slice %arg6[%dma_start3A, %dma_start3A_132, %dma_start3A_133] : memref<4x2x128xi32, #tpu.memory_space<vmem>> -> memref<1x2x128xi32, #tpu.memory_space<vmem>>
        %dma_start3A_135 = tpu.memref_squeeze %dma_start3A_134 : memref<1x2x128xi32, #tpu.memory_space<vmem>> -> memref<2x128xi32, #tpu.memory_space<vmem>>
        %dma_start3A_136 = arith.constant 0 : i32
        %dma_start3A_137 = arith.constant 0 : i32
        %dma_start3A_138 = tpu.memref_slice %arg2[%add3A_123, %dma_start3A_136, %dma_start3A_137] : memref<2576x2x128xi32, #tpu.memory_space<hbm>> -> memref<1x2x128xi32, #tpu.memory_space<hbm>>
        %dma_start3A_139 = tpu.memref_squeeze %dma_start3A_138 : memref<1x2x128xi32, #tpu.memory_space<hbm>> -> memref<2x128xi32, #tpu.memory_space<hbm>>
        tpu.enqueue_dma source(%dma_start3A_139 : memref<2x128xi32, #tpu.memory_space<hbm>>) target(%dma_start3A_135 : memref<2x128xi32, #tpu.memory_space<vmem>>) target_semaphore(%arg9 : memref<!tpu.dma_semaphore, #tpu.memory_space<semaphore_mem>>)
        %add3A_140 = arith.constant 1 : i32
        %add3A_141 = arith.addi %mul3A_99, %add3A_140 : i32
        %add3A_142 = arith.addi %mul3A_2, %add3A_141 : i32
        %dma_wait3A_143 = arith.constant 1 : i32
        %dma_wait3A_144 = arith.constant 0 : i32
        %dma_wait3A_145 = arith.constant 0 : i32
        %dma_wait3A_146 = tpu.memref_slice %arg6[%dma_wait3A_143, %dma_wait3A_144, %dma_wait3A_145] : memref<4x2x128xi32, #tpu.memory_space<vmem>> -> memref<1x2x128xi32, #tpu.memory_space<vmem>>
        %dma_wait3A_147 = tpu.memref_squeeze %dma_wait3A_146 : memref<1x2x128xi32, #tpu.memory_space<vmem>> -> memref<2x128xi32, #tpu.memory_space<vmem>>
        %dma_wait3A_148 = arith.constant 0 : i32
        %dma_wait3A_149 = arith.constant 0 : i32
        %dma_wait3A_150 = tpu.memref_slice %arg2[%add3A_142, %dma_wait3A_148, %dma_wait3A_149] : memref<2576x2x128xi32, #tpu.memory_space<hbm>> -> memref<1x2x128xi32, #tpu.memory_space<hbm>>
        %dma_wait3A_151 = tpu.memref_squeeze %dma_wait3A_150 : memref<1x2x128xi32, #tpu.memory_space<hbm>> -> memref<2x128xi32, #tpu.memory_space<hbm>>
        %dma_wait3A_152 = arith.constant 0 : i32
        %dma_wait3A_153 = arith.constant 0 : i32
        %dma_wait3A_154 = tpu.memref_slice %arg6[%dma_wait3A_143, %dma_wait3A_152, %dma_wait3A_153] : memref<4x2x128xi32, #tpu.memory_space<vmem>> -> memref<1x2x128xi32, #tpu.memory_space<vmem>>
        %dma_wait3A_155 = tpu.memref_squeeze %dma_wait3A_154 : memref<1x2x128xi32, #tpu.memory_space<vmem>> -> memref<2x128xi32, #tpu.memory_space<vmem>>
        %dma_wait3A_156 = arith.constant 0 : i32
        %dma_wait3A_157 = arith.constant 0 : i32
        %dma_wait3A_158 = tpu.memref_slice %arg2[%add3A_142, %dma_wait3A_156, %dma_wait3A_157] : memref<2576x2x128xi32, #tpu.memory_space<hbm>> -> memref<1x2x128xi32, #tpu.memory_space<hbm>>
        %dma_wait3A_159 = tpu.memref_squeeze %dma_wait3A_158 : memref<1x2x128xi32, #tpu.memory_space<hbm>> -> memref<2x128xi32, #tpu.memory_space<hbm>>
        tpu.wait_dma2 semaphore(%arg10 : memref<!tpu.dma_semaphore, #tpu.memory_space<semaphore_mem>>) src(%dma_wait3A_159 : memref<2x128xi32, #tpu.memory_space<hbm>>) dst(%dma_wait3A_155 : memref<2x128xi32, #tpu.memory_space<vmem>>)
        %run_scoped3A_160 = arith.constant 1 : i32
        %run_scoped3A_161 = arith.constant 1 : i32
        "tpu.region"() ({
          %run_scoped3A_266 = tpu.sem_alloc : memref<!tpu.dma_semaphore, #tpu.memory_space<semaphore_mem>>
          %dma_start3A_267 = arith.constant 0 : i32
          %dma_start3A_268 = tpu.memref_slice %arg6[%run_scoped3A_160, %run_scoped3A_161, %dma_start3A_267] : memref<4x2x128xi32, #tpu.memory_space<vmem>> -> memref<1x1x128xi32, #tpu.memory_space<vmem>>
          %dma_start3A_269 = tpu.memref_squeeze %dma_start3A_268 : memref<1x1x128xi32, #tpu.memory_space<vmem>> -> memref<128xi32, #tpu.memory_space<vmem>>
          %dma_start3A_270 = arith.constant 0 : i32
          %dma_start3A_271 = arith.constant 0 : i32
          %dma_start3A_272 = tpu.memref_slice %arg8[%dma_start3A_270, %dma_start3A_271] : memref<10112x128xf32, #tpu.memory_space<vmem_shared>> -> memref<10112x128xf32, #tpu.memory_space<vmem_shared>>
          tpu.enqueue_indirect_dma source(%arg7 : memref<128x128xf32, #tpu.memory_space<vmem>>) target(%dma_start3A_272 : memref<10112x128xf32, #tpu.memory_space<vmem_shared>>) offsets(%dma_start3A_269 : memref<128xi32, #tpu.memory_space<vmem>>) semaphore(%run_scoped3A_266 : memref<!tpu.dma_semaphore, #tpu.memory_space<semaphore_mem>>) {add = true}
          %dma_wait3A_273 = arith.constant 0 : i32
          %dma_wait3A_274 = tpu.memref_slice %arg6[%run_scoped3A_160, %run_scoped3A_161, %dma_wait3A_273] : memref<4x2x128xi32, #tpu.memory_space<vmem>> -> memref<1x1x128xi32, #tpu.memory_space<vmem>>
          %dma_wait3A_275 = tpu.memref_squeeze %dma_wait3A_274 : memref<1x1x128xi32, #tpu.memory_space<vmem>> -> memref<128xi32, #tpu.memory_space<vmem>>
          %dma_wait3A_276 = arith.constant 0 : i32
          %dma_wait3A_277 = arith.constant 0 : i32
          %dma_wait3A_278 = tpu.memref_slice %arg8[%dma_wait3A_276, %dma_wait3A_277] : memref<10112x128xf32, #tpu.memory_space<vmem_shared>> -> memref<10112x128xf32, #tpu.memory_space<vmem_shared>>
          tpu.wait_indirect_dma semaphore(%run_scoped3A_266 : memref<!tpu.dma_semaphore, #tpu.memory_space<semaphore_mem>>) src(%arg7 : memref<128x128xf32, #tpu.memory_space<vmem>>) dst(%dma_wait3A_278 : memref<10112x128xf32, #tpu.memory_space<vmem_shared>>)
          tpu.yield
        }) : () -> ()
        %add3A_162 = arith.constant 4 : i32
        %add3A_163 = arith.addi %add3A_141, %add3A_162 : i32
        %add3A_164 = arith.addi %mul3A_2, %add3A_163 : i32
        %dma_start3A_165 = arith.constant 1 : i32
        %dma_start3A_166 = arith.constant 0 : i32
        %dma_start3A_167 = arith.constant 0 : i32
        %dma_start3A_168 = tpu.memref_slice %arg6[%dma_start3A_165, %dma_start3A_166, %dma_start3A_167] : memref<4x2x128xi32, #tpu.memory_space<vmem>> -> memref<1x2x128xi32, #tpu.memory_space<vmem>>
        %dma_start3A_169 = tpu.memref_squeeze %dma_start3A_168 : memref<1x2x128xi32, #tpu.memory_space<vmem>> -> memref<2x128xi32, #tpu.memory_space<vmem>>
        %dma_start3A_170 = arith.constant 0 : i32
        %dma_start3A_171 = arith.constant 0 : i32
        %dma_start3A_172 = tpu.memref_slice %arg2[%add3A_164, %dma_start3A_170, %dma_start3A_171] : memref<2576x2x128xi32, #tpu.memory_space<hbm>> -> memref<1x2x128xi32, #tpu.memory_space<hbm>>
        %dma_start3A_173 = tpu.memref_squeeze %dma_start3A_172 : memref<1x2x128xi32, #tpu.memory_space<hbm>> -> memref<2x128xi32, #tpu.memory_space<hbm>>
        %dma_start3A_174 = arith.constant 0 : i32
        %dma_start3A_175 = arith.constant 0 : i32
        %dma_start3A_176 = tpu.memref_slice %arg6[%dma_start3A_165, %dma_start3A_174, %dma_start3A_175] : memref<4x2x128xi32, #tpu.memory_space<vmem>> -> memref<1x2x128xi32, #tpu.memory_space<vmem>>
        %dma_start3A_177 = tpu.memref_squeeze %dma_start3A_176 : memref<1x2x128xi32, #tpu.memory_space<vmem>> -> memref<2x128xi32, #tpu.memory_space<vmem>>
        %dma_start3A_178 = arith.constant 0 : i32
        %dma_start3A_179 = arith.constant 0 : i32
        %dma_start3A_180 = tpu.memref_slice %arg2[%add3A_164, %dma_start3A_178, %dma_start3A_179] : memref<2576x2x128xi32, #tpu.memory_space<hbm>> -> memref<1x2x128xi32, #tpu.memory_space<hbm>>
        %dma_start3A_181 = tpu.memref_squeeze %dma_start3A_180 : memref<1x2x128xi32, #tpu.memory_space<hbm>> -> memref<2x128xi32, #tpu.memory_space<hbm>>
        tpu.enqueue_dma source(%dma_start3A_181 : memref<2x128xi32, #tpu.memory_space<hbm>>) target(%dma_start3A_177 : memref<2x128xi32, #tpu.memory_space<vmem>>) target_semaphore(%arg10 : memref<!tpu.dma_semaphore, #tpu.memory_space<semaphore_mem>>)
        %add3A_182 = arith.constant 2 : i32
        %add3A_183 = arith.addi %mul3A_99, %add3A_182 : i32
        %add3A_184 = arith.addi %mul3A_2, %add3A_183 : i32
        %dma_wait3A_185 = arith.constant 2 : i32
        %dma_wait3A_186 = arith.constant 0 : i32
        %dma_wait3A_187 = arith.constant 0 : i32
        %dma_wait3A_188 = tpu.memref_slice %arg6[%dma_wait3A_185, %dma_wait3A_186, %dma_wait3A_187] : memref<4x2x128xi32, #tpu.memory_space<vmem>> -> memref<1x2x128xi32, #tpu.memory_space<vmem>>
        %dma_wait3A_189 = tpu.memref_squeeze %dma_wait3A_188 : memref<1x2x128xi32, #tpu.memory_space<vmem>> -> memref<2x128xi32, #tpu.memory_space<vmem>>
        %dma_wait3A_190 = arith.constant 0 : i32
        %dma_wait3A_191 = arith.constant 0 : i32
        %dma_wait3A_192 = tpu.memref_slice %arg2[%add3A_184, %dma_wait3A_190, %dma_wait3A_191] : memref<2576x2x128xi32, #tpu.memory_space<hbm>> -> memref<1x2x128xi32, #tpu.memory_space<hbm>>
        %dma_wait3A_193 = tpu.memref_squeeze %dma_wait3A_192 : memref<1x2x128xi32, #tpu.memory_space<hbm>> -> memref<2x128xi32, #tpu.memory_space<hbm>>
        %dma_wait3A_194 = arith.constant 0 : i32
        %dma_wait3A_195 = arith.constant 0 : i32
        %dma_wait3A_196 = tpu.memref_slice %arg6[%dma_wait3A_185, %dma_wait3A_194, %dma_wait3A_195] : memref<4x2x128xi32, #tpu.memory_space<vmem>> -> memref<1x2x128xi32, #tpu.memory_space<vmem>>
        %dma_wait3A_197 = tpu.memref_squeeze %dma_wait3A_196 : memref<1x2x128xi32, #tpu.memory_space<vmem>> -> memref<2x128xi32, #tpu.memory_space<vmem>>
        %dma_wait3A_198 = arith.constant 0 : i32
        %dma_wait3A_199 = arith.constant 0 : i32
        %dma_wait3A_200 = tpu.memref_slice %arg2[%add3A_184, %dma_wait3A_198, %dma_wait3A_199] : memref<2576x2x128xi32, #tpu.memory_space<hbm>> -> memref<1x2x128xi32, #tpu.memory_space<hbm>>
        %dma_wait3A_201 = tpu.memref_squeeze %dma_wait3A_200 : memref<1x2x128xi32, #tpu.memory_space<hbm>> -> memref<2x128xi32, #tpu.memory_space<hbm>>
        tpu.wait_dma2 semaphore(%arg11 : memref<!tpu.dma_semaphore, #tpu.memory_space<semaphore_mem>>) src(%dma_wait3A_201 : memref<2x128xi32, #tpu.memory_space<hbm>>) dst(%dma_wait3A_197 : memref<2x128xi32, #tpu.memory_space<vmem>>)
        %run_scoped3A_202 = arith.constant 2 : i32
        %run_scoped3A_203 = arith.constant 1 : i32
        "tpu.region"() ({
          %run_scoped3A_266 = tpu.sem_alloc : memref<!tpu.dma_semaphore, #tpu.memory_space<semaphore_mem>>
          %dma_start3A_267 = arith.constant 0 : i32
          %dma_start3A_268 = tpu.memref_slice %arg6[%run_scoped3A_202, %run_scoped3A_203, %dma_start3A_267] : memref<4x2x128xi32, #tpu.memory_space<vmem>> -> memref<1x1x128xi32, #tpu.memory_space<vmem>>
          %dma_start3A_269 = tpu.memref_squeeze %dma_start3A_268 : memref<1x1x128xi32, #tpu.memory_space<vmem>> -> memref<128xi32, #tpu.memory_space<vmem>>
          %dma_start3A_270 = arith.constant 0 : i32
          %dma_start3A_271 = arith.constant 0 : i32
          %dma_start3A_272 = tpu.memref_slice %arg8[%dma_start3A_270, %dma_start3A_271] : memref<10112x128xf32, #tpu.memory_space<vmem_shared>> -> memref<10112x128xf32, #tpu.memory_space<vmem_shared>>
          tpu.enqueue_indirect_dma source(%arg7 : memref<128x128xf32, #tpu.memory_space<vmem>>) target(%dma_start3A_272 : memref<10112x128xf32, #tpu.memory_space<vmem_shared>>) offsets(%dma_start3A_269 : memref<128xi32, #tpu.memory_space<vmem>>) semaphore(%run_scoped3A_266 : memref<!tpu.dma_semaphore, #tpu.memory_space<semaphore_mem>>) {add = true}
          %dma_wait3A_273 = arith.constant 0 : i32
          %dma_wait3A_274 = tpu.memref_slice %arg6[%run_scoped3A_202, %run_scoped3A_203, %dma_wait3A_273] : memref<4x2x128xi32, #tpu.memory_space<vmem>> -> memref<1x1x128xi32, #tpu.memory_space<vmem>>
          %dma_wait3A_275 = tpu.memref_squeeze %dma_wait3A_274 : memref<1x1x128xi32, #tpu.memory_space<vmem>> -> memref<128xi32, #tpu.memory_space<vmem>>
          %dma_wait3A_276 = arith.constant 0 : i32
          %dma_wait3A_277 = arith.constant 0 : i32
          %dma_wait3A_278 = tpu.memref_slice %arg8[%dma_wait3A_276, %dma_wait3A_277] : memref<10112x128xf32, #tpu.memory_space<vmem_shared>> -> memref<10112x128xf32, #tpu.memory_space<vmem_shared>>
          tpu.wait_indirect_dma semaphore(%run_scoped3A_266 : memref<!tpu.dma_semaphore, #tpu.memory_space<semaphore_mem>>) src(%arg7 : memref<128x128xf32, #tpu.memory_space<vmem>>) dst(%dma_wait3A_278 : memref<10112x128xf32, #tpu.memory_space<vmem_shared>>)
          tpu.yield
        }) : () -> ()
        %add3A_204 = arith.constant 4 : i32
        %add3A_205 = arith.addi %add3A_183, %add3A_204 : i32
        %add3A_206 = arith.addi %mul3A_2, %add3A_205 : i32
        %dma_start3A_207 = arith.constant 2 : i32
        %dma_start3A_208 = arith.constant 0 : i32
        %dma_start3A_209 = arith.constant 0 : i32
        %dma_start3A_210 = tpu.memref_slice %arg6[%dma_start3A_207, %dma_start3A_208, %dma_start3A_209] : memref<4x2x128xi32, #tpu.memory_space<vmem>> -> memref<1x2x128xi32, #tpu.memory_space<vmem>>
        %dma_start3A_211 = tpu.memref_squeeze %dma_start3A_210 : memref<1x2x128xi32, #tpu.memory_space<vmem>> -> memref<2x128xi32, #tpu.memory_space<vmem>>
        %dma_start3A_212 = arith.constant 0 : i32
        %dma_start3A_213 = arith.constant 0 : i32
        %dma_start3A_214 = tpu.memref_slice %arg2[%add3A_206, %dma_start3A_212, %dma_start3A_213] : memref<2576x2x128xi32, #tpu.memory_space<hbm>> -> memref<1x2x128xi32, #tpu.memory_space<hbm>>
        %dma_start3A_215 = tpu.memref_squeeze %dma_start3A_214 : memref<1x2x128xi32, #tpu.memory_space<hbm>> -> memref<2x128xi32, #tpu.memory_space<hbm>>
        %dma_start3A_216 = arith.constant 0 : i32
        %dma_start3A_217 = arith.constant 0 : i32
        %dma_start3A_218 = tpu.memref_slice %arg6[%dma_start3A_207, %dma_start3A_216, %dma_start3A_217] : memref<4x2x128xi32, #tpu.memory_space<vmem>> -> memref<1x2x128xi32, #tpu.memory_space<vmem>>
        %dma_start3A_219 = tpu.memref_squeeze %dma_start3A_218 : memref<1x2x128xi32, #tpu.memory_space<vmem>> -> memref<2x128xi32, #tpu.memory_space<vmem>>
        %dma_start3A_220 = arith.constant 0 : i32
        %dma_start3A_221 = arith.constant 0 : i32
        %dma_start3A_222 = tpu.memref_slice %arg2[%add3A_206, %dma_start3A_220, %dma_start3A_221] : memref<2576x2x128xi32, #tpu.memory_space<hbm>> -> memref<1x2x128xi32, #tpu.memory_space<hbm>>
        %dma_start3A_223 = tpu.memref_squeeze %dma_start3A_222 : memref<1x2x128xi32, #tpu.memory_space<hbm>> -> memref<2x128xi32, #tpu.memory_space<hbm>>
        tpu.enqueue_dma source(%dma_start3A_223 : memref<2x128xi32, #tpu.memory_space<hbm>>) target(%dma_start3A_219 : memref<2x128xi32, #tpu.memory_space<vmem>>) target_semaphore(%arg11 : memref<!tpu.dma_semaphore, #tpu.memory_space<semaphore_mem>>)
        %add3A_224 = arith.constant 3 : i32
        %add3A_225 = arith.addi %mul3A_99, %add3A_224 : i32
        %add3A_226 = arith.addi %mul3A_2, %add3A_225 : i32
        %dma_wait3A_227 = arith.constant 3 : i32
        %dma_wait3A_228 = arith.constant 0 : i32
        %dma_wait3A_229 = arith.constant 0 : i32
        %dma_wait3A_230 = tpu.memref_slice %arg6[%dma_wait3A_227, %dma_wait3A_228, %dma_wait3A_229] : memref<4x2x128xi32, #tpu.memory_space<vmem>> -> memref<1x2x128xi32, #tpu.memory_space<vmem>>
        %dma_wait3A_231 = tpu.memref_squeeze %dma_wait3A_230 : memref<1x2x128xi32, #tpu.memory_space<vmem>> -> memref<2x128xi32, #tpu.memory_space<vmem>>
        %dma_wait3A_232 = arith.constant 0 : i32
        %dma_wait3A_233 = arith.constant 0 : i32
        %dma_wait3A_234 = tpu.memref_slice %arg2[%add3A_226, %dma_wait3A_232, %dma_wait3A_233] : memref<2576x2x128xi32, #tpu.memory_space<hbm>> -> memref<1x2x128xi32, #tpu.memory_space<hbm>>
        %dma_wait3A_235 = tpu.memref_squeeze %dma_wait3A_234 : memref<1x2x128xi32, #tpu.memory_space<hbm>> -> memref<2x128xi32, #tpu.memory_space<hbm>>
        %dma_wait3A_236 = arith.constant 0 : i32
        %dma_wait3A_237 = arith.constant 0 : i32
        %dma_wait3A_238 = tpu.memref_slice %arg6[%dma_wait3A_227, %dma_wait3A_236, %dma_wait3A_237] : memref<4x2x128xi32, #tpu.memory_space<vmem>> -> memref<1x2x128xi32, #tpu.memory_space<vmem>>
        %dma_wait3A_239 = tpu.memref_squeeze %dma_wait3A_238 : memref<1x2x128xi32, #tpu.memory_space<vmem>> -> memref<2x128xi32, #tpu.memory_space<vmem>>
        %dma_wait3A_240 = arith.constant 0 : i32
        %dma_wait3A_241 = arith.constant 0 : i32
        %dma_wait3A_242 = tpu.memref_slice %arg2[%add3A_226, %dma_wait3A_240, %dma_wait3A_241] : memref<2576x2x128xi32, #tpu.memory_space<hbm>> -> memref<1x2x128xi32, #tpu.memory_space<hbm>>
        %dma_wait3A_243 = tpu.memref_squeeze %dma_wait3A_242 : memref<1x2x128xi32, #tpu.memory_space<hbm>> -> memref<2x128xi32, #tpu.memory_space<hbm>>
        tpu.wait_dma2 semaphore(%arg12 : memref<!tpu.dma_semaphore, #tpu.memory_space<semaphore_mem>>) src(%dma_wait3A_243 : memref<2x128xi32, #tpu.memory_space<hbm>>) dst(%dma_wait3A_239 : memref<2x128xi32, #tpu.memory_space<vmem>>)
        %run_scoped3A_244 = arith.constant 3 : i32
        %run_scoped3A_245 = arith.constant 1 : i32
        "tpu.region"() ({
          %run_scoped3A_266 = tpu.sem_alloc : memref<!tpu.dma_semaphore, #tpu.memory_space<semaphore_mem>>
          %dma_start3A_267 = arith.constant 0 : i32
          %dma_start3A_268 = tpu.memref_slice %arg6[%run_scoped3A_244, %run_scoped3A_245, %dma_start3A_267] : memref<4x2x128xi32, #tpu.memory_space<vmem>> -> memref<1x1x128xi32, #tpu.memory_space<vmem>>
          %dma_start3A_269 = tpu.memref_squeeze %dma_start3A_268 : memref<1x1x128xi32, #tpu.memory_space<vmem>> -> memref<128xi32, #tpu.memory_space<vmem>>
          %dma_start3A_270 = arith.constant 0 : i32
          %dma_start3A_271 = arith.constant 0 : i32
          %dma_start3A_272 = tpu.memref_slice %arg8[%dma_start3A_270, %dma_start3A_271] : memref<10112x128xf32, #tpu.memory_space<vmem_shared>> -> memref<10112x128xf32, #tpu.memory_space<vmem_shared>>
          tpu.enqueue_indirect_dma source(%arg7 : memref<128x128xf32, #tpu.memory_space<vmem>>) target(%dma_start3A_272 : memref<10112x128xf32, #tpu.memory_space<vmem_shared>>) offsets(%dma_start3A_269 : memref<128xi32, #tpu.memory_space<vmem>>) semaphore(%run_scoped3A_266 : memref<!tpu.dma_semaphore, #tpu.memory_space<semaphore_mem>>) {add = true}
          %dma_wait3A_273 = arith.constant 0 : i32
          %dma_wait3A_274 = tpu.memref_slice %arg6[%run_scoped3A_244, %run_scoped3A_245, %dma_wait3A_273] : memref<4x2x128xi32, #tpu.memory_space<vmem>> -> memref<1x1x128xi32, #tpu.memory_space<vmem>>
          %dma_wait3A_275 = tpu.memref_squeeze %dma_wait3A_274 : memref<1x1x128xi32, #tpu.memory_space<vmem>> -> memref<128xi32, #tpu.memory_space<vmem>>
          %dma_wait3A_276 = arith.constant 0 : i32
          %dma_wait3A_277 = arith.constant 0 : i32
          %dma_wait3A_278 = tpu.memref_slice %arg8[%dma_wait3A_276, %dma_wait3A_277] : memref<10112x128xf32, #tpu.memory_space<vmem_shared>> -> memref<10112x128xf32, #tpu.memory_space<vmem_shared>>
          tpu.wait_indirect_dma semaphore(%run_scoped3A_266 : memref<!tpu.dma_semaphore, #tpu.memory_space<semaphore_mem>>) src(%arg7 : memref<128x128xf32, #tpu.memory_space<vmem>>) dst(%dma_wait3A_278 : memref<10112x128xf32, #tpu.memory_space<vmem_shared>>)
          tpu.yield
        }) : () -> ()
        %add3A_246 = arith.constant 4 : i32
        %add3A_247 = arith.addi %add3A_225, %add3A_246 : i32
        %add3A_248 = arith.addi %mul3A_2, %add3A_247 : i32
        %dma_start3A_249 = arith.constant 3 : i32
        %dma_start3A_250 = arith.constant 0 : i32
        %dma_start3A_251 = arith.constant 0 : i32
        %dma_start3A_252 = tpu.memref_slice %arg6[%dma_start3A_249, %dma_start3A_250, %dma_start3A_251] : memref<4x2x128xi32, #tpu.memory_space<vmem>> -> memref<1x2x128xi32, #tpu.memory_space<vmem>>
        %dma_start3A_253 = tpu.memref_squeeze %dma_start3A_252 : memref<1x2x128xi32, #tpu.memory_space<vmem>> -> memref<2x128xi32, #tpu.memory_space<vmem>>
        %dma_start3A_254 = arith.constant 0 : i32
        %dma_start3A_255 = arith.constant 0 : i32
        %dma_start3A_256 = tpu.memref_slice %arg2[%add3A_248, %dma_start3A_254, %dma_start3A_255] : memref<2576x2x128xi32, #tpu.memory_space<hbm>> -> memref<1x2x128xi32, #tpu.memory_space<hbm>>
        %dma_start3A_257 = tpu.memref_squeeze %dma_start3A_256 : memref<1x2x128xi32, #tpu.memory_space<hbm>> -> memref<2x128xi32, #tpu.memory_space<hbm>>
        %dma_start3A_258 = arith.constant 0 : i32
        %dma_start3A_259 = arith.constant 0 : i32
        %dma_start3A_260 = tpu.memref_slice %arg6[%dma_start3A_249, %dma_start3A_258, %dma_start3A_259] : memref<4x2x128xi32, #tpu.memory_space<vmem>> -> memref<1x2x128xi32, #tpu.memory_space<vmem>>
        %dma_start3A_261 = tpu.memref_squeeze %dma_start3A_260 : memref<1x2x128xi32, #tpu.memory_space<vmem>> -> memref<2x128xi32, #tpu.memory_space<vmem>>
        %dma_start3A_262 = arith.constant 0 : i32
        %dma_start3A_263 = arith.constant 0 : i32
        %dma_start3A_264 = tpu.memref_slice %arg2[%add3A_248, %dma_start3A_262, %dma_start3A_263] : memref<2576x2x128xi32, #tpu.memory_space<hbm>> -> memref<1x2x128xi32, #tpu.memory_space<hbm>>
        %dma_start3A_265 = tpu.memref_squeeze %dma_start3A_264 : memref<1x2x128xi32, #tpu.memory_space<hbm>> -> memref<2x128xi32, #tpu.memory_space<hbm>>
        tpu.enqueue_dma source(%dma_start3A_265 : memref<2x128xi32, #tpu.memory_space<hbm>>) target(%dma_start3A_261 : memref<2x128xi32, #tpu.memory_space<vmem>>) target_semaphore(%arg12 : memref<!tpu.dma_semaphore, #tpu.memory_space<semaphore_mem>>)
      }
      %scan3A_21 = arith.constant 160 : i32
      %add3A_22 = arith.constant 640 : i32
      %add3A_23 = arith.addi %mul3A_2, %add3A_22 : i32
      %dma_wait3A = arith.constant 0 : i32
      %dma_wait3A_24 = arith.constant 0 : i32
      %dma_wait3A_25 = arith.constant 0 : i32
      %dma_wait3A_26 = tpu.memref_slice %arg6[%dma_wait3A, %dma_wait3A_24, %dma_wait3A_25] : memref<4x2x128xi32, #tpu.memory_space<vmem>> -> memref<1x2x128xi32, #tpu.memory_space<vmem>>
      %dma_wait3A_27 = tpu.memref_squeeze %dma_wait3A_26 : memref<1x2x128xi32, #tpu.memory_space<vmem>> -> memref<2x128xi32, #tpu.memory_space<vmem>>
      %dma_wait3A_28 = arith.constant 0 : i32
      %dma_wait3A_29 = arith.constant 0 : i32
      %dma_wait3A_30 = tpu.memref_slice %arg2[%add3A_23, %dma_wait3A_28, %dma_wait3A_29] : memref<2576x2x128xi32, #tpu.memory_space<hbm>> -> memref<1x2x128xi32, #tpu.memory_space<hbm>>
      %dma_wait3A_31 = tpu.memref_squeeze %dma_wait3A_30 : memref<1x2x128xi32, #tpu.memory_space<hbm>> -> memref<2x128xi32, #tpu.memory_space<hbm>>
      %dma_wait3A_32 = arith.constant 0 : i32
      %dma_wait3A_33 = arith.constant 0 : i32
      %dma_wait3A_34 = tpu.memref_slice %arg6[%dma_wait3A, %dma_wait3A_32, %dma_wait3A_33] : memref<4x2x128xi32, #tpu.memory_space<vmem>> -> memref<1x2x128xi32, #tpu.memory_space<vmem>>
      %dma_wait3A_35 = tpu.memref_squeeze %dma_wait3A_34 : memref<1x2x128xi32, #tpu.memory_space<vmem>> -> memref<2x128xi32, #tpu.memory_space<vmem>>
      %dma_wait3A_36 = arith.constant 0 : i32
      %dma_wait3A_37 = arith.constant 0 : i32
      %dma_wait3A_38 = tpu.memref_slice %arg2[%add3A_23, %dma_wait3A_36, %dma_wait3A_37] : memref<2576x2x128xi32, #tpu.memory_space<hbm>> -> memref<1x2x128xi32, #tpu.memory_space<hbm>>
      %dma_wait3A_39 = tpu.memref_squeeze %dma_wait3A_38 : memref<1x2x128xi32, #tpu.memory_space<hbm>> -> memref<2x128xi32, #tpu.memory_space<hbm>>
      tpu.wait_dma2 semaphore(%arg9 : memref<!tpu.dma_semaphore, #tpu.memory_space<semaphore_mem>>) src(%dma_wait3A_39 : memref<2x128xi32, #tpu.memory_space<hbm>>) dst(%dma_wait3A_35 : memref<2x128xi32, #tpu.memory_space<vmem>>)
      %add3A_40 = arith.constant 641 : i32
      %add3A_41 = arith.addi %mul3A_2, %add3A_40 : i32
      %dma_wait3A_42 = arith.constant 1 : i32
      %dma_wait3A_43 = arith.constant 0 : i32
      %dma_wait3A_44 = arith.constant 0 : i32
      %dma_wait3A_45 = tpu.memref_slice %arg6[%dma_wait3A_42, %dma_wait3A_43, %dma_wait3A_44] : memref<4x2x128xi32, #tpu.memory_space<vmem>> -> memref<1x2x128xi32, #tpu.memory_space<vmem>>
      %dma_wait3A_46 = tpu.memref_squeeze %dma_wait3A_45 : memref<1x2x128xi32, #tpu.memory_space<vmem>> -> memref<2x128xi32, #tpu.memory_space<vmem>>
      %dma_wait3A_47 = arith.constant 0 : i32
      %dma_wait3A_48 = arith.constant 0 : i32
      %dma_wait3A_49 = tpu.memref_slice %arg2[%add3A_41, %dma_wait3A_47, %dma_wait3A_48] : memref<2576x2x128xi32, #tpu.memory_space<hbm>> -> memref<1x2x128xi32, #tpu.memory_space<hbm>>
      %dma_wait3A_50 = tpu.memref_squeeze %dma_wait3A_49 : memref<1x2x128xi32, #tpu.memory_space<hbm>> -> memref<2x128xi32, #tpu.memory_space<hbm>>
      %dma_wait3A_51 = arith.constant 0 : i32
      %dma_wait3A_52 = arith.constant 0 : i32
      %dma_wait3A_53 = tpu.memref_slice %arg6[%dma_wait3A_42, %dma_wait3A_51, %dma_wait3A_52] : memref<4x2x128xi32, #tpu.memory_space<vmem>> -> memref<1x2x128xi32, #tpu.memory_space<vmem>>
      %dma_wait3A_54 = tpu.memref_squeeze %dma_wait3A_53 : memref<1x2x128xi32, #tpu.memory_space<vmem>> -> memref<2x128xi32, #tpu.memory_space<vmem>>
      %dma_wait3A_55 = arith.constant 0 : i32
      %dma_wait3A_56 = arith.constant 0 : i32
      %dma_wait3A_57 = tpu.memref_slice %arg2[%add3A_41, %dma_wait3A_55, %dma_wait3A_56] : memref<2576x2x128xi32, #tpu.memory_space<hbm>> -> memref<1x2x128xi32, #tpu.memory_space<hbm>>
      %dma_wait3A_58 = tpu.memref_squeeze %dma_wait3A_57 : memref<1x2x128xi32, #tpu.memory_space<hbm>> -> memref<2x128xi32, #tpu.memory_space<hbm>>
      tpu.wait_dma2 semaphore(%arg10 : memref<!tpu.dma_semaphore, #tpu.memory_space<semaphore_mem>>) src(%dma_wait3A_58 : memref<2x128xi32, #tpu.memory_space<hbm>>) dst(%dma_wait3A_54 : memref<2x128xi32, #tpu.memory_space<vmem>>)
      %add3A_59 = arith.constant 642 : i32
      %add3A_60 = arith.addi %mul3A_2, %add3A_59 : i32
      %dma_wait3A_61 = arith.constant 2 : i32
      %dma_wait3A_62 = arith.constant 0 : i32
      %dma_wait3A_63 = arith.constant 0 : i32
      %dma_wait3A_64 = tpu.memref_slice %arg6[%dma_wait3A_61, %dma_wait3A_62, %dma_wait3A_63] : memref<4x2x128xi32, #tpu.memory_space<vmem>> -> memref<1x2x128xi32, #tpu.memory_space<vmem>>
      %dma_wait3A_65 = tpu.memref_squeeze %dma_wait3A_64 : memref<1x2x128xi32, #tpu.memory_space<vmem>> -> memref<2x128xi32, #tpu.memory_space<vmem>>
      %dma_wait3A_66 = arith.constant 0 : i32
      %dma_wait3A_67 = arith.constant 0 : i32
      %dma_wait3A_68 = tpu.memref_slice %arg2[%add3A_60, %dma_wait3A_66, %dma_wait3A_67] : memref<2576x2x128xi32, #tpu.memory_space<hbm>> -> memref<1x2x128xi32, #tpu.memory_space<hbm>>
      %dma_wait3A_69 = tpu.memref_squeeze %dma_wait3A_68 : memref<1x2x128xi32, #tpu.memory_space<hbm>> -> memref<2x128xi32, #tpu.memory_space<hbm>>
      %dma_wait3A_70 = arith.constant 0 : i32
      %dma_wait3A_71 = arith.constant 0 : i32
      %dma_wait3A_72 = tpu.memref_slice %arg6[%dma_wait3A_61, %dma_wait3A_70, %dma_wait3A_71] : memref<4x2x128xi32, #tpu.memory_space<vmem>> -> memref<1x2x128xi32, #tpu.memory_space<vmem>>
      %dma_wait3A_73 = tpu.memref_squeeze %dma_wait3A_72 : memref<1x2x128xi32, #tpu.memory_space<vmem>> -> memref<2x128xi32, #tpu.memory_space<vmem>>
      %dma_wait3A_74 = arith.constant 0 : i32
      %dma_wait3A_75 = arith.constant 0 : i32
      %dma_wait3A_76 = tpu.memref_slice %arg2[%add3A_60, %dma_wait3A_74, %dma_wait3A_75] : memref<2576x2x128xi32, #tpu.memory_space<hbm>> -> memref<1x2x128xi32, #tpu.memory_space<hbm>>
      %dma_wait3A_77 = tpu.memref_squeeze %dma_wait3A_76 : memref<1x2x128xi32, #tpu.memory_space<hbm>> -> memref<2x128xi32, #tpu.memory_space<hbm>>
      tpu.wait_dma2 semaphore(%arg11 : memref<!tpu.dma_semaphore, #tpu.memory_space<semaphore_mem>>) src(%dma_wait3A_77 : memref<2x128xi32, #tpu.memory_space<hbm>>) dst(%dma_wait3A_73 : memref<2x128xi32, #tpu.memory_space<vmem>>)
      %add3A_78 = arith.constant 643 : i32
      %add3A_79 = arith.addi %mul3A_2, %add3A_78 : i32
      %dma_wait3A_80 = arith.constant 3 : i32
      %dma_wait3A_81 = arith.constant 0 : i32
      %dma_wait3A_82 = arith.constant 0 : i32
      %dma_wait3A_83 = tpu.memref_slice %arg6[%dma_wait3A_80, %dma_wait3A_81, %dma_wait3A_82] : memref<4x2x128xi32, #tpu.memory_space<vmem>> -> memref<1x2x128xi32, #tpu.memory_space<vmem>>
      %dma_wait3A_84 = tpu.memref_squeeze %dma_wait3A_83 : memref<1x2x128xi32, #tpu.memory_space<vmem>> -> memref<2x128xi32, #tpu.memory_space<vmem>>
      %dma_wait3A_85 = arith.constant 0 : i32
      %dma_wait3A_86 = arith.constant 0 : i32
      %dma_wait3A_87 = tpu.memref_slice %arg2[%add3A_79, %dma_wait3A_85, %dma_wait3A_86] : memref<2576x2x128xi32, #tpu.memory_space<hbm>> -> memref<1x2x128xi32, #tpu.memory_space<hbm>>
      %dma_wait3A_88 = tpu.memref_squeeze %dma_wait3A_87 : memref<1x2x128xi32, #tpu.memory_space<hbm>> -> memref<2x128xi32, #tpu.memory_space<hbm>>
      %dma_wait3A_89 = arith.constant 0 : i32
      %dma_wait3A_90 = arith.constant 0 : i32
      %dma_wait3A_91 = tpu.memref_slice %arg6[%dma_wait3A_80, %dma_wait3A_89, %dma_wait3A_90] : memref<4x2x128xi32, #tpu.memory_space<vmem>> -> memref<1x2x128xi32, #tpu.memory_space<vmem>>
      %dma_wait3A_92 = tpu.memref_squeeze %dma_wait3A_91 : memref<1x2x128xi32, #tpu.memory_space<vmem>> -> memref<2x128xi32, #tpu.memory_space<vmem>>
      %dma_wait3A_93 = arith.constant 0 : i32
      %dma_wait3A_94 = arith.constant 0 : i32
      %dma_wait3A_95 = tpu.memref_slice %arg2[%add3A_79, %dma_wait3A_93, %dma_wait3A_94] : memref<2576x2x128xi32, #tpu.memory_space<hbm>> -> memref<1x2x128xi32, #tpu.memory_space<hbm>>
      %dma_wait3A_96 = tpu.memref_squeeze %dma_wait3A_95 : memref<1x2x128xi32, #tpu.memory_space<hbm>> -> memref<2x128xi32, #tpu.memory_space<hbm>>
      tpu.wait_dma2 semaphore(%arg12 : memref<!tpu.dma_semaphore, #tpu.memory_space<semaphore_mem>>) src(%dma_wait3A_96 : memref<2x128xi32, #tpu.memory_space<hbm>>) dst(%dma_wait3A_92 : memref<2x128xi32, #tpu.memory_space<vmem>>)
    } else {
    }
    %barrier3A_12 = arith.constant 0 : index
    tpu.barrier barrier_id(%barrier3A_12)
    %mul3A_13 = arith.constant 632 : i32
    %mul3A_14 = arith.muli %arg1, %mul3A_13 : i32
    %mul3A_15 = arith.constant 632 : i32
    %mul3A_16 = arith.muli %arg1, %mul3A_15 : i32
    "tpu.region"() ({
      %run_scoped3A = tpu.sem_alloc : memref<!tpu.dma_semaphore, #tpu.memory_space<semaphore_mem>>
      %dma_start3A = arith.constant 0 : i32
      %dma_start3A_17 = tpu.memref_slice %arg5[%arg0, %mul3A_16, %dma_start3A] : memref<2x10112x128xf32, #tpu.memory_space<hbm>> -> memref<1x632x128xf32, #tpu.memory_space<hbm>>
      %dma_start3A_18 = tpu.memref_squeeze %dma_start3A_17 : memref<1x632x128xf32, #tpu.memory_space<hbm>> -> memref<632x128xf32, #tpu.memory_space<hbm>>
      %dma_start3A_19 = arith.constant 0 : i32
      %dma_start3A_20 = tpu.memref_slice %arg8[%mul3A_14, %dma_start3A_19] : memref<10112x128xf32, #tpu.memory_space<vmem_shared>> -> memref<632x128xf32, #tpu.memory_space<vmem_shared>>
      tpu.enqueue_dma source(%dma_start3A_20 : memref<632x128xf32, #tpu.memory_space<vmem_shared>>) target(%dma_start3A_18 : memref<632x128xf32, #tpu.memory_space<hbm>>) target_semaphore(%run_scoped3A : memref<!tpu.dma_semaphore, #tpu.memory_space<semaphore_mem>>)
      %dma_wait3A = arith.constant 0 : i32
      %dma_wait3A_21 = tpu.memref_slice %arg5[%arg0, %mul3A_16, %dma_wait3A] : memref<2x10112x128xf32, #tpu.memory_space<hbm>> -> memref<1x632x128xf32, #tpu.memory_space<hbm>>
      %dma_wait3A_22 = tpu.memref_squeeze %dma_wait3A_21 : memref<1x632x128xf32, #tpu.memory_space<hbm>> -> memref<632x128xf32, #tpu.memory_space<hbm>>
      %dma_wait3A_23 = arith.constant 0 : i32
      %dma_wait3A_24 = tpu.memref_slice %arg8[%mul3A_14, %dma_wait3A_23] : memref<10112x128xf32, #tpu.memory_space<vmem_shared>> -> memref<632x128xf32, #tpu.memory_space<vmem_shared>>
      tpu.wait_dma2 semaphore(%run_scoped3A : memref<!tpu.dma_semaphore, #tpu.memory_space<semaphore_mem>>) src(%dma_wait3A_24 : memref<632x128xf32, #tpu.memory_space<vmem_shared>>) dst(%dma_wait3A_22 : memref<632x128xf32, #tpu.memory_space<hbm>>)
      tpu.yield
    }) : () -> ()
    return
  }
}

#map = affine_map<(d0, d1) -> (0, 0)>
#map1 = affine_map<(d0, d1) -> (0, 0, 0)>
module attributes {stable_mosaic.version = 14 : i64} {
  func.func @_agg_body(%arg0: i32, %arg1: i32, %arg2: memref<10000x128xf32, #tpu.memory_space<hbm>>, %arg3: memref<3200x2x128xi32, #tpu.memory_space<hbm>>, %arg4: memref<632x128xf32, #tpu.memory_space<hbm>>, %arg5: memref<2x10112x128xf32, #tpu.memory_space<hbm>>, %arg6: memref<4x2x128xi32, #tpu.memory_space<vmem>>, %arg7: memref<2x128x128xf32, #tpu.memory_space<vmem>>, %arg8: memref<10112x128xf32, #tpu.memory_space<vmem_shared>>, %arg9: memref<!tpu.dma_semaphore, #tpu.memory_space<semaphore_mem>>, %arg10: memref<!tpu.dma_semaphore, #tpu.memory_space<semaphore_mem>>, %arg11: memref<!tpu.dma_semaphore, #tpu.memory_space<semaphore_mem>>, %arg12: memref<!tpu.dma_semaphore, #tpu.memory_space<semaphore_mem>>, %arg13: memref<!tpu.dma_semaphore, #tpu.memory_space<semaphore_mem>>, %arg14: memref<!tpu.dma_semaphore, #tpu.memory_space<semaphore_mem>>) attributes {dimension_semantics = [#tpu.dimension_semantics<core_parallel>, #tpu.dimension_semantics<subcore_parallel>], iteration_bounds = array<i64: 2, 16>, scalar_prefetch = 0 : i64, scratch_operands = 9 : i64, tpu.core_type = #tpu.core_type<sc_vector_subcore>, window_params = [{transform_indices = #map}, {transform_indices = #map1}, {transform_indices = #map}, {transform_indices = #map1}]} {
    %mul3A = arith.constant 2 : i32
    %mul3A_0 = arith.muli %arg0, %mul3A : i32
    %add3A = arith.addi %mul3A_0, %arg1 : i32
    %mul3A_1 = arith.constant 800 : i32
    %mul3A_2 = arith.muli %add3A, %mul3A_1 : i32
    %eq3A = arith.constant 0 : i32
    %eq3A_3 = arith.cmpi eq, %arg0, %eq3A : i32
    %jit3A = arith.constant 796 : i32
    %jit3A_4 = arith.constant 484 : i32
    %select_n3A = arith.select %eq3A_3, %jit3A, %jit3A_4 : i32
    %mul3A_5 = arith.constant 632 : i32
    %mul3A_6 = arith.muli %arg1, %mul3A_5 : i32
    "tpu.region"() ({
      %run_scoped3A = tpu.sem_alloc : memref<!tpu.dma_semaphore, #tpu.memory_space<semaphore_mem>>
      %dma_start3A = arith.constant 0 : i32
      %dma_start3A_19 = tpu.memref_slice %arg8[%mul3A_6, %dma_start3A] : memref<10112x128xf32, #tpu.memory_space<vmem_shared>> -> memref<632x128xf32, #tpu.memory_space<vmem_shared>>
      tpu.enqueue_dma source(%arg4 : memref<632x128xf32, #tpu.memory_space<hbm>>) target(%dma_start3A_19 : memref<632x128xf32, #tpu.memory_space<vmem_shared>>) target_semaphore(%run_scoped3A : memref<!tpu.dma_semaphore, #tpu.memory_space<semaphore_mem>>)
      %dma_wait3A = arith.constant 0 : i32
      %dma_wait3A_20 = tpu.memref_slice %arg8[%mul3A_6, %dma_wait3A] : memref<10112x128xf32, #tpu.memory_space<vmem_shared>> -> memref<632x128xf32, #tpu.memory_space<vmem_shared>>
      tpu.wait_dma2 semaphore(%run_scoped3A : memref<!tpu.dma_semaphore, #tpu.memory_space<semaphore_mem>>) src(%arg4 : memref<632x128xf32, #tpu.memory_space<hbm>>) dst(%dma_wait3A_20 : memref<632x128xf32, #tpu.memory_space<vmem_shared>>)
      tpu.yield
    }) : () -> ()
    %lt3A = arith.constant 2 : i32
    %lt3A_7 = arith.cmpi slt, %arg1, %lt3A : i32
    %convert_element_type3A = arith.extui %lt3A_7 : i1 to i32
    %cond3A = arith.constant 0 : i32
    %cond3A_8 = arith.cmpi ne, %convert_element_type3A, %cond3A : i32
    scf.if %cond3A_8 {
      %add3A_19 = arith.constant 0 : i32
      %add3A_20 = arith.addi %mul3A_2, %add3A_19 : i32
      %dma_start3A = arith.constant 0 : i32
      %dma_start3A_21 = arith.constant 0 : i32
      %dma_start3A_22 = arith.constant 0 : i32
      %dma_start3A_23 = tpu.memref_slice %arg6[%dma_start3A, %dma_start3A_21, %dma_start3A_22] : memref<4x2x128xi32, #tpu.memory_space<vmem>> -> memref<1x2x128xi32, #tpu.memory_space<vmem>>
      %dma_start3A_24 = tpu.memref_squeeze %dma_start3A_23 : memref<1x2x128xi32, #tpu.memory_space<vmem>> -> memref<2x128xi32, #tpu.memory_space<vmem>>
      %dma_start3A_25 = arith.constant 0 : i32
      %dma_start3A_26 = arith.constant 0 : i32
      %dma_start3A_27 = tpu.memref_slice %arg3[%add3A_20, %dma_start3A_25, %dma_start3A_26] : memref<3200x2x128xi32, #tpu.memory_space<hbm>> -> memref<1x2x128xi32, #tpu.memory_space<hbm>>
      %dma_start3A_28 = tpu.memref_squeeze %dma_start3A_27 : memref<1x2x128xi32, #tpu.memory_space<hbm>> -> memref<2x128xi32, #tpu.memory_space<hbm>>
      %dma_start3A_29 = arith.constant 0 : i32
      %dma_start3A_30 = arith.constant 0 : i32
      %dma_start3A_31 = tpu.memref_slice %arg6[%dma_start3A, %dma_start3A_29, %dma_start3A_30] : memref<4x2x128xi32, #tpu.memory_space<vmem>> -> memref<1x2x128xi32, #tpu.memory_space<vmem>>
      %dma_start3A_32 = tpu.memref_squeeze %dma_start3A_31 : memref<1x2x128xi32, #tpu.memory_space<vmem>> -> memref<2x128xi32, #tpu.memory_space<vmem>>
      %dma_start3A_33 = arith.constant 0 : i32
      %dma_start3A_34 = arith.constant 0 : i32
      %dma_start3A_35 = tpu.memref_slice %arg3[%add3A_20, %dma_start3A_33, %dma_start3A_34] : memref<3200x2x128xi32, #tpu.memory_space<hbm>> -> memref<1x2x128xi32, #tpu.memory_space<hbm>>
      %dma_start3A_36 = tpu.memref_squeeze %dma_start3A_35 : memref<1x2x128xi32, #tpu.memory_space<hbm>> -> memref<2x128xi32, #tpu.memory_space<hbm>>
      tpu.enqueue_dma source(%dma_start3A_36 : memref<2x128xi32, #tpu.memory_space<hbm>>) target(%dma_start3A_32 : memref<2x128xi32, #tpu.memory_space<vmem>>) target_semaphore(%arg9 : memref<!tpu.dma_semaphore, #tpu.memory_space<semaphore_mem>>)
      %add3A_37 = arith.constant 1 : i32
      %add3A_38 = arith.addi %mul3A_2, %add3A_37 : i32
      %dma_start3A_39 = arith.constant 1 : i32
      %dma_start3A_40 = arith.constant 0 : i32
      %dma_start3A_41 = arith.constant 0 : i32
      %dma_start3A_42 = tpu.memref_slice %arg6[%dma_start3A_39, %dma_start3A_40, %dma_start3A_41] : memref<4x2x128xi32, #tpu.memory_space<vmem>> -> memref<1x2x128xi32, #tpu.memory_space<vmem>>
      %dma_start3A_43 = tpu.memref_squeeze %dma_start3A_42 : memref<1x2x128xi32, #tpu.memory_space<vmem>> -> memref<2x128xi32, #tpu.memory_space<vmem>>
      %dma_start3A_44 = arith.constant 0 : i32
      %dma_start3A_45 = arith.constant 0 : i32
      %dma_start3A_46 = tpu.memref_slice %arg3[%add3A_38, %dma_start3A_44, %dma_start3A_45] : memref<3200x2x128xi32, #tpu.memory_space<hbm>> -> memref<1x2x128xi32, #tpu.memory_space<hbm>>
      %dma_start3A_47 = tpu.memref_squeeze %dma_start3A_46 : memref<1x2x128xi32, #tpu.memory_space<hbm>> -> memref<2x128xi32, #tpu.memory_space<hbm>>
      %dma_start3A_48 = arith.constant 0 : i32
      %dma_start3A_49 = arith.constant 0 : i32
      %dma_start3A_50 = tpu.memref_slice %arg6[%dma_start3A_39, %dma_start3A_48, %dma_start3A_49] : memref<4x2x128xi32, #tpu.memory_space<vmem>> -> memref<1x2x128xi32, #tpu.memory_space<vmem>>
      %dma_start3A_51 = tpu.memref_squeeze %dma_start3A_50 : memref<1x2x128xi32, #tpu.memory_space<vmem>> -> memref<2x128xi32, #tpu.memory_space<vmem>>
      %dma_start3A_52 = arith.constant 0 : i32
      %dma_start3A_53 = arith.constant 0 : i32
      %dma_start3A_54 = tpu.memref_slice %arg3[%add3A_38, %dma_start3A_52, %dma_start3A_53] : memref<3200x2x128xi32, #tpu.memory_space<hbm>> -> memref<1x2x128xi32, #tpu.memory_space<hbm>>
      %dma_start3A_55 = tpu.memref_squeeze %dma_start3A_54 : memref<1x2x128xi32, #tpu.memory_space<hbm>> -> memref<2x128xi32, #tpu.memory_space<hbm>>
      tpu.enqueue_dma source(%dma_start3A_55 : memref<2x128xi32, #tpu.memory_space<hbm>>) target(%dma_start3A_51 : memref<2x128xi32, #tpu.memory_space<vmem>>) target_semaphore(%arg10 : memref<!tpu.dma_semaphore, #tpu.memory_space<semaphore_mem>>)
      %add3A_56 = arith.constant 2 : i32
      %add3A_57 = arith.addi %mul3A_2, %add3A_56 : i32
      %dma_start3A_58 = arith.constant 2 : i32
      %dma_start3A_59 = arith.constant 0 : i32
      %dma_start3A_60 = arith.constant 0 : i32
      %dma_start3A_61 = tpu.memref_slice %arg6[%dma_start3A_58, %dma_start3A_59, %dma_start3A_60] : memref<4x2x128xi32, #tpu.memory_space<vmem>> -> memref<1x2x128xi32, #tpu.memory_space<vmem>>
      %dma_start3A_62 = tpu.memref_squeeze %dma_start3A_61 : memref<1x2x128xi32, #tpu.memory_space<vmem>> -> memref<2x128xi32, #tpu.memory_space<vmem>>
      %dma_start3A_63 = arith.constant 0 : i32
      %dma_start3A_64 = arith.constant 0 : i32
      %dma_start3A_65 = tpu.memref_slice %arg3[%add3A_57, %dma_start3A_63, %dma_start3A_64] : memref<3200x2x128xi32, #tpu.memory_space<hbm>> -> memref<1x2x128xi32, #tpu.memory_space<hbm>>
      %dma_start3A_66 = tpu.memref_squeeze %dma_start3A_65 : memref<1x2x128xi32, #tpu.memory_space<hbm>> -> memref<2x128xi32, #tpu.memory_space<hbm>>
      %dma_start3A_67 = arith.constant 0 : i32
      %dma_start3A_68 = arith.constant 0 : i32
      %dma_start3A_69 = tpu.memref_slice %arg6[%dma_start3A_58, %dma_start3A_67, %dma_start3A_68] : memref<4x2x128xi32, #tpu.memory_space<vmem>> -> memref<1x2x128xi32, #tpu.memory_space<vmem>>
      %dma_start3A_70 = tpu.memref_squeeze %dma_start3A_69 : memref<1x2x128xi32, #tpu.memory_space<vmem>> -> memref<2x128xi32, #tpu.memory_space<vmem>>
      %dma_start3A_71 = arith.constant 0 : i32
      %dma_start3A_72 = arith.constant 0 : i32
      %dma_start3A_73 = tpu.memref_slice %arg3[%add3A_57, %dma_start3A_71, %dma_start3A_72] : memref<3200x2x128xi32, #tpu.memory_space<hbm>> -> memref<1x2x128xi32, #tpu.memory_space<hbm>>
      %dma_start3A_74 = tpu.memref_squeeze %dma_start3A_73 : memref<1x2x128xi32, #tpu.memory_space<hbm>> -> memref<2x128xi32, #tpu.memory_space<hbm>>
      tpu.enqueue_dma source(%dma_start3A_74 : memref<2x128xi32, #tpu.memory_space<hbm>>) target(%dma_start3A_70 : memref<2x128xi32, #tpu.memory_space<vmem>>) target_semaphore(%arg11 : memref<!tpu.dma_semaphore, #tpu.memory_space<semaphore_mem>>)
      %add3A_75 = arith.constant 3 : i32
      %add3A_76 = arith.addi %mul3A_2, %add3A_75 : i32
      %dma_start3A_77 = arith.constant 3 : i32
      %dma_start3A_78 = arith.constant 0 : i32
      %dma_start3A_79 = arith.constant 0 : i32
      %dma_start3A_80 = tpu.memref_slice %arg6[%dma_start3A_77, %dma_start3A_78, %dma_start3A_79] : memref<4x2x128xi32, #tpu.memory_space<vmem>> -> memref<1x2x128xi32, #tpu.memory_space<vmem>>
      %dma_start3A_81 = tpu.memref_squeeze %dma_start3A_80 : memref<1x2x128xi32, #tpu.memory_space<vmem>> -> memref<2x128xi32, #tpu.memory_space<vmem>>
      %dma_start3A_82 = arith.constant 0 : i32
      %dma_start3A_83 = arith.constant 0 : i32
      %dma_start3A_84 = tpu.memref_slice %arg3[%add3A_76, %dma_start3A_82, %dma_start3A_83] : memref<3200x2x128xi32, #tpu.memory_space<hbm>> -> memref<1x2x128xi32, #tpu.memory_space<hbm>>
      %dma_start3A_85 = tpu.memref_squeeze %dma_start3A_84 : memref<1x2x128xi32, #tpu.memory_space<hbm>> -> memref<2x128xi32, #tpu.memory_space<hbm>>
      %dma_start3A_86 = arith.constant 0 : i32
      %dma_start3A_87 = arith.constant 0 : i32
      %dma_start3A_88 = tpu.memref_slice %arg6[%dma_start3A_77, %dma_start3A_86, %dma_start3A_87] : memref<4x2x128xi32, #tpu.memory_space<vmem>> -> memref<1x2x128xi32, #tpu.memory_space<vmem>>
      %dma_start3A_89 = tpu.memref_squeeze %dma_start3A_88 : memref<1x2x128xi32, #tpu.memory_space<vmem>> -> memref<2x128xi32, #tpu.memory_space<vmem>>
      %dma_start3A_90 = arith.constant 0 : i32
      %dma_start3A_91 = arith.constant 0 : i32
      %dma_start3A_92 = tpu.memref_slice %arg3[%add3A_76, %dma_start3A_90, %dma_start3A_91] : memref<3200x2x128xi32, #tpu.memory_space<hbm>> -> memref<1x2x128xi32, #tpu.memory_space<hbm>>
      %dma_start3A_93 = tpu.memref_squeeze %dma_start3A_92 : memref<1x2x128xi32, #tpu.memory_space<hbm>> -> memref<2x128xi32, #tpu.memory_space<hbm>>
      tpu.enqueue_dma source(%dma_start3A_93 : memref<2x128xi32, #tpu.memory_space<hbm>>) target(%dma_start3A_89 : memref<2x128xi32, #tpu.memory_space<vmem>>) target_semaphore(%arg12 : memref<!tpu.dma_semaphore, #tpu.memory_space<semaphore_mem>>)
    } else {
    }
    %barrier3A = arith.constant 0 : index
    tpu.barrier barrier_id(%barrier3A)
    %lt3A_9 = arith.constant 2 : i32
    %lt3A_10 = arith.cmpi slt, %arg1, %lt3A_9 : i32
    %convert_element_type3A_11 = arith.extui %lt3A_10 : i1 to i32
    %cond3A_12 = arith.constant 0 : i32
    %cond3A_13 = arith.cmpi ne, %convert_element_type3A_11, %cond3A_12 : i32
    scf.if %cond3A_13 {
      %add3A_19 = arith.constant 0 : i32
      %add3A_20 = arith.addi %mul3A_2, %add3A_19 : i32
      %dma_wait3A = arith.constant 0 : i32
      %dma_wait3A_21 = arith.constant 0 : i32
      %dma_wait3A_22 = arith.constant 0 : i32
      %dma_wait3A_23 = tpu.memref_slice %arg6[%dma_wait3A, %dma_wait3A_21, %dma_wait3A_22] : memref<4x2x128xi32, #tpu.memory_space<vmem>> -> memref<1x2x128xi32, #tpu.memory_space<vmem>>
      %dma_wait3A_24 = tpu.memref_squeeze %dma_wait3A_23 : memref<1x2x128xi32, #tpu.memory_space<vmem>> -> memref<2x128xi32, #tpu.memory_space<vmem>>
      %dma_wait3A_25 = arith.constant 0 : i32
      %dma_wait3A_26 = arith.constant 0 : i32
      %dma_wait3A_27 = tpu.memref_slice %arg3[%add3A_20, %dma_wait3A_25, %dma_wait3A_26] : memref<3200x2x128xi32, #tpu.memory_space<hbm>> -> memref<1x2x128xi32, #tpu.memory_space<hbm>>
      %dma_wait3A_28 = tpu.memref_squeeze %dma_wait3A_27 : memref<1x2x128xi32, #tpu.memory_space<hbm>> -> memref<2x128xi32, #tpu.memory_space<hbm>>
      %dma_wait3A_29 = arith.constant 0 : i32
      %dma_wait3A_30 = arith.constant 0 : i32
      %dma_wait3A_31 = tpu.memref_slice %arg6[%dma_wait3A, %dma_wait3A_29, %dma_wait3A_30] : memref<4x2x128xi32, #tpu.memory_space<vmem>> -> memref<1x2x128xi32, #tpu.memory_space<vmem>>
      %dma_wait3A_32 = tpu.memref_squeeze %dma_wait3A_31 : memref<1x2x128xi32, #tpu.memory_space<vmem>> -> memref<2x128xi32, #tpu.memory_space<vmem>>
      %dma_wait3A_33 = arith.constant 0 : i32
      %dma_wait3A_34 = arith.constant 0 : i32
      %dma_wait3A_35 = tpu.memref_slice %arg3[%add3A_20, %dma_wait3A_33, %dma_wait3A_34] : memref<3200x2x128xi32, #tpu.memory_space<hbm>> -> memref<1x2x128xi32, #tpu.memory_space<hbm>>
      %dma_wait3A_36 = tpu.memref_squeeze %dma_wait3A_35 : memref<1x2x128xi32, #tpu.memory_space<hbm>> -> memref<2x128xi32, #tpu.memory_space<hbm>>
      tpu.wait_dma2 semaphore(%arg9 : memref<!tpu.dma_semaphore, #tpu.memory_space<semaphore_mem>>) src(%dma_wait3A_36 : memref<2x128xi32, #tpu.memory_space<hbm>>) dst(%dma_wait3A_32 : memref<2x128xi32, #tpu.memory_space<vmem>>)
      %dma_start3A = arith.constant 0 : i32
      %dma_start3A_37 = arith.constant 0 : i32
      %dma_start3A_38 = arith.constant 0 : i32
      %dma_start3A_39 = arith.constant 0 : i32
      %dma_start3A_40 = arith.constant 0 : i32
      %dma_start3A_41 = tpu.memref_slice %arg7[%dma_start3A_38, %dma_start3A_39, %dma_start3A_40] : memref<2x128x128xf32, #tpu.memory_space<vmem>> -> memref<1x128x128xf32, #tpu.memory_space<vmem>>
      %dma_start3A_42 = tpu.memref_squeeze %dma_start3A_41 : memref<1x128x128xf32, #tpu.memory_space<vmem>> -> memref<128x128xf32, #tpu.memory_space<vmem>>
      %dma_start3A_43 = arith.constant 0 : i32
      %dma_start3A_44 = tpu.memref_slice %arg6[%dma_start3A, %dma_start3A_37, %dma_start3A_43] : memref<4x2x128xi32, #tpu.memory_space<vmem>> -> memref<1x1x128xi32, #tpu.memory_space<vmem>>
      %dma_start3A_45 = tpu.memref_squeeze %dma_start3A_44 : memref<1x1x128xi32, #tpu.memory_space<vmem>> -> memref<128xi32, #tpu.memory_space<vmem>>
      %dma_start3A_46 = arith.constant 0 : i32
      %dma_start3A_47 = arith.constant 0 : i32
      %dma_start3A_48 = tpu.memref_slice %arg2[%dma_start3A_46, %dma_start3A_47] : memref<10000x128xf32, #tpu.memory_space<hbm>> -> memref<10000x128xf32, #tpu.memory_space<hbm>>
      tpu.enqueue_indirect_dma source(%dma_start3A_48 : memref<10000x128xf32, #tpu.memory_space<hbm>>) target(%dma_start3A_42 : memref<128x128xf32, #tpu.memory_space<vmem>>) offsets(%dma_start3A_45 : memref<128xi32, #tpu.memory_space<vmem>>) semaphore(%arg13 : memref<!tpu.dma_semaphore, #tpu.memory_space<semaphore_mem>>)
      %add3A_49 = arith.constant 1 : i32
      %add3A_50 = arith.addi %mul3A_2, %add3A_49 : i32
      %dma_wait3A_51 = arith.constant 1 : i32
      %dma_wait3A_52 = arith.constant 0 : i32
      %dma_wait3A_53 = arith.constant 0 : i32
      %dma_wait3A_54 = tpu.memref_slice %arg6[%dma_wait3A_51, %dma_wait3A_52, %dma_wait3A_53] : memref<4x2x128xi32, #tpu.memory_space<vmem>> -> memref<1x2x128xi32, #tpu.memory_space<vmem>>
      %dma_wait3A_55 = tpu.memref_squeeze %dma_wait3A_54 : memref<1x2x128xi32, #tpu.memory_space<vmem>> -> memref<2x128xi32, #tpu.memory_space<vmem>>
      %dma_wait3A_56 = arith.constant 0 : i32
      %dma_wait3A_57 = arith.constant 0 : i32
      %dma_wait3A_58 = tpu.memref_slice %arg3[%add3A_50, %dma_wait3A_56, %dma_wait3A_57] : memref<3200x2x128xi32, #tpu.memory_space<hbm>> -> memref<1x2x128xi32, #tpu.memory_space<hbm>>
      %dma_wait3A_59 = tpu.memref_squeeze %dma_wait3A_58 : memref<1x2x128xi32, #tpu.memory_space<hbm>> -> memref<2x128xi32, #tpu.memory_space<hbm>>
      %dma_wait3A_60 = arith.constant 0 : i32
      %dma_wait3A_61 = arith.constant 0 : i32
      %dma_wait3A_62 = tpu.memref_slice %arg6[%dma_wait3A_51, %dma_wait3A_60, %dma_wait3A_61] : memref<4x2x128xi32, #tpu.memory_space<vmem>> -> memref<1x2x128xi32, #tpu.memory_space<vmem>>
      %dma_wait3A_63 = tpu.memref_squeeze %dma_wait3A_62 : memref<1x2x128xi32, #tpu.memory_space<vmem>> -> memref<2x128xi32, #tpu.memory_space<vmem>>
      %dma_wait3A_64 = arith.constant 0 : i32
      %dma_wait3A_65 = arith.constant 0 : i32
      %dma_wait3A_66 = tpu.memref_slice %arg3[%add3A_50, %dma_wait3A_64, %dma_wait3A_65] : memref<3200x2x128xi32, #tpu.memory_space<hbm>> -> memref<1x2x128xi32, #tpu.memory_space<hbm>>
      %dma_wait3A_67 = tpu.memref_squeeze %dma_wait3A_66 : memref<1x2x128xi32, #tpu.memory_space<hbm>> -> memref<2x128xi32, #tpu.memory_space<hbm>>
      tpu.wait_dma2 semaphore(%arg10 : memref<!tpu.dma_semaphore, #tpu.memory_space<semaphore_mem>>) src(%dma_wait3A_67 : memref<2x128xi32, #tpu.memory_space<hbm>>) dst(%dma_wait3A_63 : memref<2x128xi32, #tpu.memory_space<vmem>>)
      %dma_start3A_68 = arith.constant 1 : i32
      %dma_start3A_69 = arith.constant 0 : i32
      %dma_start3A_70 = arith.constant 1 : i32
      %dma_start3A_71 = arith.constant 0 : i32
      %dma_start3A_72 = arith.constant 0 : i32
      %dma_start3A_73 = tpu.memref_slice %arg7[%dma_start3A_70, %dma_start3A_71, %dma_start3A_72] : memref<2x128x128xf32, #tpu.memory_space<vmem>> -> memref<1x128x128xf32, #tpu.memory_space<vmem>>
      %dma_start3A_74 = tpu.memref_squeeze %dma_start3A_73 : memref<1x128x128xf32, #tpu.memory_space<vmem>> -> memref<128x128xf32, #tpu.memory_space<vmem>>
      %dma_start3A_75 = arith.constant 0 : i32
      %dma_start3A_76 = tpu.memref_slice %arg6[%dma_start3A_68, %dma_start3A_69, %dma_start3A_75] : memref<4x2x128xi32, #tpu.memory_space<vmem>> -> memref<1x1x128xi32, #tpu.memory_space<vmem>>
      %dma_start3A_77 = tpu.memref_squeeze %dma_start3A_76 : memref<1x1x128xi32, #tpu.memory_space<vmem>> -> memref<128xi32, #tpu.memory_space<vmem>>
      %dma_start3A_78 = arith.constant 0 : i32
      %dma_start3A_79 = arith.constant 0 : i32
      %dma_start3A_80 = tpu.memref_slice %arg2[%dma_start3A_78, %dma_start3A_79] : memref<10000x128xf32, #tpu.memory_space<hbm>> -> memref<10000x128xf32, #tpu.memory_space<hbm>>
      tpu.enqueue_indirect_dma source(%dma_start3A_80 : memref<10000x128xf32, #tpu.memory_space<hbm>>) target(%dma_start3A_74 : memref<128x128xf32, #tpu.memory_space<vmem>>) offsets(%dma_start3A_77 : memref<128xi32, #tpu.memory_space<vmem>>) semaphore(%arg14 : memref<!tpu.dma_semaphore, #tpu.memory_space<semaphore_mem>>)
      %jit3A_81 = arith.constant 4 : i32
      %div3A = arith.divsi %select_n3A, %jit3A_81 : i32
      %sign3A = arith.constant 0 : i32
      %sign3A_82 = arith.cmpi sgt, %select_n3A, %sign3A : i32
      %sign3A_83 = arith.extui %sign3A_82 : i1 to i32
      %sign3A_84 = arith.constant 0 : i32
      %sign3A_85 = arith.cmpi slt, %select_n3A, %sign3A_84 : i32
      %sign3A_86 = arith.extui %sign3A_85 : i1 to i32
      %sign3A_87 = arith.subi %sign3A_83, %sign3A_86 : i32
      %sign3A_88 = arith.constant 0 : i32
      %sign3A_89 = arith.cmpi sgt, %jit3A_81, %sign3A_88 : i32
      %sign3A_90 = arith.extui %sign3A_89 : i1 to i32
      %sign3A_91 = arith.constant 0 : i32
      %sign3A_92 = arith.cmpi slt, %jit3A_81, %sign3A_91 : i32
      %sign3A_93 = arith.extui %sign3A_92 : i1 to i32
      %sign3A_94 = arith.subi %sign3A_90, %sign3A_93 : i32
      %ne3A = arith.cmpi ne, %sign3A_87, %sign3A_94 : i32
      %rem3A = arith.remsi %select_n3A, %jit3A_81 : i32
      %ne3A_95 = arith.constant 0 : i32
      %ne3A_96 = arith.cmpi ne, %rem3A, %ne3A_95 : i32
      %and3A = arith.andi %ne3A, %ne3A_96 : i1
      %sub3A = arith.constant 1 : i32
      %sub3A_97 = arith.subi %div3A, %sub3A : i32
      %select_n3A_98 = arith.select %and3A, %sub3A_97, %div3A : i32
      %while3A = arith.constant 0 : i32
      %while3A_99 = arith.constant 0 : i32
      %while3A_100 = arith.subi %select_n3A_98, %while3A_99 : i32
      %while3A_101 = arith.addi %while3A_99, %while3A_100 : i32
      %while3A_102 = arith.constant 1 : i32
      %while3A_103 = arith.divsi %while3A_100, %while3A_102 : i32
      %while3A_104 = arith.muli %while3A_103, %while3A_102 : i32
      %while3A_105 = arith.addi %while3A_99, %while3A_104 : i32
      %while3A_106 = arith.constant 1 : i32
      scf.for %while3A_174 = %while3A_99 to %while3A_105 step %while3A_106  : i32 {
        %mul3A_175 = arith.constant 4 : i32
        %mul3A_176 = arith.muli %while3A_174, %mul3A_175 : i32
        %add3A_177 = arith.constant 0 : i32
        %add3A_178 = arith.addi %mul3A_176, %add3A_177 : i32
        %dma_wait3A_179 = arith.constant 0 : i32
        %dma_wait3A_180 = arith.constant 0 : i32
        %dma_wait3A_181 = arith.constant 0 : i32
        %dma_wait3A_182 = arith.constant 0 : i32
        %dma_wait3A_183 = arith.constant 0 : i32
        %dma_wait3A_184 = tpu.memref_slice %arg7[%dma_wait3A_181, %dma_wait3A_182, %dma_wait3A_183] : memref<2x128x128xf32, #tpu.memory_space<vmem>> -> memref<1x128x128xf32, #tpu.memory_space<vmem>>
        %dma_wait3A_185 = tpu.memref_squeeze %dma_wait3A_184 : memref<1x128x128xf32, #tpu.memory_space<vmem>> -> memref<128x128xf32, #tpu.memory_space<vmem>>
        %dma_wait3A_186 = arith.constant 0 : i32
        %dma_wait3A_187 = tpu.memref_slice %arg6[%dma_wait3A_179, %dma_wait3A_180, %dma_wait3A_186] : memref<4x2x128xi32, #tpu.memory_space<vmem>> -> memref<1x1x128xi32, #tpu.memory_space<vmem>>
        %dma_wait3A_188 = tpu.memref_squeeze %dma_wait3A_187 : memref<1x1x128xi32, #tpu.memory_space<vmem>> -> memref<128xi32, #tpu.memory_space<vmem>>
        %dma_wait3A_189 = arith.constant 0 : i32
        %dma_wait3A_190 = arith.constant 0 : i32
        %dma_wait3A_191 = tpu.memref_slice %arg2[%dma_wait3A_189, %dma_wait3A_190] : memref<10000x128xf32, #tpu.memory_space<hbm>> -> memref<10000x128xf32, #tpu.memory_space<hbm>>
        tpu.wait_indirect_dma semaphore(%arg13 : memref<!tpu.dma_semaphore, #tpu.memory_space<semaphore_mem>>) src(%dma_wait3A_191 : memref<10000x128xf32, #tpu.memory_space<hbm>>) dst(%dma_wait3A_185 : memref<128x128xf32, #tpu.memory_space<vmem>>)
        %run_scoped3A = arith.constant 0 : i32
        %run_scoped3A_192 = arith.constant 0 : i32
        %run_scoped3A_193 = arith.constant 1 : i32
        "tpu.region"() ({
          %run_scoped3A_460 = tpu.sem_alloc : memref<!tpu.dma_semaphore, #tpu.memory_space<semaphore_mem>>
          %dma_start3A_461 = arith.constant 0 : i32
          %dma_start3A_462 = arith.constant 0 : i32
          %dma_start3A_463 = tpu.memref_slice %arg7[%run_scoped3A, %dma_start3A_461, %dma_start3A_462] : memref<2x128x128xf32, #tpu.memory_space<vmem>> -> memref<1x128x128xf32, #tpu.memory_space<vmem>>
          %dma_start3A_464 = tpu.memref_squeeze %dma_start3A_463 : memref<1x128x128xf32, #tpu.memory_space<vmem>> -> memref<128x128xf32, #tpu.memory_space<vmem>>
          %dma_start3A_465 = arith.constant 0 : i32
          %dma_start3A_466 = tpu.memref_slice %arg6[%run_scoped3A_192, %run_scoped3A_193, %dma_start3A_465] : memref<4x2x128xi32, #tpu.memory_space<vmem>> -> memref<1x1x128xi32, #tpu.memory_space<vmem>>
          %dma_start3A_467 = tpu.memref_squeeze %dma_start3A_466 : memref<1x1x128xi32, #tpu.memory_space<vmem>> -> memref<128xi32, #tpu.memory_space<vmem>>
          %dma_start3A_468 = arith.constant 0 : i32
          %dma_start3A_469 = arith.constant 0 : i32
          %dma_start3A_470 = tpu.memref_slice %arg8[%dma_start3A_468, %dma_start3A_469] : memref<10112x128xf32, #tpu.memory_space<vmem_shared>> -> memref<10112x128xf32, #tpu.memory_space<vmem_shared>>
          tpu.enqueue_indirect_dma source(%dma_start3A_464 : memref<128x128xf32, #tpu.memory_space<vmem>>) target(%dma_start3A_470 : memref<10112x128xf32, #tpu.memory_space<vmem_shared>>) offsets(%dma_start3A_467 : memref<128xi32, #tpu.memory_space<vmem>>) semaphore(%run_scoped3A_460 : memref<!tpu.dma_semaphore, #tpu.memory_space<semaphore_mem>>) {add = true}
          %dma_wait3A_471 = arith.constant 0 : i32
          %dma_wait3A_472 = arith.constant 0 : i32
          %dma_wait3A_473 = tpu.memref_slice %arg7[%run_scoped3A, %dma_wait3A_471, %dma_wait3A_472] : memref<2x128x128xf32, #tpu.memory_space<vmem>> -> memref<1x128x128xf32, #tpu.memory_space<vmem>>
          %dma_wait3A_474 = tpu.memref_squeeze %dma_wait3A_473 : memref<1x128x128xf32, #tpu.memory_space<vmem>> -> memref<128x128xf32, #tpu.memory_space<vmem>>
          %dma_wait3A_475 = arith.constant 0 : i32
          %dma_wait3A_476 = tpu.memref_slice %arg6[%run_scoped3A_192, %run_scoped3A_193, %dma_wait3A_475] : memref<4x2x128xi32, #tpu.memory_space<vmem>> -> memref<1x1x128xi32, #tpu.memory_space<vmem>>
          %dma_wait3A_477 = tpu.memref_squeeze %dma_wait3A_476 : memref<1x1x128xi32, #tpu.memory_space<vmem>> -> memref<128xi32, #tpu.memory_space<vmem>>
          %dma_wait3A_478 = arith.constant 0 : i32
          %dma_wait3A_479 = arith.constant 0 : i32
          %dma_wait3A_480 = tpu.memref_slice %arg8[%dma_wait3A_478, %dma_wait3A_479] : memref<10112x128xf32, #tpu.memory_space<vmem_shared>> -> memref<10112x128xf32, #tpu.memory_space<vmem_shared>>
          tpu.wait_indirect_dma semaphore(%run_scoped3A_460 : memref<!tpu.dma_semaphore, #tpu.memory_space<semaphore_mem>>) src(%dma_wait3A_474 : memref<128x128xf32, #tpu.memory_space<vmem>>) dst(%dma_wait3A_480 : memref<10112x128xf32, #tpu.memory_space<vmem_shared>>)
          tpu.yield
        }) : () -> ()
        %add3A_194 = arith.constant 4 : i32
        %add3A_195 = arith.addi %add3A_178, %add3A_194 : i32
        %add3A_196 = arith.addi %mul3A_2, %add3A_195 : i32
        %dma_start3A_197 = arith.constant 0 : i32
        %dma_start3A_198 = arith.constant 0 : i32
        %dma_start3A_199 = arith.constant 0 : i32
        %dma_start3A_200 = tpu.memref_slice %arg6[%dma_start3A_197, %dma_start3A_198, %dma_start3A_199] : memref<4x2x128xi32, #tpu.memory_space<vmem>> -> memref<1x2x128xi32, #tpu.memory_space<vmem>>
        %dma_start3A_201 = tpu.memref_squeeze %dma_start3A_200 : memref<1x2x128xi32, #tpu.memory_space<vmem>> -> memref<2x128xi32, #tpu.memory_space<vmem>>
        %dma_start3A_202 = arith.constant 0 : i32
        %dma_start3A_203 = arith.constant 0 : i32
        %dma_start3A_204 = tpu.memref_slice %arg3[%add3A_196, %dma_start3A_202, %dma_start3A_203] : memref<3200x2x128xi32, #tpu.memory_space<hbm>> -> memref<1x2x128xi32, #tpu.memory_space<hbm>>
        %dma_start3A_205 = tpu.memref_squeeze %dma_start3A_204 : memref<1x2x128xi32, #tpu.memory_space<hbm>> -> memref<2x128xi32, #tpu.memory_space<hbm>>
        %dma_start3A_206 = arith.constant 0 : i32
        %dma_start3A_207 = arith.constant 0 : i32
        %dma_start3A_208 = tpu.memref_slice %arg6[%dma_start3A_197, %dma_start3A_206, %dma_start3A_207] : memref<4x2x128xi32, #tpu.memory_space<vmem>> -> memref<1x2x128xi32, #tpu.memory_space<vmem>>
        %dma_start3A_209 = tpu.memref_squeeze %dma_start3A_208 : memref<1x2x128xi32, #tpu.memory_space<vmem>> -> memref<2x128xi32, #tpu.memory_space<vmem>>
        %dma_start3A_210 = arith.constant 0 : i32
        %dma_start3A_211 = arith.constant 0 : i32
        %dma_start3A_212 = tpu.memref_slice %arg3[%add3A_196, %dma_start3A_210, %dma_start3A_211] : memref<3200x2x128xi32, #tpu.memory_space<hbm>> -> memref<1x2x128xi32, #tpu.memory_space<hbm>>
        %dma_start3A_213 = tpu.memref_squeeze %dma_start3A_212 : memref<1x2x128xi32, #tpu.memory_space<hbm>> -> memref<2x128xi32, #tpu.memory_space<hbm>>
        tpu.enqueue_dma source(%dma_start3A_213 : memref<2x128xi32, #tpu.memory_space<hbm>>) target(%dma_start3A_209 : memref<2x128xi32, #tpu.memory_space<vmem>>) target_semaphore(%arg9 : memref<!tpu.dma_semaphore, #tpu.memory_space<semaphore_mem>>)
        %add3A_214 = arith.constant 2 : i32
        %add3A_215 = arith.addi %add3A_178, %add3A_214 : i32
        %add3A_216 = arith.addi %mul3A_2, %add3A_215 : i32
        %dma_wait3A_217 = arith.constant 2 : i32
        %dma_wait3A_218 = arith.constant 0 : i32
        %dma_wait3A_219 = arith.constant 0 : i32
        %dma_wait3A_220 = tpu.memref_slice %arg6[%dma_wait3A_217, %dma_wait3A_218, %dma_wait3A_219] : memref<4x2x128xi32, #tpu.memory_space<vmem>> -> memref<1x2x128xi32, #tpu.memory_space<vmem>>
        %dma_wait3A_221 = tpu.memref_squeeze %dma_wait3A_220 : memref<1x2x128xi32, #tpu.memory_space<vmem>> -> memref<2x128xi32, #tpu.memory_space<vmem>>
        %dma_wait3A_222 = arith.constant 0 : i32
        %dma_wait3A_223 = arith.constant 0 : i32
        %dma_wait3A_224 = tpu.memref_slice %arg3[%add3A_216, %dma_wait3A_222, %dma_wait3A_223] : memref<3200x2x128xi32, #tpu.memory_space<hbm>> -> memref<1x2x128xi32, #tpu.memory_space<hbm>>
        %dma_wait3A_225 = tpu.memref_squeeze %dma_wait3A_224 : memref<1x2x128xi32, #tpu.memory_space<hbm>> -> memref<2x128xi32, #tpu.memory_space<hbm>>
        %dma_wait3A_226 = arith.constant 0 : i32
        %dma_wait3A_227 = arith.constant 0 : i32
        %dma_wait3A_228 = tpu.memref_slice %arg6[%dma_wait3A_217, %dma_wait3A_226, %dma_wait3A_227] : memref<4x2x128xi32, #tpu.memory_space<vmem>> -> memref<1x2x128xi32, #tpu.memory_space<vmem>>
        %dma_wait3A_229 = tpu.memref_squeeze %dma_wait3A_228 : memref<1x2x128xi32, #tpu.memory_space<vmem>> -> memref<2x128xi32, #tpu.memory_space<vmem>>
        %dma_wait3A_230 = arith.constant 0 : i32
        %dma_wait3A_231 = arith.constant 0 : i32
        %dma_wait3A_232 = tpu.memref_slice %arg3[%add3A_216, %dma_wait3A_230, %dma_wait3A_231] : memref<3200x2x128xi32, #tpu.memory_space<hbm>> -> memref<1x2x128xi32, #tpu.memory_space<hbm>>
        %dma_wait3A_233 = tpu.memref_squeeze %dma_wait3A_232 : memref<1x2x128xi32, #tpu.memory_space<hbm>> -> memref<2x128xi32, #tpu.memory_space<hbm>>
        tpu.wait_dma2 semaphore(%arg11 : memref<!tpu.dma_semaphore, #tpu.memory_space<semaphore_mem>>) src(%dma_wait3A_233 : memref<2x128xi32, #tpu.memory_space<hbm>>) dst(%dma_wait3A_229 : memref<2x128xi32, #tpu.memory_space<vmem>>)
        %dma_start3A_234 = arith.constant 2 : i32
        %dma_start3A_235 = arith.constant 0 : i32
        %dma_start3A_236 = arith.constant 0 : i32
        %dma_start3A_237 = arith.constant 0 : i32
        %dma_start3A_238 = arith.constant 0 : i32
        %dma_start3A_239 = tpu.memref_slice %arg7[%dma_start3A_236, %dma_start3A_237, %dma_start3A_238] : memref<2x128x128xf32, #tpu.memory_space<vmem>> -> memref<1x128x128xf32, #tpu.memory_space<vmem>>
        %dma_start3A_240 = tpu.memref_squeeze %dma_start3A_239 : memref<1x128x128xf32, #tpu.memory_space<vmem>> -> memref<128x128xf32, #tpu.memory_space<vmem>>
        %dma_start3A_241 = arith.constant 0 : i32
        %dma_start3A_242 = tpu.memref_slice %arg6[%dma_start3A_234, %dma_start3A_235, %dma_start3A_241] : memref<4x2x128xi32, #tpu.memory_space<vmem>> -> memref<1x1x128xi32, #tpu.memory_space<vmem>>
        %dma_start3A_243 = tpu.memref_squeeze %dma_start3A_242 : memref<1x1x128xi32, #tpu.memory_space<vmem>> -> memref<128xi32, #tpu.memory_space<vmem>>
        %dma_start3A_244 = arith.constant 0 : i32
        %dma_start3A_245 = arith.constant 0 : i32
        %dma_start3A_246 = tpu.memref_slice %arg2[%dma_start3A_244, %dma_start3A_245] : memref<10000x128xf32, #tpu.memory_space<hbm>> -> memref<10000x128xf32, #tpu.memory_space<hbm>>
        tpu.enqueue_indirect_dma source(%dma_start3A_246 : memref<10000x128xf32, #tpu.memory_space<hbm>>) target(%dma_start3A_240 : memref<128x128xf32, #tpu.memory_space<vmem>>) offsets(%dma_start3A_243 : memref<128xi32, #tpu.memory_space<vmem>>) semaphore(%arg13 : memref<!tpu.dma_semaphore, #tpu.memory_space<semaphore_mem>>)
        %add3A_247 = arith.constant 1 : i32
        %add3A_248 = arith.addi %mul3A_176, %add3A_247 : i32
        %dma_wait3A_249 = arith.constant 1 : i32
        %dma_wait3A_250 = arith.constant 0 : i32
        %dma_wait3A_251 = arith.constant 1 : i32
        %dma_wait3A_252 = arith.constant 0 : i32
        %dma_wait3A_253 = arith.constant 0 : i32
        %dma_wait3A_254 = tpu.memref_slice %arg7[%dma_wait3A_251, %dma_wait3A_252, %dma_wait3A_253] : memref<2x128x128xf32, #tpu.memory_space<vmem>> -> memref<1x128x128xf32, #tpu.memory_space<vmem>>
        %dma_wait3A_255 = tpu.memref_squeeze %dma_wait3A_254 : memref<1x128x128xf32, #tpu.memory_space<vmem>> -> memref<128x128xf32, #tpu.memory_space<vmem>>
        %dma_wait3A_256 = arith.constant 0 : i32
        %dma_wait3A_257 = tpu.memref_slice %arg6[%dma_wait3A_249, %dma_wait3A_250, %dma_wait3A_256] : memref<4x2x128xi32, #tpu.memory_space<vmem>> -> memref<1x1x128xi32, #tpu.memory_space<vmem>>
        %dma_wait3A_258 = tpu.memref_squeeze %dma_wait3A_257 : memref<1x1x128xi32, #tpu.memory_space<vmem>> -> memref<128xi32, #tpu.memory_space<vmem>>
        %dma_wait3A_259 = arith.constant 0 : i32
        %dma_wait3A_260 = arith.constant 0 : i32
        %dma_wait3A_261 = tpu.memref_slice %arg2[%dma_wait3A_259, %dma_wait3A_260] : memref<10000x128xf32, #tpu.memory_space<hbm>> -> memref<10000x128xf32, #tpu.memory_space<hbm>>
        tpu.wait_indirect_dma semaphore(%arg14 : memref<!tpu.dma_semaphore, #tpu.memory_space<semaphore_mem>>) src(%dma_wait3A_261 : memref<10000x128xf32, #tpu.memory_space<hbm>>) dst(%dma_wait3A_255 : memref<128x128xf32, #tpu.memory_space<vmem>>)
        %run_scoped3A_262 = arith.constant 1 : i32
        %run_scoped3A_263 = arith.constant 1 : i32
        %run_scoped3A_264 = arith.constant 1 : i32
        "tpu.region"() ({
          %run_scoped3A_460 = tpu.sem_alloc : memref<!tpu.dma_semaphore, #tpu.memory_space<semaphore_mem>>
          %dma_start3A_461 = arith.constant 0 : i32
          %dma_start3A_462 = arith.constant 0 : i32
          %dma_start3A_463 = tpu.memref_slice %arg7[%run_scoped3A_262, %dma_start3A_461, %dma_start3A_462] : memref<2x128x128xf32, #tpu.memory_space<vmem>> -> memref<1x128x128xf32, #tpu.memory_space<vmem>>
          %dma_start3A_464 = tpu.memref_squeeze %dma_start3A_463 : memref<1x128x128xf32, #tpu.memory_space<vmem>> -> memref<128x128xf32, #tpu.memory_space<vmem>>
          %dma_start3A_465 = arith.constant 0 : i32
          %dma_start3A_466 = tpu.memref_slice %arg6[%run_scoped3A_263, %run_scoped3A_264, %dma_start3A_465] : memref<4x2x128xi32, #tpu.memory_space<vmem>> -> memref<1x1x128xi32, #tpu.memory_space<vmem>>
          %dma_start3A_467 = tpu.memref_squeeze %dma_start3A_466 : memref<1x1x128xi32, #tpu.memory_space<vmem>> -> memref<128xi32, #tpu.memory_space<vmem>>
          %dma_start3A_468 = arith.constant 0 : i32
          %dma_start3A_469 = arith.constant 0 : i32
          %dma_start3A_470 = tpu.memref_slice %arg8[%dma_start3A_468, %dma_start3A_469] : memref<10112x128xf32, #tpu.memory_space<vmem_shared>> -> memref<10112x128xf32, #tpu.memory_space<vmem_shared>>
          tpu.enqueue_indirect_dma source(%dma_start3A_464 : memref<128x128xf32, #tpu.memory_space<vmem>>) target(%dma_start3A_470 : memref<10112x128xf32, #tpu.memory_space<vmem_shared>>) offsets(%dma_start3A_467 : memref<128xi32, #tpu.memory_space<vmem>>) semaphore(%run_scoped3A_460 : memref<!tpu.dma_semaphore, #tpu.memory_space<semaphore_mem>>) {add = true}
          %dma_wait3A_471 = arith.constant 0 : i32
          %dma_wait3A_472 = arith.constant 0 : i32
          %dma_wait3A_473 = tpu.memref_slice %arg7[%run_scoped3A_262, %dma_wait3A_471, %dma_wait3A_472] : memref<2x128x128xf32, #tpu.memory_space<vmem>> -> memref<1x128x128xf32, #tpu.memory_space<vmem>>
          %dma_wait3A_474 = tpu.memref_squeeze %dma_wait3A_473 : memref<1x128x128xf32, #tpu.memory_space<vmem>> -> memref<128x128xf32, #tpu.memory_space<vmem>>
          %dma_wait3A_475 = arith.constant 0 : i32
          %dma_wait3A_476 = tpu.memref_slice %arg6[%run_scoped3A_263, %run_scoped3A_264, %dma_wait3A_475] : memref<4x2x128xi32, #tpu.memory_space<vmem>> -> memref<1x1x128xi32, #tpu.memory_space<vmem>>
          %dma_wait3A_477 = tpu.memref_squeeze %dma_wait3A_476 : memref<1x1x128xi32, #tpu.memory_space<vmem>> -> memref<128xi32, #tpu.memory_space<vmem>>
          %dma_wait3A_478 = arith.constant 0 : i32
          %dma_wait3A_479 = arith.constant 0 : i32
          %dma_wait3A_480 = tpu.memref_slice %arg8[%dma_wait3A_478, %dma_wait3A_479] : memref<10112x128xf32, #tpu.memory_space<vmem_shared>> -> memref<10112x128xf32, #tpu.memory_space<vmem_shared>>
          tpu.wait_indirect_dma semaphore(%run_scoped3A_460 : memref<!tpu.dma_semaphore, #tpu.memory_space<semaphore_mem>>) src(%dma_wait3A_474 : memref<128x128xf32, #tpu.memory_space<vmem>>) dst(%dma_wait3A_480 : memref<10112x128xf32, #tpu.memory_space<vmem_shared>>)
          tpu.yield
        }) : () -> ()
        %add3A_265 = arith.constant 4 : i32
        %add3A_266 = arith.addi %add3A_248, %add3A_265 : i32
        %add3A_267 = arith.addi %mul3A_2, %add3A_266 : i32
        %dma_start3A_268 = arith.constant 1 : i32
        %dma_start3A_269 = arith.constant 0 : i32
        %dma_start3A_270 = arith.constant 0 : i32
        %dma_start3A_271 = tpu.memref_slice %arg6[%dma_start3A_268, %dma_start3A_269, %dma_start3A_270] : memref<4x2x128xi32, #tpu.memory_space<vmem>> -> memref<1x2x128xi32, #tpu.memory_space<vmem>>
        %dma_start3A_272 = tpu.memref_squeeze %dma_start3A_271 : memref<1x2x128xi32, #tpu.memory_space<vmem>> -> memref<2x128xi32, #tpu.memory_space<vmem>>
        %dma_start3A_273 = arith.constant 0 : i32
        %dma_start3A_274 = arith.constant 0 : i32
        %dma_start3A_275 = tpu.memref_slice %arg3[%add3A_267, %dma_start3A_273, %dma_start3A_274] : memref<3200x2x128xi32, #tpu.memory_space<hbm>> -> memref<1x2x128xi32, #tpu.memory_space<hbm>>
        %dma_start3A_276 = tpu.memref_squeeze %dma_start3A_275 : memref<1x2x128xi32, #tpu.memory_space<hbm>> -> memref<2x128xi32, #tpu.memory_space<hbm>>
        %dma_start3A_277 = arith.constant 0 : i32
        %dma_start3A_278 = arith.constant 0 : i32
        %dma_start3A_279 = tpu.memref_slice %arg6[%dma_start3A_268, %dma_start3A_277, %dma_start3A_278] : memref<4x2x128xi32, #tpu.memory_space<vmem>> -> memref<1x2x128xi32, #tpu.memory_space<vmem>>
        %dma_start3A_280 = tpu.memref_squeeze %dma_start3A_279 : memref<1x2x128xi32, #tpu.memory_space<vmem>> -> memref<2x128xi32, #tpu.memory_space<vmem>>
        %dma_start3A_281 = arith.constant 0 : i32
        %dma_start3A_282 = arith.constant 0 : i32
        %dma_start3A_283 = tpu.memref_slice %arg3[%add3A_267, %dma_start3A_281, %dma_start3A_282] : memref<3200x2x128xi32, #tpu.memory_space<hbm>> -> memref<1x2x128xi32, #tpu.memory_space<hbm>>
        %dma_start3A_284 = tpu.memref_squeeze %dma_start3A_283 : memref<1x2x128xi32, #tpu.memory_space<hbm>> -> memref<2x128xi32, #tpu.memory_space<hbm>>
        tpu.enqueue_dma source(%dma_start3A_284 : memref<2x128xi32, #tpu.memory_space<hbm>>) target(%dma_start3A_280 : memref<2x128xi32, #tpu.memory_space<vmem>>) target_semaphore(%arg10 : memref<!tpu.dma_semaphore, #tpu.memory_space<semaphore_mem>>)
        %add3A_285 = arith.constant 2 : i32
        %add3A_286 = arith.addi %add3A_248, %add3A_285 : i32
        %add3A_287 = arith.addi %mul3A_2, %add3A_286 : i32
        %dma_wait3A_288 = arith.constant 3 : i32
        %dma_wait3A_289 = arith.constant 0 : i32
        %dma_wait3A_290 = arith.constant 0 : i32
        %dma_wait3A_291 = tpu.memref_slice %arg6[%dma_wait3A_288, %dma_wait3A_289, %dma_wait3A_290] : memref<4x2x128xi32, #tpu.memory_space<vmem>> -> memref<1x2x128xi32, #tpu.memory_space<vmem>>
        %dma_wait3A_292 = tpu.memref_squeeze %dma_wait3A_291 : memref<1x2x128xi32, #tpu.memory_space<vmem>> -> memref<2x128xi32, #tpu.memory_space<vmem>>
        %dma_wait3A_293 = arith.constant 0 : i32
        %dma_wait3A_294 = arith.constant 0 : i32
        %dma_wait3A_295 = tpu.memref_slice %arg3[%add3A_287, %dma_wait3A_293, %dma_wait3A_294] : memref<3200x2x128xi32, #tpu.memory_space<hbm>> -> memref<1x2x128xi32, #tpu.memory_space<hbm>>
        %dma_wait3A_296 = tpu.memref_squeeze %dma_wait3A_295 : memref<1x2x128xi32, #tpu.memory_space<hbm>> -> memref<2x128xi32, #tpu.memory_space<hbm>>
        %dma_wait3A_297 = arith.constant 0 : i32
        %dma_wait3A_298 = arith.constant 0 : i32
        %dma_wait3A_299 = tpu.memref_slice %arg6[%dma_wait3A_288, %dma_wait3A_297, %dma_wait3A_298] : memref<4x2x128xi32, #tpu.memory_space<vmem>> -> memref<1x2x128xi32, #tpu.memory_space<vmem>>
        %dma_wait3A_300 = tpu.memref_squeeze %dma_wait3A_299 : memref<1x2x128xi32, #tpu.memory_space<vmem>> -> memref<2x128xi32, #tpu.memory_space<vmem>>
        %dma_wait3A_301 = arith.constant 0 : i32
        %dma_wait3A_302 = arith.constant 0 : i32
        %dma_wait3A_303 = tpu.memref_slice %arg3[%add3A_287, %dma_wait3A_301, %dma_wait3A_302] : memref<3200x2x128xi32, #tpu.memory_space<hbm>> -> memref<1x2x128xi32, #tpu.memory_space<hbm>>
        %dma_wait3A_304 = tpu.memref_squeeze %dma_wait3A_303 : memref<1x2x128xi32, #tpu.memory_space<hbm>> -> memref<2x128xi32, #tpu.memory_space<hbm>>
        tpu.wait_dma2 semaphore(%arg12 : memref<!tpu.dma_semaphore, #tpu.memory_space<semaphore_mem>>) src(%dma_wait3A_304 : memref<2x128xi32, #tpu.memory_space<hbm>>) dst(%dma_wait3A_300 : memref<2x128xi32, #tpu.memory_space<vmem>>)
        %dma_start3A_305 = arith.constant 3 : i32
        %dma_start3A_306 = arith.constant 0 : i32
        %dma_start3A_307 = arith.constant 1 : i32
        %dma_start3A_308 = arith.constant 0 : i32
        %dma_start3A_309 = arith.constant 0 : i32
        %dma_start3A_310 = tpu.memref_slice %arg7[%dma_start3A_307, %dma_start3A_308, %dma_start3A_309] : memref<2x128x128xf32, #tpu.memory_space<vmem>> -> memref<1x128x128xf32, #tpu.memory_space<vmem>>
        %dma_start3A_311 = tpu.memref_squeeze %dma_start3A_310 : memref<1x128x128xf32, #tpu.memory_space<vmem>> -> memref<128x128xf32, #tpu.memory_space<vmem>>
        %dma_start3A_312 = arith.constant 0 : i32
        %dma_start3A_313 = tpu.memref_slice %arg6[%dma_start3A_305, %dma_start3A_306, %dma_start3A_312] : memref<4x2x128xi32, #tpu.memory_space<vmem>> -> memref<1x1x128xi32, #tpu.memory_space<vmem>>
        %dma_start3A_314 = tpu.memref_squeeze %dma_start3A_313 : memref<1x1x128xi32, #tpu.memory_space<vmem>> -> memref<128xi32, #tpu.memory_space<vmem>>
        %dma_start3A_315 = arith.constant 0 : i32
        %dma_start3A_316 = arith.constant 0 : i32
        %dma_start3A_317 = tpu.memref_slice %arg2[%dma_start3A_315, %dma_start3A_316] : memref<10000x128xf32, #tpu.memory_space<hbm>> -> memref<10000x128xf32, #tpu.memory_space<hbm>>
        tpu.enqueue_indirect_dma source(%dma_start3A_317 : memref<10000x128xf32, #tpu.memory_space<hbm>>) target(%dma_start3A_311 : memref<128x128xf32, #tpu.memory_space<vmem>>) offsets(%dma_start3A_314 : memref<128xi32, #tpu.memory_space<vmem>>) semaphore(%arg14 : memref<!tpu.dma_semaphore, #tpu.memory_space<semaphore_mem>>)
        %add3A_318 = arith.constant 2 : i32
        %add3A_319 = arith.addi %mul3A_176, %add3A_318 : i32
        %dma_wait3A_320 = arith.constant 2 : i32
        %dma_wait3A_321 = arith.constant 0 : i32
        %dma_wait3A_322 = arith.constant 0 : i32
        %dma_wait3A_323 = arith.constant 0 : i32
        %dma_wait3A_324 = arith.constant 0 : i32
        %dma_wait3A_325 = tpu.memref_slice %arg7[%dma_wait3A_322, %dma_wait3A_323, %dma_wait3A_324] : memref<2x128x128xf32, #tpu.memory_space<vmem>> -> memref<1x128x128xf32, #tpu.memory_space<vmem>>
        %dma_wait3A_326 = tpu.memref_squeeze %dma_wait3A_325 : memref<1x128x128xf32, #tpu.memory_space<vmem>> -> memref<128x128xf32, #tpu.memory_space<vmem>>
        %dma_wait3A_327 = arith.constant 0 : i32
        %dma_wait3A_328 = tpu.memref_slice %arg6[%dma_wait3A_320, %dma_wait3A_321, %dma_wait3A_327] : memref<4x2x128xi32, #tpu.memory_space<vmem>> -> memref<1x1x128xi32, #tpu.memory_space<vmem>>
        %dma_wait3A_329 = tpu.memref_squeeze %dma_wait3A_328 : memref<1x1x128xi32, #tpu.memory_space<vmem>> -> memref<128xi32, #tpu.memory_space<vmem>>
        %dma_wait3A_330 = arith.constant 0 : i32
        %dma_wait3A_331 = arith.constant 0 : i32
        %dma_wait3A_332 = tpu.memref_slice %arg2[%dma_wait3A_330, %dma_wait3A_331] : memref<10000x128xf32, #tpu.memory_space<hbm>> -> memref<10000x128xf32, #tpu.memory_space<hbm>>
        tpu.wait_indirect_dma semaphore(%arg13 : memref<!tpu.dma_semaphore, #tpu.memory_space<semaphore_mem>>) src(%dma_wait3A_332 : memref<10000x128xf32, #tpu.memory_space<hbm>>) dst(%dma_wait3A_326 : memref<128x128xf32, #tpu.memory_space<vmem>>)
        %run_scoped3A_333 = arith.constant 0 : i32
        %run_scoped3A_334 = arith.constant 2 : i32
        %run_scoped3A_335 = arith.constant 1 : i32
        "tpu.region"() ({
          %run_scoped3A_460 = tpu.sem_alloc : memref<!tpu.dma_semaphore, #tpu.memory_space<semaphore_mem>>
          %dma_start3A_461 = arith.constant 0 : i32
          %dma_start3A_462 = arith.constant 0 : i32
          %dma_start3A_463 = tpu.memref_slice %arg7[%run_scoped3A_333, %dma_start3A_461, %dma_start3A_462] : memref<2x128x128xf32, #tpu.memory_space<vmem>> -> memref<1x128x128xf32, #tpu.memory_space<vmem>>
          %dma_start3A_464 = tpu.memref_squeeze %dma_start3A_463 : memref<1x128x128xf32, #tpu.memory_space<vmem>> -> memref<128x128xf32, #tpu.memory_space<vmem>>
          %dma_start3A_465 = arith.constant 0 : i32
          %dma_start3A_466 = tpu.memref_slice %arg6[%run_scoped3A_334, %run_scoped3A_335, %dma_start3A_465] : memref<4x2x128xi32, #tpu.memory_space<vmem>> -> memref<1x1x128xi32, #tpu.memory_space<vmem>>
          %dma_start3A_467 = tpu.memref_squeeze %dma_start3A_466 : memref<1x1x128xi32, #tpu.memory_space<vmem>> -> memref<128xi32, #tpu.memory_space<vmem>>
          %dma_start3A_468 = arith.constant 0 : i32
          %dma_start3A_469 = arith.constant 0 : i32
          %dma_start3A_470 = tpu.memref_slice %arg8[%dma_start3A_468, %dma_start3A_469] : memref<10112x128xf32, #tpu.memory_space<vmem_shared>> -> memref<10112x128xf32, #tpu.memory_space<vmem_shared>>
          tpu.enqueue_indirect_dma source(%dma_start3A_464 : memref<128x128xf32, #tpu.memory_space<vmem>>) target(%dma_start3A_470 : memref<10112x128xf32, #tpu.memory_space<vmem_shared>>) offsets(%dma_start3A_467 : memref<128xi32, #tpu.memory_space<vmem>>) semaphore(%run_scoped3A_460 : memref<!tpu.dma_semaphore, #tpu.memory_space<semaphore_mem>>) {add = true}
          %dma_wait3A_471 = arith.constant 0 : i32
          %dma_wait3A_472 = arith.constant 0 : i32
          %dma_wait3A_473 = tpu.memref_slice %arg7[%run_scoped3A_333, %dma_wait3A_471, %dma_wait3A_472] : memref<2x128x128xf32, #tpu.memory_space<vmem>> -> memref<1x128x128xf32, #tpu.memory_space<vmem>>
          %dma_wait3A_474 = tpu.memref_squeeze %dma_wait3A_473 : memref<1x128x128xf32, #tpu.memory_space<vmem>> -> memref<128x128xf32, #tpu.memory_space<vmem>>
          %dma_wait3A_475 = arith.constant 0 : i32
          %dma_wait3A_476 = tpu.memref_slice %arg6[%run_scoped3A_334, %run_scoped3A_335, %dma_wait3A_475] : memref<4x2x128xi32, #tpu.memory_space<vmem>> -> memref<1x1x128xi32, #tpu.memory_space<vmem>>
          %dma_wait3A_477 = tpu.memref_squeeze %dma_wait3A_476 : memref<1x1x128xi32, #tpu.memory_space<vmem>> -> memref<128xi32, #tpu.memory_space<vmem>>
          %dma_wait3A_478 = arith.constant 0 : i32
          %dma_wait3A_479 = arith.constant 0 : i32
          %dma_wait3A_480 = tpu.memref_slice %arg8[%dma_wait3A_478, %dma_wait3A_479] : memref<10112x128xf32, #tpu.memory_space<vmem_shared>> -> memref<10112x128xf32, #tpu.memory_space<vmem_shared>>
          tpu.wait_indirect_dma semaphore(%run_scoped3A_460 : memref<!tpu.dma_semaphore, #tpu.memory_space<semaphore_mem>>) src(%dma_wait3A_474 : memref<128x128xf32, #tpu.memory_space<vmem>>) dst(%dma_wait3A_480 : memref<10112x128xf32, #tpu.memory_space<vmem_shared>>)
          tpu.yield
        }) : () -> ()
        %add3A_336 = arith.constant 4 : i32
        %add3A_337 = arith.addi %add3A_319, %add3A_336 : i32
        %add3A_338 = arith.addi %mul3A_2, %add3A_337 : i32
        %dma_start3A_339 = arith.constant 2 : i32
        %dma_start3A_340 = arith.constant 0 : i32
        %dma_start3A_341 = arith.constant 0 : i32
        %dma_start3A_342 = tpu.memref_slice %arg6[%dma_start3A_339, %dma_start3A_340, %dma_start3A_341] : memref<4x2x128xi32, #tpu.memory_space<vmem>> -> memref<1x2x128xi32, #tpu.memory_space<vmem>>
        %dma_start3A_343 = tpu.memref_squeeze %dma_start3A_342 : memref<1x2x128xi32, #tpu.memory_space<vmem>> -> memref<2x128xi32, #tpu.memory_space<vmem>>
        %dma_start3A_344 = arith.constant 0 : i32
        %dma_start3A_345 = arith.constant 0 : i32
        %dma_start3A_346 = tpu.memref_slice %arg3[%add3A_338, %dma_start3A_344, %dma_start3A_345] : memref<3200x2x128xi32, #tpu.memory_space<hbm>> -> memref<1x2x128xi32, #tpu.memory_space<hbm>>
        %dma_start3A_347 = tpu.memref_squeeze %dma_start3A_346 : memref<1x2x128xi32, #tpu.memory_space<hbm>> -> memref<2x128xi32, #tpu.memory_space<hbm>>
        %dma_start3A_348 = arith.constant 0 : i32
        %dma_start3A_349 = arith.constant 0 : i32
        %dma_start3A_350 = tpu.memref_slice %arg6[%dma_start3A_339, %dma_start3A_348, %dma_start3A_349] : memref<4x2x128xi32, #tpu.memory_space<vmem>> -> memref<1x2x128xi32, #tpu.memory_space<vmem>>
        %dma_start3A_351 = tpu.memref_squeeze %dma_start3A_350 : memref<1x2x128xi32, #tpu.memory_space<vmem>> -> memref<2x128xi32, #tpu.memory_space<vmem>>
        %dma_start3A_352 = arith.constant 0 : i32
        %dma_start3A_353 = arith.constant 0 : i32
        %dma_start3A_354 = tpu.memref_slice %arg3[%add3A_338, %dma_start3A_352, %dma_start3A_353] : memref<3200x2x128xi32, #tpu.memory_space<hbm>> -> memref<1x2x128xi32, #tpu.memory_space<hbm>>
        %dma_start3A_355 = tpu.memref_squeeze %dma_start3A_354 : memref<1x2x128xi32, #tpu.memory_space<hbm>> -> memref<2x128xi32, #tpu.memory_space<hbm>>
        tpu.enqueue_dma source(%dma_start3A_355 : memref<2x128xi32, #tpu.memory_space<hbm>>) target(%dma_start3A_351 : memref<2x128xi32, #tpu.memory_space<vmem>>) target_semaphore(%arg11 : memref<!tpu.dma_semaphore, #tpu.memory_space<semaphore_mem>>)
        %add3A_356 = arith.constant 2 : i32
        %add3A_357 = arith.addi %add3A_319, %add3A_356 : i32
        %add3A_358 = arith.addi %mul3A_2, %add3A_357 : i32
        %dma_wait3A_359 = arith.constant 0 : i32
        %dma_wait3A_360 = arith.constant 0 : i32
        %dma_wait3A_361 = arith.constant 0 : i32
        %dma_wait3A_362 = tpu.memref_slice %arg6[%dma_wait3A_359, %dma_wait3A_360, %dma_wait3A_361] : memref<4x2x128xi32, #tpu.memory_space<vmem>> -> memref<1x2x128xi32, #tpu.memory_space<vmem>>
        %dma_wait3A_363 = tpu.memref_squeeze %dma_wait3A_362 : memref<1x2x128xi32, #tpu.memory_space<vmem>> -> memref<2x128xi32, #tpu.memory_space<vmem>>
        %dma_wait3A_364 = arith.constant 0 : i32
        %dma_wait3A_365 = arith.constant 0 : i32
        %dma_wait3A_366 = tpu.memref_slice %arg3[%add3A_358, %dma_wait3A_364, %dma_wait3A_365] : memref<3200x2x128xi32, #tpu.memory_space<hbm>> -> memref<1x2x128xi32, #tpu.memory_space<hbm>>
        %dma_wait3A_367 = tpu.memref_squeeze %dma_wait3A_366 : memref<1x2x128xi32, #tpu.memory_space<hbm>> -> memref<2x128xi32, #tpu.memory_space<hbm>>
        %dma_wait3A_368 = arith.constant 0 : i32
        %dma_wait3A_369 = arith.constant 0 : i32
        %dma_wait3A_370 = tpu.memref_slice %arg6[%dma_wait3A_359, %dma_wait3A_368, %dma_wait3A_369] : memref<4x2x128xi32, #tpu.memory_space<vmem>> -> memref<1x2x128xi32, #tpu.memory_space<vmem>>
        %dma_wait3A_371 = tpu.memref_squeeze %dma_wait3A_370 : memref<1x2x128xi32, #tpu.memory_space<vmem>> -> memref<2x128xi32, #tpu.memory_space<vmem>>
        %dma_wait3A_372 = arith.constant 0 : i32
        %dma_wait3A_373 = arith.constant 0 : i32
        %dma_wait3A_374 = tpu.memref_slice %arg3[%add3A_358, %dma_wait3A_372, %dma_wait3A_373] : memref<3200x2x128xi32, #tpu.memory_space<hbm>> -> memref<1x2x128xi32, #tpu.memory_space<hbm>>
        %dma_wait3A_375 = tpu.memref_squeeze %dma_wait3A_374 : memref<1x2x128xi32, #tpu.memory_space<hbm>> -> memref<2x128xi32, #tpu.memory_space<hbm>>
        tpu.wait_dma2 semaphore(%arg9 : memref<!tpu.dma_semaphore, #tpu.memory_space<semaphore_mem>>) src(%dma_wait3A_375 : memref<2x128xi32, #tpu.memory_space<hbm>>) dst(%dma_wait3A_371 : memref<2x128xi32, #tpu.memory_space<vmem>>)
        %dma_start3A_376 = arith.constant 0 : i32
        %dma_start3A_377 = arith.constant 0 : i32
        %dma_start3A_378 = arith.constant 0 : i32
        %dma_start3A_379 = arith.constant 0 : i32
        %dma_start3A_380 = arith.constant 0 : i32
        %dma_start3A_381 = tpu.memref_slice %arg7[%dma_start3A_378, %dma_start3A_379, %dma_start3A_380] : memref<2x128x128xf32, #tpu.memory_space<vmem>> -> memref<1x128x128xf32, #tpu.memory_space<vmem>>
        %dma_start3A_382 = tpu.memref_squeeze %dma_start3A_381 : memref<1x128x128xf32, #tpu.memory_space<vmem>> -> memref<128x128xf32, #tpu.memory_space<vmem>>
        %dma_start3A_383 = arith.constant 0 : i32
        %dma_start3A_384 = tpu.memref_slice %arg6[%dma_start3A_376, %dma_start3A_377, %dma_start3A_383] : memref<4x2x128xi32, #tpu.memory_space<vmem>> -> memref<1x1x128xi32, #tpu.memory_space<vmem>>
        %dma_start3A_385 = tpu.memref_squeeze %dma_start3A_384 : memref<1x1x128xi32, #tpu.memory_space<vmem>> -> memref<128xi32, #tpu.memory_space<vmem>>
        %dma_start3A_386 = arith.constant 0 : i32
        %dma_start3A_387 = arith.constant 0 : i32
        %dma_start3A_388 = tpu.memref_slice %arg2[%dma_start3A_386, %dma_start3A_387] : memref<10000x128xf32, #tpu.memory_space<hbm>> -> memref<10000x128xf32, #tpu.memory_space<hbm>>
        tpu.enqueue_indirect_dma source(%dma_start3A_388 : memref<10000x128xf32, #tpu.memory_space<hbm>>) target(%dma_start3A_382 : memref<128x128xf32, #tpu.memory_space<vmem>>) offsets(%dma_start3A_385 : memref<128xi32, #tpu.memory_space<vmem>>) semaphore(%arg13 : memref<!tpu.dma_semaphore, #tpu.memory_space<semaphore_mem>>)
        %add3A_389 = arith.constant 3 : i32
        %add3A_390 = arith.addi %mul3A_176, %add3A_389 : i32
        %dma_wait3A_391 = arith.constant 3 : i32
        %dma_wait3A_392 = arith.constant 0 : i32
        %dma_wait3A_393 = arith.constant 1 : i32
        %dma_wait3A_394 = arith.constant 0 : i32
        %dma_wait3A_395 = arith.constant 0 : i32
        %dma_wait3A_396 = tpu.memref_slice %arg7[%dma_wait3A_393, %dma_wait3A_394, %dma_wait3A_395] : memref<2x128x128xf32, #tpu.memory_space<vmem>> -> memref<1x128x128xf32, #tpu.memory_space<vmem>>
        %dma_wait3A_397 = tpu.memref_squeeze %dma_wait3A_396 : memref<1x128x128xf32, #tpu.memory_space<vmem>> -> memref<128x128xf32, #tpu.memory_space<vmem>>
        %dma_wait3A_398 = arith.constant 0 : i32
        %dma_wait3A_399 = tpu.memref_slice %arg6[%dma_wait3A_391, %dma_wait3A_392, %dma_wait3A_398] : memref<4x2x128xi32, #tpu.memory_space<vmem>> -> memref<1x1x128xi32, #tpu.memory_space<vmem>>
        %dma_wait3A_400 = tpu.memref_squeeze %dma_wait3A_399 : memref<1x1x128xi32, #tpu.memory_space<vmem>> -> memref<128xi32, #tpu.memory_space<vmem>>
        %dma_wait3A_401 = arith.constant 0 : i32
        %dma_wait3A_402 = arith.constant 0 : i32
        %dma_wait3A_403 = tpu.memref_slice %arg2[%dma_wait3A_401, %dma_wait3A_402] : memref<10000x128xf32, #tpu.memory_space<hbm>> -> memref<10000x128xf32, #tpu.memory_space<hbm>>
        tpu.wait_indirect_dma semaphore(%arg14 : memref<!tpu.dma_semaphore, #tpu.memory_space<semaphore_mem>>) src(%dma_wait3A_403 : memref<10000x128xf32, #tpu.memory_space<hbm>>) dst(%dma_wait3A_397 : memref<128x128xf32, #tpu.memory_space<vmem>>)
        %run_scoped3A_404 = arith.constant 1 : i32
        %run_scoped3A_405 = arith.constant 3 : i32
        %run_scoped3A_406 = arith.constant 1 : i32
        "tpu.region"() ({
          %run_scoped3A_460 = tpu.sem_alloc : memref<!tpu.dma_semaphore, #tpu.memory_space<semaphore_mem>>
          %dma_start3A_461 = arith.constant 0 : i32
          %dma_start3A_462 = arith.constant 0 : i32
          %dma_start3A_463 = tpu.memref_slice %arg7[%run_scoped3A_404, %dma_start3A_461, %dma_start3A_462] : memref<2x128x128xf32, #tpu.memory_space<vmem>> -> memref<1x128x128xf32, #tpu.memory_space<vmem>>
          %dma_start3A_464 = tpu.memref_squeeze %dma_start3A_463 : memref<1x128x128xf32, #tpu.memory_space<vmem>> -> memref<128x128xf32, #tpu.memory_space<vmem>>
          %dma_start3A_465 = arith.constant 0 : i32
          %dma_start3A_466 = tpu.memref_slice %arg6[%run_scoped3A_405, %run_scoped3A_406, %dma_start3A_465] : memref<4x2x128xi32, #tpu.memory_space<vmem>> -> memref<1x1x128xi32, #tpu.memory_space<vmem>>
          %dma_start3A_467 = tpu.memref_squeeze %dma_start3A_466 : memref<1x1x128xi32, #tpu.memory_space<vmem>> -> memref<128xi32, #tpu.memory_space<vmem>>
          %dma_start3A_468 = arith.constant 0 : i32
          %dma_start3A_469 = arith.constant 0 : i32
          %dma_start3A_470 = tpu.memref_slice %arg8[%dma_start3A_468, %dma_start3A_469] : memref<10112x128xf32, #tpu.memory_space<vmem_shared>> -> memref<10112x128xf32, #tpu.memory_space<vmem_shared>>
          tpu.enqueue_indirect_dma source(%dma_start3A_464 : memref<128x128xf32, #tpu.memory_space<vmem>>) target(%dma_start3A_470 : memref<10112x128xf32, #tpu.memory_space<vmem_shared>>) offsets(%dma_start3A_467 : memref<128xi32, #tpu.memory_space<vmem>>) semaphore(%run_scoped3A_460 : memref<!tpu.dma_semaphore, #tpu.memory_space<semaphore_mem>>) {add = true}
          %dma_wait3A_471 = arith.constant 0 : i32
          %dma_wait3A_472 = arith.constant 0 : i32
          %dma_wait3A_473 = tpu.memref_slice %arg7[%run_scoped3A_404, %dma_wait3A_471, %dma_wait3A_472] : memref<2x128x128xf32, #tpu.memory_space<vmem>> -> memref<1x128x128xf32, #tpu.memory_space<vmem>>
          %dma_wait3A_474 = tpu.memref_squeeze %dma_wait3A_473 : memref<1x128x128xf32, #tpu.memory_space<vmem>> -> memref<128x128xf32, #tpu.memory_space<vmem>>
          %dma_wait3A_475 = arith.constant 0 : i32
          %dma_wait3A_476 = tpu.memref_slice %arg6[%run_scoped3A_405, %run_scoped3A_406, %dma_wait3A_475] : memref<4x2x128xi32, #tpu.memory_space<vmem>> -> memref<1x1x128xi32, #tpu.memory_space<vmem>>
          %dma_wait3A_477 = tpu.memref_squeeze %dma_wait3A_476 : memref<1x1x128xi32, #tpu.memory_space<vmem>> -> memref<128xi32, #tpu.memory_space<vmem>>
          %dma_wait3A_478 = arith.constant 0 : i32
          %dma_wait3A_479 = arith.constant 0 : i32
          %dma_wait3A_480 = tpu.memref_slice %arg8[%dma_wait3A_478, %dma_wait3A_479] : memref<10112x128xf32, #tpu.memory_space<vmem_shared>> -> memref<10112x128xf32, #tpu.memory_space<vmem_shared>>
          tpu.wait_indirect_dma semaphore(%run_scoped3A_460 : memref<!tpu.dma_semaphore, #tpu.memory_space<semaphore_mem>>) src(%dma_wait3A_474 : memref<128x128xf32, #tpu.memory_space<vmem>>) dst(%dma_wait3A_480 : memref<10112x128xf32, #tpu.memory_space<vmem_shared>>)
          tpu.yield
        }) : () -> ()
        %add3A_407 = arith.constant 4 : i32
        %add3A_408 = arith.addi %add3A_390, %add3A_407 : i32
        %add3A_409 = arith.addi %mul3A_2, %add3A_408 : i32
        %dma_start3A_410 = arith.constant 3 : i32
        %dma_start3A_411 = arith.constant 0 : i32
        %dma_start3A_412 = arith.constant 0 : i32
        %dma_start3A_413 = tpu.memref_slice %arg6[%dma_start3A_410, %dma_start3A_411, %dma_start3A_412] : memref<4x2x128xi32, #tpu.memory_space<vmem>> -> memref<1x2x128xi32, #tpu.memory_space<vmem>>
        %dma_start3A_414 = tpu.memref_squeeze %dma_start3A_413 : memref<1x2x128xi32, #tpu.memory_space<vmem>> -> memref<2x128xi32, #tpu.memory_space<vmem>>
        %dma_start3A_415 = arith.constant 0 : i32
        %dma_start3A_416 = arith.constant 0 : i32
        %dma_start3A_417 = tpu.memref_slice %arg3[%add3A_409, %dma_start3A_415, %dma_start3A_416] : memref<3200x2x128xi32, #tpu.memory_space<hbm>> -> memref<1x2x128xi32, #tpu.memory_space<hbm>>
        %dma_start3A_418 = tpu.memref_squeeze %dma_start3A_417 : memref<1x2x128xi32, #tpu.memory_space<hbm>> -> memref<2x128xi32, #tpu.memory_space<hbm>>
        %dma_start3A_419 = arith.constant 0 : i32
        %dma_start3A_420 = arith.constant 0 : i32
        %dma_start3A_421 = tpu.memref_slice %arg6[%dma_start3A_410, %dma_start3A_419, %dma_start3A_420] : memref<4x2x128xi32, #tpu.memory_space<vmem>> -> memref<1x2x128xi32, #tpu.memory_space<vmem>>
        %dma_start3A_422 = tpu.memref_squeeze %dma_start3A_421 : memref<1x2x128xi32, #tpu.memory_space<vmem>> -> memref<2x128xi32, #tpu.memory_space<vmem>>
        %dma_start3A_423 = arith.constant 0 : i32
        %dma_start3A_424 = arith.constant 0 : i32
        %dma_start3A_425 = tpu.memref_slice %arg3[%add3A_409, %dma_start3A_423, %dma_start3A_424] : memref<3200x2x128xi32, #tpu.memory_space<hbm>> -> memref<1x2x128xi32, #tpu.memory_space<hbm>>
        %dma_start3A_426 = tpu.memref_squeeze %dma_start3A_425 : memref<1x2x128xi32, #tpu.memory_space<hbm>> -> memref<2x128xi32, #tpu.memory_space<hbm>>
        tpu.enqueue_dma source(%dma_start3A_426 : memref<2x128xi32, #tpu.memory_space<hbm>>) target(%dma_start3A_422 : memref<2x128xi32, #tpu.memory_space<vmem>>) target_semaphore(%arg12 : memref<!tpu.dma_semaphore, #tpu.memory_space<semaphore_mem>>)
        %add3A_427 = arith.constant 2 : i32
        %add3A_428 = arith.addi %add3A_390, %add3A_427 : i32
        %add3A_429 = arith.addi %mul3A_2, %add3A_428 : i32
        %dma_wait3A_430 = arith.constant 1 : i32
        %dma_wait3A_431 = arith.constant 0 : i32
        %dma_wait3A_432 = arith.constant 0 : i32
        %dma_wait3A_433 = tpu.memref_slice %arg6[%dma_wait3A_430, %dma_wait3A_431, %dma_wait3A_432] : memref<4x2x128xi32, #tpu.memory_space<vmem>> -> memref<1x2x128xi32, #tpu.memory_space<vmem>>
        %dma_wait3A_434 = tpu.memref_squeeze %dma_wait3A_433 : memref<1x2x128xi32, #tpu.memory_space<vmem>> -> memref<2x128xi32, #tpu.memory_space<vmem>>
        %dma_wait3A_435 = arith.constant 0 : i32
        %dma_wait3A_436 = arith.constant 0 : i32
        %dma_wait3A_437 = tpu.memref_slice %arg3[%add3A_429, %dma_wait3A_435, %dma_wait3A_436] : memref<3200x2x128xi32, #tpu.memory_space<hbm>> -> memref<1x2x128xi32, #tpu.memory_space<hbm>>
        %dma_wait3A_438 = tpu.memref_squeeze %dma_wait3A_437 : memref<1x2x128xi32, #tpu.memory_space<hbm>> -> memref<2x128xi32, #tpu.memory_space<hbm>>
        %dma_wait3A_439 = arith.constant 0 : i32
        %dma_wait3A_440 = arith.constant 0 : i32
        %dma_wait3A_441 = tpu.memref_slice %arg6[%dma_wait3A_430, %dma_wait3A_439, %dma_wait3A_440] : memref<4x2x128xi32, #tpu.memory_space<vmem>> -> memref<1x2x128xi32, #tpu.memory_space<vmem>>
        %dma_wait3A_442 = tpu.memref_squeeze %dma_wait3A_441 : memref<1x2x128xi32, #tpu.memory_space<vmem>> -> memref<2x128xi32, #tpu.memory_space<vmem>>
        %dma_wait3A_443 = arith.constant 0 : i32
        %dma_wait3A_444 = arith.constant 0 : i32
        %dma_wait3A_445 = tpu.memref_slice %arg3[%add3A_429, %dma_wait3A_443, %dma_wait3A_444] : memref<3200x2x128xi32, #tpu.memory_space<hbm>> -> memref<1x2x128xi32, #tpu.memory_space<hbm>>
        %dma_wait3A_446 = tpu.memref_squeeze %dma_wait3A_445 : memref<1x2x128xi32, #tpu.memory_space<hbm>> -> memref<2x128xi32, #tpu.memory_space<hbm>>
        tpu.wait_dma2 semaphore(%arg10 : memref<!tpu.dma_semaphore, #tpu.memory_space<semaphore_mem>>) src(%dma_wait3A_446 : memref<2x128xi32, #tpu.memory_space<hbm>>) dst(%dma_wait3A_442 : memref<2x128xi32, #tpu.memory_space<vmem>>)
        %dma_start3A_447 = arith.constant 1 : i32
        %dma_start3A_448 = arith.constant 0 : i32
        %dma_start3A_449 = arith.constant 1 : i32
        %dma_start3A_450 = arith.constant 0 : i32
        %dma_start3A_451 = arith.constant 0 : i32
        %dma_start3A_452 = tpu.memref_slice %arg7[%dma_start3A_449, %dma_start3A_450, %dma_start3A_451] : memref<2x128x128xf32, #tpu.memory_space<vmem>> -> memref<1x128x128xf32, #tpu.memory_space<vmem>>
        %dma_start3A_453 = tpu.memref_squeeze %dma_start3A_452 : memref<1x128x128xf32, #tpu.memory_space<vmem>> -> memref<128x128xf32, #tpu.memory_space<vmem>>
        %dma_start3A_454 = arith.constant 0 : i32
        %dma_start3A_455 = tpu.memref_slice %arg6[%dma_start3A_447, %dma_start3A_448, %dma_start3A_454] : memref<4x2x128xi32, #tpu.memory_space<vmem>> -> memref<1x1x128xi32, #tpu.memory_space<vmem>>
        %dma_start3A_456 = tpu.memref_squeeze %dma_start3A_455 : memref<1x1x128xi32, #tpu.memory_space<vmem>> -> memref<128xi32, #tpu.memory_space<vmem>>
        %dma_start3A_457 = arith.constant 0 : i32
        %dma_start3A_458 = arith.constant 0 : i32
        %dma_start3A_459 = tpu.memref_slice %arg2[%dma_start3A_457, %dma_start3A_458] : memref<10000x128xf32, #tpu.memory_space<hbm>> -> memref<10000x128xf32, #tpu.memory_space<hbm>>
        tpu.enqueue_indirect_dma source(%dma_start3A_459 : memref<10000x128xf32, #tpu.memory_space<hbm>>) target(%dma_start3A_453 : memref<128x128xf32, #tpu.memory_space<vmem>>) offsets(%dma_start3A_456 : memref<128xi32, #tpu.memory_space<vmem>>) semaphore(%arg14 : memref<!tpu.dma_semaphore, #tpu.memory_space<semaphore_mem>>)
      }
      %while3A_107 = arith.constant 1 : i32
      scf.for %while3A_174 = %while3A_105 to %while3A_101 step %while3A_107  : i32 {
        %mul3A_175 = arith.constant 4 : i32
        %mul3A_176 = arith.muli %while3A_174, %mul3A_175 : i32
        %add3A_177 = arith.constant 0 : i32
        %add3A_178 = arith.addi %mul3A_176, %add3A_177 : i32
        %dma_wait3A_179 = arith.constant 0 : i32
        %dma_wait3A_180 = arith.constant 0 : i32
        %dma_wait3A_181 = arith.constant 0 : i32
        %dma_wait3A_182 = arith.constant 0 : i32
        %dma_wait3A_183 = arith.constant 0 : i32
        %dma_wait3A_184 = tpu.memref_slice %arg7[%dma_wait3A_181, %dma_wait3A_182, %dma_wait3A_183] : memref<2x128x128xf32, #tpu.memory_space<vmem>> -> memref<1x128x128xf32, #tpu.memory_space<vmem>>
        %dma_wait3A_185 = tpu.memref_squeeze %dma_wait3A_184 : memref<1x128x128xf32, #tpu.memory_space<vmem>> -> memref<128x128xf32, #tpu.memory_space<vmem>>
        %dma_wait3A_186 = arith.constant 0 : i32
        %dma_wait3A_187 = tpu.memref_slice %arg6[%dma_wait3A_179, %dma_wait3A_180, %dma_wait3A_186] : memref<4x2x128xi32, #tpu.memory_space<vmem>> -> memref<1x1x128xi32, #tpu.memory_space<vmem>>
        %dma_wait3A_188 = tpu.memref_squeeze %dma_wait3A_187 : memref<1x1x128xi32, #tpu.memory_space<vmem>> -> memref<128xi32, #tpu.memory_space<vmem>>
        %dma_wait3A_189 = arith.constant 0 : i32
        %dma_wait3A_190 = arith.constant 0 : i32
        %dma_wait3A_191 = tpu.memref_slice %arg2[%dma_wait3A_189, %dma_wait3A_190] : memref<10000x128xf32, #tpu.memory_space<hbm>> -> memref<10000x128xf32, #tpu.memory_space<hbm>>
        tpu.wait_indirect_dma semaphore(%arg13 : memref<!tpu.dma_semaphore, #tpu.memory_space<semaphore_mem>>) src(%dma_wait3A_191 : memref<10000x128xf32, #tpu.memory_space<hbm>>) dst(%dma_wait3A_185 : memref<128x128xf32, #tpu.memory_space<vmem>>)
        %run_scoped3A = arith.constant 0 : i32
        %run_scoped3A_192 = arith.constant 0 : i32
        %run_scoped3A_193 = arith.constant 1 : i32
        "tpu.region"() ({
          %run_scoped3A_460 = tpu.sem_alloc : memref<!tpu.dma_semaphore, #tpu.memory_space<semaphore_mem>>
          %dma_start3A_461 = arith.constant 0 : i32
          %dma_start3A_462 = arith.constant 0 : i32
          %dma_start3A_463 = tpu.memref_slice %arg7[%run_scoped3A, %dma_start3A_461, %dma_start3A_462] : memref<2x128x128xf32, #tpu.memory_space<vmem>> -> memref<1x128x128xf32, #tpu.memory_space<vmem>>
          %dma_start3A_464 = tpu.memref_squeeze %dma_start3A_463 : memref<1x128x128xf32, #tpu.memory_space<vmem>> -> memref<128x128xf32, #tpu.memory_space<vmem>>
          %dma_start3A_465 = arith.constant 0 : i32
          %dma_start3A_466 = tpu.memref_slice %arg6[%run_scoped3A_192, %run_scoped3A_193, %dma_start3A_465] : memref<4x2x128xi32, #tpu.memory_space<vmem>> -> memref<1x1x128xi32, #tpu.memory_space<vmem>>
          %dma_start3A_467 = tpu.memref_squeeze %dma_start3A_466 : memref<1x1x128xi32, #tpu.memory_space<vmem>> -> memref<128xi32, #tpu.memory_space<vmem>>
          %dma_start3A_468 = arith.constant 0 : i32
          %dma_start3A_469 = arith.constant 0 : i32
          %dma_start3A_470 = tpu.memref_slice %arg8[%dma_start3A_468, %dma_start3A_469] : memref<10112x128xf32, #tpu.memory_space<vmem_shared>> -> memref<10112x128xf32, #tpu.memory_space<vmem_shared>>
          tpu.enqueue_indirect_dma source(%dma_start3A_464 : memref<128x128xf32, #tpu.memory_space<vmem>>) target(%dma_start3A_470 : memref<10112x128xf32, #tpu.memory_space<vmem_shared>>) offsets(%dma_start3A_467 : memref<128xi32, #tpu.memory_space<vmem>>) semaphore(%run_scoped3A_460 : memref<!tpu.dma_semaphore, #tpu.memory_space<semaphore_mem>>) {add = true}
          %dma_wait3A_471 = arith.constant 0 : i32
          %dma_wait3A_472 = arith.constant 0 : i32
          %dma_wait3A_473 = tpu.memref_slice %arg7[%run_scoped3A, %dma_wait3A_471, %dma_wait3A_472] : memref<2x128x128xf32, #tpu.memory_space<vmem>> -> memref<1x128x128xf32, #tpu.memory_space<vmem>>
          %dma_wait3A_474 = tpu.memref_squeeze %dma_wait3A_473 : memref<1x128x128xf32, #tpu.memory_space<vmem>> -> memref<128x128xf32, #tpu.memory_space<vmem>>
          %dma_wait3A_475 = arith.constant 0 : i32
          %dma_wait3A_476 = tpu.memref_slice %arg6[%run_scoped3A_192, %run_scoped3A_193, %dma_wait3A_475] : memref<4x2x128xi32, #tpu.memory_space<vmem>> -> memref<1x1x128xi32, #tpu.memory_space<vmem>>
          %dma_wait3A_477 = tpu.memref_squeeze %dma_wait3A_476 : memref<1x1x128xi32, #tpu.memory_space<vmem>> -> memref<128xi32, #tpu.memory_space<vmem>>
          %dma_wait3A_478 = arith.constant 0 : i32
          %dma_wait3A_479 = arith.constant 0 : i32
          %dma_wait3A_480 = tpu.memref_slice %arg8[%dma_wait3A_478, %dma_wait3A_479] : memref<10112x128xf32, #tpu.memory_space<vmem_shared>> -> memref<10112x128xf32, #tpu.memory_space<vmem_shared>>
          tpu.wait_indirect_dma semaphore(%run_scoped3A_460 : memref<!tpu.dma_semaphore, #tpu.memory_space<semaphore_mem>>) src(%dma_wait3A_474 : memref<128x128xf32, #tpu.memory_space<vmem>>) dst(%dma_wait3A_480 : memref<10112x128xf32, #tpu.memory_space<vmem_shared>>)
          tpu.yield
        }) : () -> ()
        %add3A_194 = arith.constant 4 : i32
        %add3A_195 = arith.addi %add3A_178, %add3A_194 : i32
        %add3A_196 = arith.addi %mul3A_2, %add3A_195 : i32
        %dma_start3A_197 = arith.constant 0 : i32
        %dma_start3A_198 = arith.constant 0 : i32
        %dma_start3A_199 = arith.constant 0 : i32
        %dma_start3A_200 = tpu.memref_slice %arg6[%dma_start3A_197, %dma_start3A_198, %dma_start3A_199] : memref<4x2x128xi32, #tpu.memory_space<vmem>> -> memref<1x2x128xi32, #tpu.memory_space<vmem>>
        %dma_start3A_201 = tpu.memref_squeeze %dma_start3A_200 : memref<1x2x128xi32, #tpu.memory_space<vmem>> -> memref<2x128xi32, #tpu.memory_space<vmem>>
        %dma_start3A_202 = arith.constant 0 : i32
        %dma_start3A_203 = arith.constant 0 : i32
        %dma_start3A_204 = tpu.memref_slice %arg3[%add3A_196, %dma_start3A_202, %dma_start3A_203] : memref<3200x2x128xi32, #tpu.memory_space<hbm>> -> memref<1x2x128xi32, #tpu.memory_space<hbm>>
        %dma_start3A_205 = tpu.memref_squeeze %dma_start3A_204 : memref<1x2x128xi32, #tpu.memory_space<hbm>> -> memref<2x128xi32, #tpu.memory_space<hbm>>
        %dma_start3A_206 = arith.constant 0 : i32
        %dma_start3A_207 = arith.constant 0 : i32
        %dma_start3A_208 = tpu.memref_slice %arg6[%dma_start3A_197, %dma_start3A_206, %dma_start3A_207] : memref<4x2x128xi32, #tpu.memory_space<vmem>> -> memref<1x2x128xi32, #tpu.memory_space<vmem>>
        %dma_start3A_209 = tpu.memref_squeeze %dma_start3A_208 : memref<1x2x128xi32, #tpu.memory_space<vmem>> -> memref<2x128xi32, #tpu.memory_space<vmem>>
        %dma_start3A_210 = arith.constant 0 : i32
        %dma_start3A_211 = arith.constant 0 : i32
        %dma_start3A_212 = tpu.memref_slice %arg3[%add3A_196, %dma_start3A_210, %dma_start3A_211] : memref<3200x2x128xi32, #tpu.memory_space<hbm>> -> memref<1x2x128xi32, #tpu.memory_space<hbm>>
        %dma_start3A_213 = tpu.memref_squeeze %dma_start3A_212 : memref<1x2x128xi32, #tpu.memory_space<hbm>> -> memref<2x128xi32, #tpu.memory_space<hbm>>
        tpu.enqueue_dma source(%dma_start3A_213 : memref<2x128xi32, #tpu.memory_space<hbm>>) target(%dma_start3A_209 : memref<2x128xi32, #tpu.memory_space<vmem>>) target_semaphore(%arg9 : memref<!tpu.dma_semaphore, #tpu.memory_space<semaphore_mem>>)
        %add3A_214 = arith.constant 2 : i32
        %add3A_215 = arith.addi %add3A_178, %add3A_214 : i32
        %add3A_216 = arith.addi %mul3A_2, %add3A_215 : i32
        %dma_wait3A_217 = arith.constant 2 : i32
        %dma_wait3A_218 = arith.constant 0 : i32
        %dma_wait3A_219 = arith.constant 0 : i32
        %dma_wait3A_220 = tpu.memref_slice %arg6[%dma_wait3A_217, %dma_wait3A_218, %dma_wait3A_219] : memref<4x2x128xi32, #tpu.memory_space<vmem>> -> memref<1x2x128xi32, #tpu.memory_space<vmem>>
        %dma_wait3A_221 = tpu.memref_squeeze %dma_wait3A_220 : memref<1x2x128xi32, #tpu.memory_space<vmem>> -> memref<2x128xi32, #tpu.memory_space<vmem>>
        %dma_wait3A_222 = arith.constant 0 : i32
        %dma_wait3A_223 = arith.constant 0 : i32
        %dma_wait3A_224 = tpu.memref_slice %arg3[%add3A_216, %dma_wait3A_222, %dma_wait3A_223] : memref<3200x2x128xi32, #tpu.memory_space<hbm>> -> memref<1x2x128xi32, #tpu.memory_space<hbm>>
        %dma_wait3A_225 = tpu.memref_squeeze %dma_wait3A_224 : memref<1x2x128xi32, #tpu.memory_space<hbm>> -> memref<2x128xi32, #tpu.memory_space<hbm>>
        %dma_wait3A_226 = arith.constant 0 : i32
        %dma_wait3A_227 = arith.constant 0 : i32
        %dma_wait3A_228 = tpu.memref_slice %arg6[%dma_wait3A_217, %dma_wait3A_226, %dma_wait3A_227] : memref<4x2x128xi32, #tpu.memory_space<vmem>> -> memref<1x2x128xi32, #tpu.memory_space<vmem>>
        %dma_wait3A_229 = tpu.memref_squeeze %dma_wait3A_228 : memref<1x2x128xi32, #tpu.memory_space<vmem>> -> memref<2x128xi32, #tpu.memory_space<vmem>>
        %dma_wait3A_230 = arith.constant 0 : i32
        %dma_wait3A_231 = arith.constant 0 : i32
        %dma_wait3A_232 = tpu.memref_slice %arg3[%add3A_216, %dma_wait3A_230, %dma_wait3A_231] : memref<3200x2x128xi32, #tpu.memory_space<hbm>> -> memref<1x2x128xi32, #tpu.memory_space<hbm>>
        %dma_wait3A_233 = tpu.memref_squeeze %dma_wait3A_232 : memref<1x2x128xi32, #tpu.memory_space<hbm>> -> memref<2x128xi32, #tpu.memory_space<hbm>>
        tpu.wait_dma2 semaphore(%arg11 : memref<!tpu.dma_semaphore, #tpu.memory_space<semaphore_mem>>) src(%dma_wait3A_233 : memref<2x128xi32, #tpu.memory_space<hbm>>) dst(%dma_wait3A_229 : memref<2x128xi32, #tpu.memory_space<vmem>>)
        %dma_start3A_234 = arith.constant 2 : i32
        %dma_start3A_235 = arith.constant 0 : i32
        %dma_start3A_236 = arith.constant 0 : i32
        %dma_start3A_237 = arith.constant 0 : i32
        %dma_start3A_238 = arith.constant 0 : i32
        %dma_start3A_239 = tpu.memref_slice %arg7[%dma_start3A_236, %dma_start3A_237, %dma_start3A_238] : memref<2x128x128xf32, #tpu.memory_space<vmem>> -> memref<1x128x128xf32, #tpu.memory_space<vmem>>
        %dma_start3A_240 = tpu.memref_squeeze %dma_start3A_239 : memref<1x128x128xf32, #tpu.memory_space<vmem>> -> memref<128x128xf32, #tpu.memory_space<vmem>>
        %dma_start3A_241 = arith.constant 0 : i32
        %dma_start3A_242 = tpu.memref_slice %arg6[%dma_start3A_234, %dma_start3A_235, %dma_start3A_241] : memref<4x2x128xi32, #tpu.memory_space<vmem>> -> memref<1x1x128xi32, #tpu.memory_space<vmem>>
        %dma_start3A_243 = tpu.memref_squeeze %dma_start3A_242 : memref<1x1x128xi32, #tpu.memory_space<vmem>> -> memref<128xi32, #tpu.memory_space<vmem>>
        %dma_start3A_244 = arith.constant 0 : i32
        %dma_start3A_245 = arith.constant 0 : i32
        %dma_start3A_246 = tpu.memref_slice %arg2[%dma_start3A_244, %dma_start3A_245] : memref<10000x128xf32, #tpu.memory_space<hbm>> -> memref<10000x128xf32, #tpu.memory_space<hbm>>
        tpu.enqueue_indirect_dma source(%dma_start3A_246 : memref<10000x128xf32, #tpu.memory_space<hbm>>) target(%dma_start3A_240 : memref<128x128xf32, #tpu.memory_space<vmem>>) offsets(%dma_start3A_243 : memref<128xi32, #tpu.memory_space<vmem>>) semaphore(%arg13 : memref<!tpu.dma_semaphore, #tpu.memory_space<semaphore_mem>>)
        %add3A_247 = arith.constant 1 : i32
        %add3A_248 = arith.addi %mul3A_176, %add3A_247 : i32
        %dma_wait3A_249 = arith.constant 1 : i32
        %dma_wait3A_250 = arith.constant 0 : i32
        %dma_wait3A_251 = arith.constant 1 : i32
        %dma_wait3A_252 = arith.constant 0 : i32
        %dma_wait3A_253 = arith.constant 0 : i32
        %dma_wait3A_254 = tpu.memref_slice %arg7[%dma_wait3A_251, %dma_wait3A_252, %dma_wait3A_253] : memref<2x128x128xf32, #tpu.memory_space<vmem>> -> memref<1x128x128xf32, #tpu.memory_space<vmem>>
        %dma_wait3A_255 = tpu.memref_squeeze %dma_wait3A_254 : memref<1x128x128xf32, #tpu.memory_space<vmem>> -> memref<128x128xf32, #tpu.memory_space<vmem>>
        %dma_wait3A_256 = arith.constant 0 : i32
        %dma_wait3A_257 = tpu.memref_slice %arg6[%dma_wait3A_249, %dma_wait3A_250, %dma_wait3A_256] : memref<4x2x128xi32, #tpu.memory_space<vmem>> -> memref<1x1x128xi32, #tpu.memory_space<vmem>>
        %dma_wait3A_258 = tpu.memref_squeeze %dma_wait3A_257 : memref<1x1x128xi32, #tpu.memory_space<vmem>> -> memref<128xi32, #tpu.memory_space<vmem>>
        %dma_wait3A_259 = arith.constant 0 : i32
        %dma_wait3A_260 = arith.constant 0 : i32
        %dma_wait3A_261 = tpu.memref_slice %arg2[%dma_wait3A_259, %dma_wait3A_260] : memref<10000x128xf32, #tpu.memory_space<hbm>> -> memref<10000x128xf32, #tpu.memory_space<hbm>>
        tpu.wait_indirect_dma semaphore(%arg14 : memref<!tpu.dma_semaphore, #tpu.memory_space<semaphore_mem>>) src(%dma_wait3A_261 : memref<10000x128xf32, #tpu.memory_space<hbm>>) dst(%dma_wait3A_255 : memref<128x128xf32, #tpu.memory_space<vmem>>)
        %run_scoped3A_262 = arith.constant 1 : i32
        %run_scoped3A_263 = arith.constant 1 : i32
        %run_scoped3A_264 = arith.constant 1 : i32
        "tpu.region"() ({
          %run_scoped3A_460 = tpu.sem_alloc : memref<!tpu.dma_semaphore, #tpu.memory_space<semaphore_mem>>
          %dma_start3A_461 = arith.constant 0 : i32
          %dma_start3A_462 = arith.constant 0 : i32
          %dma_start3A_463 = tpu.memref_slice %arg7[%run_scoped3A_262, %dma_start3A_461, %dma_start3A_462] : memref<2x128x128xf32, #tpu.memory_space<vmem>> -> memref<1x128x128xf32, #tpu.memory_space<vmem>>
          %dma_start3A_464 = tpu.memref_squeeze %dma_start3A_463 : memref<1x128x128xf32, #tpu.memory_space<vmem>> -> memref<128x128xf32, #tpu.memory_space<vmem>>
          %dma_start3A_465 = arith.constant 0 : i32
          %dma_start3A_466 = tpu.memref_slice %arg6[%run_scoped3A_263, %run_scoped3A_264, %dma_start3A_465] : memref<4x2x128xi32, #tpu.memory_space<vmem>> -> memref<1x1x128xi32, #tpu.memory_space<vmem>>
          %dma_start3A_467 = tpu.memref_squeeze %dma_start3A_466 : memref<1x1x128xi32, #tpu.memory_space<vmem>> -> memref<128xi32, #tpu.memory_space<vmem>>
          %dma_start3A_468 = arith.constant 0 : i32
          %dma_start3A_469 = arith.constant 0 : i32
          %dma_start3A_470 = tpu.memref_slice %arg8[%dma_start3A_468, %dma_start3A_469] : memref<10112x128xf32, #tpu.memory_space<vmem_shared>> -> memref<10112x128xf32, #tpu.memory_space<vmem_shared>>
          tpu.enqueue_indirect_dma source(%dma_start3A_464 : memref<128x128xf32, #tpu.memory_space<vmem>>) target(%dma_start3A_470 : memref<10112x128xf32, #tpu.memory_space<vmem_shared>>) offsets(%dma_start3A_467 : memref<128xi32, #tpu.memory_space<vmem>>) semaphore(%run_scoped3A_460 : memref<!tpu.dma_semaphore, #tpu.memory_space<semaphore_mem>>) {add = true}
          %dma_wait3A_471 = arith.constant 0 : i32
          %dma_wait3A_472 = arith.constant 0 : i32
          %dma_wait3A_473 = tpu.memref_slice %arg7[%run_scoped3A_262, %dma_wait3A_471, %dma_wait3A_472] : memref<2x128x128xf32, #tpu.memory_space<vmem>> -> memref<1x128x128xf32, #tpu.memory_space<vmem>>
          %dma_wait3A_474 = tpu.memref_squeeze %dma_wait3A_473 : memref<1x128x128xf32, #tpu.memory_space<vmem>> -> memref<128x128xf32, #tpu.memory_space<vmem>>
          %dma_wait3A_475 = arith.constant 0 : i32
          %dma_wait3A_476 = tpu.memref_slice %arg6[%run_scoped3A_263, %run_scoped3A_264, %dma_wait3A_475] : memref<4x2x128xi32, #tpu.memory_space<vmem>> -> memref<1x1x128xi32, #tpu.memory_space<vmem>>
          %dma_wait3A_477 = tpu.memref_squeeze %dma_wait3A_476 : memref<1x1x128xi32, #tpu.memory_space<vmem>> -> memref<128xi32, #tpu.memory_space<vmem>>
          %dma_wait3A_478 = arith.constant 0 : i32
          %dma_wait3A_479 = arith.constant 0 : i32
          %dma_wait3A_480 = tpu.memref_slice %arg8[%dma_wait3A_478, %dma_wait3A_479] : memref<10112x128xf32, #tpu.memory_space<vmem_shared>> -> memref<10112x128xf32, #tpu.memory_space<vmem_shared>>
          tpu.wait_indirect_dma semaphore(%run_scoped3A_460 : memref<!tpu.dma_semaphore, #tpu.memory_space<semaphore_mem>>) src(%dma_wait3A_474 : memref<128x128xf32, #tpu.memory_space<vmem>>) dst(%dma_wait3A_480 : memref<10112x128xf32, #tpu.memory_space<vmem_shared>>)
          tpu.yield
        }) : () -> ()
        %add3A_265 = arith.constant 4 : i32
        %add3A_266 = arith.addi %add3A_248, %add3A_265 : i32
        %add3A_267 = arith.addi %mul3A_2, %add3A_266 : i32
        %dma_start3A_268 = arith.constant 1 : i32
        %dma_start3A_269 = arith.constant 0 : i32
        %dma_start3A_270 = arith.constant 0 : i32
        %dma_start3A_271 = tpu.memref_slice %arg6[%dma_start3A_268, %dma_start3A_269, %dma_start3A_270] : memref<4x2x128xi32, #tpu.memory_space<vmem>> -> memref<1x2x128xi32, #tpu.memory_space<vmem>>
        %dma_start3A_272 = tpu.memref_squeeze %dma_start3A_271 : memref<1x2x128xi32, #tpu.memory_space<vmem>> -> memref<2x128xi32, #tpu.memory_space<vmem>>
        %dma_start3A_273 = arith.constant 0 : i32
        %dma_start3A_274 = arith.constant 0 : i32
        %dma_start3A_275 = tpu.memref_slice %arg3[%add3A_267, %dma_start3A_273, %dma_start3A_274] : memref<3200x2x128xi32, #tpu.memory_space<hbm>> -> memref<1x2x128xi32, #tpu.memory_space<hbm>>
        %dma_start3A_276 = tpu.memref_squeeze %dma_start3A_275 : memref<1x2x128xi32, #tpu.memory_space<hbm>> -> memref<2x128xi32, #tpu.memory_space<hbm>>
        %dma_start3A_277 = arith.constant 0 : i32
        %dma_start3A_278 = arith.constant 0 : i32
        %dma_start3A_279 = tpu.memref_slice %arg6[%dma_start3A_268, %dma_start3A_277, %dma_start3A_278] : memref<4x2x128xi32, #tpu.memory_space<vmem>> -> memref<1x2x128xi32, #tpu.memory_space<vmem>>
        %dma_start3A_280 = tpu.memref_squeeze %dma_start3A_279 : memref<1x2x128xi32, #tpu.memory_space<vmem>> -> memref<2x128xi32, #tpu.memory_space<vmem>>
        %dma_start3A_281 = arith.constant 0 : i32
        %dma_start3A_282 = arith.constant 0 : i32
        %dma_start3A_283 = tpu.memref_slice %arg3[%add3A_267, %dma_start3A_281, %dma_start3A_282] : memref<3200x2x128xi32, #tpu.memory_space<hbm>> -> memref<1x2x128xi32, #tpu.memory_space<hbm>>
        %dma_start3A_284 = tpu.memref_squeeze %dma_start3A_283 : memref<1x2x128xi32, #tpu.memory_space<hbm>> -> memref<2x128xi32, #tpu.memory_space<hbm>>
        tpu.enqueue_dma source(%dma_start3A_284 : memref<2x128xi32, #tpu.memory_space<hbm>>) target(%dma_start3A_280 : memref<2x128xi32, #tpu.memory_space<vmem>>) target_semaphore(%arg10 : memref<!tpu.dma_semaphore, #tpu.memory_space<semaphore_mem>>)
        %add3A_285 = arith.constant 2 : i32
        %add3A_286 = arith.addi %add3A_248, %add3A_285 : i32
        %add3A_287 = arith.addi %mul3A_2, %add3A_286 : i32
        %dma_wait3A_288 = arith.constant 3 : i32
        %dma_wait3A_289 = arith.constant 0 : i32
        %dma_wait3A_290 = arith.constant 0 : i32
        %dma_wait3A_291 = tpu.memref_slice %arg6[%dma_wait3A_288, %dma_wait3A_289, %dma_wait3A_290] : memref<4x2x128xi32, #tpu.memory_space<vmem>> -> memref<1x2x128xi32, #tpu.memory_space<vmem>>
        %dma_wait3A_292 = tpu.memref_squeeze %dma_wait3A_291 : memref<1x2x128xi32, #tpu.memory_space<vmem>> -> memref<2x128xi32, #tpu.memory_space<vmem>>
        %dma_wait3A_293 = arith.constant 0 : i32
        %dma_wait3A_294 = arith.constant 0 : i32
        %dma_wait3A_295 = tpu.memref_slice %arg3[%add3A_287, %dma_wait3A_293, %dma_wait3A_294] : memref<3200x2x128xi32, #tpu.memory_space<hbm>> -> memref<1x2x128xi32, #tpu.memory_space<hbm>>
        %dma_wait3A_296 = tpu.memref_squeeze %dma_wait3A_295 : memref<1x2x128xi32, #tpu.memory_space<hbm>> -> memref<2x128xi32, #tpu.memory_space<hbm>>
        %dma_wait3A_297 = arith.constant 0 : i32
        %dma_wait3A_298 = arith.constant 0 : i32
        %dma_wait3A_299 = tpu.memref_slice %arg6[%dma_wait3A_288, %dma_wait3A_297, %dma_wait3A_298] : memref<4x2x128xi32, #tpu.memory_space<vmem>> -> memref<1x2x128xi32, #tpu.memory_space<vmem>>
        %dma_wait3A_300 = tpu.memref_squeeze %dma_wait3A_299 : memref<1x2x128xi32, #tpu.memory_space<vmem>> -> memref<2x128xi32, #tpu.memory_space<vmem>>
        %dma_wait3A_301 = arith.constant 0 : i32
        %dma_wait3A_302 = arith.constant 0 : i32
        %dma_wait3A_303 = tpu.memref_slice %arg3[%add3A_287, %dma_wait3A_301, %dma_wait3A_302] : memref<3200x2x128xi32, #tpu.memory_space<hbm>> -> memref<1x2x128xi32, #tpu.memory_space<hbm>>
        %dma_wait3A_304 = tpu.memref_squeeze %dma_wait3A_303 : memref<1x2x128xi32, #tpu.memory_space<hbm>> -> memref<2x128xi32, #tpu.memory_space<hbm>>
        tpu.wait_dma2 semaphore(%arg12 : memref<!tpu.dma_semaphore, #tpu.memory_space<semaphore_mem>>) src(%dma_wait3A_304 : memref<2x128xi32, #tpu.memory_space<hbm>>) dst(%dma_wait3A_300 : memref<2x128xi32, #tpu.memory_space<vmem>>)
        %dma_start3A_305 = arith.constant 3 : i32
        %dma_start3A_306 = arith.constant 0 : i32
        %dma_start3A_307 = arith.constant 1 : i32
        %dma_start3A_308 = arith.constant 0 : i32
        %dma_start3A_309 = arith.constant 0 : i32
        %dma_start3A_310 = tpu.memref_slice %arg7[%dma_start3A_307, %dma_start3A_308, %dma_start3A_309] : memref<2x128x128xf32, #tpu.memory_space<vmem>> -> memref<1x128x128xf32, #tpu.memory_space<vmem>>
        %dma_start3A_311 = tpu.memref_squeeze %dma_start3A_310 : memref<1x128x128xf32, #tpu.memory_space<vmem>> -> memref<128x128xf32, #tpu.memory_space<vmem>>
        %dma_start3A_312 = arith.constant 0 : i32
        %dma_start3A_313 = tpu.memref_slice %arg6[%dma_start3A_305, %dma_start3A_306, %dma_start3A_312] : memref<4x2x128xi32, #tpu.memory_space<vmem>> -> memref<1x1x128xi32, #tpu.memory_space<vmem>>
        %dma_start3A_314 = tpu.memref_squeeze %dma_start3A_313 : memref<1x1x128xi32, #tpu.memory_space<vmem>> -> memref<128xi32, #tpu.memory_space<vmem>>
        %dma_start3A_315 = arith.constant 0 : i32
        %dma_start3A_316 = arith.constant 0 : i32
        %dma_start3A_317 = tpu.memref_slice %arg2[%dma_start3A_315, %dma_start3A_316] : memref<10000x128xf32, #tpu.memory_space<hbm>> -> memref<10000x128xf32, #tpu.memory_space<hbm>>
        tpu.enqueue_indirect_dma source(%dma_start3A_317 : memref<10000x128xf32, #tpu.memory_space<hbm>>) target(%dma_start3A_311 : memref<128x128xf32, #tpu.memory_space<vmem>>) offsets(%dma_start3A_314 : memref<128xi32, #tpu.memory_space<vmem>>) semaphore(%arg14 : memref<!tpu.dma_semaphore, #tpu.memory_space<semaphore_mem>>)
        %add3A_318 = arith.constant 2 : i32
        %add3A_319 = arith.addi %mul3A_176, %add3A_318 : i32
        %dma_wait3A_320 = arith.constant 2 : i32
        %dma_wait3A_321 = arith.constant 0 : i32
        %dma_wait3A_322 = arith.constant 0 : i32
        %dma_wait3A_323 = arith.constant 0 : i32
        %dma_wait3A_324 = arith.constant 0 : i32
        %dma_wait3A_325 = tpu.memref_slice %arg7[%dma_wait3A_322, %dma_wait3A_323, %dma_wait3A_324] : memref<2x128x128xf32, #tpu.memory_space<vmem>> -> memref<1x128x128xf32, #tpu.memory_space<vmem>>
        %dma_wait3A_326 = tpu.memref_squeeze %dma_wait3A_325 : memref<1x128x128xf32, #tpu.memory_space<vmem>> -> memref<128x128xf32, #tpu.memory_space<vmem>>
        %dma_wait3A_327 = arith.constant 0 : i32
        %dma_wait3A_328 = tpu.memref_slice %arg6[%dma_wait3A_320, %dma_wait3A_321, %dma_wait3A_327] : memref<4x2x128xi32, #tpu.memory_space<vmem>> -> memref<1x1x128xi32, #tpu.memory_space<vmem>>
        %dma_wait3A_329 = tpu.memref_squeeze %dma_wait3A_328 : memref<1x1x128xi32, #tpu.memory_space<vmem>> -> memref<128xi32, #tpu.memory_space<vmem>>
        %dma_wait3A_330 = arith.constant 0 : i32
        %dma_wait3A_331 = arith.constant 0 : i32
        %dma_wait3A_332 = tpu.memref_slice %arg2[%dma_wait3A_330, %dma_wait3A_331] : memref<10000x128xf32, #tpu.memory_space<hbm>> -> memref<10000x128xf32, #tpu.memory_space<hbm>>
        tpu.wait_indirect_dma semaphore(%arg13 : memref<!tpu.dma_semaphore, #tpu.memory_space<semaphore_mem>>) src(%dma_wait3A_332 : memref<10000x128xf32, #tpu.memory_space<hbm>>) dst(%dma_wait3A_326 : memref<128x128xf32, #tpu.memory_space<vmem>>)
        %run_scoped3A_333 = arith.constant 0 : i32
        %run_scoped3A_334 = arith.constant 2 : i32
        %run_scoped3A_335 = arith.constant 1 : i32
        "tpu.region"() ({
          %run_scoped3A_460 = tpu.sem_alloc : memref<!tpu.dma_semaphore, #tpu.memory_space<semaphore_mem>>
          %dma_start3A_461 = arith.constant 0 : i32
          %dma_start3A_462 = arith.constant 0 : i32
          %dma_start3A_463 = tpu.memref_slice %arg7[%run_scoped3A_333, %dma_start3A_461, %dma_start3A_462] : memref<2x128x128xf32, #tpu.memory_space<vmem>> -> memref<1x128x128xf32, #tpu.memory_space<vmem>>
          %dma_start3A_464 = tpu.memref_squeeze %dma_start3A_463 : memref<1x128x128xf32, #tpu.memory_space<vmem>> -> memref<128x128xf32, #tpu.memory_space<vmem>>
          %dma_start3A_465 = arith.constant 0 : i32
          %dma_start3A_466 = tpu.memref_slice %arg6[%run_scoped3A_334, %run_scoped3A_335, %dma_start3A_465] : memref<4x2x128xi32, #tpu.memory_space<vmem>> -> memref<1x1x128xi32, #tpu.memory_space<vmem>>
          %dma_start3A_467 = tpu.memref_squeeze %dma_start3A_466 : memref<1x1x128xi32, #tpu.memory_space<vmem>> -> memref<128xi32, #tpu.memory_space<vmem>>
          %dma_start3A_468 = arith.constant 0 : i32
          %dma_start3A_469 = arith.constant 0 : i32
          %dma_start3A_470 = tpu.memref_slice %arg8[%dma_start3A_468, %dma_start3A_469] : memref<10112x128xf32, #tpu.memory_space<vmem_shared>> -> memref<10112x128xf32, #tpu.memory_space<vmem_shared>>
          tpu.enqueue_indirect_dma source(%dma_start3A_464 : memref<128x128xf32, #tpu.memory_space<vmem>>) target(%dma_start3A_470 : memref<10112x128xf32, #tpu.memory_space<vmem_shared>>) offsets(%dma_start3A_467 : memref<128xi32, #tpu.memory_space<vmem>>) semaphore(%run_scoped3A_460 : memref<!tpu.dma_semaphore, #tpu.memory_space<semaphore_mem>>) {add = true}
          %dma_wait3A_471 = arith.constant 0 : i32
          %dma_wait3A_472 = arith.constant 0 : i32
          %dma_wait3A_473 = tpu.memref_slice %arg7[%run_scoped3A_333, %dma_wait3A_471, %dma_wait3A_472] : memref<2x128x128xf32, #tpu.memory_space<vmem>> -> memref<1x128x128xf32, #tpu.memory_space<vmem>>
          %dma_wait3A_474 = tpu.memref_squeeze %dma_wait3A_473 : memref<1x128x128xf32, #tpu.memory_space<vmem>> -> memref<128x128xf32, #tpu.memory_space<vmem>>
          %dma_wait3A_475 = arith.constant 0 : i32
          %dma_wait3A_476 = tpu.memref_slice %arg6[%run_scoped3A_334, %run_scoped3A_335, %dma_wait3A_475] : memref<4x2x128xi32, #tpu.memory_space<vmem>> -> memref<1x1x128xi32, #tpu.memory_space<vmem>>
          %dma_wait3A_477 = tpu.memref_squeeze %dma_wait3A_476 : memref<1x1x128xi32, #tpu.memory_space<vmem>> -> memref<128xi32, #tpu.memory_space<vmem>>
          %dma_wait3A_478 = arith.constant 0 : i32
          %dma_wait3A_479 = arith.constant 0 : i32
          %dma_wait3A_480 = tpu.memref_slice %arg8[%dma_wait3A_478, %dma_wait3A_479] : memref<10112x128xf32, #tpu.memory_space<vmem_shared>> -> memref<10112x128xf32, #tpu.memory_space<vmem_shared>>
          tpu.wait_indirect_dma semaphore(%run_scoped3A_460 : memref<!tpu.dma_semaphore, #tpu.memory_space<semaphore_mem>>) src(%dma_wait3A_474 : memref<128x128xf32, #tpu.memory_space<vmem>>) dst(%dma_wait3A_480 : memref<10112x128xf32, #tpu.memory_space<vmem_shared>>)
          tpu.yield
        }) : () -> ()
        %add3A_336 = arith.constant 4 : i32
        %add3A_337 = arith.addi %add3A_319, %add3A_336 : i32
        %add3A_338 = arith.addi %mul3A_2, %add3A_337 : i32
        %dma_start3A_339 = arith.constant 2 : i32
        %dma_start3A_340 = arith.constant 0 : i32
        %dma_start3A_341 = arith.constant 0 : i32
        %dma_start3A_342 = tpu.memref_slice %arg6[%dma_start3A_339, %dma_start3A_340, %dma_start3A_341] : memref<4x2x128xi32, #tpu.memory_space<vmem>> -> memref<1x2x128xi32, #tpu.memory_space<vmem>>
        %dma_start3A_343 = tpu.memref_squeeze %dma_start3A_342 : memref<1x2x128xi32, #tpu.memory_space<vmem>> -> memref<2x128xi32, #tpu.memory_space<vmem>>
        %dma_start3A_344 = arith.constant 0 : i32
        %dma_start3A_345 = arith.constant 0 : i32
        %dma_start3A_346 = tpu.memref_slice %arg3[%add3A_338, %dma_start3A_344, %dma_start3A_345] : memref<3200x2x128xi32, #tpu.memory_space<hbm>> -> memref<1x2x128xi32, #tpu.memory_space<hbm>>
        %dma_start3A_347 = tpu.memref_squeeze %dma_start3A_346 : memref<1x2x128xi32, #tpu.memory_space<hbm>> -> memref<2x128xi32, #tpu.memory_space<hbm>>
        %dma_start3A_348 = arith.constant 0 : i32
        %dma_start3A_349 = arith.constant 0 : i32
        %dma_start3A_350 = tpu.memref_slice %arg6[%dma_start3A_339, %dma_start3A_348, %dma_start3A_349] : memref<4x2x128xi32, #tpu.memory_space<vmem>> -> memref<1x2x128xi32, #tpu.memory_space<vmem>>
        %dma_start3A_351 = tpu.memref_squeeze %dma_start3A_350 : memref<1x2x128xi32, #tpu.memory_space<vmem>> -> memref<2x128xi32, #tpu.memory_space<vmem>>
        %dma_start3A_352 = arith.constant 0 : i32
        %dma_start3A_353 = arith.constant 0 : i32
        %dma_start3A_354 = tpu.memref_slice %arg3[%add3A_338, %dma_start3A_352, %dma_start3A_353] : memref<3200x2x128xi32, #tpu.memory_space<hbm>> -> memref<1x2x128xi32, #tpu.memory_space<hbm>>
        %dma_start3A_355 = tpu.memref_squeeze %dma_start3A_354 : memref<1x2x128xi32, #tpu.memory_space<hbm>> -> memref<2x128xi32, #tpu.memory_space<hbm>>
        tpu.enqueue_dma source(%dma_start3A_355 : memref<2x128xi32, #tpu.memory_space<hbm>>) target(%dma_start3A_351 : memref<2x128xi32, #tpu.memory_space<vmem>>) target_semaphore(%arg11 : memref<!tpu.dma_semaphore, #tpu.memory_space<semaphore_mem>>)
        %add3A_356 = arith.constant 2 : i32
        %add3A_357 = arith.addi %add3A_319, %add3A_356 : i32
        %add3A_358 = arith.addi %mul3A_2, %add3A_357 : i32
        %dma_wait3A_359 = arith.constant 0 : i32
        %dma_wait3A_360 = arith.constant 0 : i32
        %dma_wait3A_361 = arith.constant 0 : i32
        %dma_wait3A_362 = tpu.memref_slice %arg6[%dma_wait3A_359, %dma_wait3A_360, %dma_wait3A_361] : memref<4x2x128xi32, #tpu.memory_space<vmem>> -> memref<1x2x128xi32, #tpu.memory_space<vmem>>
        %dma_wait3A_363 = tpu.memref_squeeze %dma_wait3A_362 : memref<1x2x128xi32, #tpu.memory_space<vmem>> -> memref<2x128xi32, #tpu.memory_space<vmem>>
        %dma_wait3A_364 = arith.constant 0 : i32
        %dma_wait3A_365 = arith.constant 0 : i32
        %dma_wait3A_366 = tpu.memref_slice %arg3[%add3A_358, %dma_wait3A_364, %dma_wait3A_365] : memref<3200x2x128xi32, #tpu.memory_space<hbm>> -> memref<1x2x128xi32, #tpu.memory_space<hbm>>
        %dma_wait3A_367 = tpu.memref_squeeze %dma_wait3A_366 : memref<1x2x128xi32, #tpu.memory_space<hbm>> -> memref<2x128xi32, #tpu.memory_space<hbm>>
        %dma_wait3A_368 = arith.constant 0 : i32
        %dma_wait3A_369 = arith.constant 0 : i32
        %dma_wait3A_370 = tpu.memref_slice %arg6[%dma_wait3A_359, %dma_wait3A_368, %dma_wait3A_369] : memref<4x2x128xi32, #tpu.memory_space<vmem>> -> memref<1x2x128xi32, #tpu.memory_space<vmem>>
        %dma_wait3A_371 = tpu.memref_squeeze %dma_wait3A_370 : memref<1x2x128xi32, #tpu.memory_space<vmem>> -> memref<2x128xi32, #tpu.memory_space<vmem>>
        %dma_wait3A_372 = arith.constant 0 : i32
        %dma_wait3A_373 = arith.constant 0 : i32
        %dma_wait3A_374 = tpu.memref_slice %arg3[%add3A_358, %dma_wait3A_372, %dma_wait3A_373] : memref<3200x2x128xi32, #tpu.memory_space<hbm>> -> memref<1x2x128xi32, #tpu.memory_space<hbm>>
        %dma_wait3A_375 = tpu.memref_squeeze %dma_wait3A_374 : memref<1x2x128xi32, #tpu.memory_space<hbm>> -> memref<2x128xi32, #tpu.memory_space<hbm>>
        tpu.wait_dma2 semaphore(%arg9 : memref<!tpu.dma_semaphore, #tpu.memory_space<semaphore_mem>>) src(%dma_wait3A_375 : memref<2x128xi32, #tpu.memory_space<hbm>>) dst(%dma_wait3A_371 : memref<2x128xi32, #tpu.memory_space<vmem>>)
        %dma_start3A_376 = arith.constant 0 : i32
        %dma_start3A_377 = arith.constant 0 : i32
        %dma_start3A_378 = arith.constant 0 : i32
        %dma_start3A_379 = arith.constant 0 : i32
        %dma_start3A_380 = arith.constant 0 : i32
        %dma_start3A_381 = tpu.memref_slice %arg7[%dma_start3A_378, %dma_start3A_379, %dma_start3A_380] : memref<2x128x128xf32, #tpu.memory_space<vmem>> -> memref<1x128x128xf32, #tpu.memory_space<vmem>>
        %dma_start3A_382 = tpu.memref_squeeze %dma_start3A_381 : memref<1x128x128xf32, #tpu.memory_space<vmem>> -> memref<128x128xf32, #tpu.memory_space<vmem>>
        %dma_start3A_383 = arith.constant 0 : i32
        %dma_start3A_384 = tpu.memref_slice %arg6[%dma_start3A_376, %dma_start3A_377, %dma_start3A_383] : memref<4x2x128xi32, #tpu.memory_space<vmem>> -> memref<1x1x128xi32, #tpu.memory_space<vmem>>
        %dma_start3A_385 = tpu.memref_squeeze %dma_start3A_384 : memref<1x1x128xi32, #tpu.memory_space<vmem>> -> memref<128xi32, #tpu.memory_space<vmem>>
        %dma_start3A_386 = arith.constant 0 : i32
        %dma_start3A_387 = arith.constant 0 : i32
        %dma_start3A_388 = tpu.memref_slice %arg2[%dma_start3A_386, %dma_start3A_387] : memref<10000x128xf32, #tpu.memory_space<hbm>> -> memref<10000x128xf32, #tpu.memory_space<hbm>>
        tpu.enqueue_indirect_dma source(%dma_start3A_388 : memref<10000x128xf32, #tpu.memory_space<hbm>>) target(%dma_start3A_382 : memref<128x128xf32, #tpu.memory_space<vmem>>) offsets(%dma_start3A_385 : memref<128xi32, #tpu.memory_space<vmem>>) semaphore(%arg13 : memref<!tpu.dma_semaphore, #tpu.memory_space<semaphore_mem>>)
        %add3A_389 = arith.constant 3 : i32
        %add3A_390 = arith.addi %mul3A_176, %add3A_389 : i32
        %dma_wait3A_391 = arith.constant 3 : i32
        %dma_wait3A_392 = arith.constant 0 : i32
        %dma_wait3A_393 = arith.constant 1 : i32
        %dma_wait3A_394 = arith.constant 0 : i32
        %dma_wait3A_395 = arith.constant 0 : i32
        %dma_wait3A_396 = tpu.memref_slice %arg7[%dma_wait3A_393, %dma_wait3A_394, %dma_wait3A_395] : memref<2x128x128xf32, #tpu.memory_space<vmem>> -> memref<1x128x128xf32, #tpu.memory_space<vmem>>
        %dma_wait3A_397 = tpu.memref_squeeze %dma_wait3A_396 : memref<1x128x128xf32, #tpu.memory_space<vmem>> -> memref<128x128xf32, #tpu.memory_space<vmem>>
        %dma_wait3A_398 = arith.constant 0 : i32
        %dma_wait3A_399 = tpu.memref_slice %arg6[%dma_wait3A_391, %dma_wait3A_392, %dma_wait3A_398] : memref<4x2x128xi32, #tpu.memory_space<vmem>> -> memref<1x1x128xi32, #tpu.memory_space<vmem>>
        %dma_wait3A_400 = tpu.memref_squeeze %dma_wait3A_399 : memref<1x1x128xi32, #tpu.memory_space<vmem>> -> memref<128xi32, #tpu.memory_space<vmem>>
        %dma_wait3A_401 = arith.constant 0 : i32
        %dma_wait3A_402 = arith.constant 0 : i32
        %dma_wait3A_403 = tpu.memref_slice %arg2[%dma_wait3A_401, %dma_wait3A_402] : memref<10000x128xf32, #tpu.memory_space<hbm>> -> memref<10000x128xf32, #tpu.memory_space<hbm>>
        tpu.wait_indirect_dma semaphore(%arg14 : memref<!tpu.dma_semaphore, #tpu.memory_space<semaphore_mem>>) src(%dma_wait3A_403 : memref<10000x128xf32, #tpu.memory_space<hbm>>) dst(%dma_wait3A_397 : memref<128x128xf32, #tpu.memory_space<vmem>>)
        %run_scoped3A_404 = arith.constant 1 : i32
        %run_scoped3A_405 = arith.constant 3 : i32
        %run_scoped3A_406 = arith.constant 1 : i32
        "tpu.region"() ({
          %run_scoped3A_460 = tpu.sem_alloc : memref<!tpu.dma_semaphore, #tpu.memory_space<semaphore_mem>>
          %dma_start3A_461 = arith.constant 0 : i32
          %dma_start3A_462 = arith.constant 0 : i32
          %dma_start3A_463 = tpu.memref_slice %arg7[%run_scoped3A_404, %dma_start3A_461, %dma_start3A_462] : memref<2x128x128xf32, #tpu.memory_space<vmem>> -> memref<1x128x128xf32, #tpu.memory_space<vmem>>
          %dma_start3A_464 = tpu.memref_squeeze %dma_start3A_463 : memref<1x128x128xf32, #tpu.memory_space<vmem>> -> memref<128x128xf32, #tpu.memory_space<vmem>>
          %dma_start3A_465 = arith.constant 0 : i32
          %dma_start3A_466 = tpu.memref_slice %arg6[%run_scoped3A_405, %run_scoped3A_406, %dma_start3A_465] : memref<4x2x128xi32, #tpu.memory_space<vmem>> -> memref<1x1x128xi32, #tpu.memory_space<vmem>>
          %dma_start3A_467 = tpu.memref_squeeze %dma_start3A_466 : memref<1x1x128xi32, #tpu.memory_space<vmem>> -> memref<128xi32, #tpu.memory_space<vmem>>
          %dma_start3A_468 = arith.constant 0 : i32
          %dma_start3A_469 = arith.constant 0 : i32
          %dma_start3A_470 = tpu.memref_slice %arg8[%dma_start3A_468, %dma_start3A_469] : memref<10112x128xf32, #tpu.memory_space<vmem_shared>> -> memref<10112x128xf32, #tpu.memory_space<vmem_shared>>
          tpu.enqueue_indirect_dma source(%dma_start3A_464 : memref<128x128xf32, #tpu.memory_space<vmem>>) target(%dma_start3A_470 : memref<10112x128xf32, #tpu.memory_space<vmem_shared>>) offsets(%dma_start3A_467 : memref<128xi32, #tpu.memory_space<vmem>>) semaphore(%run_scoped3A_460 : memref<!tpu.dma_semaphore, #tpu.memory_space<semaphore_mem>>) {add = true}
          %dma_wait3A_471 = arith.constant 0 : i32
          %dma_wait3A_472 = arith.constant 0 : i32
          %dma_wait3A_473 = tpu.memref_slice %arg7[%run_scoped3A_404, %dma_wait3A_471, %dma_wait3A_472] : memref<2x128x128xf32, #tpu.memory_space<vmem>> -> memref<1x128x128xf32, #tpu.memory_space<vmem>>
          %dma_wait3A_474 = tpu.memref_squeeze %dma_wait3A_473 : memref<1x128x128xf32, #tpu.memory_space<vmem>> -> memref<128x128xf32, #tpu.memory_space<vmem>>
          %dma_wait3A_475 = arith.constant 0 : i32
          %dma_wait3A_476 = tpu.memref_slice %arg6[%run_scoped3A_405, %run_scoped3A_406, %dma_wait3A_475] : memref<4x2x128xi32, #tpu.memory_space<vmem>> -> memref<1x1x128xi32, #tpu.memory_space<vmem>>
          %dma_wait3A_477 = tpu.memref_squeeze %dma_wait3A_476 : memref<1x1x128xi32, #tpu.memory_space<vmem>> -> memref<128xi32, #tpu.memory_space<vmem>>
          %dma_wait3A_478 = arith.constant 0 : i32
          %dma_wait3A_479 = arith.constant 0 : i32
          %dma_wait3A_480 = tpu.memref_slice %arg8[%dma_wait3A_478, %dma_wait3A_479] : memref<10112x128xf32, #tpu.memory_space<vmem_shared>> -> memref<10112x128xf32, #tpu.memory_space<vmem_shared>>
          tpu.wait_indirect_dma semaphore(%run_scoped3A_460 : memref<!tpu.dma_semaphore, #tpu.memory_space<semaphore_mem>>) src(%dma_wait3A_474 : memref<128x128xf32, #tpu.memory_space<vmem>>) dst(%dma_wait3A_480 : memref<10112x128xf32, #tpu.memory_space<vmem_shared>>)
          tpu.yield
        }) : () -> ()
        %add3A_407 = arith.constant 4 : i32
        %add3A_408 = arith.addi %add3A_390, %add3A_407 : i32
        %add3A_409 = arith.addi %mul3A_2, %add3A_408 : i32
        %dma_start3A_410 = arith.constant 3 : i32
        %dma_start3A_411 = arith.constant 0 : i32
        %dma_start3A_412 = arith.constant 0 : i32
        %dma_start3A_413 = tpu.memref_slice %arg6[%dma_start3A_410, %dma_start3A_411, %dma_start3A_412] : memref<4x2x128xi32, #tpu.memory_space<vmem>> -> memref<1x2x128xi32, #tpu.memory_space<vmem>>
        %dma_start3A_414 = tpu.memref_squeeze %dma_start3A_413 : memref<1x2x128xi32, #tpu.memory_space<vmem>> -> memref<2x128xi32, #tpu.memory_space<vmem>>
        %dma_start3A_415 = arith.constant 0 : i32
        %dma_start3A_416 = arith.constant 0 : i32
        %dma_start3A_417 = tpu.memref_slice %arg3[%add3A_409, %dma_start3A_415, %dma_start3A_416] : memref<3200x2x128xi32, #tpu.memory_space<hbm>> -> memref<1x2x128xi32, #tpu.memory_space<hbm>>
        %dma_start3A_418 = tpu.memref_squeeze %dma_start3A_417 : memref<1x2x128xi32, #tpu.memory_space<hbm>> -> memref<2x128xi32, #tpu.memory_space<hbm>>
        %dma_start3A_419 = arith.constant 0 : i32
        %dma_start3A_420 = arith.constant 0 : i32
        %dma_start3A_421 = tpu.memref_slice %arg6[%dma_start3A_410, %dma_start3A_419, %dma_start3A_420] : memref<4x2x128xi32, #tpu.memory_space<vmem>> -> memref<1x2x128xi32, #tpu.memory_space<vmem>>
        %dma_start3A_422 = tpu.memref_squeeze %dma_start3A_421 : memref<1x2x128xi32, #tpu.memory_space<vmem>> -> memref<2x128xi32, #tpu.memory_space<vmem>>
        %dma_start3A_423 = arith.constant 0 : i32
        %dma_start3A_424 = arith.constant 0 : i32
        %dma_start3A_425 = tpu.memref_slice %arg3[%add3A_409, %dma_start3A_423, %dma_start3A_424] : memref<3200x2x128xi32, #tpu.memory_space<hbm>> -> memref<1x2x128xi32, #tpu.memory_space<hbm>>
        %dma_start3A_426 = tpu.memref_squeeze %dma_start3A_425 : memref<1x2x128xi32, #tpu.memory_space<hbm>> -> memref<2x128xi32, #tpu.memory_space<hbm>>
        tpu.enqueue_dma source(%dma_start3A_426 : memref<2x128xi32, #tpu.memory_space<hbm>>) target(%dma_start3A_422 : memref<2x128xi32, #tpu.memory_space<vmem>>) target_semaphore(%arg12 : memref<!tpu.dma_semaphore, #tpu.memory_space<semaphore_mem>>)
        %add3A_427 = arith.constant 2 : i32
        %add3A_428 = arith.addi %add3A_390, %add3A_427 : i32
        %add3A_429 = arith.addi %mul3A_2, %add3A_428 : i32
        %dma_wait3A_430 = arith.constant 1 : i32
        %dma_wait3A_431 = arith.constant 0 : i32
        %dma_wait3A_432 = arith.constant 0 : i32
        %dma_wait3A_433 = tpu.memref_slice %arg6[%dma_wait3A_430, %dma_wait3A_431, %dma_wait3A_432] : memref<4x2x128xi32, #tpu.memory_space<vmem>> -> memref<1x2x128xi32, #tpu.memory_space<vmem>>
        %dma_wait3A_434 = tpu.memref_squeeze %dma_wait3A_433 : memref<1x2x128xi32, #tpu.memory_space<vmem>> -> memref<2x128xi32, #tpu.memory_space<vmem>>
        %dma_wait3A_435 = arith.constant 0 : i32
        %dma_wait3A_436 = arith.constant 0 : i32
        %dma_wait3A_437 = tpu.memref_slice %arg3[%add3A_429, %dma_wait3A_435, %dma_wait3A_436] : memref<3200x2x128xi32, #tpu.memory_space<hbm>> -> memref<1x2x128xi32, #tpu.memory_space<hbm>>
        %dma_wait3A_438 = tpu.memref_squeeze %dma_wait3A_437 : memref<1x2x128xi32, #tpu.memory_space<hbm>> -> memref<2x128xi32, #tpu.memory_space<hbm>>
        %dma_wait3A_439 = arith.constant 0 : i32
        %dma_wait3A_440 = arith.constant 0 : i32
        %dma_wait3A_441 = tpu.memref_slice %arg6[%dma_wait3A_430, %dma_wait3A_439, %dma_wait3A_440] : memref<4x2x128xi32, #tpu.memory_space<vmem>> -> memref<1x2x128xi32, #tpu.memory_space<vmem>>
        %dma_wait3A_442 = tpu.memref_squeeze %dma_wait3A_441 : memref<1x2x128xi32, #tpu.memory_space<vmem>> -> memref<2x128xi32, #tpu.memory_space<vmem>>
        %dma_wait3A_443 = arith.constant 0 : i32
        %dma_wait3A_444 = arith.constant 0 : i32
        %dma_wait3A_445 = tpu.memref_slice %arg3[%add3A_429, %dma_wait3A_443, %dma_wait3A_444] : memref<3200x2x128xi32, #tpu.memory_space<hbm>> -> memref<1x2x128xi32, #tpu.memory_space<hbm>>
        %dma_wait3A_446 = tpu.memref_squeeze %dma_wait3A_445 : memref<1x2x128xi32, #tpu.memory_space<hbm>> -> memref<2x128xi32, #tpu.memory_space<hbm>>
        tpu.wait_dma2 semaphore(%arg10 : memref<!tpu.dma_semaphore, #tpu.memory_space<semaphore_mem>>) src(%dma_wait3A_446 : memref<2x128xi32, #tpu.memory_space<hbm>>) dst(%dma_wait3A_442 : memref<2x128xi32, #tpu.memory_space<vmem>>)
        %dma_start3A_447 = arith.constant 1 : i32
        %dma_start3A_448 = arith.constant 0 : i32
        %dma_start3A_449 = arith.constant 1 : i32
        %dma_start3A_450 = arith.constant 0 : i32
        %dma_start3A_451 = arith.constant 0 : i32
        %dma_start3A_452 = tpu.memref_slice %arg7[%dma_start3A_449, %dma_start3A_450, %dma_start3A_451] : memref<2x128x128xf32, #tpu.memory_space<vmem>> -> memref<1x128x128xf32, #tpu.memory_space<vmem>>
        %dma_start3A_453 = tpu.memref_squeeze %dma_start3A_452 : memref<1x128x128xf32, #tpu.memory_space<vmem>> -> memref<128x128xf32, #tpu.memory_space<vmem>>
        %dma_start3A_454 = arith.constant 0 : i32
        %dma_start3A_455 = tpu.memref_slice %arg6[%dma_start3A_447, %dma_start3A_448, %dma_start3A_454] : memref<4x2x128xi32, #tpu.memory_space<vmem>> -> memref<1x1x128xi32, #tpu.memory_space<vmem>>
        %dma_start3A_456 = tpu.memref_squeeze %dma_start3A_455 : memref<1x1x128xi32, #tpu.memory_space<vmem>> -> memref<128xi32, #tpu.memory_space<vmem>>
        %dma_start3A_457 = arith.constant 0 : i32
        %dma_start3A_458 = arith.constant 0 : i32
        %dma_start3A_459 = tpu.memref_slice %arg2[%dma_start3A_457, %dma_start3A_458] : memref<10000x128xf32, #tpu.memory_space<hbm>> -> memref<10000x128xf32, #tpu.memory_space<hbm>>
        tpu.enqueue_indirect_dma source(%dma_start3A_459 : memref<10000x128xf32, #tpu.memory_space<hbm>>) target(%dma_start3A_453 : memref<128x128xf32, #tpu.memory_space<vmem>>) offsets(%dma_start3A_456 : memref<128xi32, #tpu.memory_space<vmem>>) semaphore(%arg14 : memref<!tpu.dma_semaphore, #tpu.memory_space<semaphore_mem>>)
      }
      %dma_wait3A_108 = arith.constant 0 : i32
      %dma_wait3A_109 = arith.constant 0 : i32
      %dma_wait3A_110 = arith.constant 0 : i32
      %dma_wait3A_111 = arith.constant 0 : i32
      %dma_wait3A_112 = arith.constant 0 : i32
      %dma_wait3A_113 = tpu.memref_slice %arg7[%dma_wait3A_110, %dma_wait3A_111, %dma_wait3A_112] : memref<2x128x128xf32, #tpu.memory_space<vmem>> -> memref<1x128x128xf32, #tpu.memory_space<vmem>>
      %dma_wait3A_114 = tpu.memref_squeeze %dma_wait3A_113 : memref<1x128x128xf32, #tpu.memory_space<vmem>> -> memref<128x128xf32, #tpu.memory_space<vmem>>
      %dma_wait3A_115 = arith.constant 0 : i32
      %dma_wait3A_116 = tpu.memref_slice %arg6[%dma_wait3A_108, %dma_wait3A_109, %dma_wait3A_115] : memref<4x2x128xi32, #tpu.memory_space<vmem>> -> memref<1x1x128xi32, #tpu.memory_space<vmem>>
      %dma_wait3A_117 = tpu.memref_squeeze %dma_wait3A_116 : memref<1x1x128xi32, #tpu.memory_space<vmem>> -> memref<128xi32, #tpu.memory_space<vmem>>
      %dma_wait3A_118 = arith.constant 0 : i32
      %dma_wait3A_119 = arith.constant 0 : i32
      %dma_wait3A_120 = tpu.memref_slice %arg2[%dma_wait3A_118, %dma_wait3A_119] : memref<10000x128xf32, #tpu.memory_space<hbm>> -> memref<10000x128xf32, #tpu.memory_space<hbm>>
      tpu.wait_indirect_dma semaphore(%arg13 : memref<!tpu.dma_semaphore, #tpu.memory_space<semaphore_mem>>) src(%dma_wait3A_120 : memref<10000x128xf32, #tpu.memory_space<hbm>>) dst(%dma_wait3A_114 : memref<128x128xf32, #tpu.memory_space<vmem>>)
      %dma_wait3A_121 = arith.constant 1 : i32
      %dma_wait3A_122 = arith.constant 0 : i32
      %dma_wait3A_123 = arith.constant 1 : i32
      %dma_wait3A_124 = arith.constant 0 : i32
      %dma_wait3A_125 = arith.constant 0 : i32
      %dma_wait3A_126 = tpu.memref_slice %arg7[%dma_wait3A_123, %dma_wait3A_124, %dma_wait3A_125] : memref<2x128x128xf32, #tpu.memory_space<vmem>> -> memref<1x128x128xf32, #tpu.memory_space<vmem>>
      %dma_wait3A_127 = tpu.memref_squeeze %dma_wait3A_126 : memref<1x128x128xf32, #tpu.memory_space<vmem>> -> memref<128x128xf32, #tpu.memory_space<vmem>>
      %dma_wait3A_128 = arith.constant 0 : i32
      %dma_wait3A_129 = tpu.memref_slice %arg6[%dma_wait3A_121, %dma_wait3A_122, %dma_wait3A_128] : memref<4x2x128xi32, #tpu.memory_space<vmem>> -> memref<1x1x128xi32, #tpu.memory_space<vmem>>
      %dma_wait3A_130 = tpu.memref_squeeze %dma_wait3A_129 : memref<1x1x128xi32, #tpu.memory_space<vmem>> -> memref<128xi32, #tpu.memory_space<vmem>>
      %dma_wait3A_131 = arith.constant 0 : i32
      %dma_wait3A_132 = arith.constant 0 : i32
      %dma_wait3A_133 = tpu.memref_slice %arg2[%dma_wait3A_131, %dma_wait3A_132] : memref<10000x128xf32, #tpu.memory_space<hbm>> -> memref<10000x128xf32, #tpu.memory_space<hbm>>
      tpu.wait_indirect_dma semaphore(%arg14 : memref<!tpu.dma_semaphore, #tpu.memory_space<semaphore_mem>>) src(%dma_wait3A_133 : memref<10000x128xf32, #tpu.memory_space<hbm>>) dst(%dma_wait3A_127 : memref<128x128xf32, #tpu.memory_space<vmem>>)
      %add3A_134 = arith.constant 2 : i32
      %add3A_135 = arith.addi %select_n3A, %add3A_134 : i32
      %add3A_136 = arith.addi %mul3A_2, %add3A_135 : i32
      %dma_wait3A_137 = arith.constant 2 : i32
      %dma_wait3A_138 = arith.constant 0 : i32
      %dma_wait3A_139 = arith.constant 0 : i32
      %dma_wait3A_140 = tpu.memref_slice %arg6[%dma_wait3A_137, %dma_wait3A_138, %dma_wait3A_139] : memref<4x2x128xi32, #tpu.memory_space<vmem>> -> memref<1x2x128xi32, #tpu.memory_space<vmem>>
      %dma_wait3A_141 = tpu.memref_squeeze %dma_wait3A_140 : memref<1x2x128xi32, #tpu.memory_space<vmem>> -> memref<2x128xi32, #tpu.memory_space<vmem>>
      %dma_wait3A_142 = arith.constant 0 : i32
      %dma_wait3A_143 = arith.constant 0 : i32
      %dma_wait3A_144 = tpu.memref_slice %arg3[%add3A_136, %dma_wait3A_142, %dma_wait3A_143] : memref<3200x2x128xi32, #tpu.memory_space<hbm>> -> memref<1x2x128xi32, #tpu.memory_space<hbm>>
      %dma_wait3A_145 = tpu.memref_squeeze %dma_wait3A_144 : memref<1x2x128xi32, #tpu.memory_space<hbm>> -> memref<2x128xi32, #tpu.memory_space<hbm>>
      %dma_wait3A_146 = arith.constant 0 : i32
      %dma_wait3A_147 = arith.constant 0 : i32
      %dma_wait3A_148 = tpu.memref_slice %arg6[%dma_wait3A_137, %dma_wait3A_146, %dma_wait3A_147] : memref<4x2x128xi32, #tpu.memory_space<vmem>> -> memref<1x2x128xi32, #tpu.memory_space<vmem>>
      %dma_wait3A_149 = tpu.memref_squeeze %dma_wait3A_148 : memref<1x2x128xi32, #tpu.memory_space<vmem>> -> memref<2x128xi32, #tpu.memory_space<vmem>>
      %dma_wait3A_150 = arith.constant 0 : i32
      %dma_wait3A_151 = arith.constant 0 : i32
      %dma_wait3A_152 = tpu.memref_slice %arg3[%add3A_136, %dma_wait3A_150, %dma_wait3A_151] : memref<3200x2x128xi32, #tpu.memory_space<hbm>> -> memref<1x2x128xi32, #tpu.memory_space<hbm>>
      %dma_wait3A_153 = tpu.memref_squeeze %dma_wait3A_152 : memref<1x2x128xi32, #tpu.memory_space<hbm>> -> memref<2x128xi32, #tpu.memory_space<hbm>>
      tpu.wait_dma2 semaphore(%arg11 : memref<!tpu.dma_semaphore, #tpu.memory_space<semaphore_mem>>) src(%dma_wait3A_153 : memref<2x128xi32, #tpu.memory_space<hbm>>) dst(%dma_wait3A_149 : memref<2x128xi32, #tpu.memory_space<vmem>>)
      %add3A_154 = arith.constant 3 : i32
      %add3A_155 = arith.addi %select_n3A, %add3A_154 : i32
      %add3A_156 = arith.addi %mul3A_2, %add3A_155 : i32
      %dma_wait3A_157 = arith.constant 3 : i32
      %dma_wait3A_158 = arith.constant 0 : i32
      %dma_wait3A_159 = arith.constant 0 : i32
      %dma_wait3A_160 = tpu.memref_slice %arg6[%dma_wait3A_157, %dma_wait3A_158, %dma_wait3A_159] : memref<4x2x128xi32, #tpu.memory_space<vmem>> -> memref<1x2x128xi32, #tpu.memory_space<vmem>>
      %dma_wait3A_161 = tpu.memref_squeeze %dma_wait3A_160 : memref<1x2x128xi32, #tpu.memory_space<vmem>> -> memref<2x128xi32, #tpu.memory_space<vmem>>
      %dma_wait3A_162 = arith.constant 0 : i32
      %dma_wait3A_163 = arith.constant 0 : i32
      %dma_wait3A_164 = tpu.memref_slice %arg3[%add3A_156, %dma_wait3A_162, %dma_wait3A_163] : memref<3200x2x128xi32, #tpu.memory_space<hbm>> -> memref<1x2x128xi32, #tpu.memory_space<hbm>>
      %dma_wait3A_165 = tpu.memref_squeeze %dma_wait3A_164 : memref<1x2x128xi32, #tpu.memory_space<hbm>> -> memref<2x128xi32, #tpu.memory_space<hbm>>
      %dma_wait3A_166 = arith.constant 0 : i32
      %dma_wait3A_167 = arith.constant 0 : i32
      %dma_wait3A_168 = tpu.memref_slice %arg6[%dma_wait3A_157, %dma_wait3A_166, %dma_wait3A_167] : memref<4x2x128xi32, #tpu.memory_space<vmem>> -> memref<1x2x128xi32, #tpu.memory_space<vmem>>
      %dma_wait3A_169 = tpu.memref_squeeze %dma_wait3A_168 : memref<1x2x128xi32, #tpu.memory_space<vmem>> -> memref<2x128xi32, #tpu.memory_space<vmem>>
      %dma_wait3A_170 = arith.constant 0 : i32
      %dma_wait3A_171 = arith.constant 0 : i32
      %dma_wait3A_172 = tpu.memref_slice %arg3[%add3A_156, %dma_wait3A_170, %dma_wait3A_171] : memref<3200x2x128xi32, #tpu.memory_space<hbm>> -> memref<1x2x128xi32, #tpu.memory_space<hbm>>
      %dma_wait3A_173 = tpu.memref_squeeze %dma_wait3A_172 : memref<1x2x128xi32, #tpu.memory_space<hbm>> -> memref<2x128xi32, #tpu.memory_space<hbm>>
      tpu.wait_dma2 semaphore(%arg12 : memref<!tpu.dma_semaphore, #tpu.memory_space<semaphore_mem>>) src(%dma_wait3A_173 : memref<2x128xi32, #tpu.memory_space<hbm>>) dst(%dma_wait3A_169 : memref<2x128xi32, #tpu.memory_space<vmem>>)
    } else {
    }
    %barrier3A_14 = arith.constant 0 : index
    tpu.barrier barrier_id(%barrier3A_14)
    %mul3A_15 = arith.constant 632 : i32
    %mul3A_16 = arith.muli %arg1, %mul3A_15 : i32
    %mul3A_17 = arith.constant 632 : i32
    %mul3A_18 = arith.muli %arg1, %mul3A_17 : i32
    "tpu.region"() ({
      %run_scoped3A = tpu.sem_alloc : memref<!tpu.dma_semaphore, #tpu.memory_space<semaphore_mem>>
      %dma_start3A = arith.constant 0 : i32
      %dma_start3A_19 = tpu.memref_slice %arg5[%arg0, %mul3A_18, %dma_start3A] : memref<2x10112x128xf32, #tpu.memory_space<hbm>> -> memref<1x632x128xf32, #tpu.memory_space<hbm>>
      %dma_start3A_20 = tpu.memref_squeeze %dma_start3A_19 : memref<1x632x128xf32, #tpu.memory_space<hbm>> -> memref<632x128xf32, #tpu.memory_space<hbm>>
      %dma_start3A_21 = arith.constant 0 : i32
      %dma_start3A_22 = tpu.memref_slice %arg8[%mul3A_16, %dma_start3A_21] : memref<10112x128xf32, #tpu.memory_space<vmem_shared>> -> memref<632x128xf32, #tpu.memory_space<vmem_shared>>
      tpu.enqueue_dma source(%dma_start3A_22 : memref<632x128xf32, #tpu.memory_space<vmem_shared>>) target(%dma_start3A_20 : memref<632x128xf32, #tpu.memory_space<hbm>>) target_semaphore(%run_scoped3A : memref<!tpu.dma_semaphore, #tpu.memory_space<semaphore_mem>>)
      %dma_wait3A = arith.constant 0 : i32
      %dma_wait3A_23 = tpu.memref_slice %arg5[%arg0, %mul3A_18, %dma_wait3A] : memref<2x10112x128xf32, #tpu.memory_space<hbm>> -> memref<1x632x128xf32, #tpu.memory_space<hbm>>
      %dma_wait3A_24 = tpu.memref_squeeze %dma_wait3A_23 : memref<1x632x128xf32, #tpu.memory_space<hbm>> -> memref<632x128xf32, #tpu.memory_space<hbm>>
      %dma_wait3A_25 = arith.constant 0 : i32
      %dma_wait3A_26 = tpu.memref_slice %arg8[%mul3A_16, %dma_wait3A_25] : memref<10112x128xf32, #tpu.memory_space<vmem_shared>> -> memref<632x128xf32, #tpu.memory_space<vmem_shared>>
      tpu.wait_dma2 semaphore(%run_scoped3A : memref<!tpu.dma_semaphore, #tpu.memory_space<semaphore_mem>>) src(%dma_wait3A_26 : memref<632x128xf32, #tpu.memory_space<vmem_shared>>) dst(%dma_wait3A_24 : memref<632x128xf32, #tpu.memory_space<hbm>>)
      tpu.yield
    }) : () -> ()
    return
  }
}

#map = affine_map<(d0, d1) -> (0, 0)>
#map1 = affine_map<(d0, d1) -> (0, 0, 0)>
module attributes {stable_mosaic.version = 14 : i64} {
  func.func @_agg_body(%arg0: i32, %arg1: i32, %arg2: memref<10000x128xf32, #tpu.memory_space<hbm>>, %arg3: memref<3200x2x128xi32, #tpu.memory_space<hbm>>, %arg4: memref<632x128xf32, #tpu.memory_space<hbm>>, %arg5: memref<2x10112x128xf32, #tpu.memory_space<hbm>>, %arg6: memref<4x2x128xi32, #tpu.memory_space<vmem>>, %arg7: memref<2x128x128xf32, #tpu.memory_space<vmem>>, %arg8: memref<10112x128xf32, #tpu.memory_space<vmem_shared>>, %arg9: memref<!tpu.dma_semaphore, #tpu.memory_space<semaphore_mem>>, %arg10: memref<!tpu.dma_semaphore, #tpu.memory_space<semaphore_mem>>, %arg11: memref<!tpu.dma_semaphore, #tpu.memory_space<semaphore_mem>>, %arg12: memref<!tpu.dma_semaphore, #tpu.memory_space<semaphore_mem>>, %arg13: memref<!tpu.dma_semaphore, #tpu.memory_space<semaphore_mem>>, %arg14: memref<!tpu.dma_semaphore, #tpu.memory_space<semaphore_mem>>) attributes {dimension_semantics = [#tpu.dimension_semantics<core_parallel>, #tpu.dimension_semantics<subcore_parallel>], iteration_bounds = array<i64: 2, 16>, scalar_prefetch = 0 : i64, scratch_operands = 9 : i64, tpu.core_type = #tpu.core_type<sc_vector_subcore>, window_params = [{transform_indices = #map}, {transform_indices = #map1}, {transform_indices = #map}, {transform_indices = #map1}]} {
    %mul3A = arith.constant 2 : i32
    %mul3A_0 = arith.muli %arg0, %mul3A : i32
    %add3A = arith.addi %mul3A_0, %arg1 : i32
    %mul3A_1 = arith.constant 800 : i32
    %mul3A_2 = arith.muli %add3A, %mul3A_1 : i32
    %eq3A = arith.constant 0 : i32
    %eq3A_3 = arith.cmpi eq, %arg0, %eq3A : i32
    %jit3A = arith.constant 796 : i32
    %jit3A_4 = arith.constant 484 : i32
    %select_n3A = arith.select %eq3A_3, %jit3A, %jit3A_4 : i32
    %mul3A_5 = arith.constant 632 : i32
    %mul3A_6 = arith.muli %arg1, %mul3A_5 : i32
    "tpu.region"() ({
      %run_scoped3A = tpu.sem_alloc : memref<!tpu.dma_semaphore, #tpu.memory_space<semaphore_mem>>
      %dma_start3A = arith.constant 0 : i32
      %dma_start3A_19 = tpu.memref_slice %arg8[%mul3A_6, %dma_start3A] : memref<10112x128xf32, #tpu.memory_space<vmem_shared>> -> memref<632x128xf32, #tpu.memory_space<vmem_shared>>
      tpu.enqueue_dma source(%arg4 : memref<632x128xf32, #tpu.memory_space<hbm>>) target(%dma_start3A_19 : memref<632x128xf32, #tpu.memory_space<vmem_shared>>) target_semaphore(%run_scoped3A : memref<!tpu.dma_semaphore, #tpu.memory_space<semaphore_mem>>)
      %dma_wait3A = arith.constant 0 : i32
      %dma_wait3A_20 = tpu.memref_slice %arg8[%mul3A_6, %dma_wait3A] : memref<10112x128xf32, #tpu.memory_space<vmem_shared>> -> memref<632x128xf32, #tpu.memory_space<vmem_shared>>
      tpu.wait_dma2 semaphore(%run_scoped3A : memref<!tpu.dma_semaphore, #tpu.memory_space<semaphore_mem>>) src(%arg4 : memref<632x128xf32, #tpu.memory_space<hbm>>) dst(%dma_wait3A_20 : memref<632x128xf32, #tpu.memory_space<vmem_shared>>)
      tpu.yield
    }) : () -> ()
    %lt3A = arith.constant 2 : i32
    %lt3A_7 = arith.cmpi slt, %arg1, %lt3A : i32
    %convert_element_type3A = arith.extui %lt3A_7 : i1 to i32
    %cond3A = arith.constant 0 : i32
    %cond3A_8 = arith.cmpi ne, %convert_element_type3A, %cond3A : i32
    scf.if %cond3A_8 {
      %add3A_19 = arith.constant 0 : i32
      %add3A_20 = arith.addi %mul3A_2, %add3A_19 : i32
      %dma_start3A = arith.constant 0 : i32
      %dma_start3A_21 = arith.constant 0 : i32
      %dma_start3A_22 = arith.constant 0 : i32
      %dma_start3A_23 = tpu.memref_slice %arg6[%dma_start3A, %dma_start3A_21, %dma_start3A_22] : memref<4x2x128xi32, #tpu.memory_space<vmem>> -> memref<1x2x128xi32, #tpu.memory_space<vmem>>
      %dma_start3A_24 = tpu.memref_squeeze %dma_start3A_23 : memref<1x2x128xi32, #tpu.memory_space<vmem>> -> memref<2x128xi32, #tpu.memory_space<vmem>>
      %dma_start3A_25 = arith.constant 0 : i32
      %dma_start3A_26 = arith.constant 0 : i32
      %dma_start3A_27 = tpu.memref_slice %arg3[%add3A_20, %dma_start3A_25, %dma_start3A_26] : memref<3200x2x128xi32, #tpu.memory_space<hbm>> -> memref<1x2x128xi32, #tpu.memory_space<hbm>>
      %dma_start3A_28 = tpu.memref_squeeze %dma_start3A_27 : memref<1x2x128xi32, #tpu.memory_space<hbm>> -> memref<2x128xi32, #tpu.memory_space<hbm>>
      %dma_start3A_29 = arith.constant 0 : i32
      %dma_start3A_30 = arith.constant 0 : i32
      %dma_start3A_31 = tpu.memref_slice %arg6[%dma_start3A, %dma_start3A_29, %dma_start3A_30] : memref<4x2x128xi32, #tpu.memory_space<vmem>> -> memref<1x2x128xi32, #tpu.memory_space<vmem>>
      %dma_start3A_32 = tpu.memref_squeeze %dma_start3A_31 : memref<1x2x128xi32, #tpu.memory_space<vmem>> -> memref<2x128xi32, #tpu.memory_space<vmem>>
      %dma_start3A_33 = arith.constant 0 : i32
      %dma_start3A_34 = arith.constant 0 : i32
      %dma_start3A_35 = tpu.memref_slice %arg3[%add3A_20, %dma_start3A_33, %dma_start3A_34] : memref<3200x2x128xi32, #tpu.memory_space<hbm>> -> memref<1x2x128xi32, #tpu.memory_space<hbm>>
      %dma_start3A_36 = tpu.memref_squeeze %dma_start3A_35 : memref<1x2x128xi32, #tpu.memory_space<hbm>> -> memref<2x128xi32, #tpu.memory_space<hbm>>
      tpu.enqueue_dma source(%dma_start3A_36 : memref<2x128xi32, #tpu.memory_space<hbm>>) target(%dma_start3A_32 : memref<2x128xi32, #tpu.memory_space<vmem>>) target_semaphore(%arg9 : memref<!tpu.dma_semaphore, #tpu.memory_space<semaphore_mem>>)
      %add3A_37 = arith.constant 1 : i32
      %add3A_38 = arith.addi %mul3A_2, %add3A_37 : i32
      %dma_start3A_39 = arith.constant 1 : i32
      %dma_start3A_40 = arith.constant 0 : i32
      %dma_start3A_41 = arith.constant 0 : i32
      %dma_start3A_42 = tpu.memref_slice %arg6[%dma_start3A_39, %dma_start3A_40, %dma_start3A_41] : memref<4x2x128xi32, #tpu.memory_space<vmem>> -> memref<1x2x128xi32, #tpu.memory_space<vmem>>
      %dma_start3A_43 = tpu.memref_squeeze %dma_start3A_42 : memref<1x2x128xi32, #tpu.memory_space<vmem>> -> memref<2x128xi32, #tpu.memory_space<vmem>>
      %dma_start3A_44 = arith.constant 0 : i32
      %dma_start3A_45 = arith.constant 0 : i32
      %dma_start3A_46 = tpu.memref_slice %arg3[%add3A_38, %dma_start3A_44, %dma_start3A_45] : memref<3200x2x128xi32, #tpu.memory_space<hbm>> -> memref<1x2x128xi32, #tpu.memory_space<hbm>>
      %dma_start3A_47 = tpu.memref_squeeze %dma_start3A_46 : memref<1x2x128xi32, #tpu.memory_space<hbm>> -> memref<2x128xi32, #tpu.memory_space<hbm>>
      %dma_start3A_48 = arith.constant 0 : i32
      %dma_start3A_49 = arith.constant 0 : i32
      %dma_start3A_50 = tpu.memref_slice %arg6[%dma_start3A_39, %dma_start3A_48, %dma_start3A_49] : memref<4x2x128xi32, #tpu.memory_space<vmem>> -> memref<1x2x128xi32, #tpu.memory_space<vmem>>
      %dma_start3A_51 = tpu.memref_squeeze %dma_start3A_50 : memref<1x2x128xi32, #tpu.memory_space<vmem>> -> memref<2x128xi32, #tpu.memory_space<vmem>>
      %dma_start3A_52 = arith.constant 0 : i32
      %dma_start3A_53 = arith.constant 0 : i32
      %dma_start3A_54 = tpu.memref_slice %arg3[%add3A_38, %dma_start3A_52, %dma_start3A_53] : memref<3200x2x128xi32, #tpu.memory_space<hbm>> -> memref<1x2x128xi32, #tpu.memory_space<hbm>>
      %dma_start3A_55 = tpu.memref_squeeze %dma_start3A_54 : memref<1x2x128xi32, #tpu.memory_space<hbm>> -> memref<2x128xi32, #tpu.memory_space<hbm>>
      tpu.enqueue_dma source(%dma_start3A_55 : memref<2x128xi32, #tpu.memory_space<hbm>>) target(%dma_start3A_51 : memref<2x128xi32, #tpu.memory_space<vmem>>) target_semaphore(%arg10 : memref<!tpu.dma_semaphore, #tpu.memory_space<semaphore_mem>>)
      %add3A_56 = arith.constant 2 : i32
      %add3A_57 = arith.addi %mul3A_2, %add3A_56 : i32
      %dma_start3A_58 = arith.constant 2 : i32
      %dma_start3A_59 = arith.constant 0 : i32
      %dma_start3A_60 = arith.constant 0 : i32
      %dma_start3A_61 = tpu.memref_slice %arg6[%dma_start3A_58, %dma_start3A_59, %dma_start3A_60] : memref<4x2x128xi32, #tpu.memory_space<vmem>> -> memref<1x2x128xi32, #tpu.memory_space<vmem>>
      %dma_start3A_62 = tpu.memref_squeeze %dma_start3A_61 : memref<1x2x128xi32, #tpu.memory_space<vmem>> -> memref<2x128xi32, #tpu.memory_space<vmem>>
      %dma_start3A_63 = arith.constant 0 : i32
      %dma_start3A_64 = arith.constant 0 : i32
      %dma_start3A_65 = tpu.memref_slice %arg3[%add3A_57, %dma_start3A_63, %dma_start3A_64] : memref<3200x2x128xi32, #tpu.memory_space<hbm>> -> memref<1x2x128xi32, #tpu.memory_space<hbm>>
      %dma_start3A_66 = tpu.memref_squeeze %dma_start3A_65 : memref<1x2x128xi32, #tpu.memory_space<hbm>> -> memref<2x128xi32, #tpu.memory_space<hbm>>
      %dma_start3A_67 = arith.constant 0 : i32
      %dma_start3A_68 = arith.constant 0 : i32
      %dma_start3A_69 = tpu.memref_slice %arg6[%dma_start3A_58, %dma_start3A_67, %dma_start3A_68] : memref<4x2x128xi32, #tpu.memory_space<vmem>> -> memref<1x2x128xi32, #tpu.memory_space<vmem>>
      %dma_start3A_70 = tpu.memref_squeeze %dma_start3A_69 : memref<1x2x128xi32, #tpu.memory_space<vmem>> -> memref<2x128xi32, #tpu.memory_space<vmem>>
      %dma_start3A_71 = arith.constant 0 : i32
      %dma_start3A_72 = arith.constant 0 : i32
      %dma_start3A_73 = tpu.memref_slice %arg3[%add3A_57, %dma_start3A_71, %dma_start3A_72] : memref<3200x2x128xi32, #tpu.memory_space<hbm>> -> memref<1x2x128xi32, #tpu.memory_space<hbm>>
      %dma_start3A_74 = tpu.memref_squeeze %dma_start3A_73 : memref<1x2x128xi32, #tpu.memory_space<hbm>> -> memref<2x128xi32, #tpu.memory_space<hbm>>
      tpu.enqueue_dma source(%dma_start3A_74 : memref<2x128xi32, #tpu.memory_space<hbm>>) target(%dma_start3A_70 : memref<2x128xi32, #tpu.memory_space<vmem>>) target_semaphore(%arg11 : memref<!tpu.dma_semaphore, #tpu.memory_space<semaphore_mem>>)
      %add3A_75 = arith.constant 3 : i32
      %add3A_76 = arith.addi %mul3A_2, %add3A_75 : i32
      %dma_start3A_77 = arith.constant 3 : i32
      %dma_start3A_78 = arith.constant 0 : i32
      %dma_start3A_79 = arith.constant 0 : i32
      %dma_start3A_80 = tpu.memref_slice %arg6[%dma_start3A_77, %dma_start3A_78, %dma_start3A_79] : memref<4x2x128xi32, #tpu.memory_space<vmem>> -> memref<1x2x128xi32, #tpu.memory_space<vmem>>
      %dma_start3A_81 = tpu.memref_squeeze %dma_start3A_80 : memref<1x2x128xi32, #tpu.memory_space<vmem>> -> memref<2x128xi32, #tpu.memory_space<vmem>>
      %dma_start3A_82 = arith.constant 0 : i32
      %dma_start3A_83 = arith.constant 0 : i32
      %dma_start3A_84 = tpu.memref_slice %arg3[%add3A_76, %dma_start3A_82, %dma_start3A_83] : memref<3200x2x128xi32, #tpu.memory_space<hbm>> -> memref<1x2x128xi32, #tpu.memory_space<hbm>>
      %dma_start3A_85 = tpu.memref_squeeze %dma_start3A_84 : memref<1x2x128xi32, #tpu.memory_space<hbm>> -> memref<2x128xi32, #tpu.memory_space<hbm>>
      %dma_start3A_86 = arith.constant 0 : i32
      %dma_start3A_87 = arith.constant 0 : i32
      %dma_start3A_88 = tpu.memref_slice %arg6[%dma_start3A_77, %dma_start3A_86, %dma_start3A_87] : memref<4x2x128xi32, #tpu.memory_space<vmem>> -> memref<1x2x128xi32, #tpu.memory_space<vmem>>
      %dma_start3A_89 = tpu.memref_squeeze %dma_start3A_88 : memref<1x2x128xi32, #tpu.memory_space<vmem>> -> memref<2x128xi32, #tpu.memory_space<vmem>>
      %dma_start3A_90 = arith.constant 0 : i32
      %dma_start3A_91 = arith.constant 0 : i32
      %dma_start3A_92 = tpu.memref_slice %arg3[%add3A_76, %dma_start3A_90, %dma_start3A_91] : memref<3200x2x128xi32, #tpu.memory_space<hbm>> -> memref<1x2x128xi32, #tpu.memory_space<hbm>>
      %dma_start3A_93 = tpu.memref_squeeze %dma_start3A_92 : memref<1x2x128xi32, #tpu.memory_space<hbm>> -> memref<2x128xi32, #tpu.memory_space<hbm>>
      tpu.enqueue_dma source(%dma_start3A_93 : memref<2x128xi32, #tpu.memory_space<hbm>>) target(%dma_start3A_89 : memref<2x128xi32, #tpu.memory_space<vmem>>) target_semaphore(%arg12 : memref<!tpu.dma_semaphore, #tpu.memory_space<semaphore_mem>>)
    } else {
    }
    %barrier3A = arith.constant 0 : index
    tpu.barrier barrier_id(%barrier3A)
    %lt3A_9 = arith.constant 2 : i32
    %lt3A_10 = arith.cmpi slt, %arg1, %lt3A_9 : i32
    %convert_element_type3A_11 = arith.extui %lt3A_10 : i1 to i32
    %cond3A_12 = arith.constant 0 : i32
    %cond3A_13 = arith.cmpi ne, %convert_element_type3A_11, %cond3A_12 : i32
    scf.if %cond3A_13 {
      %add3A_19 = arith.constant 0 : i32
      %add3A_20 = arith.addi %mul3A_2, %add3A_19 : i32
      %dma_wait3A = arith.constant 0 : i32
      %dma_wait3A_21 = arith.constant 0 : i32
      %dma_wait3A_22 = arith.constant 0 : i32
      %dma_wait3A_23 = tpu.memref_slice %arg6[%dma_wait3A, %dma_wait3A_21, %dma_wait3A_22] : memref<4x2x128xi32, #tpu.memory_space<vmem>> -> memref<1x2x128xi32, #tpu.memory_space<vmem>>
      %dma_wait3A_24 = tpu.memref_squeeze %dma_wait3A_23 : memref<1x2x128xi32, #tpu.memory_space<vmem>> -> memref<2x128xi32, #tpu.memory_space<vmem>>
      %dma_wait3A_25 = arith.constant 0 : i32
      %dma_wait3A_26 = arith.constant 0 : i32
      %dma_wait3A_27 = tpu.memref_slice %arg3[%add3A_20, %dma_wait3A_25, %dma_wait3A_26] : memref<3200x2x128xi32, #tpu.memory_space<hbm>> -> memref<1x2x128xi32, #tpu.memory_space<hbm>>
      %dma_wait3A_28 = tpu.memref_squeeze %dma_wait3A_27 : memref<1x2x128xi32, #tpu.memory_space<hbm>> -> memref<2x128xi32, #tpu.memory_space<hbm>>
      %dma_wait3A_29 = arith.constant 0 : i32
      %dma_wait3A_30 = arith.constant 0 : i32
      %dma_wait3A_31 = tpu.memref_slice %arg6[%dma_wait3A, %dma_wait3A_29, %dma_wait3A_30] : memref<4x2x128xi32, #tpu.memory_space<vmem>> -> memref<1x2x128xi32, #tpu.memory_space<vmem>>
      %dma_wait3A_32 = tpu.memref_squeeze %dma_wait3A_31 : memref<1x2x128xi32, #tpu.memory_space<vmem>> -> memref<2x128xi32, #tpu.memory_space<vmem>>
      %dma_wait3A_33 = arith.constant 0 : i32
      %dma_wait3A_34 = arith.constant 0 : i32
      %dma_wait3A_35 = tpu.memref_slice %arg3[%add3A_20, %dma_wait3A_33, %dma_wait3A_34] : memref<3200x2x128xi32, #tpu.memory_space<hbm>> -> memref<1x2x128xi32, #tpu.memory_space<hbm>>
      %dma_wait3A_36 = tpu.memref_squeeze %dma_wait3A_35 : memref<1x2x128xi32, #tpu.memory_space<hbm>> -> memref<2x128xi32, #tpu.memory_space<hbm>>
      tpu.wait_dma2 semaphore(%arg9 : memref<!tpu.dma_semaphore, #tpu.memory_space<semaphore_mem>>) src(%dma_wait3A_36 : memref<2x128xi32, #tpu.memory_space<hbm>>) dst(%dma_wait3A_32 : memref<2x128xi32, #tpu.memory_space<vmem>>)
      %dma_start3A = arith.constant 0 : i32
      %dma_start3A_37 = arith.constant 0 : i32
      %dma_start3A_38 = arith.constant 0 : i32
      %dma_start3A_39 = arith.constant 0 : i32
      %dma_start3A_40 = arith.constant 0 : i32
      %dma_start3A_41 = tpu.memref_slice %arg7[%dma_start3A_38, %dma_start3A_39, %dma_start3A_40] : memref<2x128x128xf32, #tpu.memory_space<vmem>> -> memref<1x128x128xf32, #tpu.memory_space<vmem>>
      %dma_start3A_42 = tpu.memref_squeeze %dma_start3A_41 : memref<1x128x128xf32, #tpu.memory_space<vmem>> -> memref<128x128xf32, #tpu.memory_space<vmem>>
      %dma_start3A_43 = arith.constant 0 : i32
      %dma_start3A_44 = tpu.memref_slice %arg6[%dma_start3A, %dma_start3A_37, %dma_start3A_43] : memref<4x2x128xi32, #tpu.memory_space<vmem>> -> memref<1x1x128xi32, #tpu.memory_space<vmem>>
      %dma_start3A_45 = tpu.memref_squeeze %dma_start3A_44 : memref<1x1x128xi32, #tpu.memory_space<vmem>> -> memref<128xi32, #tpu.memory_space<vmem>>
      %dma_start3A_46 = arith.constant 0 : i32
      %dma_start3A_47 = arith.constant 0 : i32
      %dma_start3A_48 = tpu.memref_slice %arg2[%dma_start3A_46, %dma_start3A_47] : memref<10000x128xf32, #tpu.memory_space<hbm>> -> memref<10000x128xf32, #tpu.memory_space<hbm>>
      tpu.enqueue_indirect_dma source(%dma_start3A_48 : memref<10000x128xf32, #tpu.memory_space<hbm>>) target(%dma_start3A_42 : memref<128x128xf32, #tpu.memory_space<vmem>>) offsets(%dma_start3A_45 : memref<128xi32, #tpu.memory_space<vmem>>) semaphore(%arg13 : memref<!tpu.dma_semaphore, #tpu.memory_space<semaphore_mem>>)
      %add3A_49 = arith.constant 1 : i32
      %add3A_50 = arith.addi %mul3A_2, %add3A_49 : i32
      %dma_wait3A_51 = arith.constant 1 : i32
      %dma_wait3A_52 = arith.constant 0 : i32
      %dma_wait3A_53 = arith.constant 0 : i32
      %dma_wait3A_54 = tpu.memref_slice %arg6[%dma_wait3A_51, %dma_wait3A_52, %dma_wait3A_53] : memref<4x2x128xi32, #tpu.memory_space<vmem>> -> memref<1x2x128xi32, #tpu.memory_space<vmem>>
      %dma_wait3A_55 = tpu.memref_squeeze %dma_wait3A_54 : memref<1x2x128xi32, #tpu.memory_space<vmem>> -> memref<2x128xi32, #tpu.memory_space<vmem>>
      %dma_wait3A_56 = arith.constant 0 : i32
      %dma_wait3A_57 = arith.constant 0 : i32
      %dma_wait3A_58 = tpu.memref_slice %arg3[%add3A_50, %dma_wait3A_56, %dma_wait3A_57] : memref<3200x2x128xi32, #tpu.memory_space<hbm>> -> memref<1x2x128xi32, #tpu.memory_space<hbm>>
      %dma_wait3A_59 = tpu.memref_squeeze %dma_wait3A_58 : memref<1x2x128xi32, #tpu.memory_space<hbm>> -> memref<2x128xi32, #tpu.memory_space<hbm>>
      %dma_wait3A_60 = arith.constant 0 : i32
      %dma_wait3A_61 = arith.constant 0 : i32
      %dma_wait3A_62 = tpu.memref_slice %arg6[%dma_wait3A_51, %dma_wait3A_60, %dma_wait3A_61] : memref<4x2x128xi32, #tpu.memory_space<vmem>> -> memref<1x2x128xi32, #tpu.memory_space<vmem>>
      %dma_wait3A_63 = tpu.memref_squeeze %dma_wait3A_62 : memref<1x2x128xi32, #tpu.memory_space<vmem>> -> memref<2x128xi32, #tpu.memory_space<vmem>>
      %dma_wait3A_64 = arith.constant 0 : i32
      %dma_wait3A_65 = arith.constant 0 : i32
      %dma_wait3A_66 = tpu.memref_slice %arg3[%add3A_50, %dma_wait3A_64, %dma_wait3A_65] : memref<3200x2x128xi32, #tpu.memory_space<hbm>> -> memref<1x2x128xi32, #tpu.memory_space<hbm>>
      %dma_wait3A_67 = tpu.memref_squeeze %dma_wait3A_66 : memref<1x2x128xi32, #tpu.memory_space<hbm>> -> memref<2x128xi32, #tpu.memory_space<hbm>>
      tpu.wait_dma2 semaphore(%arg10 : memref<!tpu.dma_semaphore, #tpu.memory_space<semaphore_mem>>) src(%dma_wait3A_67 : memref<2x128xi32, #tpu.memory_space<hbm>>) dst(%dma_wait3A_63 : memref<2x128xi32, #tpu.memory_space<vmem>>)
      %dma_start3A_68 = arith.constant 1 : i32
      %dma_start3A_69 = arith.constant 0 : i32
      %dma_start3A_70 = arith.constant 1 : i32
      %dma_start3A_71 = arith.constant 0 : i32
      %dma_start3A_72 = arith.constant 0 : i32
      %dma_start3A_73 = tpu.memref_slice %arg7[%dma_start3A_70, %dma_start3A_71, %dma_start3A_72] : memref<2x128x128xf32, #tpu.memory_space<vmem>> -> memref<1x128x128xf32, #tpu.memory_space<vmem>>
      %dma_start3A_74 = tpu.memref_squeeze %dma_start3A_73 : memref<1x128x128xf32, #tpu.memory_space<vmem>> -> memref<128x128xf32, #tpu.memory_space<vmem>>
      %dma_start3A_75 = arith.constant 0 : i32
      %dma_start3A_76 = tpu.memref_slice %arg6[%dma_start3A_68, %dma_start3A_69, %dma_start3A_75] : memref<4x2x128xi32, #tpu.memory_space<vmem>> -> memref<1x1x128xi32, #tpu.memory_space<vmem>>
      %dma_start3A_77 = tpu.memref_squeeze %dma_start3A_76 : memref<1x1x128xi32, #tpu.memory_space<vmem>> -> memref<128xi32, #tpu.memory_space<vmem>>
      %dma_start3A_78 = arith.constant 0 : i32
      %dma_start3A_79 = arith.constant 0 : i32
      %dma_start3A_80 = tpu.memref_slice %arg2[%dma_start3A_78, %dma_start3A_79] : memref<10000x128xf32, #tpu.memory_space<hbm>> -> memref<10000x128xf32, #tpu.memory_space<hbm>>
      tpu.enqueue_indirect_dma source(%dma_start3A_80 : memref<10000x128xf32, #tpu.memory_space<hbm>>) target(%dma_start3A_74 : memref<128x128xf32, #tpu.memory_space<vmem>>) offsets(%dma_start3A_77 : memref<128xi32, #tpu.memory_space<vmem>>) semaphore(%arg14 : memref<!tpu.dma_semaphore, #tpu.memory_space<semaphore_mem>>)
      %jit3A_81 = arith.constant 4 : i32
      %div3A = arith.divsi %select_n3A, %jit3A_81 : i32
      %sign3A = arith.constant 0 : i32
      %sign3A_82 = arith.cmpi sgt, %select_n3A, %sign3A : i32
      %sign3A_83 = arith.extui %sign3A_82 : i1 to i32
      %sign3A_84 = arith.constant 0 : i32
      %sign3A_85 = arith.cmpi slt, %select_n3A, %sign3A_84 : i32
      %sign3A_86 = arith.extui %sign3A_85 : i1 to i32
      %sign3A_87 = arith.subi %sign3A_83, %sign3A_86 : i32
      %sign3A_88 = arith.constant 0 : i32
      %sign3A_89 = arith.cmpi sgt, %jit3A_81, %sign3A_88 : i32
      %sign3A_90 = arith.extui %sign3A_89 : i1 to i32
      %sign3A_91 = arith.constant 0 : i32
      %sign3A_92 = arith.cmpi slt, %jit3A_81, %sign3A_91 : i32
      %sign3A_93 = arith.extui %sign3A_92 : i1 to i32
      %sign3A_94 = arith.subi %sign3A_90, %sign3A_93 : i32
      %ne3A = arith.cmpi ne, %sign3A_87, %sign3A_94 : i32
      %rem3A = arith.remsi %select_n3A, %jit3A_81 : i32
      %ne3A_95 = arith.constant 0 : i32
      %ne3A_96 = arith.cmpi ne, %rem3A, %ne3A_95 : i32
      %and3A = arith.andi %ne3A, %ne3A_96 : i1
      %sub3A = arith.constant 1 : i32
      %sub3A_97 = arith.subi %div3A, %sub3A : i32
      %select_n3A_98 = arith.select %and3A, %sub3A_97, %div3A : i32
      %while3A = arith.constant 0 : i32
      %while3A_99 = arith.constant 0 : i32
      %while3A_100 = arith.subi %select_n3A_98, %while3A_99 : i32
      %while3A_101 = arith.addi %while3A_99, %while3A_100 : i32
      %while3A_102 = arith.constant 1 : i32
      %while3A_103 = arith.divsi %while3A_100, %while3A_102 : i32
      %while3A_104 = arith.muli %while3A_103, %while3A_102 : i32
      %while3A_105 = arith.addi %while3A_99, %while3A_104 : i32
      %while3A_106 = arith.constant 1 : i32
      scf.for %while3A_174 = %while3A_99 to %while3A_105 step %while3A_106  : i32 {
        %mul3A_175 = arith.constant 4 : i32
        %mul3A_176 = arith.muli %while3A_174, %mul3A_175 : i32
        %add3A_177 = arith.constant 0 : i32
        %add3A_178 = arith.addi %mul3A_176, %add3A_177 : i32
        %dma_wait3A_179 = arith.constant 0 : i32
        %dma_wait3A_180 = arith.constant 0 : i32
        %dma_wait3A_181 = arith.constant 0 : i32
        %dma_wait3A_182 = arith.constant 0 : i32
        %dma_wait3A_183 = arith.constant 0 : i32
        %dma_wait3A_184 = tpu.memref_slice %arg7[%dma_wait3A_181, %dma_wait3A_182, %dma_wait3A_183] : memref<2x128x128xf32, #tpu.memory_space<vmem>> -> memref<1x128x128xf32, #tpu.memory_space<vmem>>
        %dma_wait3A_185 = tpu.memref_squeeze %dma_wait3A_184 : memref<1x128x128xf32, #tpu.memory_space<vmem>> -> memref<128x128xf32, #tpu.memory_space<vmem>>
        %dma_wait3A_186 = arith.constant 0 : i32
        %dma_wait3A_187 = tpu.memref_slice %arg6[%dma_wait3A_179, %dma_wait3A_180, %dma_wait3A_186] : memref<4x2x128xi32, #tpu.memory_space<vmem>> -> memref<1x1x128xi32, #tpu.memory_space<vmem>>
        %dma_wait3A_188 = tpu.memref_squeeze %dma_wait3A_187 : memref<1x1x128xi32, #tpu.memory_space<vmem>> -> memref<128xi32, #tpu.memory_space<vmem>>
        %dma_wait3A_189 = arith.constant 0 : i32
        %dma_wait3A_190 = arith.constant 0 : i32
        %dma_wait3A_191 = tpu.memref_slice %arg2[%dma_wait3A_189, %dma_wait3A_190] : memref<10000x128xf32, #tpu.memory_space<hbm>> -> memref<10000x128xf32, #tpu.memory_space<hbm>>
        tpu.wait_indirect_dma semaphore(%arg13 : memref<!tpu.dma_semaphore, #tpu.memory_space<semaphore_mem>>) src(%dma_wait3A_191 : memref<10000x128xf32, #tpu.memory_space<hbm>>) dst(%dma_wait3A_185 : memref<128x128xf32, #tpu.memory_space<vmem>>)
        %run_scoped3A = arith.constant 0 : i32
        %run_scoped3A_192 = arith.constant 0 : i32
        %run_scoped3A_193 = arith.constant 1 : i32
        "tpu.region"() ({
          %run_scoped3A_460 = tpu.sem_alloc : memref<!tpu.dma_semaphore, #tpu.memory_space<semaphore_mem>>
          %dma_start3A_461 = arith.constant 0 : i32
          %dma_start3A_462 = arith.constant 0 : i32
          %dma_start3A_463 = tpu.memref_slice %arg7[%run_scoped3A, %dma_start3A_461, %dma_start3A_462] : memref<2x128x128xf32, #tpu.memory_space<vmem>> -> memref<1x128x128xf32, #tpu.memory_space<vmem>>
          %dma_start3A_464 = tpu.memref_squeeze %dma_start3A_463 : memref<1x128x128xf32, #tpu.memory_space<vmem>> -> memref<128x128xf32, #tpu.memory_space<vmem>>
          %dma_start3A_465 = arith.constant 0 : i32
          %dma_start3A_466 = tpu.memref_slice %arg6[%run_scoped3A_192, %run_scoped3A_193, %dma_start3A_465] : memref<4x2x128xi32, #tpu.memory_space<vmem>> -> memref<1x1x128xi32, #tpu.memory_space<vmem>>
          %dma_start3A_467 = tpu.memref_squeeze %dma_start3A_466 : memref<1x1x128xi32, #tpu.memory_space<vmem>> -> memref<128xi32, #tpu.memory_space<vmem>>
          %dma_start3A_468 = arith.constant 0 : i32
          %dma_start3A_469 = arith.constant 0 : i32
          %dma_start3A_470 = tpu.memref_slice %arg8[%dma_start3A_468, %dma_start3A_469] : memref<10112x128xf32, #tpu.memory_space<vmem_shared>> -> memref<10112x128xf32, #tpu.memory_space<vmem_shared>>
          tpu.enqueue_indirect_dma source(%dma_start3A_464 : memref<128x128xf32, #tpu.memory_space<vmem>>) target(%dma_start3A_470 : memref<10112x128xf32, #tpu.memory_space<vmem_shared>>) offsets(%dma_start3A_467 : memref<128xi32, #tpu.memory_space<vmem>>) semaphore(%run_scoped3A_460 : memref<!tpu.dma_semaphore, #tpu.memory_space<semaphore_mem>>) {add = true}
          %dma_wait3A_471 = arith.constant 0 : i32
          %dma_wait3A_472 = arith.constant 0 : i32
          %dma_wait3A_473 = tpu.memref_slice %arg7[%run_scoped3A, %dma_wait3A_471, %dma_wait3A_472] : memref<2x128x128xf32, #tpu.memory_space<vmem>> -> memref<1x128x128xf32, #tpu.memory_space<vmem>>
          %dma_wait3A_474 = tpu.memref_squeeze %dma_wait3A_473 : memref<1x128x128xf32, #tpu.memory_space<vmem>> -> memref<128x128xf32, #tpu.memory_space<vmem>>
          %dma_wait3A_475 = arith.constant 0 : i32
          %dma_wait3A_476 = tpu.memref_slice %arg6[%run_scoped3A_192, %run_scoped3A_193, %dma_wait3A_475] : memref<4x2x128xi32, #tpu.memory_space<vmem>> -> memref<1x1x128xi32, #tpu.memory_space<vmem>>
          %dma_wait3A_477 = tpu.memref_squeeze %dma_wait3A_476 : memref<1x1x128xi32, #tpu.memory_space<vmem>> -> memref<128xi32, #tpu.memory_space<vmem>>
          %dma_wait3A_478 = arith.constant 0 : i32
          %dma_wait3A_479 = arith.constant 0 : i32
          %dma_wait3A_480 = tpu.memref_slice %arg8[%dma_wait3A_478, %dma_wait3A_479] : memref<10112x128xf32, #tpu.memory_space<vmem_shared>> -> memref<10112x128xf32, #tpu.memory_space<vmem_shared>>
          tpu.wait_indirect_dma semaphore(%run_scoped3A_460 : memref<!tpu.dma_semaphore, #tpu.memory_space<semaphore_mem>>) src(%dma_wait3A_474 : memref<128x128xf32, #tpu.memory_space<vmem>>) dst(%dma_wait3A_480 : memref<10112x128xf32, #tpu.memory_space<vmem_shared>>)
          tpu.yield
        }) : () -> ()
        %add3A_194 = arith.constant 4 : i32
        %add3A_195 = arith.addi %add3A_178, %add3A_194 : i32
        %add3A_196 = arith.addi %mul3A_2, %add3A_195 : i32
        %dma_start3A_197 = arith.constant 0 : i32
        %dma_start3A_198 = arith.constant 0 : i32
        %dma_start3A_199 = arith.constant 0 : i32
        %dma_start3A_200 = tpu.memref_slice %arg6[%dma_start3A_197, %dma_start3A_198, %dma_start3A_199] : memref<4x2x128xi32, #tpu.memory_space<vmem>> -> memref<1x2x128xi32, #tpu.memory_space<vmem>>
        %dma_start3A_201 = tpu.memref_squeeze %dma_start3A_200 : memref<1x2x128xi32, #tpu.memory_space<vmem>> -> memref<2x128xi32, #tpu.memory_space<vmem>>
        %dma_start3A_202 = arith.constant 0 : i32
        %dma_start3A_203 = arith.constant 0 : i32
        %dma_start3A_204 = tpu.memref_slice %arg3[%add3A_196, %dma_start3A_202, %dma_start3A_203] : memref<3200x2x128xi32, #tpu.memory_space<hbm>> -> memref<1x2x128xi32, #tpu.memory_space<hbm>>
        %dma_start3A_205 = tpu.memref_squeeze %dma_start3A_204 : memref<1x2x128xi32, #tpu.memory_space<hbm>> -> memref<2x128xi32, #tpu.memory_space<hbm>>
        %dma_start3A_206 = arith.constant 0 : i32
        %dma_start3A_207 = arith.constant 0 : i32
        %dma_start3A_208 = tpu.memref_slice %arg6[%dma_start3A_197, %dma_start3A_206, %dma_start3A_207] : memref<4x2x128xi32, #tpu.memory_space<vmem>> -> memref<1x2x128xi32, #tpu.memory_space<vmem>>
        %dma_start3A_209 = tpu.memref_squeeze %dma_start3A_208 : memref<1x2x128xi32, #tpu.memory_space<vmem>> -> memref<2x128xi32, #tpu.memory_space<vmem>>
        %dma_start3A_210 = arith.constant 0 : i32
        %dma_start3A_211 = arith.constant 0 : i32
        %dma_start3A_212 = tpu.memref_slice %arg3[%add3A_196, %dma_start3A_210, %dma_start3A_211] : memref<3200x2x128xi32, #tpu.memory_space<hbm>> -> memref<1x2x128xi32, #tpu.memory_space<hbm>>
        %dma_start3A_213 = tpu.memref_squeeze %dma_start3A_212 : memref<1x2x128xi32, #tpu.memory_space<hbm>> -> memref<2x128xi32, #tpu.memory_space<hbm>>
        tpu.enqueue_dma source(%dma_start3A_213 : memref<2x128xi32, #tpu.memory_space<hbm>>) target(%dma_start3A_209 : memref<2x128xi32, #tpu.memory_space<vmem>>) target_semaphore(%arg9 : memref<!tpu.dma_semaphore, #tpu.memory_space<semaphore_mem>>)
        %add3A_214 = arith.constant 2 : i32
        %add3A_215 = arith.addi %add3A_178, %add3A_214 : i32
        %add3A_216 = arith.addi %mul3A_2, %add3A_215 : i32
        %dma_wait3A_217 = arith.constant 2 : i32
        %dma_wait3A_218 = arith.constant 0 : i32
        %dma_wait3A_219 = arith.constant 0 : i32
        %dma_wait3A_220 = tpu.memref_slice %arg6[%dma_wait3A_217, %dma_wait3A_218, %dma_wait3A_219] : memref<4x2x128xi32, #tpu.memory_space<vmem>> -> memref<1x2x128xi32, #tpu.memory_space<vmem>>
        %dma_wait3A_221 = tpu.memref_squeeze %dma_wait3A_220 : memref<1x2x128xi32, #tpu.memory_space<vmem>> -> memref<2x128xi32, #tpu.memory_space<vmem>>
        %dma_wait3A_222 = arith.constant 0 : i32
        %dma_wait3A_223 = arith.constant 0 : i32
        %dma_wait3A_224 = tpu.memref_slice %arg3[%add3A_216, %dma_wait3A_222, %dma_wait3A_223] : memref<3200x2x128xi32, #tpu.memory_space<hbm>> -> memref<1x2x128xi32, #tpu.memory_space<hbm>>
        %dma_wait3A_225 = tpu.memref_squeeze %dma_wait3A_224 : memref<1x2x128xi32, #tpu.memory_space<hbm>> -> memref<2x128xi32, #tpu.memory_space<hbm>>
        %dma_wait3A_226 = arith.constant 0 : i32
        %dma_wait3A_227 = arith.constant 0 : i32
        %dma_wait3A_228 = tpu.memref_slice %arg6[%dma_wait3A_217, %dma_wait3A_226, %dma_wait3A_227] : memref<4x2x128xi32, #tpu.memory_space<vmem>> -> memref<1x2x128xi32, #tpu.memory_space<vmem>>
        %dma_wait3A_229 = tpu.memref_squeeze %dma_wait3A_228 : memref<1x2x128xi32, #tpu.memory_space<vmem>> -> memref<2x128xi32, #tpu.memory_space<vmem>>
        %dma_wait3A_230 = arith.constant 0 : i32
        %dma_wait3A_231 = arith.constant 0 : i32
        %dma_wait3A_232 = tpu.memref_slice %arg3[%add3A_216, %dma_wait3A_230, %dma_wait3A_231] : memref<3200x2x128xi32, #tpu.memory_space<hbm>> -> memref<1x2x128xi32, #tpu.memory_space<hbm>>
        %dma_wait3A_233 = tpu.memref_squeeze %dma_wait3A_232 : memref<1x2x128xi32, #tpu.memory_space<hbm>> -> memref<2x128xi32, #tpu.memory_space<hbm>>
        tpu.wait_dma2 semaphore(%arg11 : memref<!tpu.dma_semaphore, #tpu.memory_space<semaphore_mem>>) src(%dma_wait3A_233 : memref<2x128xi32, #tpu.memory_space<hbm>>) dst(%dma_wait3A_229 : memref<2x128xi32, #tpu.memory_space<vmem>>)
        %dma_start3A_234 = arith.constant 2 : i32
        %dma_start3A_235 = arith.constant 0 : i32
        %dma_start3A_236 = arith.constant 0 : i32
        %dma_start3A_237 = arith.constant 0 : i32
        %dma_start3A_238 = arith.constant 0 : i32
        %dma_start3A_239 = tpu.memref_slice %arg7[%dma_start3A_236, %dma_start3A_237, %dma_start3A_238] : memref<2x128x128xf32, #tpu.memory_space<vmem>> -> memref<1x128x128xf32, #tpu.memory_space<vmem>>
        %dma_start3A_240 = tpu.memref_squeeze %dma_start3A_239 : memref<1x128x128xf32, #tpu.memory_space<vmem>> -> memref<128x128xf32, #tpu.memory_space<vmem>>
        %dma_start3A_241 = arith.constant 0 : i32
        %dma_start3A_242 = tpu.memref_slice %arg6[%dma_start3A_234, %dma_start3A_235, %dma_start3A_241] : memref<4x2x128xi32, #tpu.memory_space<vmem>> -> memref<1x1x128xi32, #tpu.memory_space<vmem>>
        %dma_start3A_243 = tpu.memref_squeeze %dma_start3A_242 : memref<1x1x128xi32, #tpu.memory_space<vmem>> -> memref<128xi32, #tpu.memory_space<vmem>>
        %dma_start3A_244 = arith.constant 0 : i32
        %dma_start3A_245 = arith.constant 0 : i32
        %dma_start3A_246 = tpu.memref_slice %arg2[%dma_start3A_244, %dma_start3A_245] : memref<10000x128xf32, #tpu.memory_space<hbm>> -> memref<10000x128xf32, #tpu.memory_space<hbm>>
        tpu.enqueue_indirect_dma source(%dma_start3A_246 : memref<10000x128xf32, #tpu.memory_space<hbm>>) target(%dma_start3A_240 : memref<128x128xf32, #tpu.memory_space<vmem>>) offsets(%dma_start3A_243 : memref<128xi32, #tpu.memory_space<vmem>>) semaphore(%arg13 : memref<!tpu.dma_semaphore, #tpu.memory_space<semaphore_mem>>)
        %add3A_247 = arith.constant 1 : i32
        %add3A_248 = arith.addi %mul3A_176, %add3A_247 : i32
        %dma_wait3A_249 = arith.constant 1 : i32
        %dma_wait3A_250 = arith.constant 0 : i32
        %dma_wait3A_251 = arith.constant 1 : i32
        %dma_wait3A_252 = arith.constant 0 : i32
        %dma_wait3A_253 = arith.constant 0 : i32
        %dma_wait3A_254 = tpu.memref_slice %arg7[%dma_wait3A_251, %dma_wait3A_252, %dma_wait3A_253] : memref<2x128x128xf32, #tpu.memory_space<vmem>> -> memref<1x128x128xf32, #tpu.memory_space<vmem>>
        %dma_wait3A_255 = tpu.memref_squeeze %dma_wait3A_254 : memref<1x128x128xf32, #tpu.memory_space<vmem>> -> memref<128x128xf32, #tpu.memory_space<vmem>>
        %dma_wait3A_256 = arith.constant 0 : i32
        %dma_wait3A_257 = tpu.memref_slice %arg6[%dma_wait3A_249, %dma_wait3A_250, %dma_wait3A_256] : memref<4x2x128xi32, #tpu.memory_space<vmem>> -> memref<1x1x128xi32, #tpu.memory_space<vmem>>
        %dma_wait3A_258 = tpu.memref_squeeze %dma_wait3A_257 : memref<1x1x128xi32, #tpu.memory_space<vmem>> -> memref<128xi32, #tpu.memory_space<vmem>>
        %dma_wait3A_259 = arith.constant 0 : i32
        %dma_wait3A_260 = arith.constant 0 : i32
        %dma_wait3A_261 = tpu.memref_slice %arg2[%dma_wait3A_259, %dma_wait3A_260] : memref<10000x128xf32, #tpu.memory_space<hbm>> -> memref<10000x128xf32, #tpu.memory_space<hbm>>
        tpu.wait_indirect_dma semaphore(%arg14 : memref<!tpu.dma_semaphore, #tpu.memory_space<semaphore_mem>>) src(%dma_wait3A_261 : memref<10000x128xf32, #tpu.memory_space<hbm>>) dst(%dma_wait3A_255 : memref<128x128xf32, #tpu.memory_space<vmem>>)
        %run_scoped3A_262 = arith.constant 1 : i32
        %run_scoped3A_263 = arith.constant 1 : i32
        %run_scoped3A_264 = arith.constant 1 : i32
        "tpu.region"() ({
          %run_scoped3A_460 = tpu.sem_alloc : memref<!tpu.dma_semaphore, #tpu.memory_space<semaphore_mem>>
          %dma_start3A_461 = arith.constant 0 : i32
          %dma_start3A_462 = arith.constant 0 : i32
          %dma_start3A_463 = tpu.memref_slice %arg7[%run_scoped3A_262, %dma_start3A_461, %dma_start3A_462] : memref<2x128x128xf32, #tpu.memory_space<vmem>> -> memref<1x128x128xf32, #tpu.memory_space<vmem>>
          %dma_start3A_464 = tpu.memref_squeeze %dma_start3A_463 : memref<1x128x128xf32, #tpu.memory_space<vmem>> -> memref<128x128xf32, #tpu.memory_space<vmem>>
          %dma_start3A_465 = arith.constant 0 : i32
          %dma_start3A_466 = tpu.memref_slice %arg6[%run_scoped3A_263, %run_scoped3A_264, %dma_start3A_465] : memref<4x2x128xi32, #tpu.memory_space<vmem>> -> memref<1x1x128xi32, #tpu.memory_space<vmem>>
          %dma_start3A_467 = tpu.memref_squeeze %dma_start3A_466 : memref<1x1x128xi32, #tpu.memory_space<vmem>> -> memref<128xi32, #tpu.memory_space<vmem>>
          %dma_start3A_468 = arith.constant 0 : i32
          %dma_start3A_469 = arith.constant 0 : i32
          %dma_start3A_470 = tpu.memref_slice %arg8[%dma_start3A_468, %dma_start3A_469] : memref<10112x128xf32, #tpu.memory_space<vmem_shared>> -> memref<10112x128xf32, #tpu.memory_space<vmem_shared>>
          tpu.enqueue_indirect_dma source(%dma_start3A_464 : memref<128x128xf32, #tpu.memory_space<vmem>>) target(%dma_start3A_470 : memref<10112x128xf32, #tpu.memory_space<vmem_shared>>) offsets(%dma_start3A_467 : memref<128xi32, #tpu.memory_space<vmem>>) semaphore(%run_scoped3A_460 : memref<!tpu.dma_semaphore, #tpu.memory_space<semaphore_mem>>) {add = true}
          %dma_wait3A_471 = arith.constant 0 : i32
          %dma_wait3A_472 = arith.constant 0 : i32
          %dma_wait3A_473 = tpu.memref_slice %arg7[%run_scoped3A_262, %dma_wait3A_471, %dma_wait3A_472] : memref<2x128x128xf32, #tpu.memory_space<vmem>> -> memref<1x128x128xf32, #tpu.memory_space<vmem>>
          %dma_wait3A_474 = tpu.memref_squeeze %dma_wait3A_473 : memref<1x128x128xf32, #tpu.memory_space<vmem>> -> memref<128x128xf32, #tpu.memory_space<vmem>>
          %dma_wait3A_475 = arith.constant 0 : i32
          %dma_wait3A_476 = tpu.memref_slice %arg6[%run_scoped3A_263, %run_scoped3A_264, %dma_wait3A_475] : memref<4x2x128xi32, #tpu.memory_space<vmem>> -> memref<1x1x128xi32, #tpu.memory_space<vmem>>
          %dma_wait3A_477 = tpu.memref_squeeze %dma_wait3A_476 : memref<1x1x128xi32, #tpu.memory_space<vmem>> -> memref<128xi32, #tpu.memory_space<vmem>>
          %dma_wait3A_478 = arith.constant 0 : i32
          %dma_wait3A_479 = arith.constant 0 : i32
          %dma_wait3A_480 = tpu.memref_slice %arg8[%dma_wait3A_478, %dma_wait3A_479] : memref<10112x128xf32, #tpu.memory_space<vmem_shared>> -> memref<10112x128xf32, #tpu.memory_space<vmem_shared>>
          tpu.wait_indirect_dma semaphore(%run_scoped3A_460 : memref<!tpu.dma_semaphore, #tpu.memory_space<semaphore_mem>>) src(%dma_wait3A_474 : memref<128x128xf32, #tpu.memory_space<vmem>>) dst(%dma_wait3A_480 : memref<10112x128xf32, #tpu.memory_space<vmem_shared>>)
          tpu.yield
        }) : () -> ()
        %add3A_265 = arith.constant 4 : i32
        %add3A_266 = arith.addi %add3A_248, %add3A_265 : i32
        %add3A_267 = arith.addi %mul3A_2, %add3A_266 : i32
        %dma_start3A_268 = arith.constant 1 : i32
        %dma_start3A_269 = arith.constant 0 : i32
        %dma_start3A_270 = arith.constant 0 : i32
        %dma_start3A_271 = tpu.memref_slice %arg6[%dma_start3A_268, %dma_start3A_269, %dma_start3A_270] : memref<4x2x128xi32, #tpu.memory_space<vmem>> -> memref<1x2x128xi32, #tpu.memory_space<vmem>>
        %dma_start3A_272 = tpu.memref_squeeze %dma_start3A_271 : memref<1x2x128xi32, #tpu.memory_space<vmem>> -> memref<2x128xi32, #tpu.memory_space<vmem>>
        %dma_start3A_273 = arith.constant 0 : i32
        %dma_start3A_274 = arith.constant 0 : i32
        %dma_start3A_275 = tpu.memref_slice %arg3[%add3A_267, %dma_start3A_273, %dma_start3A_274] : memref<3200x2x128xi32, #tpu.memory_space<hbm>> -> memref<1x2x128xi32, #tpu.memory_space<hbm>>
        %dma_start3A_276 = tpu.memref_squeeze %dma_start3A_275 : memref<1x2x128xi32, #tpu.memory_space<hbm>> -> memref<2x128xi32, #tpu.memory_space<hbm>>
        %dma_start3A_277 = arith.constant 0 : i32
        %dma_start3A_278 = arith.constant 0 : i32
        %dma_start3A_279 = tpu.memref_slice %arg6[%dma_start3A_268, %dma_start3A_277, %dma_start3A_278] : memref<4x2x128xi32, #tpu.memory_space<vmem>> -> memref<1x2x128xi32, #tpu.memory_space<vmem>>
        %dma_start3A_280 = tpu.memref_squeeze %dma_start3A_279 : memref<1x2x128xi32, #tpu.memory_space<vmem>> -> memref<2x128xi32, #tpu.memory_space<vmem>>
        %dma_start3A_281 = arith.constant 0 : i32
        %dma_start3A_282 = arith.constant 0 : i32
        %dma_start3A_283 = tpu.memref_slice %arg3[%add3A_267, %dma_start3A_281, %dma_start3A_282] : memref<3200x2x128xi32, #tpu.memory_space<hbm>> -> memref<1x2x128xi32, #tpu.memory_space<hbm>>
        %dma_start3A_284 = tpu.memref_squeeze %dma_start3A_283 : memref<1x2x128xi32, #tpu.memory_space<hbm>> -> memref<2x128xi32, #tpu.memory_space<hbm>>
        tpu.enqueue_dma source(%dma_start3A_284 : memref<2x128xi32, #tpu.memory_space<hbm>>) target(%dma_start3A_280 : memref<2x128xi32, #tpu.memory_space<vmem>>) target_semaphore(%arg10 : memref<!tpu.dma_semaphore, #tpu.memory_space<semaphore_mem>>)
        %add3A_285 = arith.constant 2 : i32
        %add3A_286 = arith.addi %add3A_248, %add3A_285 : i32
        %add3A_287 = arith.addi %mul3A_2, %add3A_286 : i32
        %dma_wait3A_288 = arith.constant 3 : i32
        %dma_wait3A_289 = arith.constant 0 : i32
        %dma_wait3A_290 = arith.constant 0 : i32
        %dma_wait3A_291 = tpu.memref_slice %arg6[%dma_wait3A_288, %dma_wait3A_289, %dma_wait3A_290] : memref<4x2x128xi32, #tpu.memory_space<vmem>> -> memref<1x2x128xi32, #tpu.memory_space<vmem>>
        %dma_wait3A_292 = tpu.memref_squeeze %dma_wait3A_291 : memref<1x2x128xi32, #tpu.memory_space<vmem>> -> memref<2x128xi32, #tpu.memory_space<vmem>>
        %dma_wait3A_293 = arith.constant 0 : i32
        %dma_wait3A_294 = arith.constant 0 : i32
        %dma_wait3A_295 = tpu.memref_slice %arg3[%add3A_287, %dma_wait3A_293, %dma_wait3A_294] : memref<3200x2x128xi32, #tpu.memory_space<hbm>> -> memref<1x2x128xi32, #tpu.memory_space<hbm>>
        %dma_wait3A_296 = tpu.memref_squeeze %dma_wait3A_295 : memref<1x2x128xi32, #tpu.memory_space<hbm>> -> memref<2x128xi32, #tpu.memory_space<hbm>>
        %dma_wait3A_297 = arith.constant 0 : i32
        %dma_wait3A_298 = arith.constant 0 : i32
        %dma_wait3A_299 = tpu.memref_slice %arg6[%dma_wait3A_288, %dma_wait3A_297, %dma_wait3A_298] : memref<4x2x128xi32, #tpu.memory_space<vmem>> -> memref<1x2x128xi32, #tpu.memory_space<vmem>>
        %dma_wait3A_300 = tpu.memref_squeeze %dma_wait3A_299 : memref<1x2x128xi32, #tpu.memory_space<vmem>> -> memref<2x128xi32, #tpu.memory_space<vmem>>
        %dma_wait3A_301 = arith.constant 0 : i32
        %dma_wait3A_302 = arith.constant 0 : i32
        %dma_wait3A_303 = tpu.memref_slice %arg3[%add3A_287, %dma_wait3A_301, %dma_wait3A_302] : memref<3200x2x128xi32, #tpu.memory_space<hbm>> -> memref<1x2x128xi32, #tpu.memory_space<hbm>>
        %dma_wait3A_304 = tpu.memref_squeeze %dma_wait3A_303 : memref<1x2x128xi32, #tpu.memory_space<hbm>> -> memref<2x128xi32, #tpu.memory_space<hbm>>
        tpu.wait_dma2 semaphore(%arg12 : memref<!tpu.dma_semaphore, #tpu.memory_space<semaphore_mem>>) src(%dma_wait3A_304 : memref<2x128xi32, #tpu.memory_space<hbm>>) dst(%dma_wait3A_300 : memref<2x128xi32, #tpu.memory_space<vmem>>)
        %dma_start3A_305 = arith.constant 3 : i32
        %dma_start3A_306 = arith.constant 0 : i32
        %dma_start3A_307 = arith.constant 1 : i32
        %dma_start3A_308 = arith.constant 0 : i32
        %dma_start3A_309 = arith.constant 0 : i32
        %dma_start3A_310 = tpu.memref_slice %arg7[%dma_start3A_307, %dma_start3A_308, %dma_start3A_309] : memref<2x128x128xf32, #tpu.memory_space<vmem>> -> memref<1x128x128xf32, #tpu.memory_space<vmem>>
        %dma_start3A_311 = tpu.memref_squeeze %dma_start3A_310 : memref<1x128x128xf32, #tpu.memory_space<vmem>> -> memref<128x128xf32, #tpu.memory_space<vmem>>
        %dma_start3A_312 = arith.constant 0 : i32
        %dma_start3A_313 = tpu.memref_slice %arg6[%dma_start3A_305, %dma_start3A_306, %dma_start3A_312] : memref<4x2x128xi32, #tpu.memory_space<vmem>> -> memref<1x1x128xi32, #tpu.memory_space<vmem>>
        %dma_start3A_314 = tpu.memref_squeeze %dma_start3A_313 : memref<1x1x128xi32, #tpu.memory_space<vmem>> -> memref<128xi32, #tpu.memory_space<vmem>>
        %dma_start3A_315 = arith.constant 0 : i32
        %dma_start3A_316 = arith.constant 0 : i32
        %dma_start3A_317 = tpu.memref_slice %arg2[%dma_start3A_315, %dma_start3A_316] : memref<10000x128xf32, #tpu.memory_space<hbm>> -> memref<10000x128xf32, #tpu.memory_space<hbm>>
        tpu.enqueue_indirect_dma source(%dma_start3A_317 : memref<10000x128xf32, #tpu.memory_space<hbm>>) target(%dma_start3A_311 : memref<128x128xf32, #tpu.memory_space<vmem>>) offsets(%dma_start3A_314 : memref<128xi32, #tpu.memory_space<vmem>>) semaphore(%arg14 : memref<!tpu.dma_semaphore, #tpu.memory_space<semaphore_mem>>)
        %add3A_318 = arith.constant 2 : i32
        %add3A_319 = arith.addi %mul3A_176, %add3A_318 : i32
        %dma_wait3A_320 = arith.constant 2 : i32
        %dma_wait3A_321 = arith.constant 0 : i32
        %dma_wait3A_322 = arith.constant 0 : i32
        %dma_wait3A_323 = arith.constant 0 : i32
        %dma_wait3A_324 = arith.constant 0 : i32
        %dma_wait3A_325 = tpu.memref_slice %arg7[%dma_wait3A_322, %dma_wait3A_323, %dma_wait3A_324] : memref<2x128x128xf32, #tpu.memory_space<vmem>> -> memref<1x128x128xf32, #tpu.memory_space<vmem>>
        %dma_wait3A_326 = tpu.memref_squeeze %dma_wait3A_325 : memref<1x128x128xf32, #tpu.memory_space<vmem>> -> memref<128x128xf32, #tpu.memory_space<vmem>>
        %dma_wait3A_327 = arith.constant 0 : i32
        %dma_wait3A_328 = tpu.memref_slice %arg6[%dma_wait3A_320, %dma_wait3A_321, %dma_wait3A_327] : memref<4x2x128xi32, #tpu.memory_space<vmem>> -> memref<1x1x128xi32, #tpu.memory_space<vmem>>
        %dma_wait3A_329 = tpu.memref_squeeze %dma_wait3A_328 : memref<1x1x128xi32, #tpu.memory_space<vmem>> -> memref<128xi32, #tpu.memory_space<vmem>>
        %dma_wait3A_330 = arith.constant 0 : i32
        %dma_wait3A_331 = arith.constant 0 : i32
        %dma_wait3A_332 = tpu.memref_slice %arg2[%dma_wait3A_330, %dma_wait3A_331] : memref<10000x128xf32, #tpu.memory_space<hbm>> -> memref<10000x128xf32, #tpu.memory_space<hbm>>
        tpu.wait_indirect_dma semaphore(%arg13 : memref<!tpu.dma_semaphore, #tpu.memory_space<semaphore_mem>>) src(%dma_wait3A_332 : memref<10000x128xf32, #tpu.memory_space<hbm>>) dst(%dma_wait3A_326 : memref<128x128xf32, #tpu.memory_space<vmem>>)
        %run_scoped3A_333 = arith.constant 0 : i32
        %run_scoped3A_334 = arith.constant 2 : i32
        %run_scoped3A_335 = arith.constant 1 : i32
        "tpu.region"() ({
          %run_scoped3A_460 = tpu.sem_alloc : memref<!tpu.dma_semaphore, #tpu.memory_space<semaphore_mem>>
          %dma_start3A_461 = arith.constant 0 : i32
          %dma_start3A_462 = arith.constant 0 : i32
          %dma_start3A_463 = tpu.memref_slice %arg7[%run_scoped3A_333, %dma_start3A_461, %dma_start3A_462] : memref<2x128x128xf32, #tpu.memory_space<vmem>> -> memref<1x128x128xf32, #tpu.memory_space<vmem>>
          %dma_start3A_464 = tpu.memref_squeeze %dma_start3A_463 : memref<1x128x128xf32, #tpu.memory_space<vmem>> -> memref<128x128xf32, #tpu.memory_space<vmem>>
          %dma_start3A_465 = arith.constant 0 : i32
          %dma_start3A_466 = tpu.memref_slice %arg6[%run_scoped3A_334, %run_scoped3A_335, %dma_start3A_465] : memref<4x2x128xi32, #tpu.memory_space<vmem>> -> memref<1x1x128xi32, #tpu.memory_space<vmem>>
          %dma_start3A_467 = tpu.memref_squeeze %dma_start3A_466 : memref<1x1x128xi32, #tpu.memory_space<vmem>> -> memref<128xi32, #tpu.memory_space<vmem>>
          %dma_start3A_468 = arith.constant 0 : i32
          %dma_start3A_469 = arith.constant 0 : i32
          %dma_start3A_470 = tpu.memref_slice %arg8[%dma_start3A_468, %dma_start3A_469] : memref<10112x128xf32, #tpu.memory_space<vmem_shared>> -> memref<10112x128xf32, #tpu.memory_space<vmem_shared>>
          tpu.enqueue_indirect_dma source(%dma_start3A_464 : memref<128x128xf32, #tpu.memory_space<vmem>>) target(%dma_start3A_470 : memref<10112x128xf32, #tpu.memory_space<vmem_shared>>) offsets(%dma_start3A_467 : memref<128xi32, #tpu.memory_space<vmem>>) semaphore(%run_scoped3A_460 : memref<!tpu.dma_semaphore, #tpu.memory_space<semaphore_mem>>) {add = true}
          %dma_wait3A_471 = arith.constant 0 : i32
          %dma_wait3A_472 = arith.constant 0 : i32
          %dma_wait3A_473 = tpu.memref_slice %arg7[%run_scoped3A_333, %dma_wait3A_471, %dma_wait3A_472] : memref<2x128x128xf32, #tpu.memory_space<vmem>> -> memref<1x128x128xf32, #tpu.memory_space<vmem>>
          %dma_wait3A_474 = tpu.memref_squeeze %dma_wait3A_473 : memref<1x128x128xf32, #tpu.memory_space<vmem>> -> memref<128x128xf32, #tpu.memory_space<vmem>>
          %dma_wait3A_475 = arith.constant 0 : i32
          %dma_wait3A_476 = tpu.memref_slice %arg6[%run_scoped3A_334, %run_scoped3A_335, %dma_wait3A_475] : memref<4x2x128xi32, #tpu.memory_space<vmem>> -> memref<1x1x128xi32, #tpu.memory_space<vmem>>
          %dma_wait3A_477 = tpu.memref_squeeze %dma_wait3A_476 : memref<1x1x128xi32, #tpu.memory_space<vmem>> -> memref<128xi32, #tpu.memory_space<vmem>>
          %dma_wait3A_478 = arith.constant 0 : i32
          %dma_wait3A_479 = arith.constant 0 : i32
          %dma_wait3A_480 = tpu.memref_slice %arg8[%dma_wait3A_478, %dma_wait3A_479] : memref<10112x128xf32, #tpu.memory_space<vmem_shared>> -> memref<10112x128xf32, #tpu.memory_space<vmem_shared>>
          tpu.wait_indirect_dma semaphore(%run_scoped3A_460 : memref<!tpu.dma_semaphore, #tpu.memory_space<semaphore_mem>>) src(%dma_wait3A_474 : memref<128x128xf32, #tpu.memory_space<vmem>>) dst(%dma_wait3A_480 : memref<10112x128xf32, #tpu.memory_space<vmem_shared>>)
          tpu.yield
        }) : () -> ()
        %add3A_336 = arith.constant 4 : i32
        %add3A_337 = arith.addi %add3A_319, %add3A_336 : i32
        %add3A_338 = arith.addi %mul3A_2, %add3A_337 : i32
        %dma_start3A_339 = arith.constant 2 : i32
        %dma_start3A_340 = arith.constant 0 : i32
        %dma_start3A_341 = arith.constant 0 : i32
        %dma_start3A_342 = tpu.memref_slice %arg6[%dma_start3A_339, %dma_start3A_340, %dma_start3A_341] : memref<4x2x128xi32, #tpu.memory_space<vmem>> -> memref<1x2x128xi32, #tpu.memory_space<vmem>>
        %dma_start3A_343 = tpu.memref_squeeze %dma_start3A_342 : memref<1x2x128xi32, #tpu.memory_space<vmem>> -> memref<2x128xi32, #tpu.memory_space<vmem>>
        %dma_start3A_344 = arith.constant 0 : i32
        %dma_start3A_345 = arith.constant 0 : i32
        %dma_start3A_346 = tpu.memref_slice %arg3[%add3A_338, %dma_start3A_344, %dma_start3A_345] : memref<3200x2x128xi32, #tpu.memory_space<hbm>> -> memref<1x2x128xi32, #tpu.memory_space<hbm>>
        %dma_start3A_347 = tpu.memref_squeeze %dma_start3A_346 : memref<1x2x128xi32, #tpu.memory_space<hbm>> -> memref<2x128xi32, #tpu.memory_space<hbm>>
        %dma_start3A_348 = arith.constant 0 : i32
        %dma_start3A_349 = arith.constant 0 : i32
        %dma_start3A_350 = tpu.memref_slice %arg6[%dma_start3A_339, %dma_start3A_348, %dma_start3A_349] : memref<4x2x128xi32, #tpu.memory_space<vmem>> -> memref<1x2x128xi32, #tpu.memory_space<vmem>>
        %dma_start3A_351 = tpu.memref_squeeze %dma_start3A_350 : memref<1x2x128xi32, #tpu.memory_space<vmem>> -> memref<2x128xi32, #tpu.memory_space<vmem>>
        %dma_start3A_352 = arith.constant 0 : i32
        %dma_start3A_353 = arith.constant 0 : i32
        %dma_start3A_354 = tpu.memref_slice %arg3[%add3A_338, %dma_start3A_352, %dma_start3A_353] : memref<3200x2x128xi32, #tpu.memory_space<hbm>> -> memref<1x2x128xi32, #tpu.memory_space<hbm>>
        %dma_start3A_355 = tpu.memref_squeeze %dma_start3A_354 : memref<1x2x128xi32, #tpu.memory_space<hbm>> -> memref<2x128xi32, #tpu.memory_space<hbm>>
        tpu.enqueue_dma source(%dma_start3A_355 : memref<2x128xi32, #tpu.memory_space<hbm>>) target(%dma_start3A_351 : memref<2x128xi32, #tpu.memory_space<vmem>>) target_semaphore(%arg11 : memref<!tpu.dma_semaphore, #tpu.memory_space<semaphore_mem>>)
        %add3A_356 = arith.constant 2 : i32
        %add3A_357 = arith.addi %add3A_319, %add3A_356 : i32
        %add3A_358 = arith.addi %mul3A_2, %add3A_357 : i32
        %dma_wait3A_359 = arith.constant 0 : i32
        %dma_wait3A_360 = arith.constant 0 : i32
        %dma_wait3A_361 = arith.constant 0 : i32
        %dma_wait3A_362 = tpu.memref_slice %arg6[%dma_wait3A_359, %dma_wait3A_360, %dma_wait3A_361] : memref<4x2x128xi32, #tpu.memory_space<vmem>> -> memref<1x2x128xi32, #tpu.memory_space<vmem>>
        %dma_wait3A_363 = tpu.memref_squeeze %dma_wait3A_362 : memref<1x2x128xi32, #tpu.memory_space<vmem>> -> memref<2x128xi32, #tpu.memory_space<vmem>>
        %dma_wait3A_364 = arith.constant 0 : i32
        %dma_wait3A_365 = arith.constant 0 : i32
        %dma_wait3A_366 = tpu.memref_slice %arg3[%add3A_358, %dma_wait3A_364, %dma_wait3A_365] : memref<3200x2x128xi32, #tpu.memory_space<hbm>> -> memref<1x2x128xi32, #tpu.memory_space<hbm>>
        %dma_wait3A_367 = tpu.memref_squeeze %dma_wait3A_366 : memref<1x2x128xi32, #tpu.memory_space<hbm>> -> memref<2x128xi32, #tpu.memory_space<hbm>>
        %dma_wait3A_368 = arith.constant 0 : i32
        %dma_wait3A_369 = arith.constant 0 : i32
        %dma_wait3A_370 = tpu.memref_slice %arg6[%dma_wait3A_359, %dma_wait3A_368, %dma_wait3A_369] : memref<4x2x128xi32, #tpu.memory_space<vmem>> -> memref<1x2x128xi32, #tpu.memory_space<vmem>>
        %dma_wait3A_371 = tpu.memref_squeeze %dma_wait3A_370 : memref<1x2x128xi32, #tpu.memory_space<vmem>> -> memref<2x128xi32, #tpu.memory_space<vmem>>
        %dma_wait3A_372 = arith.constant 0 : i32
        %dma_wait3A_373 = arith.constant 0 : i32
        %dma_wait3A_374 = tpu.memref_slice %arg3[%add3A_358, %dma_wait3A_372, %dma_wait3A_373] : memref<3200x2x128xi32, #tpu.memory_space<hbm>> -> memref<1x2x128xi32, #tpu.memory_space<hbm>>
        %dma_wait3A_375 = tpu.memref_squeeze %dma_wait3A_374 : memref<1x2x128xi32, #tpu.memory_space<hbm>> -> memref<2x128xi32, #tpu.memory_space<hbm>>
        tpu.wait_dma2 semaphore(%arg9 : memref<!tpu.dma_semaphore, #tpu.memory_space<semaphore_mem>>) src(%dma_wait3A_375 : memref<2x128xi32, #tpu.memory_space<hbm>>) dst(%dma_wait3A_371 : memref<2x128xi32, #tpu.memory_space<vmem>>)
        %dma_start3A_376 = arith.constant 0 : i32
        %dma_start3A_377 = arith.constant 0 : i32
        %dma_start3A_378 = arith.constant 0 : i32
        %dma_start3A_379 = arith.constant 0 : i32
        %dma_start3A_380 = arith.constant 0 : i32
        %dma_start3A_381 = tpu.memref_slice %arg7[%dma_start3A_378, %dma_start3A_379, %dma_start3A_380] : memref<2x128x128xf32, #tpu.memory_space<vmem>> -> memref<1x128x128xf32, #tpu.memory_space<vmem>>
        %dma_start3A_382 = tpu.memref_squeeze %dma_start3A_381 : memref<1x128x128xf32, #tpu.memory_space<vmem>> -> memref<128x128xf32, #tpu.memory_space<vmem>>
        %dma_start3A_383 = arith.constant 0 : i32
        %dma_start3A_384 = tpu.memref_slice %arg6[%dma_start3A_376, %dma_start3A_377, %dma_start3A_383] : memref<4x2x128xi32, #tpu.memory_space<vmem>> -> memref<1x1x128xi32, #tpu.memory_space<vmem>>
        %dma_start3A_385 = tpu.memref_squeeze %dma_start3A_384 : memref<1x1x128xi32, #tpu.memory_space<vmem>> -> memref<128xi32, #tpu.memory_space<vmem>>
        %dma_start3A_386 = arith.constant 0 : i32
        %dma_start3A_387 = arith.constant 0 : i32
        %dma_start3A_388 = tpu.memref_slice %arg2[%dma_start3A_386, %dma_start3A_387] : memref<10000x128xf32, #tpu.memory_space<hbm>> -> memref<10000x128xf32, #tpu.memory_space<hbm>>
        tpu.enqueue_indirect_dma source(%dma_start3A_388 : memref<10000x128xf32, #tpu.memory_space<hbm>>) target(%dma_start3A_382 : memref<128x128xf32, #tpu.memory_space<vmem>>) offsets(%dma_start3A_385 : memref<128xi32, #tpu.memory_space<vmem>>) semaphore(%arg13 : memref<!tpu.dma_semaphore, #tpu.memory_space<semaphore_mem>>)
        %add3A_389 = arith.constant 3 : i32
        %add3A_390 = arith.addi %mul3A_176, %add3A_389 : i32
        %dma_wait3A_391 = arith.constant 3 : i32
        %dma_wait3A_392 = arith.constant 0 : i32
        %dma_wait3A_393 = arith.constant 1 : i32
        %dma_wait3A_394 = arith.constant 0 : i32
        %dma_wait3A_395 = arith.constant 0 : i32
        %dma_wait3A_396 = tpu.memref_slice %arg7[%dma_wait3A_393, %dma_wait3A_394, %dma_wait3A_395] : memref<2x128x128xf32, #tpu.memory_space<vmem>> -> memref<1x128x128xf32, #tpu.memory_space<vmem>>
        %dma_wait3A_397 = tpu.memref_squeeze %dma_wait3A_396 : memref<1x128x128xf32, #tpu.memory_space<vmem>> -> memref<128x128xf32, #tpu.memory_space<vmem>>
        %dma_wait3A_398 = arith.constant 0 : i32
        %dma_wait3A_399 = tpu.memref_slice %arg6[%dma_wait3A_391, %dma_wait3A_392, %dma_wait3A_398] : memref<4x2x128xi32, #tpu.memory_space<vmem>> -> memref<1x1x128xi32, #tpu.memory_space<vmem>>
        %dma_wait3A_400 = tpu.memref_squeeze %dma_wait3A_399 : memref<1x1x128xi32, #tpu.memory_space<vmem>> -> memref<128xi32, #tpu.memory_space<vmem>>
        %dma_wait3A_401 = arith.constant 0 : i32
        %dma_wait3A_402 = arith.constant 0 : i32
        %dma_wait3A_403 = tpu.memref_slice %arg2[%dma_wait3A_401, %dma_wait3A_402] : memref<10000x128xf32, #tpu.memory_space<hbm>> -> memref<10000x128xf32, #tpu.memory_space<hbm>>
        tpu.wait_indirect_dma semaphore(%arg14 : memref<!tpu.dma_semaphore, #tpu.memory_space<semaphore_mem>>) src(%dma_wait3A_403 : memref<10000x128xf32, #tpu.memory_space<hbm>>) dst(%dma_wait3A_397 : memref<128x128xf32, #tpu.memory_space<vmem>>)
        %run_scoped3A_404 = arith.constant 1 : i32
        %run_scoped3A_405 = arith.constant 3 : i32
        %run_scoped3A_406 = arith.constant 1 : i32
        "tpu.region"() ({
          %run_scoped3A_460 = tpu.sem_alloc : memref<!tpu.dma_semaphore, #tpu.memory_space<semaphore_mem>>
          %dma_start3A_461 = arith.constant 0 : i32
          %dma_start3A_462 = arith.constant 0 : i32
          %dma_start3A_463 = tpu.memref_slice %arg7[%run_scoped3A_404, %dma_start3A_461, %dma_start3A_462] : memref<2x128x128xf32, #tpu.memory_space<vmem>> -> memref<1x128x128xf32, #tpu.memory_space<vmem>>
          %dma_start3A_464 = tpu.memref_squeeze %dma_start3A_463 : memref<1x128x128xf32, #tpu.memory_space<vmem>> -> memref<128x128xf32, #tpu.memory_space<vmem>>
          %dma_start3A_465 = arith.constant 0 : i32
          %dma_start3A_466 = tpu.memref_slice %arg6[%run_scoped3A_405, %run_scoped3A_406, %dma_start3A_465] : memref<4x2x128xi32, #tpu.memory_space<vmem>> -> memref<1x1x128xi32, #tpu.memory_space<vmem>>
          %dma_start3A_467 = tpu.memref_squeeze %dma_start3A_466 : memref<1x1x128xi32, #tpu.memory_space<vmem>> -> memref<128xi32, #tpu.memory_space<vmem>>
          %dma_start3A_468 = arith.constant 0 : i32
          %dma_start3A_469 = arith.constant 0 : i32
          %dma_start3A_470 = tpu.memref_slice %arg8[%dma_start3A_468, %dma_start3A_469] : memref<10112x128xf32, #tpu.memory_space<vmem_shared>> -> memref<10112x128xf32, #tpu.memory_space<vmem_shared>>
          tpu.enqueue_indirect_dma source(%dma_start3A_464 : memref<128x128xf32, #tpu.memory_space<vmem>>) target(%dma_start3A_470 : memref<10112x128xf32, #tpu.memory_space<vmem_shared>>) offsets(%dma_start3A_467 : memref<128xi32, #tpu.memory_space<vmem>>) semaphore(%run_scoped3A_460 : memref<!tpu.dma_semaphore, #tpu.memory_space<semaphore_mem>>) {add = true}
          %dma_wait3A_471 = arith.constant 0 : i32
          %dma_wait3A_472 = arith.constant 0 : i32
          %dma_wait3A_473 = tpu.memref_slice %arg7[%run_scoped3A_404, %dma_wait3A_471, %dma_wait3A_472] : memref<2x128x128xf32, #tpu.memory_space<vmem>> -> memref<1x128x128xf32, #tpu.memory_space<vmem>>
          %dma_wait3A_474 = tpu.memref_squeeze %dma_wait3A_473 : memref<1x128x128xf32, #tpu.memory_space<vmem>> -> memref<128x128xf32, #tpu.memory_space<vmem>>
          %dma_wait3A_475 = arith.constant 0 : i32
          %dma_wait3A_476 = tpu.memref_slice %arg6[%run_scoped3A_405, %run_scoped3A_406, %dma_wait3A_475] : memref<4x2x128xi32, #tpu.memory_space<vmem>> -> memref<1x1x128xi32, #tpu.memory_space<vmem>>
          %dma_wait3A_477 = tpu.memref_squeeze %dma_wait3A_476 : memref<1x1x128xi32, #tpu.memory_space<vmem>> -> memref<128xi32, #tpu.memory_space<vmem>>
          %dma_wait3A_478 = arith.constant 0 : i32
          %dma_wait3A_479 = arith.constant 0 : i32
          %dma_wait3A_480 = tpu.memref_slice %arg8[%dma_wait3A_478, %dma_wait3A_479] : memref<10112x128xf32, #tpu.memory_space<vmem_shared>> -> memref<10112x128xf32, #tpu.memory_space<vmem_shared>>
          tpu.wait_indirect_dma semaphore(%run_scoped3A_460 : memref<!tpu.dma_semaphore, #tpu.memory_space<semaphore_mem>>) src(%dma_wait3A_474 : memref<128x128xf32, #tpu.memory_space<vmem>>) dst(%dma_wait3A_480 : memref<10112x128xf32, #tpu.memory_space<vmem_shared>>)
          tpu.yield
        }) : () -> ()
        %add3A_407 = arith.constant 4 : i32
        %add3A_408 = arith.addi %add3A_390, %add3A_407 : i32
        %add3A_409 = arith.addi %mul3A_2, %add3A_408 : i32
        %dma_start3A_410 = arith.constant 3 : i32
        %dma_start3A_411 = arith.constant 0 : i32
        %dma_start3A_412 = arith.constant 0 : i32
        %dma_start3A_413 = tpu.memref_slice %arg6[%dma_start3A_410, %dma_start3A_411, %dma_start3A_412] : memref<4x2x128xi32, #tpu.memory_space<vmem>> -> memref<1x2x128xi32, #tpu.memory_space<vmem>>
        %dma_start3A_414 = tpu.memref_squeeze %dma_start3A_413 : memref<1x2x128xi32, #tpu.memory_space<vmem>> -> memref<2x128xi32, #tpu.memory_space<vmem>>
        %dma_start3A_415 = arith.constant 0 : i32
        %dma_start3A_416 = arith.constant 0 : i32
        %dma_start3A_417 = tpu.memref_slice %arg3[%add3A_409, %dma_start3A_415, %dma_start3A_416] : memref<3200x2x128xi32, #tpu.memory_space<hbm>> -> memref<1x2x128xi32, #tpu.memory_space<hbm>>
        %dma_start3A_418 = tpu.memref_squeeze %dma_start3A_417 : memref<1x2x128xi32, #tpu.memory_space<hbm>> -> memref<2x128xi32, #tpu.memory_space<hbm>>
        %dma_start3A_419 = arith.constant 0 : i32
        %dma_start3A_420 = arith.constant 0 : i32
        %dma_start3A_421 = tpu.memref_slice %arg6[%dma_start3A_410, %dma_start3A_419, %dma_start3A_420] : memref<4x2x128xi32, #tpu.memory_space<vmem>> -> memref<1x2x128xi32, #tpu.memory_space<vmem>>
        %dma_start3A_422 = tpu.memref_squeeze %dma_start3A_421 : memref<1x2x128xi32, #tpu.memory_space<vmem>> -> memref<2x128xi32, #tpu.memory_space<vmem>>
        %dma_start3A_423 = arith.constant 0 : i32
        %dma_start3A_424 = arith.constant 0 : i32
        %dma_start3A_425 = tpu.memref_slice %arg3[%add3A_409, %dma_start3A_423, %dma_start3A_424] : memref<3200x2x128xi32, #tpu.memory_space<hbm>> -> memref<1x2x128xi32, #tpu.memory_space<hbm>>
        %dma_start3A_426 = tpu.memref_squeeze %dma_start3A_425 : memref<1x2x128xi32, #tpu.memory_space<hbm>> -> memref<2x128xi32, #tpu.memory_space<hbm>>
        tpu.enqueue_dma source(%dma_start3A_426 : memref<2x128xi32, #tpu.memory_space<hbm>>) target(%dma_start3A_422 : memref<2x128xi32, #tpu.memory_space<vmem>>) target_semaphore(%arg12 : memref<!tpu.dma_semaphore, #tpu.memory_space<semaphore_mem>>)
        %add3A_427 = arith.constant 2 : i32
        %add3A_428 = arith.addi %add3A_390, %add3A_427 : i32
        %add3A_429 = arith.addi %mul3A_2, %add3A_428 : i32
        %dma_wait3A_430 = arith.constant 1 : i32
        %dma_wait3A_431 = arith.constant 0 : i32
        %dma_wait3A_432 = arith.constant 0 : i32
        %dma_wait3A_433 = tpu.memref_slice %arg6[%dma_wait3A_430, %dma_wait3A_431, %dma_wait3A_432] : memref<4x2x128xi32, #tpu.memory_space<vmem>> -> memref<1x2x128xi32, #tpu.memory_space<vmem>>
        %dma_wait3A_434 = tpu.memref_squeeze %dma_wait3A_433 : memref<1x2x128xi32, #tpu.memory_space<vmem>> -> memref<2x128xi32, #tpu.memory_space<vmem>>
        %dma_wait3A_435 = arith.constant 0 : i32
        %dma_wait3A_436 = arith.constant 0 : i32
        %dma_wait3A_437 = tpu.memref_slice %arg3[%add3A_429, %dma_wait3A_435, %dma_wait3A_436] : memref<3200x2x128xi32, #tpu.memory_space<hbm>> -> memref<1x2x128xi32, #tpu.memory_space<hbm>>
        %dma_wait3A_438 = tpu.memref_squeeze %dma_wait3A_437 : memref<1x2x128xi32, #tpu.memory_space<hbm>> -> memref<2x128xi32, #tpu.memory_space<hbm>>
        %dma_wait3A_439 = arith.constant 0 : i32
        %dma_wait3A_440 = arith.constant 0 : i32
        %dma_wait3A_441 = tpu.memref_slice %arg6[%dma_wait3A_430, %dma_wait3A_439, %dma_wait3A_440] : memref<4x2x128xi32, #tpu.memory_space<vmem>> -> memref<1x2x128xi32, #tpu.memory_space<vmem>>
        %dma_wait3A_442 = tpu.memref_squeeze %dma_wait3A_441 : memref<1x2x128xi32, #tpu.memory_space<vmem>> -> memref<2x128xi32, #tpu.memory_space<vmem>>
        %dma_wait3A_443 = arith.constant 0 : i32
        %dma_wait3A_444 = arith.constant 0 : i32
        %dma_wait3A_445 = tpu.memref_slice %arg3[%add3A_429, %dma_wait3A_443, %dma_wait3A_444] : memref<3200x2x128xi32, #tpu.memory_space<hbm>> -> memref<1x2x128xi32, #tpu.memory_space<hbm>>
        %dma_wait3A_446 = tpu.memref_squeeze %dma_wait3A_445 : memref<1x2x128xi32, #tpu.memory_space<hbm>> -> memref<2x128xi32, #tpu.memory_space<hbm>>
        tpu.wait_dma2 semaphore(%arg10 : memref<!tpu.dma_semaphore, #tpu.memory_space<semaphore_mem>>) src(%dma_wait3A_446 : memref<2x128xi32, #tpu.memory_space<hbm>>) dst(%dma_wait3A_442 : memref<2x128xi32, #tpu.memory_space<vmem>>)
        %dma_start3A_447 = arith.constant 1 : i32
        %dma_start3A_448 = arith.constant 0 : i32
        %dma_start3A_449 = arith.constant 1 : i32
        %dma_start3A_450 = arith.constant 0 : i32
        %dma_start3A_451 = arith.constant 0 : i32
        %dma_start3A_452 = tpu.memref_slice %arg7[%dma_start3A_449, %dma_start3A_450, %dma_start3A_451] : memref<2x128x128xf32, #tpu.memory_space<vmem>> -> memref<1x128x128xf32, #tpu.memory_space<vmem>>
        %dma_start3A_453 = tpu.memref_squeeze %dma_start3A_452 : memref<1x128x128xf32, #tpu.memory_space<vmem>> -> memref<128x128xf32, #tpu.memory_space<vmem>>
        %dma_start3A_454 = arith.constant 0 : i32
        %dma_start3A_455 = tpu.memref_slice %arg6[%dma_start3A_447, %dma_start3A_448, %dma_start3A_454] : memref<4x2x128xi32, #tpu.memory_space<vmem>> -> memref<1x1x128xi32, #tpu.memory_space<vmem>>
        %dma_start3A_456 = tpu.memref_squeeze %dma_start3A_455 : memref<1x1x128xi32, #tpu.memory_space<vmem>> -> memref<128xi32, #tpu.memory_space<vmem>>
        %dma_start3A_457 = arith.constant 0 : i32
        %dma_start3A_458 = arith.constant 0 : i32
        %dma_start3A_459 = tpu.memref_slice %arg2[%dma_start3A_457, %dma_start3A_458] : memref<10000x128xf32, #tpu.memory_space<hbm>> -> memref<10000x128xf32, #tpu.memory_space<hbm>>
        tpu.enqueue_indirect_dma source(%dma_start3A_459 : memref<10000x128xf32, #tpu.memory_space<hbm>>) target(%dma_start3A_453 : memref<128x128xf32, #tpu.memory_space<vmem>>) offsets(%dma_start3A_456 : memref<128xi32, #tpu.memory_space<vmem>>) semaphore(%arg14 : memref<!tpu.dma_semaphore, #tpu.memory_space<semaphore_mem>>)
      }
      %while3A_107 = arith.constant 1 : i32
      scf.for %while3A_174 = %while3A_105 to %while3A_101 step %while3A_107  : i32 {
        %mul3A_175 = arith.constant 4 : i32
        %mul3A_176 = arith.muli %while3A_174, %mul3A_175 : i32
        %add3A_177 = arith.constant 0 : i32
        %add3A_178 = arith.addi %mul3A_176, %add3A_177 : i32
        %dma_wait3A_179 = arith.constant 0 : i32
        %dma_wait3A_180 = arith.constant 0 : i32
        %dma_wait3A_181 = arith.constant 0 : i32
        %dma_wait3A_182 = arith.constant 0 : i32
        %dma_wait3A_183 = arith.constant 0 : i32
        %dma_wait3A_184 = tpu.memref_slice %arg7[%dma_wait3A_181, %dma_wait3A_182, %dma_wait3A_183] : memref<2x128x128xf32, #tpu.memory_space<vmem>> -> memref<1x128x128xf32, #tpu.memory_space<vmem>>
        %dma_wait3A_185 = tpu.memref_squeeze %dma_wait3A_184 : memref<1x128x128xf32, #tpu.memory_space<vmem>> -> memref<128x128xf32, #tpu.memory_space<vmem>>
        %dma_wait3A_186 = arith.constant 0 : i32
        %dma_wait3A_187 = tpu.memref_slice %arg6[%dma_wait3A_179, %dma_wait3A_180, %dma_wait3A_186] : memref<4x2x128xi32, #tpu.memory_space<vmem>> -> memref<1x1x128xi32, #tpu.memory_space<vmem>>
        %dma_wait3A_188 = tpu.memref_squeeze %dma_wait3A_187 : memref<1x1x128xi32, #tpu.memory_space<vmem>> -> memref<128xi32, #tpu.memory_space<vmem>>
        %dma_wait3A_189 = arith.constant 0 : i32
        %dma_wait3A_190 = arith.constant 0 : i32
        %dma_wait3A_191 = tpu.memref_slice %arg2[%dma_wait3A_189, %dma_wait3A_190] : memref<10000x128xf32, #tpu.memory_space<hbm>> -> memref<10000x128xf32, #tpu.memory_space<hbm>>
        tpu.wait_indirect_dma semaphore(%arg13 : memref<!tpu.dma_semaphore, #tpu.memory_space<semaphore_mem>>) src(%dma_wait3A_191 : memref<10000x128xf32, #tpu.memory_space<hbm>>) dst(%dma_wait3A_185 : memref<128x128xf32, #tpu.memory_space<vmem>>)
        %run_scoped3A = arith.constant 0 : i32
        %run_scoped3A_192 = arith.constant 0 : i32
        %run_scoped3A_193 = arith.constant 1 : i32
        "tpu.region"() ({
          %run_scoped3A_460 = tpu.sem_alloc : memref<!tpu.dma_semaphore, #tpu.memory_space<semaphore_mem>>
          %dma_start3A_461 = arith.constant 0 : i32
          %dma_start3A_462 = arith.constant 0 : i32
          %dma_start3A_463 = tpu.memref_slice %arg7[%run_scoped3A, %dma_start3A_461, %dma_start3A_462] : memref<2x128x128xf32, #tpu.memory_space<vmem>> -> memref<1x128x128xf32, #tpu.memory_space<vmem>>
          %dma_start3A_464 = tpu.memref_squeeze %dma_start3A_463 : memref<1x128x128xf32, #tpu.memory_space<vmem>> -> memref<128x128xf32, #tpu.memory_space<vmem>>
          %dma_start3A_465 = arith.constant 0 : i32
          %dma_start3A_466 = tpu.memref_slice %arg6[%run_scoped3A_192, %run_scoped3A_193, %dma_start3A_465] : memref<4x2x128xi32, #tpu.memory_space<vmem>> -> memref<1x1x128xi32, #tpu.memory_space<vmem>>
          %dma_start3A_467 = tpu.memref_squeeze %dma_start3A_466 : memref<1x1x128xi32, #tpu.memory_space<vmem>> -> memref<128xi32, #tpu.memory_space<vmem>>
          %dma_start3A_468 = arith.constant 0 : i32
          %dma_start3A_469 = arith.constant 0 : i32
          %dma_start3A_470 = tpu.memref_slice %arg8[%dma_start3A_468, %dma_start3A_469] : memref<10112x128xf32, #tpu.memory_space<vmem_shared>> -> memref<10112x128xf32, #tpu.memory_space<vmem_shared>>
          tpu.enqueue_indirect_dma source(%dma_start3A_464 : memref<128x128xf32, #tpu.memory_space<vmem>>) target(%dma_start3A_470 : memref<10112x128xf32, #tpu.memory_space<vmem_shared>>) offsets(%dma_start3A_467 : memref<128xi32, #tpu.memory_space<vmem>>) semaphore(%run_scoped3A_460 : memref<!tpu.dma_semaphore, #tpu.memory_space<semaphore_mem>>) {add = true}
          %dma_wait3A_471 = arith.constant 0 : i32
          %dma_wait3A_472 = arith.constant 0 : i32
          %dma_wait3A_473 = tpu.memref_slice %arg7[%run_scoped3A, %dma_wait3A_471, %dma_wait3A_472] : memref<2x128x128xf32, #tpu.memory_space<vmem>> -> memref<1x128x128xf32, #tpu.memory_space<vmem>>
          %dma_wait3A_474 = tpu.memref_squeeze %dma_wait3A_473 : memref<1x128x128xf32, #tpu.memory_space<vmem>> -> memref<128x128xf32, #tpu.memory_space<vmem>>
          %dma_wait3A_475 = arith.constant 0 : i32
          %dma_wait3A_476 = tpu.memref_slice %arg6[%run_scoped3A_192, %run_scoped3A_193, %dma_wait3A_475] : memref<4x2x128xi32, #tpu.memory_space<vmem>> -> memref<1x1x128xi32, #tpu.memory_space<vmem>>
          %dma_wait3A_477 = tpu.memref_squeeze %dma_wait3A_476 : memref<1x1x128xi32, #tpu.memory_space<vmem>> -> memref<128xi32, #tpu.memory_space<vmem>>
          %dma_wait3A_478 = arith.constant 0 : i32
          %dma_wait3A_479 = arith.constant 0 : i32
          %dma_wait3A_480 = tpu.memref_slice %arg8[%dma_wait3A_478, %dma_wait3A_479] : memref<10112x128xf32, #tpu.memory_space<vmem_shared>> -> memref<10112x128xf32, #tpu.memory_space<vmem_shared>>
          tpu.wait_indirect_dma semaphore(%run_scoped3A_460 : memref<!tpu.dma_semaphore, #tpu.memory_space<semaphore_mem>>) src(%dma_wait3A_474 : memref<128x128xf32, #tpu.memory_space<vmem>>) dst(%dma_wait3A_480 : memref<10112x128xf32, #tpu.memory_space<vmem_shared>>)
          tpu.yield
        }) : () -> ()
        %add3A_194 = arith.constant 4 : i32
        %add3A_195 = arith.addi %add3A_178, %add3A_194 : i32
        %add3A_196 = arith.addi %mul3A_2, %add3A_195 : i32
        %dma_start3A_197 = arith.constant 0 : i32
        %dma_start3A_198 = arith.constant 0 : i32
        %dma_start3A_199 = arith.constant 0 : i32
        %dma_start3A_200 = tpu.memref_slice %arg6[%dma_start3A_197, %dma_start3A_198, %dma_start3A_199] : memref<4x2x128xi32, #tpu.memory_space<vmem>> -> memref<1x2x128xi32, #tpu.memory_space<vmem>>
        %dma_start3A_201 = tpu.memref_squeeze %dma_start3A_200 : memref<1x2x128xi32, #tpu.memory_space<vmem>> -> memref<2x128xi32, #tpu.memory_space<vmem>>
        %dma_start3A_202 = arith.constant 0 : i32
        %dma_start3A_203 = arith.constant 0 : i32
        %dma_start3A_204 = tpu.memref_slice %arg3[%add3A_196, %dma_start3A_202, %dma_start3A_203] : memref<3200x2x128xi32, #tpu.memory_space<hbm>> -> memref<1x2x128xi32, #tpu.memory_space<hbm>>
        %dma_start3A_205 = tpu.memref_squeeze %dma_start3A_204 : memref<1x2x128xi32, #tpu.memory_space<hbm>> -> memref<2x128xi32, #tpu.memory_space<hbm>>
        %dma_start3A_206 = arith.constant 0 : i32
        %dma_start3A_207 = arith.constant 0 : i32
        %dma_start3A_208 = tpu.memref_slice %arg6[%dma_start3A_197, %dma_start3A_206, %dma_start3A_207] : memref<4x2x128xi32, #tpu.memory_space<vmem>> -> memref<1x2x128xi32, #tpu.memory_space<vmem>>
        %dma_start3A_209 = tpu.memref_squeeze %dma_start3A_208 : memref<1x2x128xi32, #tpu.memory_space<vmem>> -> memref<2x128xi32, #tpu.memory_space<vmem>>
        %dma_start3A_210 = arith.constant 0 : i32
        %dma_start3A_211 = arith.constant 0 : i32
        %dma_start3A_212 = tpu.memref_slice %arg3[%add3A_196, %dma_start3A_210, %dma_start3A_211] : memref<3200x2x128xi32, #tpu.memory_space<hbm>> -> memref<1x2x128xi32, #tpu.memory_space<hbm>>
        %dma_start3A_213 = tpu.memref_squeeze %dma_start3A_212 : memref<1x2x128xi32, #tpu.memory_space<hbm>> -> memref<2x128xi32, #tpu.memory_space<hbm>>
        tpu.enqueue_dma source(%dma_start3A_213 : memref<2x128xi32, #tpu.memory_space<hbm>>) target(%dma_start3A_209 : memref<2x128xi32, #tpu.memory_space<vmem>>) target_semaphore(%arg9 : memref<!tpu.dma_semaphore, #tpu.memory_space<semaphore_mem>>)
        %add3A_214 = arith.constant 2 : i32
        %add3A_215 = arith.addi %add3A_178, %add3A_214 : i32
        %add3A_216 = arith.addi %mul3A_2, %add3A_215 : i32
        %dma_wait3A_217 = arith.constant 2 : i32
        %dma_wait3A_218 = arith.constant 0 : i32
        %dma_wait3A_219 = arith.constant 0 : i32
        %dma_wait3A_220 = tpu.memref_slice %arg6[%dma_wait3A_217, %dma_wait3A_218, %dma_wait3A_219] : memref<4x2x128xi32, #tpu.memory_space<vmem>> -> memref<1x2x128xi32, #tpu.memory_space<vmem>>
        %dma_wait3A_221 = tpu.memref_squeeze %dma_wait3A_220 : memref<1x2x128xi32, #tpu.memory_space<vmem>> -> memref<2x128xi32, #tpu.memory_space<vmem>>
        %dma_wait3A_222 = arith.constant 0 : i32
        %dma_wait3A_223 = arith.constant 0 : i32
        %dma_wait3A_224 = tpu.memref_slice %arg3[%add3A_216, %dma_wait3A_222, %dma_wait3A_223] : memref<3200x2x128xi32, #tpu.memory_space<hbm>> -> memref<1x2x128xi32, #tpu.memory_space<hbm>>
        %dma_wait3A_225 = tpu.memref_squeeze %dma_wait3A_224 : memref<1x2x128xi32, #tpu.memory_space<hbm>> -> memref<2x128xi32, #tpu.memory_space<hbm>>
        %dma_wait3A_226 = arith.constant 0 : i32
        %dma_wait3A_227 = arith.constant 0 : i32
        %dma_wait3A_228 = tpu.memref_slice %arg6[%dma_wait3A_217, %dma_wait3A_226, %dma_wait3A_227] : memref<4x2x128xi32, #tpu.memory_space<vmem>> -> memref<1x2x128xi32, #tpu.memory_space<vmem>>
        %dma_wait3A_229 = tpu.memref_squeeze %dma_wait3A_228 : memref<1x2x128xi32, #tpu.memory_space<vmem>> -> memref<2x128xi32, #tpu.memory_space<vmem>>
        %dma_wait3A_230 = arith.constant 0 : i32
        %dma_wait3A_231 = arith.constant 0 : i32
        %dma_wait3A_232 = tpu.memref_slice %arg3[%add3A_216, %dma_wait3A_230, %dma_wait3A_231] : memref<3200x2x128xi32, #tpu.memory_space<hbm>> -> memref<1x2x128xi32, #tpu.memory_space<hbm>>
        %dma_wait3A_233 = tpu.memref_squeeze %dma_wait3A_232 : memref<1x2x128xi32, #tpu.memory_space<hbm>> -> memref<2x128xi32, #tpu.memory_space<hbm>>
        tpu.wait_dma2 semaphore(%arg11 : memref<!tpu.dma_semaphore, #tpu.memory_space<semaphore_mem>>) src(%dma_wait3A_233 : memref<2x128xi32, #tpu.memory_space<hbm>>) dst(%dma_wait3A_229 : memref<2x128xi32, #tpu.memory_space<vmem>>)
        %dma_start3A_234 = arith.constant 2 : i32
        %dma_start3A_235 = arith.constant 0 : i32
        %dma_start3A_236 = arith.constant 0 : i32
        %dma_start3A_237 = arith.constant 0 : i32
        %dma_start3A_238 = arith.constant 0 : i32
        %dma_start3A_239 = tpu.memref_slice %arg7[%dma_start3A_236, %dma_start3A_237, %dma_start3A_238] : memref<2x128x128xf32, #tpu.memory_space<vmem>> -> memref<1x128x128xf32, #tpu.memory_space<vmem>>
        %dma_start3A_240 = tpu.memref_squeeze %dma_start3A_239 : memref<1x128x128xf32, #tpu.memory_space<vmem>> -> memref<128x128xf32, #tpu.memory_space<vmem>>
        %dma_start3A_241 = arith.constant 0 : i32
        %dma_start3A_242 = tpu.memref_slice %arg6[%dma_start3A_234, %dma_start3A_235, %dma_start3A_241] : memref<4x2x128xi32, #tpu.memory_space<vmem>> -> memref<1x1x128xi32, #tpu.memory_space<vmem>>
        %dma_start3A_243 = tpu.memref_squeeze %dma_start3A_242 : memref<1x1x128xi32, #tpu.memory_space<vmem>> -> memref<128xi32, #tpu.memory_space<vmem>>
        %dma_start3A_244 = arith.constant 0 : i32
        %dma_start3A_245 = arith.constant 0 : i32
        %dma_start3A_246 = tpu.memref_slice %arg2[%dma_start3A_244, %dma_start3A_245] : memref<10000x128xf32, #tpu.memory_space<hbm>> -> memref<10000x128xf32, #tpu.memory_space<hbm>>
        tpu.enqueue_indirect_dma source(%dma_start3A_246 : memref<10000x128xf32, #tpu.memory_space<hbm>>) target(%dma_start3A_240 : memref<128x128xf32, #tpu.memory_space<vmem>>) offsets(%dma_start3A_243 : memref<128xi32, #tpu.memory_space<vmem>>) semaphore(%arg13 : memref<!tpu.dma_semaphore, #tpu.memory_space<semaphore_mem>>)
        %add3A_247 = arith.constant 1 : i32
        %add3A_248 = arith.addi %mul3A_176, %add3A_247 : i32
        %dma_wait3A_249 = arith.constant 1 : i32
        %dma_wait3A_250 = arith.constant 0 : i32
        %dma_wait3A_251 = arith.constant 1 : i32
        %dma_wait3A_252 = arith.constant 0 : i32
        %dma_wait3A_253 = arith.constant 0 : i32
        %dma_wait3A_254 = tpu.memref_slice %arg7[%dma_wait3A_251, %dma_wait3A_252, %dma_wait3A_253] : memref<2x128x128xf32, #tpu.memory_space<vmem>> -> memref<1x128x128xf32, #tpu.memory_space<vmem>>
        %dma_wait3A_255 = tpu.memref_squeeze %dma_wait3A_254 : memref<1x128x128xf32, #tpu.memory_space<vmem>> -> memref<128x128xf32, #tpu.memory_space<vmem>>
        %dma_wait3A_256 = arith.constant 0 : i32
        %dma_wait3A_257 = tpu.memref_slice %arg6[%dma_wait3A_249, %dma_wait3A_250, %dma_wait3A_256] : memref<4x2x128xi32, #tpu.memory_space<vmem>> -> memref<1x1x128xi32, #tpu.memory_space<vmem>>
        %dma_wait3A_258 = tpu.memref_squeeze %dma_wait3A_257 : memref<1x1x128xi32, #tpu.memory_space<vmem>> -> memref<128xi32, #tpu.memory_space<vmem>>
        %dma_wait3A_259 = arith.constant 0 : i32
        %dma_wait3A_260 = arith.constant 0 : i32
        %dma_wait3A_261 = tpu.memref_slice %arg2[%dma_wait3A_259, %dma_wait3A_260] : memref<10000x128xf32, #tpu.memory_space<hbm>> -> memref<10000x128xf32, #tpu.memory_space<hbm>>
        tpu.wait_indirect_dma semaphore(%arg14 : memref<!tpu.dma_semaphore, #tpu.memory_space<semaphore_mem>>) src(%dma_wait3A_261 : memref<10000x128xf32, #tpu.memory_space<hbm>>) dst(%dma_wait3A_255 : memref<128x128xf32, #tpu.memory_space<vmem>>)
        %run_scoped3A_262 = arith.constant 1 : i32
        %run_scoped3A_263 = arith.constant 1 : i32
        %run_scoped3A_264 = arith.constant 1 : i32
        "tpu.region"() ({
          %run_scoped3A_460 = tpu.sem_alloc : memref<!tpu.dma_semaphore, #tpu.memory_space<semaphore_mem>>
          %dma_start3A_461 = arith.constant 0 : i32
          %dma_start3A_462 = arith.constant 0 : i32
          %dma_start3A_463 = tpu.memref_slice %arg7[%run_scoped3A_262, %dma_start3A_461, %dma_start3A_462] : memref<2x128x128xf32, #tpu.memory_space<vmem>> -> memref<1x128x128xf32, #tpu.memory_space<vmem>>
          %dma_start3A_464 = tpu.memref_squeeze %dma_start3A_463 : memref<1x128x128xf32, #tpu.memory_space<vmem>> -> memref<128x128xf32, #tpu.memory_space<vmem>>
          %dma_start3A_465 = arith.constant 0 : i32
          %dma_start3A_466 = tpu.memref_slice %arg6[%run_scoped3A_263, %run_scoped3A_264, %dma_start3A_465] : memref<4x2x128xi32, #tpu.memory_space<vmem>> -> memref<1x1x128xi32, #tpu.memory_space<vmem>>
          %dma_start3A_467 = tpu.memref_squeeze %dma_start3A_466 : memref<1x1x128xi32, #tpu.memory_space<vmem>> -> memref<128xi32, #tpu.memory_space<vmem>>
          %dma_start3A_468 = arith.constant 0 : i32
          %dma_start3A_469 = arith.constant 0 : i32
          %dma_start3A_470 = tpu.memref_slice %arg8[%dma_start3A_468, %dma_start3A_469] : memref<10112x128xf32, #tpu.memory_space<vmem_shared>> -> memref<10112x128xf32, #tpu.memory_space<vmem_shared>>
          tpu.enqueue_indirect_dma source(%dma_start3A_464 : memref<128x128xf32, #tpu.memory_space<vmem>>) target(%dma_start3A_470 : memref<10112x128xf32, #tpu.memory_space<vmem_shared>>) offsets(%dma_start3A_467 : memref<128xi32, #tpu.memory_space<vmem>>) semaphore(%run_scoped3A_460 : memref<!tpu.dma_semaphore, #tpu.memory_space<semaphore_mem>>) {add = true}
          %dma_wait3A_471 = arith.constant 0 : i32
          %dma_wait3A_472 = arith.constant 0 : i32
          %dma_wait3A_473 = tpu.memref_slice %arg7[%run_scoped3A_262, %dma_wait3A_471, %dma_wait3A_472] : memref<2x128x128xf32, #tpu.memory_space<vmem>> -> memref<1x128x128xf32, #tpu.memory_space<vmem>>
          %dma_wait3A_474 = tpu.memref_squeeze %dma_wait3A_473 : memref<1x128x128xf32, #tpu.memory_space<vmem>> -> memref<128x128xf32, #tpu.memory_space<vmem>>
          %dma_wait3A_475 = arith.constant 0 : i32
          %dma_wait3A_476 = tpu.memref_slice %arg6[%run_scoped3A_263, %run_scoped3A_264, %dma_wait3A_475] : memref<4x2x128xi32, #tpu.memory_space<vmem>> -> memref<1x1x128xi32, #tpu.memory_space<vmem>>
          %dma_wait3A_477 = tpu.memref_squeeze %dma_wait3A_476 : memref<1x1x128xi32, #tpu.memory_space<vmem>> -> memref<128xi32, #tpu.memory_space<vmem>>
          %dma_wait3A_478 = arith.constant 0 : i32
          %dma_wait3A_479 = arith.constant 0 : i32
          %dma_wait3A_480 = tpu.memref_slice %arg8[%dma_wait3A_478, %dma_wait3A_479] : memref<10112x128xf32, #tpu.memory_space<vmem_shared>> -> memref<10112x128xf32, #tpu.memory_space<vmem_shared>>
          tpu.wait_indirect_dma semaphore(%run_scoped3A_460 : memref<!tpu.dma_semaphore, #tpu.memory_space<semaphore_mem>>) src(%dma_wait3A_474 : memref<128x128xf32, #tpu.memory_space<vmem>>) dst(%dma_wait3A_480 : memref<10112x128xf32, #tpu.memory_space<vmem_shared>>)
          tpu.yield
        }) : () -> ()
        %add3A_265 = arith.constant 4 : i32
        %add3A_266 = arith.addi %add3A_248, %add3A_265 : i32
        %add3A_267 = arith.addi %mul3A_2, %add3A_266 : i32
        %dma_start3A_268 = arith.constant 1 : i32
        %dma_start3A_269 = arith.constant 0 : i32
        %dma_start3A_270 = arith.constant 0 : i32
        %dma_start3A_271 = tpu.memref_slice %arg6[%dma_start3A_268, %dma_start3A_269, %dma_start3A_270] : memref<4x2x128xi32, #tpu.memory_space<vmem>> -> memref<1x2x128xi32, #tpu.memory_space<vmem>>
        %dma_start3A_272 = tpu.memref_squeeze %dma_start3A_271 : memref<1x2x128xi32, #tpu.memory_space<vmem>> -> memref<2x128xi32, #tpu.memory_space<vmem>>
        %dma_start3A_273 = arith.constant 0 : i32
        %dma_start3A_274 = arith.constant 0 : i32
        %dma_start3A_275 = tpu.memref_slice %arg3[%add3A_267, %dma_start3A_273, %dma_start3A_274] : memref<3200x2x128xi32, #tpu.memory_space<hbm>> -> memref<1x2x128xi32, #tpu.memory_space<hbm>>
        %dma_start3A_276 = tpu.memref_squeeze %dma_start3A_275 : memref<1x2x128xi32, #tpu.memory_space<hbm>> -> memref<2x128xi32, #tpu.memory_space<hbm>>
        %dma_start3A_277 = arith.constant 0 : i32
        %dma_start3A_278 = arith.constant 0 : i32
        %dma_start3A_279 = tpu.memref_slice %arg6[%dma_start3A_268, %dma_start3A_277, %dma_start3A_278] : memref<4x2x128xi32, #tpu.memory_space<vmem>> -> memref<1x2x128xi32, #tpu.memory_space<vmem>>
        %dma_start3A_280 = tpu.memref_squeeze %dma_start3A_279 : memref<1x2x128xi32, #tpu.memory_space<vmem>> -> memref<2x128xi32, #tpu.memory_space<vmem>>
        %dma_start3A_281 = arith.constant 0 : i32
        %dma_start3A_282 = arith.constant 0 : i32
        %dma_start3A_283 = tpu.memref_slice %arg3[%add3A_267, %dma_start3A_281, %dma_start3A_282] : memref<3200x2x128xi32, #tpu.memory_space<hbm>> -> memref<1x2x128xi32, #tpu.memory_space<hbm>>
        %dma_start3A_284 = tpu.memref_squeeze %dma_start3A_283 : memref<1x2x128xi32, #tpu.memory_space<hbm>> -> memref<2x128xi32, #tpu.memory_space<hbm>>
        tpu.enqueue_dma source(%dma_start3A_284 : memref<2x128xi32, #tpu.memory_space<hbm>>) target(%dma_start3A_280 : memref<2x128xi32, #tpu.memory_space<vmem>>) target_semaphore(%arg10 : memref<!tpu.dma_semaphore, #tpu.memory_space<semaphore_mem>>)
        %add3A_285 = arith.constant 2 : i32
        %add3A_286 = arith.addi %add3A_248, %add3A_285 : i32
        %add3A_287 = arith.addi %mul3A_2, %add3A_286 : i32
        %dma_wait3A_288 = arith.constant 3 : i32
        %dma_wait3A_289 = arith.constant 0 : i32
        %dma_wait3A_290 = arith.constant 0 : i32
        %dma_wait3A_291 = tpu.memref_slice %arg6[%dma_wait3A_288, %dma_wait3A_289, %dma_wait3A_290] : memref<4x2x128xi32, #tpu.memory_space<vmem>> -> memref<1x2x128xi32, #tpu.memory_space<vmem>>
        %dma_wait3A_292 = tpu.memref_squeeze %dma_wait3A_291 : memref<1x2x128xi32, #tpu.memory_space<vmem>> -> memref<2x128xi32, #tpu.memory_space<vmem>>
        %dma_wait3A_293 = arith.constant 0 : i32
        %dma_wait3A_294 = arith.constant 0 : i32
        %dma_wait3A_295 = tpu.memref_slice %arg3[%add3A_287, %dma_wait3A_293, %dma_wait3A_294] : memref<3200x2x128xi32, #tpu.memory_space<hbm>> -> memref<1x2x128xi32, #tpu.memory_space<hbm>>
        %dma_wait3A_296 = tpu.memref_squeeze %dma_wait3A_295 : memref<1x2x128xi32, #tpu.memory_space<hbm>> -> memref<2x128xi32, #tpu.memory_space<hbm>>
        %dma_wait3A_297 = arith.constant 0 : i32
        %dma_wait3A_298 = arith.constant 0 : i32
        %dma_wait3A_299 = tpu.memref_slice %arg6[%dma_wait3A_288, %dma_wait3A_297, %dma_wait3A_298] : memref<4x2x128xi32, #tpu.memory_space<vmem>> -> memref<1x2x128xi32, #tpu.memory_space<vmem>>
        %dma_wait3A_300 = tpu.memref_squeeze %dma_wait3A_299 : memref<1x2x128xi32, #tpu.memory_space<vmem>> -> memref<2x128xi32, #tpu.memory_space<vmem>>
        %dma_wait3A_301 = arith.constant 0 : i32
        %dma_wait3A_302 = arith.constant 0 : i32
        %dma_wait3A_303 = tpu.memref_slice %arg3[%add3A_287, %dma_wait3A_301, %dma_wait3A_302] : memref<3200x2x128xi32, #tpu.memory_space<hbm>> -> memref<1x2x128xi32, #tpu.memory_space<hbm>>
        %dma_wait3A_304 = tpu.memref_squeeze %dma_wait3A_303 : memref<1x2x128xi32, #tpu.memory_space<hbm>> -> memref<2x128xi32, #tpu.memory_space<hbm>>
        tpu.wait_dma2 semaphore(%arg12 : memref<!tpu.dma_semaphore, #tpu.memory_space<semaphore_mem>>) src(%dma_wait3A_304 : memref<2x128xi32, #tpu.memory_space<hbm>>) dst(%dma_wait3A_300 : memref<2x128xi32, #tpu.memory_space<vmem>>)
        %dma_start3A_305 = arith.constant 3 : i32
        %dma_start3A_306 = arith.constant 0 : i32
        %dma_start3A_307 = arith.constant 1 : i32
        %dma_start3A_308 = arith.constant 0 : i32
        %dma_start3A_309 = arith.constant 0 : i32
        %dma_start3A_310 = tpu.memref_slice %arg7[%dma_start3A_307, %dma_start3A_308, %dma_start3A_309] : memref<2x128x128xf32, #tpu.memory_space<vmem>> -> memref<1x128x128xf32, #tpu.memory_space<vmem>>
        %dma_start3A_311 = tpu.memref_squeeze %dma_start3A_310 : memref<1x128x128xf32, #tpu.memory_space<vmem>> -> memref<128x128xf32, #tpu.memory_space<vmem>>
        %dma_start3A_312 = arith.constant 0 : i32
        %dma_start3A_313 = tpu.memref_slice %arg6[%dma_start3A_305, %dma_start3A_306, %dma_start3A_312] : memref<4x2x128xi32, #tpu.memory_space<vmem>> -> memref<1x1x128xi32, #tpu.memory_space<vmem>>
        %dma_start3A_314 = tpu.memref_squeeze %dma_start3A_313 : memref<1x1x128xi32, #tpu.memory_space<vmem>> -> memref<128xi32, #tpu.memory_space<vmem>>
        %dma_start3A_315 = arith.constant 0 : i32
        %dma_start3A_316 = arith.constant 0 : i32
        %dma_start3A_317 = tpu.memref_slice %arg2[%dma_start3A_315, %dma_start3A_316] : memref<10000x128xf32, #tpu.memory_space<hbm>> -> memref<10000x128xf32, #tpu.memory_space<hbm>>
        tpu.enqueue_indirect_dma source(%dma_start3A_317 : memref<10000x128xf32, #tpu.memory_space<hbm>>) target(%dma_start3A_311 : memref<128x128xf32, #tpu.memory_space<vmem>>) offsets(%dma_start3A_314 : memref<128xi32, #tpu.memory_space<vmem>>) semaphore(%arg14 : memref<!tpu.dma_semaphore, #tpu.memory_space<semaphore_mem>>)
        %add3A_318 = arith.constant 2 : i32
        %add3A_319 = arith.addi %mul3A_176, %add3A_318 : i32
        %dma_wait3A_320 = arith.constant 2 : i32
        %dma_wait3A_321 = arith.constant 0 : i32
        %dma_wait3A_322 = arith.constant 0 : i32
        %dma_wait3A_323 = arith.constant 0 : i32
        %dma_wait3A_324 = arith.constant 0 : i32
        %dma_wait3A_325 = tpu.memref_slice %arg7[%dma_wait3A_322, %dma_wait3A_323, %dma_wait3A_324] : memref<2x128x128xf32, #tpu.memory_space<vmem>> -> memref<1x128x128xf32, #tpu.memory_space<vmem>>
        %dma_wait3A_326 = tpu.memref_squeeze %dma_wait3A_325 : memref<1x128x128xf32, #tpu.memory_space<vmem>> -> memref<128x128xf32, #tpu.memory_space<vmem>>
        %dma_wait3A_327 = arith.constant 0 : i32
        %dma_wait3A_328 = tpu.memref_slice %arg6[%dma_wait3A_320, %dma_wait3A_321, %dma_wait3A_327] : memref<4x2x128xi32, #tpu.memory_space<vmem>> -> memref<1x1x128xi32, #tpu.memory_space<vmem>>
        %dma_wait3A_329 = tpu.memref_squeeze %dma_wait3A_328 : memref<1x1x128xi32, #tpu.memory_space<vmem>> -> memref<128xi32, #tpu.memory_space<vmem>>
        %dma_wait3A_330 = arith.constant 0 : i32
        %dma_wait3A_331 = arith.constant 0 : i32
        %dma_wait3A_332 = tpu.memref_slice %arg2[%dma_wait3A_330, %dma_wait3A_331] : memref<10000x128xf32, #tpu.memory_space<hbm>> -> memref<10000x128xf32, #tpu.memory_space<hbm>>
        tpu.wait_indirect_dma semaphore(%arg13 : memref<!tpu.dma_semaphore, #tpu.memory_space<semaphore_mem>>) src(%dma_wait3A_332 : memref<10000x128xf32, #tpu.memory_space<hbm>>) dst(%dma_wait3A_326 : memref<128x128xf32, #tpu.memory_space<vmem>>)
        %run_scoped3A_333 = arith.constant 0 : i32
        %run_scoped3A_334 = arith.constant 2 : i32
        %run_scoped3A_335 = arith.constant 1 : i32
        "tpu.region"() ({
          %run_scoped3A_460 = tpu.sem_alloc : memref<!tpu.dma_semaphore, #tpu.memory_space<semaphore_mem>>
          %dma_start3A_461 = arith.constant 0 : i32
          %dma_start3A_462 = arith.constant 0 : i32
          %dma_start3A_463 = tpu.memref_slice %arg7[%run_scoped3A_333, %dma_start3A_461, %dma_start3A_462] : memref<2x128x128xf32, #tpu.memory_space<vmem>> -> memref<1x128x128xf32, #tpu.memory_space<vmem>>
          %dma_start3A_464 = tpu.memref_squeeze %dma_start3A_463 : memref<1x128x128xf32, #tpu.memory_space<vmem>> -> memref<128x128xf32, #tpu.memory_space<vmem>>
          %dma_start3A_465 = arith.constant 0 : i32
          %dma_start3A_466 = tpu.memref_slice %arg6[%run_scoped3A_334, %run_scoped3A_335, %dma_start3A_465] : memref<4x2x128xi32, #tpu.memory_space<vmem>> -> memref<1x1x128xi32, #tpu.memory_space<vmem>>
          %dma_start3A_467 = tpu.memref_squeeze %dma_start3A_466 : memref<1x1x128xi32, #tpu.memory_space<vmem>> -> memref<128xi32, #tpu.memory_space<vmem>>
          %dma_start3A_468 = arith.constant 0 : i32
          %dma_start3A_469 = arith.constant 0 : i32
          %dma_start3A_470 = tpu.memref_slice %arg8[%dma_start3A_468, %dma_start3A_469] : memref<10112x128xf32, #tpu.memory_space<vmem_shared>> -> memref<10112x128xf32, #tpu.memory_space<vmem_shared>>
          tpu.enqueue_indirect_dma source(%dma_start3A_464 : memref<128x128xf32, #tpu.memory_space<vmem>>) target(%dma_start3A_470 : memref<10112x128xf32, #tpu.memory_space<vmem_shared>>) offsets(%dma_start3A_467 : memref<128xi32, #tpu.memory_space<vmem>>) semaphore(%run_scoped3A_460 : memref<!tpu.dma_semaphore, #tpu.memory_space<semaphore_mem>>) {add = true}
          %dma_wait3A_471 = arith.constant 0 : i32
          %dma_wait3A_472 = arith.constant 0 : i32
          %dma_wait3A_473 = tpu.memref_slice %arg7[%run_scoped3A_333, %dma_wait3A_471, %dma_wait3A_472] : memref<2x128x128xf32, #tpu.memory_space<vmem>> -> memref<1x128x128xf32, #tpu.memory_space<vmem>>
          %dma_wait3A_474 = tpu.memref_squeeze %dma_wait3A_473 : memref<1x128x128xf32, #tpu.memory_space<vmem>> -> memref<128x128xf32, #tpu.memory_space<vmem>>
          %dma_wait3A_475 = arith.constant 0 : i32
          %dma_wait3A_476 = tpu.memref_slice %arg6[%run_scoped3A_334, %run_scoped3A_335, %dma_wait3A_475] : memref<4x2x128xi32, #tpu.memory_space<vmem>> -> memref<1x1x128xi32, #tpu.memory_space<vmem>>
          %dma_wait3A_477 = tpu.memref_squeeze %dma_wait3A_476 : memref<1x1x128xi32, #tpu.memory_space<vmem>> -> memref<128xi32, #tpu.memory_space<vmem>>
          %dma_wait3A_478 = arith.constant 0 : i32
          %dma_wait3A_479 = arith.constant 0 : i32
          %dma_wait3A_480 = tpu.memref_slice %arg8[%dma_wait3A_478, %dma_wait3A_479] : memref<10112x128xf32, #tpu.memory_space<vmem_shared>> -> memref<10112x128xf32, #tpu.memory_space<vmem_shared>>
          tpu.wait_indirect_dma semaphore(%run_scoped3A_460 : memref<!tpu.dma_semaphore, #tpu.memory_space<semaphore_mem>>) src(%dma_wait3A_474 : memref<128x128xf32, #tpu.memory_space<vmem>>) dst(%dma_wait3A_480 : memref<10112x128xf32, #tpu.memory_space<vmem_shared>>)
          tpu.yield
        }) : () -> ()
        %add3A_336 = arith.constant 4 : i32
        %add3A_337 = arith.addi %add3A_319, %add3A_336 : i32
        %add3A_338 = arith.addi %mul3A_2, %add3A_337 : i32
        %dma_start3A_339 = arith.constant 2 : i32
        %dma_start3A_340 = arith.constant 0 : i32
        %dma_start3A_341 = arith.constant 0 : i32
        %dma_start3A_342 = tpu.memref_slice %arg6[%dma_start3A_339, %dma_start3A_340, %dma_start3A_341] : memref<4x2x128xi32, #tpu.memory_space<vmem>> -> memref<1x2x128xi32, #tpu.memory_space<vmem>>
        %dma_start3A_343 = tpu.memref_squeeze %dma_start3A_342 : memref<1x2x128xi32, #tpu.memory_space<vmem>> -> memref<2x128xi32, #tpu.memory_space<vmem>>
        %dma_start3A_344 = arith.constant 0 : i32
        %dma_start3A_345 = arith.constant 0 : i32
        %dma_start3A_346 = tpu.memref_slice %arg3[%add3A_338, %dma_start3A_344, %dma_start3A_345] : memref<3200x2x128xi32, #tpu.memory_space<hbm>> -> memref<1x2x128xi32, #tpu.memory_space<hbm>>
        %dma_start3A_347 = tpu.memref_squeeze %dma_start3A_346 : memref<1x2x128xi32, #tpu.memory_space<hbm>> -> memref<2x128xi32, #tpu.memory_space<hbm>>
        %dma_start3A_348 = arith.constant 0 : i32
        %dma_start3A_349 = arith.constant 0 : i32
        %dma_start3A_350 = tpu.memref_slice %arg6[%dma_start3A_339, %dma_start3A_348, %dma_start3A_349] : memref<4x2x128xi32, #tpu.memory_space<vmem>> -> memref<1x2x128xi32, #tpu.memory_space<vmem>>
        %dma_start3A_351 = tpu.memref_squeeze %dma_start3A_350 : memref<1x2x128xi32, #tpu.memory_space<vmem>> -> memref<2x128xi32, #tpu.memory_space<vmem>>
        %dma_start3A_352 = arith.constant 0 : i32
        %dma_start3A_353 = arith.constant 0 : i32
        %dma_start3A_354 = tpu.memref_slice %arg3[%add3A_338, %dma_start3A_352, %dma_start3A_353] : memref<3200x2x128xi32, #tpu.memory_space<hbm>> -> memref<1x2x128xi32, #tpu.memory_space<hbm>>
        %dma_start3A_355 = tpu.memref_squeeze %dma_start3A_354 : memref<1x2x128xi32, #tpu.memory_space<hbm>> -> memref<2x128xi32, #tpu.memory_space<hbm>>
        tpu.enqueue_dma source(%dma_start3A_355 : memref<2x128xi32, #tpu.memory_space<hbm>>) target(%dma_start3A_351 : memref<2x128xi32, #tpu.memory_space<vmem>>) target_semaphore(%arg11 : memref<!tpu.dma_semaphore, #tpu.memory_space<semaphore_mem>>)
        %add3A_356 = arith.constant 2 : i32
        %add3A_357 = arith.addi %add3A_319, %add3A_356 : i32
        %add3A_358 = arith.addi %mul3A_2, %add3A_357 : i32
        %dma_wait3A_359 = arith.constant 0 : i32
        %dma_wait3A_360 = arith.constant 0 : i32
        %dma_wait3A_361 = arith.constant 0 : i32
        %dma_wait3A_362 = tpu.memref_slice %arg6[%dma_wait3A_359, %dma_wait3A_360, %dma_wait3A_361] : memref<4x2x128xi32, #tpu.memory_space<vmem>> -> memref<1x2x128xi32, #tpu.memory_space<vmem>>
        %dma_wait3A_363 = tpu.memref_squeeze %dma_wait3A_362 : memref<1x2x128xi32, #tpu.memory_space<vmem>> -> memref<2x128xi32, #tpu.memory_space<vmem>>
        %dma_wait3A_364 = arith.constant 0 : i32
        %dma_wait3A_365 = arith.constant 0 : i32
        %dma_wait3A_366 = tpu.memref_slice %arg3[%add3A_358, %dma_wait3A_364, %dma_wait3A_365] : memref<3200x2x128xi32, #tpu.memory_space<hbm>> -> memref<1x2x128xi32, #tpu.memory_space<hbm>>
        %dma_wait3A_367 = tpu.memref_squeeze %dma_wait3A_366 : memref<1x2x128xi32, #tpu.memory_space<hbm>> -> memref<2x128xi32, #tpu.memory_space<hbm>>
        %dma_wait3A_368 = arith.constant 0 : i32
        %dma_wait3A_369 = arith.constant 0 : i32
        %dma_wait3A_370 = tpu.memref_slice %arg6[%dma_wait3A_359, %dma_wait3A_368, %dma_wait3A_369] : memref<4x2x128xi32, #tpu.memory_space<vmem>> -> memref<1x2x128xi32, #tpu.memory_space<vmem>>
        %dma_wait3A_371 = tpu.memref_squeeze %dma_wait3A_370 : memref<1x2x128xi32, #tpu.memory_space<vmem>> -> memref<2x128xi32, #tpu.memory_space<vmem>>
        %dma_wait3A_372 = arith.constant 0 : i32
        %dma_wait3A_373 = arith.constant 0 : i32
        %dma_wait3A_374 = tpu.memref_slice %arg3[%add3A_358, %dma_wait3A_372, %dma_wait3A_373] : memref<3200x2x128xi32, #tpu.memory_space<hbm>> -> memref<1x2x128xi32, #tpu.memory_space<hbm>>
        %dma_wait3A_375 = tpu.memref_squeeze %dma_wait3A_374 : memref<1x2x128xi32, #tpu.memory_space<hbm>> -> memref<2x128xi32, #tpu.memory_space<hbm>>
        tpu.wait_dma2 semaphore(%arg9 : memref<!tpu.dma_semaphore, #tpu.memory_space<semaphore_mem>>) src(%dma_wait3A_375 : memref<2x128xi32, #tpu.memory_space<hbm>>) dst(%dma_wait3A_371 : memref<2x128xi32, #tpu.memory_space<vmem>>)
        %dma_start3A_376 = arith.constant 0 : i32
        %dma_start3A_377 = arith.constant 0 : i32
        %dma_start3A_378 = arith.constant 0 : i32
        %dma_start3A_379 = arith.constant 0 : i32
        %dma_start3A_380 = arith.constant 0 : i32
        %dma_start3A_381 = tpu.memref_slice %arg7[%dma_start3A_378, %dma_start3A_379, %dma_start3A_380] : memref<2x128x128xf32, #tpu.memory_space<vmem>> -> memref<1x128x128xf32, #tpu.memory_space<vmem>>
        %dma_start3A_382 = tpu.memref_squeeze %dma_start3A_381 : memref<1x128x128xf32, #tpu.memory_space<vmem>> -> memref<128x128xf32, #tpu.memory_space<vmem>>
        %dma_start3A_383 = arith.constant 0 : i32
        %dma_start3A_384 = tpu.memref_slice %arg6[%dma_start3A_376, %dma_start3A_377, %dma_start3A_383] : memref<4x2x128xi32, #tpu.memory_space<vmem>> -> memref<1x1x128xi32, #tpu.memory_space<vmem>>
        %dma_start3A_385 = tpu.memref_squeeze %dma_start3A_384 : memref<1x1x128xi32, #tpu.memory_space<vmem>> -> memref<128xi32, #tpu.memory_space<vmem>>
        %dma_start3A_386 = arith.constant 0 : i32
        %dma_start3A_387 = arith.constant 0 : i32
        %dma_start3A_388 = tpu.memref_slice %arg2[%dma_start3A_386, %dma_start3A_387] : memref<10000x128xf32, #tpu.memory_space<hbm>> -> memref<10000x128xf32, #tpu.memory_space<hbm>>
        tpu.enqueue_indirect_dma source(%dma_start3A_388 : memref<10000x128xf32, #tpu.memory_space<hbm>>) target(%dma_start3A_382 : memref<128x128xf32, #tpu.memory_space<vmem>>) offsets(%dma_start3A_385 : memref<128xi32, #tpu.memory_space<vmem>>) semaphore(%arg13 : memref<!tpu.dma_semaphore, #tpu.memory_space<semaphore_mem>>)
        %add3A_389 = arith.constant 3 : i32
        %add3A_390 = arith.addi %mul3A_176, %add3A_389 : i32
        %dma_wait3A_391 = arith.constant 3 : i32
        %dma_wait3A_392 = arith.constant 0 : i32
        %dma_wait3A_393 = arith.constant 1 : i32
        %dma_wait3A_394 = arith.constant 0 : i32
        %dma_wait3A_395 = arith.constant 0 : i32
        %dma_wait3A_396 = tpu.memref_slice %arg7[%dma_wait3A_393, %dma_wait3A_394, %dma_wait3A_395] : memref<2x128x128xf32, #tpu.memory_space<vmem>> -> memref<1x128x128xf32, #tpu.memory_space<vmem>>
        %dma_wait3A_397 = tpu.memref_squeeze %dma_wait3A_396 : memref<1x128x128xf32, #tpu.memory_space<vmem>> -> memref<128x128xf32, #tpu.memory_space<vmem>>
        %dma_wait3A_398 = arith.constant 0 : i32
        %dma_wait3A_399 = tpu.memref_slice %arg6[%dma_wait3A_391, %dma_wait3A_392, %dma_wait3A_398] : memref<4x2x128xi32, #tpu.memory_space<vmem>> -> memref<1x1x128xi32, #tpu.memory_space<vmem>>
        %dma_wait3A_400 = tpu.memref_squeeze %dma_wait3A_399 : memref<1x1x128xi32, #tpu.memory_space<vmem>> -> memref<128xi32, #tpu.memory_space<vmem>>
        %dma_wait3A_401 = arith.constant 0 : i32
        %dma_wait3A_402 = arith.constant 0 : i32
        %dma_wait3A_403 = tpu.memref_slice %arg2[%dma_wait3A_401, %dma_wait3A_402] : memref<10000x128xf32, #tpu.memory_space<hbm>> -> memref<10000x128xf32, #tpu.memory_space<hbm>>
        tpu.wait_indirect_dma semaphore(%arg14 : memref<!tpu.dma_semaphore, #tpu.memory_space<semaphore_mem>>) src(%dma_wait3A_403 : memref<10000x128xf32, #tpu.memory_space<hbm>>) dst(%dma_wait3A_397 : memref<128x128xf32, #tpu.memory_space<vmem>>)
        %run_scoped3A_404 = arith.constant 1 : i32
        %run_scoped3A_405 = arith.constant 3 : i32
        %run_scoped3A_406 = arith.constant 1 : i32
        "tpu.region"() ({
          %run_scoped3A_460 = tpu.sem_alloc : memref<!tpu.dma_semaphore, #tpu.memory_space<semaphore_mem>>
          %dma_start3A_461 = arith.constant 0 : i32
          %dma_start3A_462 = arith.constant 0 : i32
          %dma_start3A_463 = tpu.memref_slice %arg7[%run_scoped3A_404, %dma_start3A_461, %dma_start3A_462] : memref<2x128x128xf32, #tpu.memory_space<vmem>> -> memref<1x128x128xf32, #tpu.memory_space<vmem>>
          %dma_start3A_464 = tpu.memref_squeeze %dma_start3A_463 : memref<1x128x128xf32, #tpu.memory_space<vmem>> -> memref<128x128xf32, #tpu.memory_space<vmem>>
          %dma_start3A_465 = arith.constant 0 : i32
          %dma_start3A_466 = tpu.memref_slice %arg6[%run_scoped3A_405, %run_scoped3A_406, %dma_start3A_465] : memref<4x2x128xi32, #tpu.memory_space<vmem>> -> memref<1x1x128xi32, #tpu.memory_space<vmem>>
          %dma_start3A_467 = tpu.memref_squeeze %dma_start3A_466 : memref<1x1x128xi32, #tpu.memory_space<vmem>> -> memref<128xi32, #tpu.memory_space<vmem>>
          %dma_start3A_468 = arith.constant 0 : i32
          %dma_start3A_469 = arith.constant 0 : i32
          %dma_start3A_470 = tpu.memref_slice %arg8[%dma_start3A_468, %dma_start3A_469] : memref<10112x128xf32, #tpu.memory_space<vmem_shared>> -> memref<10112x128xf32, #tpu.memory_space<vmem_shared>>
          tpu.enqueue_indirect_dma source(%dma_start3A_464 : memref<128x128xf32, #tpu.memory_space<vmem>>) target(%dma_start3A_470 : memref<10112x128xf32, #tpu.memory_space<vmem_shared>>) offsets(%dma_start3A_467 : memref<128xi32, #tpu.memory_space<vmem>>) semaphore(%run_scoped3A_460 : memref<!tpu.dma_semaphore, #tpu.memory_space<semaphore_mem>>) {add = true}
          %dma_wait3A_471 = arith.constant 0 : i32
          %dma_wait3A_472 = arith.constant 0 : i32
          %dma_wait3A_473 = tpu.memref_slice %arg7[%run_scoped3A_404, %dma_wait3A_471, %dma_wait3A_472] : memref<2x128x128xf32, #tpu.memory_space<vmem>> -> memref<1x128x128xf32, #tpu.memory_space<vmem>>
          %dma_wait3A_474 = tpu.memref_squeeze %dma_wait3A_473 : memref<1x128x128xf32, #tpu.memory_space<vmem>> -> memref<128x128xf32, #tpu.memory_space<vmem>>
          %dma_wait3A_475 = arith.constant 0 : i32
          %dma_wait3A_476 = tpu.memref_slice %arg6[%run_scoped3A_405, %run_scoped3A_406, %dma_wait3A_475] : memref<4x2x128xi32, #tpu.memory_space<vmem>> -> memref<1x1x128xi32, #tpu.memory_space<vmem>>
          %dma_wait3A_477 = tpu.memref_squeeze %dma_wait3A_476 : memref<1x1x128xi32, #tpu.memory_space<vmem>> -> memref<128xi32, #tpu.memory_space<vmem>>
          %dma_wait3A_478 = arith.constant 0 : i32
          %dma_wait3A_479 = arith.constant 0 : i32
          %dma_wait3A_480 = tpu.memref_slice %arg8[%dma_wait3A_478, %dma_wait3A_479] : memref<10112x128xf32, #tpu.memory_space<vmem_shared>> -> memref<10112x128xf32, #tpu.memory_space<vmem_shared>>
          tpu.wait_indirect_dma semaphore(%run_scoped3A_460 : memref<!tpu.dma_semaphore, #tpu.memory_space<semaphore_mem>>) src(%dma_wait3A_474 : memref<128x128xf32, #tpu.memory_space<vmem>>) dst(%dma_wait3A_480 : memref<10112x128xf32, #tpu.memory_space<vmem_shared>>)
          tpu.yield
        }) : () -> ()
        %add3A_407 = arith.constant 4 : i32
        %add3A_408 = arith.addi %add3A_390, %add3A_407 : i32
        %add3A_409 = arith.addi %mul3A_2, %add3A_408 : i32
        %dma_start3A_410 = arith.constant 3 : i32
        %dma_start3A_411 = arith.constant 0 : i32
        %dma_start3A_412 = arith.constant 0 : i32
        %dma_start3A_413 = tpu.memref_slice %arg6[%dma_start3A_410, %dma_start3A_411, %dma_start3A_412] : memref<4x2x128xi32, #tpu.memory_space<vmem>> -> memref<1x2x128xi32, #tpu.memory_space<vmem>>
        %dma_start3A_414 = tpu.memref_squeeze %dma_start3A_413 : memref<1x2x128xi32, #tpu.memory_space<vmem>> -> memref<2x128xi32, #tpu.memory_space<vmem>>
        %dma_start3A_415 = arith.constant 0 : i32
        %dma_start3A_416 = arith.constant 0 : i32
        %dma_start3A_417 = tpu.memref_slice %arg3[%add3A_409, %dma_start3A_415, %dma_start3A_416] : memref<3200x2x128xi32, #tpu.memory_space<hbm>> -> memref<1x2x128xi32, #tpu.memory_space<hbm>>
        %dma_start3A_418 = tpu.memref_squeeze %dma_start3A_417 : memref<1x2x128xi32, #tpu.memory_space<hbm>> -> memref<2x128xi32, #tpu.memory_space<hbm>>
        %dma_start3A_419 = arith.constant 0 : i32
        %dma_start3A_420 = arith.constant 0 : i32
        %dma_start3A_421 = tpu.memref_slice %arg6[%dma_start3A_410, %dma_start3A_419, %dma_start3A_420] : memref<4x2x128xi32, #tpu.memory_space<vmem>> -> memref<1x2x128xi32, #tpu.memory_space<vmem>>
        %dma_start3A_422 = tpu.memref_squeeze %dma_start3A_421 : memref<1x2x128xi32, #tpu.memory_space<vmem>> -> memref<2x128xi32, #tpu.memory_space<vmem>>
        %dma_start3A_423 = arith.constant 0 : i32
        %dma_start3A_424 = arith.constant 0 : i32
        %dma_start3A_425 = tpu.memref_slice %arg3[%add3A_409, %dma_start3A_423, %dma_start3A_424] : memref<3200x2x128xi32, #tpu.memory_space<hbm>> -> memref<1x2x128xi32, #tpu.memory_space<hbm>>
        %dma_start3A_426 = tpu.memref_squeeze %dma_start3A_425 : memref<1x2x128xi32, #tpu.memory_space<hbm>> -> memref<2x128xi32, #tpu.memory_space<hbm>>
        tpu.enqueue_dma source(%dma_start3A_426 : memref<2x128xi32, #tpu.memory_space<hbm>>) target(%dma_start3A_422 : memref<2x128xi32, #tpu.memory_space<vmem>>) target_semaphore(%arg12 : memref<!tpu.dma_semaphore, #tpu.memory_space<semaphore_mem>>)
        %add3A_427 = arith.constant 2 : i32
        %add3A_428 = arith.addi %add3A_390, %add3A_427 : i32
        %add3A_429 = arith.addi %mul3A_2, %add3A_428 : i32
        %dma_wait3A_430 = arith.constant 1 : i32
        %dma_wait3A_431 = arith.constant 0 : i32
        %dma_wait3A_432 = arith.constant 0 : i32
        %dma_wait3A_433 = tpu.memref_slice %arg6[%dma_wait3A_430, %dma_wait3A_431, %dma_wait3A_432] : memref<4x2x128xi32, #tpu.memory_space<vmem>> -> memref<1x2x128xi32, #tpu.memory_space<vmem>>
        %dma_wait3A_434 = tpu.memref_squeeze %dma_wait3A_433 : memref<1x2x128xi32, #tpu.memory_space<vmem>> -> memref<2x128xi32, #tpu.memory_space<vmem>>
        %dma_wait3A_435 = arith.constant 0 : i32
        %dma_wait3A_436 = arith.constant 0 : i32
        %dma_wait3A_437 = tpu.memref_slice %arg3[%add3A_429, %dma_wait3A_435, %dma_wait3A_436] : memref<3200x2x128xi32, #tpu.memory_space<hbm>> -> memref<1x2x128xi32, #tpu.memory_space<hbm>>
        %dma_wait3A_438 = tpu.memref_squeeze %dma_wait3A_437 : memref<1x2x128xi32, #tpu.memory_space<hbm>> -> memref<2x128xi32, #tpu.memory_space<hbm>>
        %dma_wait3A_439 = arith.constant 0 : i32
        %dma_wait3A_440 = arith.constant 0 : i32
        %dma_wait3A_441 = tpu.memref_slice %arg6[%dma_wait3A_430, %dma_wait3A_439, %dma_wait3A_440] : memref<4x2x128xi32, #tpu.memory_space<vmem>> -> memref<1x2x128xi32, #tpu.memory_space<vmem>>
        %dma_wait3A_442 = tpu.memref_squeeze %dma_wait3A_441 : memref<1x2x128xi32, #tpu.memory_space<vmem>> -> memref<2x128xi32, #tpu.memory_space<vmem>>
        %dma_wait3A_443 = arith.constant 0 : i32
        %dma_wait3A_444 = arith.constant 0 : i32
        %dma_wait3A_445 = tpu.memref_slice %arg3[%add3A_429, %dma_wait3A_443, %dma_wait3A_444] : memref<3200x2x128xi32, #tpu.memory_space<hbm>> -> memref<1x2x128xi32, #tpu.memory_space<hbm>>
        %dma_wait3A_446 = tpu.memref_squeeze %dma_wait3A_445 : memref<1x2x128xi32, #tpu.memory_space<hbm>> -> memref<2x128xi32, #tpu.memory_space<hbm>>
        tpu.wait_dma2 semaphore(%arg10 : memref<!tpu.dma_semaphore, #tpu.memory_space<semaphore_mem>>) src(%dma_wait3A_446 : memref<2x128xi32, #tpu.memory_space<hbm>>) dst(%dma_wait3A_442 : memref<2x128xi32, #tpu.memory_space<vmem>>)
        %dma_start3A_447 = arith.constant 1 : i32
        %dma_start3A_448 = arith.constant 0 : i32
        %dma_start3A_449 = arith.constant 1 : i32
        %dma_start3A_450 = arith.constant 0 : i32
        %dma_start3A_451 = arith.constant 0 : i32
        %dma_start3A_452 = tpu.memref_slice %arg7[%dma_start3A_449, %dma_start3A_450, %dma_start3A_451] : memref<2x128x128xf32, #tpu.memory_space<vmem>> -> memref<1x128x128xf32, #tpu.memory_space<vmem>>
        %dma_start3A_453 = tpu.memref_squeeze %dma_start3A_452 : memref<1x128x128xf32, #tpu.memory_space<vmem>> -> memref<128x128xf32, #tpu.memory_space<vmem>>
        %dma_start3A_454 = arith.constant 0 : i32
        %dma_start3A_455 = tpu.memref_slice %arg6[%dma_start3A_447, %dma_start3A_448, %dma_start3A_454] : memref<4x2x128xi32, #tpu.memory_space<vmem>> -> memref<1x1x128xi32, #tpu.memory_space<vmem>>
        %dma_start3A_456 = tpu.memref_squeeze %dma_start3A_455 : memref<1x1x128xi32, #tpu.memory_space<vmem>> -> memref<128xi32, #tpu.memory_space<vmem>>
        %dma_start3A_457 = arith.constant 0 : i32
        %dma_start3A_458 = arith.constant 0 : i32
        %dma_start3A_459 = tpu.memref_slice %arg2[%dma_start3A_457, %dma_start3A_458] : memref<10000x128xf32, #tpu.memory_space<hbm>> -> memref<10000x128xf32, #tpu.memory_space<hbm>>
        tpu.enqueue_indirect_dma source(%dma_start3A_459 : memref<10000x128xf32, #tpu.memory_space<hbm>>) target(%dma_start3A_453 : memref<128x128xf32, #tpu.memory_space<vmem>>) offsets(%dma_start3A_456 : memref<128xi32, #tpu.memory_space<vmem>>) semaphore(%arg14 : memref<!tpu.dma_semaphore, #tpu.memory_space<semaphore_mem>>)
      }
      %dma_wait3A_108 = arith.constant 0 : i32
      %dma_wait3A_109 = arith.constant 0 : i32
      %dma_wait3A_110 = arith.constant 0 : i32
      %dma_wait3A_111 = arith.constant 0 : i32
      %dma_wait3A_112 = arith.constant 0 : i32
      %dma_wait3A_113 = tpu.memref_slice %arg7[%dma_wait3A_110, %dma_wait3A_111, %dma_wait3A_112] : memref<2x128x128xf32, #tpu.memory_space<vmem>> -> memref<1x128x128xf32, #tpu.memory_space<vmem>>
      %dma_wait3A_114 = tpu.memref_squeeze %dma_wait3A_113 : memref<1x128x128xf32, #tpu.memory_space<vmem>> -> memref<128x128xf32, #tpu.memory_space<vmem>>
      %dma_wait3A_115 = arith.constant 0 : i32
      %dma_wait3A_116 = tpu.memref_slice %arg6[%dma_wait3A_108, %dma_wait3A_109, %dma_wait3A_115] : memref<4x2x128xi32, #tpu.memory_space<vmem>> -> memref<1x1x128xi32, #tpu.memory_space<vmem>>
      %dma_wait3A_117 = tpu.memref_squeeze %dma_wait3A_116 : memref<1x1x128xi32, #tpu.memory_space<vmem>> -> memref<128xi32, #tpu.memory_space<vmem>>
      %dma_wait3A_118 = arith.constant 0 : i32
      %dma_wait3A_119 = arith.constant 0 : i32
      %dma_wait3A_120 = tpu.memref_slice %arg2[%dma_wait3A_118, %dma_wait3A_119] : memref<10000x128xf32, #tpu.memory_space<hbm>> -> memref<10000x128xf32, #tpu.memory_space<hbm>>
      tpu.wait_indirect_dma semaphore(%arg13 : memref<!tpu.dma_semaphore, #tpu.memory_space<semaphore_mem>>) src(%dma_wait3A_120 : memref<10000x128xf32, #tpu.memory_space<hbm>>) dst(%dma_wait3A_114 : memref<128x128xf32, #tpu.memory_space<vmem>>)
      %dma_wait3A_121 = arith.constant 1 : i32
      %dma_wait3A_122 = arith.constant 0 : i32
      %dma_wait3A_123 = arith.constant 1 : i32
      %dma_wait3A_124 = arith.constant 0 : i32
      %dma_wait3A_125 = arith.constant 0 : i32
      %dma_wait3A_126 = tpu.memref_slice %arg7[%dma_wait3A_123, %dma_wait3A_124, %dma_wait3A_125] : memref<2x128x128xf32, #tpu.memory_space<vmem>> -> memref<1x128x128xf32, #tpu.memory_space<vmem>>
      %dma_wait3A_127 = tpu.memref_squeeze %dma_wait3A_126 : memref<1x128x128xf32, #tpu.memory_space<vmem>> -> memref<128x128xf32, #tpu.memory_space<vmem>>
      %dma_wait3A_128 = arith.constant 0 : i32
      %dma_wait3A_129 = tpu.memref_slice %arg6[%dma_wait3A_121, %dma_wait3A_122, %dma_wait3A_128] : memref<4x2x128xi32, #tpu.memory_space<vmem>> -> memref<1x1x128xi32, #tpu.memory_space<vmem>>
      %dma_wait3A_130 = tpu.memref_squeeze %dma_wait3A_129 : memref<1x1x128xi32, #tpu.memory_space<vmem>> -> memref<128xi32, #tpu.memory_space<vmem>>
      %dma_wait3A_131 = arith.constant 0 : i32
      %dma_wait3A_132 = arith.constant 0 : i32
      %dma_wait3A_133 = tpu.memref_slice %arg2[%dma_wait3A_131, %dma_wait3A_132] : memref<10000x128xf32, #tpu.memory_space<hbm>> -> memref<10000x128xf32, #tpu.memory_space<hbm>>
      tpu.wait_indirect_dma semaphore(%arg14 : memref<!tpu.dma_semaphore, #tpu.memory_space<semaphore_mem>>) src(%dma_wait3A_133 : memref<10000x128xf32, #tpu.memory_space<hbm>>) dst(%dma_wait3A_127 : memref<128x128xf32, #tpu.memory_space<vmem>>)
      %add3A_134 = arith.constant 2 : i32
      %add3A_135 = arith.addi %select_n3A, %add3A_134 : i32
      %add3A_136 = arith.addi %mul3A_2, %add3A_135 : i32
      %dma_wait3A_137 = arith.constant 2 : i32
      %dma_wait3A_138 = arith.constant 0 : i32
      %dma_wait3A_139 = arith.constant 0 : i32
      %dma_wait3A_140 = tpu.memref_slice %arg6[%dma_wait3A_137, %dma_wait3A_138, %dma_wait3A_139] : memref<4x2x128xi32, #tpu.memory_space<vmem>> -> memref<1x2x128xi32, #tpu.memory_space<vmem>>
      %dma_wait3A_141 = tpu.memref_squeeze %dma_wait3A_140 : memref<1x2x128xi32, #tpu.memory_space<vmem>> -> memref<2x128xi32, #tpu.memory_space<vmem>>
      %dma_wait3A_142 = arith.constant 0 : i32
      %dma_wait3A_143 = arith.constant 0 : i32
      %dma_wait3A_144 = tpu.memref_slice %arg3[%add3A_136, %dma_wait3A_142, %dma_wait3A_143] : memref<3200x2x128xi32, #tpu.memory_space<hbm>> -> memref<1x2x128xi32, #tpu.memory_space<hbm>>
      %dma_wait3A_145 = tpu.memref_squeeze %dma_wait3A_144 : memref<1x2x128xi32, #tpu.memory_space<hbm>> -> memref<2x128xi32, #tpu.memory_space<hbm>>
      %dma_wait3A_146 = arith.constant 0 : i32
      %dma_wait3A_147 = arith.constant 0 : i32
      %dma_wait3A_148 = tpu.memref_slice %arg6[%dma_wait3A_137, %dma_wait3A_146, %dma_wait3A_147] : memref<4x2x128xi32, #tpu.memory_space<vmem>> -> memref<1x2x128xi32, #tpu.memory_space<vmem>>
      %dma_wait3A_149 = tpu.memref_squeeze %dma_wait3A_148 : memref<1x2x128xi32, #tpu.memory_space<vmem>> -> memref<2x128xi32, #tpu.memory_space<vmem>>
      %dma_wait3A_150 = arith.constant 0 : i32
      %dma_wait3A_151 = arith.constant 0 : i32
      %dma_wait3A_152 = tpu.memref_slice %arg3[%add3A_136, %dma_wait3A_150, %dma_wait3A_151] : memref<3200x2x128xi32, #tpu.memory_space<hbm>> -> memref<1x2x128xi32, #tpu.memory_space<hbm>>
      %dma_wait3A_153 = tpu.memref_squeeze %dma_wait3A_152 : memref<1x2x128xi32, #tpu.memory_space<hbm>> -> memref<2x128xi32, #tpu.memory_space<hbm>>
      tpu.wait_dma2 semaphore(%arg11 : memref<!tpu.dma_semaphore, #tpu.memory_space<semaphore_mem>>) src(%dma_wait3A_153 : memref<2x128xi32, #tpu.memory_space<hbm>>) dst(%dma_wait3A_149 : memref<2x128xi32, #tpu.memory_space<vmem>>)
      %add3A_154 = arith.constant 3 : i32
      %add3A_155 = arith.addi %select_n3A, %add3A_154 : i32
      %add3A_156 = arith.addi %mul3A_2, %add3A_155 : i32
      %dma_wait3A_157 = arith.constant 3 : i32
      %dma_wait3A_158 = arith.constant 0 : i32
      %dma_wait3A_159 = arith.constant 0 : i32
      %dma_wait3A_160 = tpu.memref_slice %arg6[%dma_wait3A_157, %dma_wait3A_158, %dma_wait3A_159] : memref<4x2x128xi32, #tpu.memory_space<vmem>> -> memref<1x2x128xi32, #tpu.memory_space<vmem>>
      %dma_wait3A_161 = tpu.memref_squeeze %dma_wait3A_160 : memref<1x2x128xi32, #tpu.memory_space<vmem>> -> memref<2x128xi32, #tpu.memory_space<vmem>>
      %dma_wait3A_162 = arith.constant 0 : i32
      %dma_wait3A_163 = arith.constant 0 : i32
      %dma_wait3A_164 = tpu.memref_slice %arg3[%add3A_156, %dma_wait3A_162, %dma_wait3A_163] : memref<3200x2x128xi32, #tpu.memory_space<hbm>> -> memref<1x2x128xi32, #tpu.memory_space<hbm>>
      %dma_wait3A_165 = tpu.memref_squeeze %dma_wait3A_164 : memref<1x2x128xi32, #tpu.memory_space<hbm>> -> memref<2x128xi32, #tpu.memory_space<hbm>>
      %dma_wait3A_166 = arith.constant 0 : i32
      %dma_wait3A_167 = arith.constant 0 : i32
      %dma_wait3A_168 = tpu.memref_slice %arg6[%dma_wait3A_157, %dma_wait3A_166, %dma_wait3A_167] : memref<4x2x128xi32, #tpu.memory_space<vmem>> -> memref<1x2x128xi32, #tpu.memory_space<vmem>>
      %dma_wait3A_169 = tpu.memref_squeeze %dma_wait3A_168 : memref<1x2x128xi32, #tpu.memory_space<vmem>> -> memref<2x128xi32, #tpu.memory_space<vmem>>
      %dma_wait3A_170 = arith.constant 0 : i32
      %dma_wait3A_171 = arith.constant 0 : i32
      %dma_wait3A_172 = tpu.memref_slice %arg3[%add3A_156, %dma_wait3A_170, %dma_wait3A_171] : memref<3200x2x128xi32, #tpu.memory_space<hbm>> -> memref<1x2x128xi32, #tpu.memory_space<hbm>>
      %dma_wait3A_173 = tpu.memref_squeeze %dma_wait3A_172 : memref<1x2x128xi32, #tpu.memory_space<hbm>> -> memref<2x128xi32, #tpu.memory_space<hbm>>
      tpu.wait_dma2 semaphore(%arg12 : memref<!tpu.dma_semaphore, #tpu.memory_space<semaphore_mem>>) src(%dma_wait3A_173 : memref<2x128xi32, #tpu.memory_space<hbm>>) dst(%dma_wait3A_169 : memref<2x128xi32, #tpu.memory_space<vmem>>)
    } else {
    }
    %barrier3A_14 = arith.constant 0 : index
    tpu.barrier barrier_id(%barrier3A_14)
    %mul3A_15 = arith.constant 632 : i32
    %mul3A_16 = arith.muli %arg1, %mul3A_15 : i32
    %mul3A_17 = arith.constant 632 : i32
    %mul3A_18 = arith.muli %arg1, %mul3A_17 : i32
    "tpu.region"() ({
      %run_scoped3A = tpu.sem_alloc : memref<!tpu.dma_semaphore, #tpu.memory_space<semaphore_mem>>
      %dma_start3A = arith.constant 0 : i32
      %dma_start3A_19 = tpu.memref_slice %arg5[%arg0, %mul3A_18, %dma_start3A] : memref<2x10112x128xf32, #tpu.memory_space<hbm>> -> memref<1x632x128xf32, #tpu.memory_space<hbm>>
      %dma_start3A_20 = tpu.memref_squeeze %dma_start3A_19 : memref<1x632x128xf32, #tpu.memory_space<hbm>> -> memref<632x128xf32, #tpu.memory_space<hbm>>
      %dma_start3A_21 = arith.constant 0 : i32
      %dma_start3A_22 = tpu.memref_slice %arg8[%mul3A_16, %dma_start3A_21] : memref<10112x128xf32, #tpu.memory_space<vmem_shared>> -> memref<632x128xf32, #tpu.memory_space<vmem_shared>>
      tpu.enqueue_dma source(%dma_start3A_22 : memref<632x128xf32, #tpu.memory_space<vmem_shared>>) target(%dma_start3A_20 : memref<632x128xf32, #tpu.memory_space<hbm>>) target_semaphore(%run_scoped3A : memref<!tpu.dma_semaphore, #tpu.memory_space<semaphore_mem>>)
      %dma_wait3A = arith.constant 0 : i32
      %dma_wait3A_23 = tpu.memref_slice %arg5[%arg0, %mul3A_18, %dma_wait3A] : memref<2x10112x128xf32, #tpu.memory_space<hbm>> -> memref<1x632x128xf32, #tpu.memory_space<hbm>>
      %dma_wait3A_24 = tpu.memref_squeeze %dma_wait3A_23 : memref<1x632x128xf32, #tpu.memory_space<hbm>> -> memref<632x128xf32, #tpu.memory_space<hbm>>
      %dma_wait3A_25 = arith.constant 0 : i32
      %dma_wait3A_26 = tpu.memref_slice %arg8[%mul3A_16, %dma_wait3A_25] : memref<10112x128xf32, #tpu.memory_space<vmem_shared>> -> memref<632x128xf32, #tpu.memory_space<vmem_shared>>
      tpu.wait_dma2 semaphore(%run_scoped3A : memref<!tpu.dma_semaphore, #tpu.memory_space<semaphore_mem>>) src(%dma_wait3A_26 : memref<632x128xf32, #tpu.memory_space<vmem_shared>>) dst(%dma_wait3A_24 : memref<632x128xf32, #tpu.memory_space<hbm>>)
      tpu.yield
    }) : () -> ()
    return
  }
}

module attributes {stable_mosaic.version = 14 : i64} {
  func.func @_tc1_body(%arg0: i32, %arg1: memref<1000x128xf32, #tpu.memory_space<vmem>>, %arg2: memref<128x128xf32, #tpu.memory_space<vmem>>, %arg3: memref<128x128xf32, #tpu.memory_space<vmem>>, %arg4: memref<1000x128xf32, #tpu.memory_space<vmem>>, %arg5: memref<1000x128xf32, #tpu.memory_space<vmem>>, %arg6: memref<1x128xf32, #tpu.memory_space<vmem>>, %arg7: memref<1x128xf32, #tpu.memory_space<vmem>>, %arg8: memref<1x128xf32, #tpu.memory_space<vmem>>, %arg9: memref<1000x128xf32, #tpu.memory_space<vmem>>) attributes {dimension_semantics = [#tpu.dimension_semantics<arbitrary>], iteration_bounds = array<i64: 10>, scalar_prefetch = 0 : i64, scratch_operands = 0 : i64, tpu.core_type = #tpu.core_type<tc>, window_params = [{transform_indices = @transform_0, window_bounds = array<i64: 1000, 128>}, {pipeline_mode = #tpu.pipeline_mode<synchronous>, transform_indices = @transform_1, window_bounds = array<i64: 128, 128>}, {pipeline_mode = #tpu.pipeline_mode<synchronous>, transform_indices = @transform_2, window_bounds = array<i64: 128, 128>}, {transform_indices = @transform_3, window_bounds = array<i64: 1000, 128>}, {transform_indices = @transform_4, window_bounds = array<i64: 1000, 128>}, {pipeline_mode = #tpu.pipeline_mode<synchronous>, transform_indices = @transform_5, window_bounds = array<i64: 1, 128>}, {pipeline_mode = #tpu.pipeline_mode<synchronous>, transform_indices = @transform_6, window_bounds = array<i64: 1, 128>}, {pipeline_mode = #tpu.pipeline_mode<synchronous>, transform_indices = @transform_7, window_bounds = array<i64: 1, 128>}, {transform_indices = @transform_8, window_bounds = array<i64: 1000, 128>}]} {
    %get3A = arith.constant 0 : index
    %get3A_0 = arith.constant 0 : index
    %get3A_1 = vector.load %arg7[%get3A, %get3A_0] : memref<1x128xf32, #tpu.memory_space<vmem>>, vector<1x128xf32>
    %mul3A = arith.constant 0.999994993 : f32
    %mul3A_2 = vector.broadcast %mul3A : f32 to vector<1x128xf32>
    %mul3A_3 = arith.mulf %get3A_1, %mul3A_2 : vector<1x128xf32>
    %get3A_4 = arith.constant 0 : index
    %get3A_5 = arith.constant 0 : index
    %get3A_6 = vector.load %arg1[%get3A_4, %get3A_5] : memref<1000x128xf32, #tpu.memory_space<vmem>>, vector<1000x128xf32>
    %get3A_7 = arith.constant 0 : index
    %get3A_8 = arith.constant 0 : index
    %get3A_9 = vector.load %arg2[%get3A_7, %get3A_8] : memref<128x128xf32, #tpu.memory_space<vmem>>, vector<128x128xf32>
    %dot_general3A = arith.constant dense<0.000000e+00> : vector<1000x128xf32>
    %dot_general3A_10 = tpu.matmul %get3A_6, %get3A_9, %dot_general3A {dimension_numbers = #tpu.dot_dimension_numbers<[1], [0], [0], [1], [0, 0, 1, 1], [], []>, transpose_lhs_hint = false} : vector<1000x128xf32>, vector<128x128xf32>, vector<1000x128xf32> -> vector<1000x128xf32>
    %mul3A_11 = vector.broadcast %mul3A_3 : vector<1x128xf32> to vector<1000x128xf32>
    %mul3A_12 = arith.mulf %dot_general3A_10, %mul3A_11 : vector<1000x128xf32>
    %get3A_13 = arith.constant 0 : index
    %get3A_14 = arith.constant 0 : index
    %get3A_15 = vector.load %arg6[%get3A_13, %get3A_14] : memref<1x128xf32, #tpu.memory_space<vmem>>, vector<1x128xf32>
    %mul3A_16 = arith.mulf %get3A_15, %mul3A_3 : vector<1x128xf32>
    %get3A_17 = arith.constant 0 : index
    %get3A_18 = arith.constant 0 : index
    %get3A_19 = vector.load %arg8[%get3A_17, %get3A_18] : memref<1x128xf32, #tpu.memory_space<vmem>>, vector<1x128xf32>
    %add3A = arith.addf %mul3A_16, %get3A_19 : vector<1x128xf32>
    %add3A_20 = vector.broadcast %add3A : vector<1x128xf32> to vector<1000x128xf32>
    %add3A_21 = arith.addf %mul3A_12, %add3A_20 : vector<1000x128xf32>
    %max3A = arith.constant 0.000000e+00 : f32
    %max3A_22 = vector.broadcast %max3A : f32 to vector<1000x128xf32>
    %max3A_23 = arith.maximumf %add3A_21, %max3A_22 : vector<1000x128xf32>
    %get3A_24 = arith.constant 0 : index
    %get3A_25 = arith.constant 0 : index
    %get3A_26 = vector.load %arg3[%get3A_24, %get3A_25] : memref<128x128xf32, #tpu.memory_space<vmem>>, vector<128x128xf32>
    %dot_general3A_27 = arith.constant dense<0.000000e+00> : vector<1000x128xf32>
    %dot_general3A_28 = tpu.matmul %max3A_23, %get3A_26, %dot_general3A_27 {dimension_numbers = #tpu.dot_dimension_numbers<[1], [0], [0], [1], [0, 0, 1, 1], [], []>, transpose_lhs_hint = false} : vector<1000x128xf32>, vector<128x128xf32>, vector<1000x128xf32> -> vector<1000x128xf32>
    %get3A_29 = arith.constant 0 : index
    %get3A_30 = arith.constant 0 : index
    %get3A_31 = vector.load %arg4[%get3A_29, %get3A_30] : memref<1000x128xf32, #tpu.memory_space<vmem>>, vector<1000x128xf32>
    %slice3A = vector.extract_strided_slice %get3A_31 {offsets = [0, 0], sizes = [1000, 1], strides = [1, 1]} : vector<1000x128xf32> to vector<1000x1xf32>
    %get3A_32 = arith.constant 0 : index
    %get3A_33 = arith.constant 0 : index
    %get3A_34 = vector.load %arg5[%get3A_32, %get3A_33] : memref<1000x128xf32, #tpu.memory_space<vmem>>, vector<1000x128xf32>
    %slice3A_35 = vector.extract_strided_slice %get3A_34 {offsets = [0, 0], sizes = [1000, 1], strides = [1, 1]} : vector<1000x128xf32> to vector<1000x1xf32>
    %add3A_36 = arith.addf %slice3A, %slice3A_35 : vector<1000x1xf32>
    %add3A_37 = arith.constant 1.000000e+00 : f32
    %add3A_38 = vector.broadcast %add3A_37 : f32 to vector<1000x1xf32>
    %add3A_39 = arith.addf %add3A_36, %add3A_38 : vector<1000x1xf32>
    %rsqrt3A = math.rsqrt %add3A_39 : vector<1000x1xf32>
    %mul3A_40 = vector.broadcast %rsqrt3A : vector<1000x1xf32> to vector<1000x128xf32>
    %mul3A_41 = arith.mulf %dot_general3A_28, %mul3A_40 : vector<1000x128xf32>
    %swap3A = arith.constant 0 : index
    %swap3A_42 = arith.constant 0 : index
    %swap3A_43 = vector.load %arg9[%swap3A, %swap3A_42] : memref<1000x128xf32, #tpu.memory_space<vmem>>, vector<1000x128xf32>
    tpu.vector_store %arg9[%swap3A, %swap3A_42], %mul3A_41 {strides = array<i32>} : memref<1000x128xf32, #tpu.memory_space<vmem>>, vector<1000x128xf32>,
    return
  }
  func.func @transform_0(%arg0: i32) -> (i32, i32) {
    %c0_i32 = arith.constant 0 : i32
    %c0_i32_0 = arith.constant 0 : i32
    return %arg0, %c0_i32 : i32, i32
  }
  func.func @transform_1(%arg0: i32) -> (i32, i32) {
    %c0_i32 = arith.constant 0 : i32
    %c0_i32_0 = arith.constant 0 : i32
    %c0_i32_1 = arith.constant 0 : i32
    return %c0_i32, %c0_i32_0 : i32, i32
  }
  func.func @transform_2(%arg0: i32) -> (i32, i32) {
    %c0_i32 = arith.constant 0 : i32
    %c0_i32_0 = arith.constant 0 : i32
    %c0_i32_1 = arith.constant 0 : i32
    return %c0_i32, %c0_i32_0 : i32, i32
  }
  func.func @transform_3(%arg0: i32) -> (i32, i32) {
    %c0_i32 = arith.constant 0 : i32
    %c0_i32_0 = arith.constant 0 : i32
    return %arg0, %c0_i32 : i32, i32
  }
  func.func @transform_4(%arg0: i32) -> (i32, i32) {
    %c0_i32 = arith.constant 0 : i32
    %c0_i32_0 = arith.constant 0 : i32
    return %arg0, %c0_i32 : i32, i32
  }
  func.func @transform_5(%arg0: i32) -> (i32, i32) {
    %c0_i32 = arith.constant 0 : i32
    %c0_i32_0 = arith.constant 0 : i32
    %c0_i32_1 = arith.constant 0 : i32
    return %c0_i32, %c0_i32_0 : i32, i32
  }
  func.func @transform_6(%arg0: i32) -> (i32, i32) {
    %c0_i32 = arith.constant 0 : i32
    %c0_i32_0 = arith.constant 0 : i32
    %c0_i32_1 = arith.constant 0 : i32
    return %c0_i32, %c0_i32_0 : i32, i32
  }
  func.func @transform_7(%arg0: i32) -> (i32, i32) {
    %c0_i32 = arith.constant 0 : i32
    %c0_i32_0 = arith.constant 0 : i32
    %c0_i32_1 = arith.constant 0 : i32
    return %c0_i32, %c0_i32_0 : i32, i32
  }
  func.func @transform_8(%arg0: i32) -> (i32, i32) {
    %c0_i32 = arith.constant 0 : i32
    %c0_i32_0 = arith.constant 0 : i32
    return %arg0, %c0_i32 : i32, i32
  }
}

module attributes {stable_mosaic.version = 14 : i64} {
  func.func @_tc2_body(%arg0: i32, %arg1: memref<1000x128xf32, #tpu.memory_space<vmem>>, %arg2: memref<1000x128xf32, #tpu.memory_space<vmem>>, %arg3: memref<1000x128xf32, #tpu.memory_space<vmem>>, %arg4: memref<1000x128xf32, #tpu.memory_space<vmem>>, %arg5: memref<1000x128xf32, #tpu.memory_space<vmem>>, %arg6: memref<128x128xf32, #tpu.memory_space<vmem>>, %arg7: memref<1x128xf32, #tpu.memory_space<vmem>>, %arg8: memref<1x128xf32, #tpu.memory_space<vmem>>, %arg9: memref<1x128xf32, #tpu.memory_space<vmem>>, %arg10: memref<1000x128xf32, #tpu.memory_space<vmem>>) attributes {dimension_semantics = [#tpu.dimension_semantics<arbitrary>], iteration_bounds = array<i64: 10>, scalar_prefetch = 0 : i64, scratch_operands = 0 : i64, tpu.core_type = #tpu.core_type<tc>, window_params = [{transform_indices = @transform_0, window_bounds = array<i64: 1000, 128>}, {transform_indices = @transform_1, window_bounds = array<i64: 1000, 128>}, {transform_indices = @transform_2, window_bounds = array<i64: 1000, 128>}, {transform_indices = @transform_3, window_bounds = array<i64: 1000, 128>}, {transform_indices = @transform_4, window_bounds = array<i64: 1000, 128>}, {pipeline_mode = #tpu.pipeline_mode<synchronous>, transform_indices = @transform_5, window_bounds = array<i64: 128, 128>}, {pipeline_mode = #tpu.pipeline_mode<synchronous>, transform_indices = @transform_6, window_bounds = array<i64: 1, 128>}, {pipeline_mode = #tpu.pipeline_mode<synchronous>, transform_indices = @transform_7, window_bounds = array<i64: 1, 128>}, {pipeline_mode = #tpu.pipeline_mode<synchronous>, transform_indices = @transform_8, window_bounds = array<i64: 1, 128>}, {transform_indices = @transform_9, window_bounds = array<i64: 1000, 128>}]} {
    %get3A = arith.constant 0 : index
    %get3A_0 = arith.constant 0 : index
    %get3A_1 = vector.load %arg4[%get3A, %get3A_0] : memref<1000x128xf32, #tpu.memory_space<vmem>>, vector<1000x128xf32>
    %slice3A = vector.extract_strided_slice %get3A_1 {offsets = [0, 0], sizes = [1000, 1], strides = [1, 1]} : vector<1000x128xf32> to vector<1000x1xf32>
    %get3A_2 = arith.constant 0 : index
    %get3A_3 = arith.constant 0 : index
    %get3A_4 = vector.load %arg5[%get3A_2, %get3A_3] : memref<1000x128xf32, #tpu.memory_space<vmem>>, vector<1000x128xf32>
    %slice3A_5 = vector.extract_strided_slice %get3A_4 {offsets = [0, 0], sizes = [1000, 1], strides = [1, 1]} : vector<1000x128xf32> to vector<1000x1xf32>
    %add3A = arith.addf %slice3A, %slice3A_5 : vector<1000x1xf32>
    %add3A_6 = arith.constant 1.000000e+00 : f32
    %add3A_7 = vector.broadcast %add3A_6 : f32 to vector<1000x1xf32>
    %add3A_8 = arith.addf %add3A, %add3A_7 : vector<1000x1xf32>
    %rsqrt3A = math.rsqrt %add3A_8 : vector<1000x1xf32>
    %get3A_9 = arith.constant 0 : index
    %get3A_10 = arith.constant 0 : index
    %get3A_11 = vector.load %arg1[%get3A_9, %get3A_10] : memref<1000x128xf32, #tpu.memory_space<vmem>>, vector<1000x128xf32>
    %get3A_12 = arith.constant 0 : index
    %get3A_13 = arith.constant 0 : index
    %get3A_14 = vector.load %arg2[%get3A_12, %get3A_13] : memref<1000x128xf32, #tpu.memory_space<vmem>>, vector<1000x128xf32>
    %add3A_15 = arith.addf %get3A_11, %get3A_14 : vector<1000x128xf32>
    %get3A_16 = arith.constant 0 : index
    %get3A_17 = arith.constant 0 : index
    %get3A_18 = vector.load %arg3[%get3A_16, %get3A_17] : memref<1000x128xf32, #tpu.memory_space<vmem>>, vector<1000x128xf32>
    %add3A_19 = arith.addf %add3A_15, %get3A_18 : vector<1000x128xf32>
    %mul3A = vector.broadcast %rsqrt3A : vector<1000x1xf32> to vector<1000x128xf32>
    %mul3A_20 = arith.mulf %add3A_19, %mul3A : vector<1000x128xf32>
    %get3A_21 = arith.constant 0 : index
    %get3A_22 = arith.constant 0 : index
    %get3A_23 = vector.load %arg7[%get3A_21, %get3A_22] : memref<1x128xf32, #tpu.memory_space<vmem>>, vector<1x128xf32>
    %add3A_24 = vector.broadcast %get3A_23 : vector<1x128xf32> to vector<1000x128xf32>
    %add3A_25 = arith.addf %mul3A_20, %add3A_24 : vector<1000x128xf32>
    %get3A_26 = arith.constant 0 : index
    %get3A_27 = arith.constant 0 : index
    %get3A_28 = vector.load %arg8[%get3A_26, %get3A_27] : memref<1x128xf32, #tpu.memory_space<vmem>>, vector<1x128xf32>
    %mul3A_29 = arith.constant 0.999994993 : f32
    %mul3A_30 = vector.broadcast %mul3A_29 : f32 to vector<1x128xf32>
    %mul3A_31 = arith.mulf %get3A_28, %mul3A_30 : vector<1x128xf32>
    %mul3A_32 = vector.broadcast %mul3A_31 : vector<1x128xf32> to vector<1000x128xf32>
    %mul3A_33 = arith.mulf %add3A_25, %mul3A_32 : vector<1000x128xf32>
    %get3A_34 = arith.constant 0 : index
    %get3A_35 = arith.constant 0 : index
    %get3A_36 = vector.load %arg9[%get3A_34, %get3A_35] : memref<1x128xf32, #tpu.memory_space<vmem>>, vector<1x128xf32>
    %add3A_37 = vector.broadcast %get3A_36 : vector<1x128xf32> to vector<1000x128xf32>
    %add3A_38 = arith.addf %mul3A_33, %add3A_37 : vector<1000x128xf32>
    %max3A = arith.constant 0.000000e+00 : f32
    %max3A_39 = vector.broadcast %max3A : f32 to vector<1000x128xf32>
    %max3A_40 = arith.maximumf %add3A_38, %max3A_39 : vector<1000x128xf32>
    %get3A_41 = arith.constant 0 : index
    %get3A_42 = arith.constant 0 : index
    %get3A_43 = vector.load %arg6[%get3A_41, %get3A_42] : memref<128x128xf32, #tpu.memory_space<vmem>>, vector<128x128xf32>
    %dot_general3A = arith.constant dense<0.000000e+00> : vector<1000x128xf32>
    %dot_general3A_44 = tpu.matmul %max3A_40, %get3A_43, %dot_general3A {dimension_numbers = #tpu.dot_dimension_numbers<[1], [0], [0], [1], [0, 0, 1, 1], [], []>, transpose_lhs_hint = false} : vector<1000x128xf32>, vector<128x128xf32>, vector<1000x128xf32> -> vector<1000x128xf32>
    %mul3A_45 = vector.broadcast %rsqrt3A : vector<1000x1xf32> to vector<1000x128xf32>
    %mul3A_46 = arith.mulf %dot_general3A_44, %mul3A_45 : vector<1000x128xf32>
    %swap3A = arith.constant 0 : index
    %swap3A_47 = arith.constant 0 : index
    %swap3A_48 = vector.load %arg10[%swap3A, %swap3A_47] : memref<1000x128xf32, #tpu.memory_space<vmem>>, vector<1000x128xf32>
    tpu.vector_store %arg10[%swap3A, %swap3A_47], %mul3A_46 {strides = array<i32>} : memref<1000x128xf32, #tpu.memory_space<vmem>>, vector<1000x128xf32>,
    return
  }
  func.func @transform_0(%arg0: i32) -> (i32, i32) {
    %c0_i32 = arith.constant 0 : i32
    %c0_i32_0 = arith.constant 0 : i32
    return %arg0, %c0_i32 : i32, i32
  }
  func.func @transform_1(%arg0: i32) -> (i32, i32) {
    %c0_i32 = arith.constant 0 : i32
    %c0_i32_0 = arith.constant 0 : i32
    return %arg0, %c0_i32 : i32, i32
  }
  func.func @transform_2(%arg0: i32) -> (i32, i32) {
    %c0_i32 = arith.constant 0 : i32
    %c0_i32_0 = arith.constant 0 : i32
    return %arg0, %c0_i32 : i32, i32
  }
  func.func @transform_3(%arg0: i32) -> (i32, i32) {
    %c0_i32 = arith.constant 0 : i32
    %c0_i32_0 = arith.constant 0 : i32
    return %arg0, %c0_i32 : i32, i32
  }
  func.func @transform_4(%arg0: i32) -> (i32, i32) {
    %c0_i32 = arith.constant 0 : i32
    %c0_i32_0 = arith.constant 0 : i32
    return %arg0, %c0_i32 : i32, i32
  }
  func.func @transform_5(%arg0: i32) -> (i32, i32) {
    %c0_i32 = arith.constant 0 : i32
    %c0_i32_0 = arith.constant 0 : i32
    %c0_i32_1 = arith.constant 0 : i32
    return %c0_i32, %c0_i32_0 : i32, i32
  }
  func.func @transform_6(%arg0: i32) -> (i32, i32) {
    %c0_i32 = arith.constant 0 : i32
    %c0_i32_0 = arith.constant 0 : i32
    %c0_i32_1 = arith.constant 0 : i32
    return %c0_i32, %c0_i32_0 : i32, i32
  }
  func.func @transform_7(%arg0: i32) -> (i32, i32) {
    %c0_i32 = arith.constant 0 : i32
    %c0_i32_0 = arith.constant 0 : i32
    %c0_i32_1 = arith.constant 0 : i32
    return %c0_i32, %c0_i32_0 : i32, i32
  }
  func.func @transform_8(%arg0: i32) -> (i32, i32) {
    %c0_i32 = arith.constant 0 : i32
    %c0_i32_0 = arith.constant 0 : i32
    %c0_i32_1 = arith.constant 0 : i32
    return %c0_i32, %c0_i32_0 : i32, i32
  }
  func.func @transform_9(%arg0: i32) -> (i32, i32) {
    %c0_i32 = arith.constant 0 : i32
    %c0_i32_0 = arith.constant 0 : i32
    return %arg0, %c0_i32 : i32, i32
  }
}

module attributes {stable_mosaic.version = 14 : i64} {
  func.func @_tc3_body(%arg0: i32, %arg1: memref<1000x128xf32, #tpu.memory_space<vmem>>, %arg2: memref<1000x128xf32, #tpu.memory_space<vmem>>, %arg3: memref<1000x128xf32, #tpu.memory_space<vmem>>, %arg4: memref<1000x128xf32, #tpu.memory_space<vmem>>, %arg5: memref<1000x128xf32, #tpu.memory_space<vmem>>, %arg6: memref<1x128xf32, #tpu.memory_space<vmem>>, %arg7: memref<1000x40xf32, #tpu.memory_space<vmem>>) attributes {dimension_semantics = [#tpu.dimension_semantics<arbitrary>], iteration_bounds = array<i64: 10>, scalar_prefetch = 0 : i64, scratch_operands = 0 : i64, tpu.core_type = #tpu.core_type<tc>, window_params = [{transform_indices = @transform_0, window_bounds = array<i64: 1000, 128>}, {transform_indices = @transform_1, window_bounds = array<i64: 1000, 128>}, {transform_indices = @transform_2, window_bounds = array<i64: 1000, 128>}, {transform_indices = @transform_3, window_bounds = array<i64: 1000, 128>}, {transform_indices = @transform_4, window_bounds = array<i64: 1000, 128>}, {pipeline_mode = #tpu.pipeline_mode<synchronous>, transform_indices = @transform_5, window_bounds = array<i64: 1, 128>}, {transform_indices = @transform_6, window_bounds = array<i64: 1000, 40>}]} {
    %get3A = arith.constant 0 : index
    %get3A_0 = arith.constant 0 : index
    %get3A_1 = vector.load %arg4[%get3A, %get3A_0] : memref<1000x128xf32, #tpu.memory_space<vmem>>, vector<1000x128xf32>
    %slice3A = vector.extract_strided_slice %get3A_1 {offsets = [0, 0], sizes = [1000, 1], strides = [1, 1]} : vector<1000x128xf32> to vector<1000x1xf32>
    %get3A_2 = arith.constant 0 : index
    %get3A_3 = arith.constant 0 : index
    %get3A_4 = vector.load %arg5[%get3A_2, %get3A_3] : memref<1000x128xf32, #tpu.memory_space<vmem>>, vector<1000x128xf32>
    %slice3A_5 = vector.extract_strided_slice %get3A_4 {offsets = [0, 0], sizes = [1000, 1], strides = [1, 1]} : vector<1000x128xf32> to vector<1000x1xf32>
    %add3A = arith.addf %slice3A, %slice3A_5 : vector<1000x1xf32>
    %add3A_6 = arith.constant 1.000000e+00 : f32
    %add3A_7 = vector.broadcast %add3A_6 : f32 to vector<1000x1xf32>
    %add3A_8 = arith.addf %add3A, %add3A_7 : vector<1000x1xf32>
    %rsqrt3A = math.rsqrt %add3A_8 : vector<1000x1xf32>
    %get3A_9 = arith.constant 0 : index
    %get3A_10 = arith.constant 0 : index
    %get3A_11 = vector.load %arg1[%get3A_9, %get3A_10] : memref<1000x128xf32, #tpu.memory_space<vmem>>, vector<1000x128xf32>
    %get3A_12 = arith.constant 0 : index
    %get3A_13 = arith.constant 0 : index
    %get3A_14 = vector.load %arg2[%get3A_12, %get3A_13] : memref<1000x128xf32, #tpu.memory_space<vmem>>, vector<1000x128xf32>
    %add3A_15 = arith.addf %get3A_11, %get3A_14 : vector<1000x128xf32>
    %get3A_16 = arith.constant 0 : index
    %get3A_17 = arith.constant 0 : index
    %get3A_18 = vector.load %arg3[%get3A_16, %get3A_17] : memref<1000x128xf32, #tpu.memory_space<vmem>>, vector<1000x128xf32>
    %add3A_19 = arith.addf %add3A_15, %get3A_18 : vector<1000x128xf32>
    %mul3A = vector.broadcast %rsqrt3A : vector<1000x1xf32> to vector<1000x128xf32>
    %mul3A_20 = arith.mulf %add3A_19, %mul3A : vector<1000x128xf32>
    %get3A_21 = arith.constant 0 : index
    %get3A_22 = arith.constant 0 : index
    %get3A_23 = vector.load %arg6[%get3A_21, %get3A_22] : memref<1x128xf32, #tpu.memory_space<vmem>>, vector<1x128xf32>
    %add3A_24 = vector.broadcast %get3A_23 : vector<1x128xf32> to vector<1000x128xf32>
    %add3A_25 = arith.addf %mul3A_20, %add3A_24 : vector<1000x128xf32>
    %slice3A_26 = vector.extract_strided_slice %add3A_25 {offsets = [0, 0], sizes = [1000, 40], strides = [1, 1]} : vector<1000x128xf32> to vector<1000x40xf32>
    %reduce_max3A = arith.constant dense<0xFF800000> : vector<1000xf32>
    %reduce_max3A_27 = vector.multi_reduction <maximumf>, %slice3A_26, %reduce_max3A [1] : vector<1000x40xf32> to vector<1000xf32>
    %broadcast_in_dim3A = vector.shape_cast %reduce_max3A_27 : vector<1000xf32> to vector<1000x1xf32>
    %sub3A = vector.broadcast %broadcast_in_dim3A : vector<1000x1xf32> to vector<1000x40xf32>
    %sub3A_28 = arith.subf %slice3A_26, %sub3A : vector<1000x40xf32>
    %exp3A = math.exp %sub3A_28 : vector<1000x40xf32>
    %reduce_sum3A = arith.constant dense<0.000000e+00> : vector<1000xf32>
    %reduce_sum3A_29 = vector.multi_reduction <add>, %exp3A, %reduce_sum3A [1] : vector<1000x40xf32> to vector<1000xf32>
    %broadcast_in_dim3A_30 = vector.shape_cast %reduce_sum3A_29 : vector<1000xf32> to vector<1000x1xf32>
    %log3A = math.log %broadcast_in_dim3A_30 : vector<1000x1xf32>
    %add3A_31 = arith.addf %log3A, %broadcast_in_dim3A : vector<1000x1xf32>
    %sub3A_32 = vector.broadcast %add3A_31 : vector<1000x1xf32> to vector<1000x40xf32>
    %sub3A_33 = arith.subf %slice3A_26, %sub3A_32 : vector<1000x40xf32>
    %swap3A = arith.constant 0 : index
    %swap3A_34 = arith.constant 0 : index
    %swap3A_35 = vector.load %arg7[%swap3A, %swap3A_34] : memref<1000x40xf32, #tpu.memory_space<vmem>>, vector<1000x40xf32>
    tpu.vector_store %arg7[%swap3A, %swap3A_34], %sub3A_33 {strides = array<i32>} : memref<1000x40xf32, #tpu.memory_space<vmem>>, vector<1000x40xf32>,
    return
  }
  func.func @transform_0(%arg0: i32) -> (i32, i32) {
    %c0_i32 = arith.constant 0 : i32
    %c0_i32_0 = arith.constant 0 : i32
    return %arg0, %c0_i32 : i32, i32
  }
  func.func @transform_1(%arg0: i32) -> (i32, i32) {
    %c0_i32 = arith.constant 0 : i32
    %c0_i32_0 = arith.constant 0 : i32
    return %arg0, %c0_i32 : i32, i32
  }
  func.func @transform_2(%arg0: i32) -> (i32, i32) {
    %c0_i32 = arith.constant 0 : i32
    %c0_i32_0 = arith.constant 0 : i32
    return %arg0, %c0_i32 : i32, i32
  }
  func.func @transform_3(%arg0: i32) -> (i32, i32) {
    %c0_i32 = arith.constant 0 : i32
    %c0_i32_0 = arith.constant 0 : i32
    return %arg0, %c0_i32 : i32, i32
  }
  func.func @transform_4(%arg0: i32) -> (i32, i32) {
    %c0_i32 = arith.constant 0 : i32
    %c0_i32_0 = arith.constant 0 : i32
    return %arg0, %c0_i32 : i32, i32
  }
  func.func @transform_5(%arg0: i32) -> (i32, i32) {
    %c0_i32 = arith.constant 0 : i32
    %c0_i32_0 = arith.constant 0 : i32
    %c0_i32_1 = arith.constant 0 : i32
    return %c0_i32, %c0_i32_0 : i32, i32
  }
  func.func @transform_6(%arg0: i32) -> (i32, i32) {
    %c0_i32 = arith.constant 0 : i32
    %c0_i32_0 = arith.constant 0 : i32
    return %arg0, %c0_i32 : i32, i32
  }
}

</mosaic_0001>

<sc_bundles>
// kernel: kernel.11.cloned.1.call-start
scs
__scs_entry_jumppad:
0x0: {  	(pc) =	sbr.rel $0x88, $3  }
0x1: {  	(tag) =	ssettag $0x0;
	lr =	simm.s32 $0x1  }
0x2: {  	[smem:$0x3F95] =	sst lr;
	_ =	strace $0xD0000000  }
0x3: {  	_ = 	snop  }
0x4: {  	_ = 	snop  }
0x5: {  	_ = 	snop  }
0x6: {  	_ = 	snop  }
0x7: {  	_ = 	snop  }
__scs_overlays_trampoline_lowered:
0x8: {  	[smem:$0x3FA4] =	sst s0  }
0x9: {  	[smem:$0x3FA5] =	sst s1  }
0xa: {  	[smem:$0x3FA6] =	sst s2  }
0xb: {  	[smem:$0x3FA7] =	sst s3  }
0xc: {  	[smem:$0x3FA8] =	sst s4  }
0xd: {  	[smem:$0x3FA9] =	sst s5  }
0xe: {  	[smem:$0x3FAA] =	sst s6  }
0xf: {  	[smem:$0x3FAB] =	sst s7  }
0x10: {  	[smem:$0x3FAC] =	sst s8  }
0x11: {  	[smem:$0x3FAD] =	sst s9;
	s0 =	simm.s32 @!p0 $0x0  }
0x12: {  	s1 =	sld [smem:$0x3F93];
	s0 =	simm.s32 @p0 $0x1  }
0x13: {  	[smem:$0x3FAE] =	sst s0;
	s0 =	simm.s32 @!p1 $0x0  }
0x14: {  	s2 =	sld [smem:$0x3F92];
	s0 =	simm.s32 @p1 $0x1  }
0x15: {  	[smem:$0x3FAF] =	sst s0;
	s0 =	simm.s32 @!p2 $0x0  }
0x16: {  	s3 =	sld [smem:$0x3FDB];
	s0 =	simm.s32 @p2 $0x1  }
0x17: {  	s4 =	simm.s32 $0x1BF5;
	[smem:$0x3FB1] =	sst s0  }
0x18: {  	s0 =	sld [smem:$0x3F94];
	_ =	swait.ge [sflag:s4], $0x0  }
0x19: {  	s7 =	sld [smem:$0x3F95]  }
0x1a: {  	s8 =	sadd.s32 $0xFFFFE003, lr  }
0x1b: {  	s9 =	sadd.s32 $0xFFFFFEF7, lr;
	s5 =	simm.s32 $0xFFFFFFFF;
	p2 =	slt.u32 s8, $0xFFFFF086  }
0x1c: {  	p1 =	slt.u32 s9, $0xF7A;
	s5 =	simm.s32 @!p2 $0x0  }
0x1d: {  	s5 =	simm.s32 @p1 $0x1;
	p0 =	seq.s32 s7, s2  }
0x1e: {  	s7 =	smul.u32 @!p0 $0xF7A, s2;
	p2 =	seq.s32 @!p0 s5, $0x0  }
0x1f: {  	s9 =	smul.u32 $0xF7A, s1;
	s8 =	simm.s32 @!p0 $0x1BF5;
	p2 =	por !p2, p0  }
0x20: {  	[sflag:s8] =	ssyncset.s32 @!p0 $0xFFFFF086;
	s6 =	sadd.s32 @!p0 s3, s7;
	s7 =	simm.s32 @!p0 $0x108  }
0x21: {  	s3 =	sadd.s32 s3, s9;
	s6 =	sadd.s32 @!p0 $0x88, s6;
	s7 =	simm.s32 @p2 $0x1082  }
0x22: {  	[simem:s7], [sflag:s8] =	dma.local @!p0 [hbm:s6], $0xF7A  }
0x23: {  	s9 =	sor.u32 $0xD0000000, s2;
	s6 =	simm.s32 $0x108;
	_ =	swait.ge @!p0 [sflag:s8], $0x0  }
0x24: {  	s3 =	sadd.s32 $0x88, s3;
	s6 =	simm.s32 @!p1 $0x1082;
	[sflag:s4] =	ssyncset.s32 $0xFFFFF086  }
0x25: {  	[simem:s6], [sflag:s4] =	dma.local [hbm:s3], $0xF7A  }
0x26: {  	[smem:$0x3F95] =	sst s1;
	(tag) =	ssettag s2;
	_ =	strace s9  }
0x27: {  	s1 =	sld [smem:$0x3FA5]  }
0x28: {  	s2 =	sld [smem:$0x3FA6]  }
0x29: {  	s4 =	sld [smem:$0x3FA8]  }
0x2a: {  	p0 =	seq.s32 s5, $0x0;
	s5 =	sld [smem:$0x3FA9]  }
0x2b: {  	s6 =	sld [smem:$0x3FAA]  }
0x2c: {  	s7 =	sld [smem:$0x3FAB]  }
0x2d: {  	s3 =	simm.s32 $0x108;
	s8 =	sld [smem:$0x3FAC]  }
0x2e: {  	s3 =	simm.s32 @!p0 $0x1082;
	s9 =	sld [smem:$0x3FAD]  }
0x2f: {  	lr =	sadd.s32 s0, s3;
	s0 =	sld [smem:$0x3FA4]  }
0x30: {  	s3 =	sld [smem:$0x3FA7]  }
0x31: {  	[smem:$0x3FB0] =	sst s10  }
0x32: {  	s10 =	sld [smem:$0x3FAE];
	_ =	sdelay $0x3  }
0x33: {  	p0 =	seq.s32 s10, $0x1;
	s10 =	sld [smem:$0x3FB0];
	_ =	sdelay $0x3  }
0x34: {  	[smem:$0x3FB0] =	sst s10  }
0x35: {  	s10 =	sld [smem:$0x3FAF];
	_ =	sdelay $0x3  }
0x36: {  	p1 =	seq.s32 s10, $0x1;
	s10 =	sld [smem:$0x3FB0];
	_ =	sdelay $0x3  }
0x37: {  	[smem:$0x3FB0] =	sst s10  }
0x38: {  	s10 =	sld [smem:$0x3FB1]  }
0x39: {  	_ = 	snop;
	(pc) =	sbr.ind lr, $3  }
0x3a: {  	_ = 	snop  }
0x3b: {  	_ = 	snop  }
0x3c: {  	p2 =	seq.s32 s10, $0x1;
	s10 =	sld [smem:$0x3FB0]  }
0x3d: {  	_ =	shalt  }
0x3e: {  	_ =	shalt  }
0x3f: {  	_ =	shalt  }
0x40: {  	_ =	shalt  }
0x41: {  	_ =	shalt  }
0x42: {  	_ =	shalt  }
0x43: {  	_ =	shalt  }
0x44: {  	_ =	shalt  }
0x45: {  	_ =	shalt  }
0x46: {  	_ =	shalt  }
0x47: {  	_ =	shalt  }
0x48: {  	_ =	shalt  }
0x49: {  	_ =	shalt  }
0x4a: {  	_ =	shalt  }
0x4b: {  	_ =	shalt  }
0x4c: {  	_ =	shalt  }
0x4d: {  	_ =	shalt  }
0x4e: {  	_ =	shalt  }
0x4f: {  	_ =	shalt  }
0x50: {  	_ =	shalt  }
0x51: {  	_ =	shalt  }
0x52: {  	_ =	shalt  }
0x53: {  	_ =	shalt  }
0x54: {  	_ =	shalt  }
0x55: {  	_ =	shalt  }
0x56: {  	_ =	shalt  }
0x57: {  	_ =	shalt  }
0x58: {  	_ =	shalt  }
0x59: {  	_ =	shalt  }
0x5a: {  	_ =	shalt  }
0x5b: {  	_ =	shalt  }
0x5c: {  	_ =	shalt  }
0x5d: {  	_ =	shalt  }
0x5e: {  	_ =	shalt  }
0x5f: {  	_ =	shalt  }
0x60: {  	_ =	shalt  }
0x61: {  	_ =	shalt  }
0x62: {  	_ =	shalt  }
0x63: {  	_ =	shalt  }
0x64: {  	_ =	shalt  }
0x65: {  	_ =	shalt  }
0x66: {  	_ =	shalt  }
0x67: {  	_ =	shalt  }
0x68: {  	_ =	shalt  }
0x69: {  	_ =	shalt  }
0x6a: {  	_ =	shalt  }
0x6b: {  	_ =	shalt  }
0x6c: {  	_ =	shalt  }
0x6d: {  	_ =	shalt  }
0x6e: {  	_ =	shalt  }
0x6f: {  	_ =	shalt  }
0x70: {  	_ =	shalt  }
0x71: {  	_ =	shalt  }
0x72: {  	_ =	shalt  }
0x73: {  	_ =	shalt  }
0x74: {  	_ =	shalt  }
0x75: {  	_ =	shalt  }
0x76: {  	_ =	shalt  }
0x77: {  	_ =	shalt  }
0x78: {  	_ =	shalt  }
0x79: {  	_ =	shalt  }
0x7a: {  	_ =	shalt  }
0x7b: {  	_ =	shalt  }
0x7c: {  	_ =	shalt  }
0x7d: {  	_ =	shalt  }
0x7e: {  	_ =	shalt  }
0x7f: {  	_ =	shalt  }
0x80: {  	_ =	shalt  }
0x81: {  	_ =	shalt  }
0x82: {  	_ =	shalt  }
0x83: {  	_ =	shalt  }
0x84: {  	_ =	shalt  }
0x85: {  	_ =	shalt  }
0x86: {  	_ =	shalt  }
0x87: {  	_ =	shalt  }
.Lfunc_end0:
.L_simem_size_0:
called_computation.1_lowered:
.L_overlay_start_0:
0x88: {  	s2 =	sld [smem:$0x3FD9]  }
0x89: {  	s3 =	sld [smem:$0x3FFE];
	_ =	sdelay $0x1  }
0x8a: {  	s1 =	srdreg.scid  }
0x8b: {  	s0 =	sand.u32 $0x1, s1  }
0x8c: {  	s17 =	sshll.u32 s0, $0xA;
	s2 =	sadd.s32 s3, s2  }
0x8d: {  	s2 =	sadd.s32 s2, s17  }
0x8e: {  	[smem:$0x3FBC] =	sst s2  }
0x8f: {  	_ = 	snop  }
0x90: {  	s2 =	sld [smem:$0x3FD0];
	(tm) =	ssettm $0x1  }
0x91: {  	s18 =	sld [smem:$0x3FFB];
	_ =	sdelay $0x3  }
0x92: {  	_ =	strace s18  }
0x93: {  	s3 =	sld [smem:$0x3FFC];
	_ =	sdelay $0x3  }
0x94: {  	_ =	strace s3  }
0x95: {  	s3 =	sld [smem:$0x3FFD];
	_ =	sdelay $0x3  }
0x96: {  	_ =	strace s3  }
0x97: {  	_ =	strace $0x8FFFFFFF  }
0x98: {  	s19 =	sld [smem:$0x3FDB];
	_ =	sdelay $0x1  }
0x99: {  	s4 =	simm.s32 $_scs_section_size  }
0x9a: {  	s5 =	simm.s32 $_size__tile_overlayer_lowered;
	s6 =	simm.s32 $_tile_overlayer_lowered  }
0x9b: {  	s22 =	simm.s32 $0x1BFF;
	s21 =	sshll.u32 s6, $0x1;
	s3 =	sadd.s32 s4, s19  }
0x9c: {  	s7 =	simm.s32 $0x0;
	s20 =	sshll.u32 s5, $0x1;
	s5 =	sadd.s32 s21, s3  }
0x9d: {  	[timem:s7], [sflag:s22] =	dma.local [hbm:s5], s20  }
0x9e: {  	_ =	swait.ge [sflag:s22], s20  }
0x9f: {  	s4 =	ssub.s32 $0x0, s20;
	[sflag:s22] =	ssyncset.done $0x0  }
0xa0: {  	[sflag:s22] =	ssyncadd.s32 s4;
	_ =	sdelay $0x1  }
0xa1: {  	s23 =	simm.s32 $0x1B8B  }
0xa2: {  	_ =	swait.ge [sflag:s23], $0x1  }
0xa3: {  	[sflag:s23] =	ssyncset.done $0x0  }
0xa4: {  	s25 =	simm.s32 $0x1B8E;
	s24 =	sld [smem:$0x3FFE];
	[sflag:s23] =	ssyncadd.s32 $0xFFFFFFFF  }
0xa5: {  	s26 =	simm.s32 $execute0_lowered;
	[smem:$0x3FD2] =	sst s25  }
0xa6: {  	s5 =	sshll.u32 s26, $0x1;
	_ =	strace $0x80000049;
	[dreg:$0x1] =	wrdreg $0xFFFFFFFF  }
0xa7: {  	s28 =	simm.s32 $_size_execute0_lowered;
	s3 =	sadd.s32 s3, s5;
	[dreg:$0x0] =	wrdreg $0x0  }
0xa8: {  	s5 =	sshll.u32 s28, $0x1;
	[dreg:$0x2] =	wrdreg s3  }
0xa9: {  	[dreg:$0x3] =	wrdreg s5  }
0xaa: {  	[dreg:$0x4] =	wrdreg $0xC0  }
0xab: {  	_ =	task [dreg:s7], $0x5FFFF  }
0xac: {  	[dreg:$0x1] =	wrdreg $0xFFFFFFFF  }
0xad: {  	[dreg:$0x0] =	wrdreg $0x60  }
0xae: {  	[dreg:$0x2] =	wrdreg s24  }
0xaf: {  	[dreg:$0x3] =	wrdreg s2  }
0xb0: {  	[dreg:$0x4] =	wrdreg $0x84000  }
0xb1: {  	[dreg:$0x5] =	wrdreg $0x9  }
0xb2: {  	_ =	task.clear_ibuf [dreg:s7], $0x6FFFF;
	_ =	strace $0x90000049  }
0xb3: {  	s29 =	simm.s32 $0x9;
	_ =	strace $0x8000004B  }
0xb4: {  	_ =	swait.ge [sflag:s29], $0x1  }
0xb5: {  	[sflag:s29] =	ssyncadd.s32 $0xFFFFFFFF  }
0xb6: {  	_ =	strace $0x9000004B  }
0xb7: {  	_ =	sfence  }
0xb8: {  	s30 =	sld [smem:$0x0];
	_ =	sdelay $0x2  }
0xb9: {  	s31 =	sshll.u32 s1, $0xD;
	s1 =	sshrl.u32 s1, $0x2  }
0xba: {  	s3 =	sand.u32 $0x4000, s31;
	s1 =	sadd.s32 s1, s30  }
0xbb: {  	s0 =	sor.u32 s3, s0;
	s1 =	sshll.u32 s1, $0x11  }
0xbc: {  	s0 =	sor.u32 s1, s0  }
0xbd: {  	s0 =	sadd.s32 $0x8F2B, s0  }
0xbe: {  	[sflag:s0] =	ssyncadd.remote.s32 $0x1  }
0xbf: {  	_ =	sfence.sel $0xFFFF  }
0xc0: {  	[dreg:$0x0] =	wrdreg $0xFFFFFFFF;
	(pc) =	sbr.abs _section_cstart, $3  }
0xc1: {  	[dreg:$0x1] =	wrdreg $0xFFFFFFFF  }
0xc2: {  	_ =	task.clear_ibuf [dreg:s7], $0x2FFFF;
	_ =	strace $0x9FFFFFFF  }
0xc3: {  	(tm) =	ssettm $0x7FFFFFFF  }
tec
execute0_lowered:
.L_overlay_start_1:
0x0: {  	(tag) =	ssettag $0x1  }
0x1: {  	s0 =	rddreg [dreg:$0x0]  }
0x2: {  	s15 =	rddreg [dreg:$0x1]  }
0x3: {  	s2 =	rddreg [dreg:$0x2];
	s1 =	srdreg.scid;
	s4 =	simm.s32 $0x0  }
0x4: {  	s13 =	stileid.u32;
	s28 =	simm.s32 $0x5;
	s29 =	simm.s32 $0x3  }
0x5: {  	s30 =	simm.s32 $0x6;
	s31 =	simm.s32 $0x180;
	s6 =	smul.u32 $0x13C00, s13  }
0x6: {  	s1 =	sand.u32 $0x1, s1;
	[smem:$0x7FF] =	sst s4;
	s9 =	smul.u32 $0x4F000, s13  }
0x7: {  	s5 =	sadd.s32 $0x80800, s0;
	s7 =	sadd.s32 $0x67800, s0;
	s19 =	smul.u32 $0x320, s13  }
0x8: {  	s18 =	sshll.u32 s13, $0x6;
	s3 =	smul.u32 $0x13C000, s1;
	_ =	strace $0x8000004A  }
0x9: {  	s12 =	sshll.u32 s1, $0x1;
	s8 =	ssub.s32 $0x2, s1;
	s16 =	smul.u32 $0x640, s1  }
0xa: {  	p0 =	seq.s32 s1, $0x0;
	s10 =	sshrl.u32 s8, $0x1;
	s17 =	sshrl.u32 s9, $0x2  }
0xb: {  	s3 =	sadd.s32 s6, s3;
	s6 =	sadd.s32 s13, s12;
	s14 =	ssub.s32 s8, s10  }
0xc: {  	s12 =	sadd.s32 s17, s2;
	s22 =	sadd.s32 s19, s16;
	s10 =	simm.s32 $0xC7  }
0xd: {  	s19 =	simm.s32 $0x100;
	s8 =	simm.s32 $0x0;
	s3 =	sshrl.u32 s3, $0x3  }
0xe: {  	s11 =	smul.u32 $0x6400, s6;
	s6 =	sor.u32 $0x1C07, s18;
	s1 =	sshll.u32 s22, $0x5  }
0xf: {  	s10 =	simm.s32 @!p0 $0x79;
	p0 =	sgt.u32 s13, $0x1;
	s17 =	sshrl.u32 s12, $0x3  }
0x10: {  	s18 =	simm.s32 $0x7;
	s22 =	simm.s32 $0x1;
	s0 =	sadd.s32 s3, s0  }
0x11: {  	[dreg:$0x8] =	wrdreg s10;
	s1 =	sadd.s32 s1, s7;
	s10 =	smax.u32 s14, $0x1  }
0x12: {  	s3 =	simm.s32 $0x280;
	s20 =	sadd.s32 s7, s11;
	s16 =	sadd.s32 $0xA7A00, s0  }
0x13: {  	s14 =	sadd.s32 $0xE0, s1;
	s25 =	sadd.s32 $0xC0, s1;
	[dreg:$0x4] =	wrdreg s20  }
0x14: {  	s26 =	sadd.s32 $0x80, s1;
	s0 =	simm.s32 $0x4;
	[dreg:$0x9] =	wrdreg s25  }
.Ltmp0:
0x15: {  	s21 =	sadd.s32 $0x20, s20;
	[dreg:$0xa] =	wrdreg s26;
	(pc) =	sbr.rel .LBB2_1-.Ltmp0, $4  }
0x16: {  	s1 =	simm.s32 $0x380;
	s23 =	sadd.s32 $0x40, s20;
	[dreg:$0x5] =	wrdreg s21  }
0x17: {  	s24 =	sadd.s32 $0x60, s20;
	s20 =	simm.s32 $0x200;
	[dreg:$0x6] =	wrdreg s23  }
0x18: {  	s25 =	simm.s32 $0x2;
	s26 =	simm.s32 $0x4400;
	[dreg:$0x7] =	wrdreg s24  }
0x19: {  	s21 =	simm.s32 $0x300;
	s23 =	simm.s32 $0x80;
	s24 =	simm.s32 $0x400  }
.LBB2_5:
0x1a: {  	[bflag:$0x0] =	sbarrier.arrive $0xFFFF  }
.LBB2_6:
0x1b: {  	s8 =	sadd.s32 $0x1, s8  }
0x1c: {  	p1 =	sne.s32 s8, s10  }
.Ltmp1:
0x1d: {  	[bflag:$0x0] =	sbarrier.arrive $0xFFFF;
	(pc) =	sbr.rel @!p1 .LBB2_7-.Ltmp1, $4  }
0x1e: {  	[hbm:s16], [sflag:s6] =	dma.local [spmem:s17], $0x2780  }
0x1f: {  	_ =	swait.ge [sflag:s18], $0x2780  }
0x20: {  	[sflag:s18] =	ssyncset.done $0x0  }
0x21: {  	[sflag:s18] =	ssyncadd.s32 $0xFFFFD880  }
.LBB2_1:
.Ltmp2:
0x22: {  	(pc) =	sbr.rel @p0 .LBB2_5-.Ltmp2, $4  }
0x23: {  	[spmem:s17], [sflag:s6] =	dma.local [hbm:s15], $0x2780  }
0x24: {  	_ =	swait.ge [sflag:s18], $0x2780  }
0x25: {  	[sflag:s18] =	ssyncset.done $0x0  }
0x26: {  	[sflag:s18] =	ssyncadd.s32 $0xFFFFD880  }
0x27: {  	s7 =	rddreg [dreg:$0x4]  }
0x28: {  	[tilespmem:s4], [sflag:$0x1] =	stream.linear.gather [hbm4b:s7+s4], $0x100, $0x38;
	[tilespmem:$0x1C000] =	vst v63  }
0x29: {  	s13 =	rddreg [dreg:$0x5]  }
0x2a: {  	[tilespmem:s19], [sflag:$0x2] =	stream.linear.gather [hbm4b:s13+s4], $0x100, $0x38;
	[tilespmem:$0x1C000] =	vst v63  }
0x2b: {  	s9 =	rddreg [dreg:$0x6]  }
0x2c: {  	[tilespmem:s20], [sflag:$0x3] =	stream.linear.gather [hbm4b:s9+s4], $0x100, $0x38;
	[tilespmem:$0x1C000] =	vst v63  }
0x2d: {  	s11 =	rddreg [dreg:$0x7]  }
0x2e: {  	[tilespmem:s21], [sflag:$0x4] =	stream.linear.gather [hbm4b:s11+s4], $0x100, $0x38;
	[tilespmem:$0x1C000] =	vst v63  }
0x2f: {  	[bflag:$0x0] =	sbarrier.arrive $0xFFFF  }
0x30: {  	_ =	swait.ge [sflag:s22], $0x100  }
0x31: {  	[sflag:s22] =	ssyncset.done $0x0  }
0x32: {  	[sflag:s22] =	ssyncadd.s32 $0xFFFFFF00  }
0x33: {  	[tilespmem:s24], [sflag:$0x5] =	stream.indirect.gather [hbm4b:s5+s23], $0x80, s4, s23, $0xb8;
	[tilespmem:$0x1C000] =	vst v63  }
0x34: {  	_ =	swait.ge [sflag:s25], $0x100  }
0x35: {  	[sflag:s25] =	ssyncset.done $0x0  }
0x36: {  	[sflag:s25] =	ssyncadd.s32 $0xFFFFFF00  }
0x37: {  	[tilespmem:s26], [sflag:$0x6] =	stream.indirect.gather [hbm4b:s5+s23], $0x80, s19, s23, $0xb8;
	[tilespmem:$0x1C000] =	vst v63  }
0x38: {  	_ =	swait.ge [sflag:s28], $0x4000  }
0x39: {  	[sflag:s28] =	ssyncset.done $0x0  }
0x3a: {  	[sflag:s28] =	ssyncadd.s32 $0xFFFFC000  }
0x3b: {  	[spmem:s2] =	stream.indirect.scatter.add.f32 [tilespmem:s24], [sflag:$0x7], $0x80, s23, s23, $0xb8;
	[tilespmem:$0x1C000] =	vst v63  }
0x3c: {  	_ =	swait.ge [sflag:s18], $0x4000  }
0x3d: {  	[sflag:s18] =	ssyncset.done $0x0  }
0x3e: {  	s11 =	rddreg [dreg:$0xa];
	[sflag:s18] =	ssyncadd.s32 $0xFFFFC000  }
0x3f: {  	[tilespmem:s4], [sflag:$0x1] =	stream.linear.gather [hbm4b:s11+s4], $0x100, $0x38;
	[tilespmem:$0x1C000] =	vst v63  }
0x40: {  	_ =	swait.ge [sflag:s29], $0x100  }
0x41: {  	[sflag:s29] =	ssyncset.done $0x0  }
0x42: {  	[sflag:s29] =	ssyncadd.s32 $0xFFFFFF00  }
0x43: {  	[tilespmem:s24], [sflag:$0x5] =	stream.indirect.gather [hbm4b:s5+s23], $0x80, s20, s23, $0xb8;
	[tilespmem:$0x1C000] =	vst v63  }
0x44: {  	_ =	swait.ge [sflag:s30], $0x4000  }
0x45: {  	[sflag:s30] =	ssyncset.done $0x0  }
0x46: {  	[sflag:s30] =	ssyncadd.s32 $0xFFFFC000  }
0x47: {  	[spmem:s2] =	stream.indirect.scatter.add.f32 [tilespmem:s26], [sflag:$0x7], $0x80, s31, s23, $0xb8;
	[tilespmem:$0x1C000] =	vst v63  }
0x48: {  	_ =	swait.ge [sflag:s18], $0x4000  }
0x49: {  	[sflag:s18] =	ssyncset.done $0x0  }
0x4a: {  	s12 =	sadd.s32 $0xFFFFFFC0, s14;
	[sflag:s18] =	ssyncadd.s32 $0xFFFFC000  }
0x4b: {  	[tilespmem:s19], [sflag:$0x2] =	stream.linear.gather [hbm4b:s12+s4], $0x100, $0x38;
	[tilespmem:$0x1C000] =	vst v63  }
0x4c: {  	_ =	swait.ge [sflag:s0], $0x100  }
0x4d: {  	[sflag:s0] =	ssyncset.done $0x0  }
0x4e: {  	[sflag:s0] =	ssyncadd.s32 $0xFFFFFF00  }
0x4f: {  	[tilespmem:s26], [sflag:$0x6] =	stream.indirect.gather [hbm4b:s5+s23], $0x80, s21, s23, $0xb8;
	[tilespmem:$0x1C000] =	vst v63  }
0x50: {  	_ =	swait.ge [sflag:s28], $0x4000  }
0x51: {  	[sflag:s28] =	ssyncset.done $0x0  }
0x52: {  	[sflag:s28] =	ssyncadd.s32 $0xFFFFC000  }
0x53: {  	[spmem:s2] =	stream.indirect.scatter.add.f32 [tilespmem:s24], [sflag:$0x7], $0x80, s3, s23, $0xb8;
	[tilespmem:$0x1C000] =	vst v63  }
0x54: {  	_ =	swait.ge [sflag:s18], $0x4000  }
0x55: {  	[sflag:s18] =	ssyncset.done $0x0  }
0x56: {  	s12 =	rddreg [dreg:$0x9];
	[sflag:s18] =	ssyncadd.s32 $0xFFFFC000  }
0x57: {  	[tilespmem:s20], [sflag:$0x3] =	stream.linear.gather [hbm4b:s12+s4], $0x100, $0x38;
	[tilespmem:$0x1C000] =	vst v63  }
0x58: {  	_ =	swait.ge [sflag:s22], $0x100  }
0x59: {  	[sflag:s22] =	ssyncset.done $0x0  }
0x5a: {  	[sflag:s22] =	ssyncadd.s32 $0xFFFFFF00  }
0x5b: {  	[tilespmem:s24], [sflag:$0x5] =	stream.indirect.gather [hbm4b:s5+s23], $0x80, s4, s23, $0xb8;
	[tilespmem:$0x1C000] =	vst v63  }
0x5c: {  	_ =	swait.ge [sflag:s30], $0x4000  }
0x5d: {  	[sflag:s30] =	ssyncset.done $0x0  }
0x5e: {  	[sflag:s30] =	ssyncadd.s32 $0xFFFFC000  }
0x5f: {  	[spmem:s2] =	stream.indirect.scatter.add.f32 [tilespmem:s26], [sflag:$0x7], $0x80, s1, s23, $0xb8;
	[tilespmem:$0x1C000] =	vst v63  }
0x60: {  	_ =	swait.ge [sflag:s18], $0x4000  }
0x61: {  	s13 =	rddreg [dreg:$0x8]  }
0x62: {  	[sflag:s18] =	ssyncset.done $0x0;
	p1 =	sne.s32 s13, $0x1  }
.Ltmp3:
0x63: {  	[sflag:s18] =	ssyncadd.s32 $0xFFFFC000;
	(pc) =	sbr.rel @!p1 .LBB2_4-.Ltmp3, $4  }
0x64: {  	[tilespmem:s21], [sflag:$0x4] =	stream.linear.gather [hbm4b:s14+s4], $0x100, $0x38;
	[tilespmem:$0x1C000] =	vst v63  }
0x65: {  	_ =	swait.ge [sflag:s25], $0x100  }
0x66: {  	s7 =	sadd.s32 $0x80, s14;
	s11 =	sadd.s32 $0x80, s11;
	[sflag:s25] =	ssyncset.done $0x0  }
0x67: {  	s12 =	sadd.s32 $0x80, s12;
	s9 =	sadd.s32 $0xFFFFFFFF, s13;
	[sflag:s25] =	ssyncadd.s32 $0xFFFFFF00  }
.LBB2_3:
0x68: {  	[tilespmem:s26], [sflag:$0x6] =	stream.indirect.gather [hbm4b:s5+s23], $0x80, s19, s23, $0xb8;
	[tilespmem:$0x1C000] =	vst v63  }
0x69: {  	p1 =	sne.s32 s9, $0x1;
	s9 =	sadd.s32 $0xFFFFFFFF, s9;
	_ =	swait.ge [sflag:s28], $0x4000  }
0x6a: {  	[sflag:s28] =	ssyncset.done $0x0  }
0x6b: {  	[sflag:s28] =	ssyncadd.s32 $0xFFFFC000  }
0x6c: {  	[spmem:s2] =	stream.indirect.scatter.add.f32 [tilespmem:s24], [sflag:$0x7], $0x80, s23, s23, $0xb8;
	[tilespmem:$0x1C000] =	vst v63  }
0x6d: {  	_ =	swait.ge [sflag:s18], $0x4000  }
0x6e: {  	[sflag:s18] =	ssyncset.done $0x0  }
0x6f: {  	[sflag:s18] =	ssyncadd.s32 $0xFFFFC000  }
0x70: {  	[tilespmem:s4], [sflag:$0x1] =	stream.linear.gather [hbm4b:s11+s4], $0x100, $0x38;
	[tilespmem:$0x1C000] =	vst v63  }
0x71: {  	_ =	swait.ge [sflag:s29], $0x100  }
0x72: {  	[sflag:s29] =	ssyncset.done $0x0  }
0x73: {  	[sflag:s29] =	ssyncadd.s32 $0xFFFFFF00  }
0x74: {  	[tilespmem:s24], [sflag:$0x5] =	stream.indirect.gather [hbm4b:s5+s23], $0x80, s20, s23, $0xb8;
	[tilespmem:$0x1C000] =	vst v63  }
0x75: {  	_ =	swait.ge [sflag:s30], $0x4000  }
0x76: {  	[sflag:s30] =	ssyncset.done $0x0  }
0x77: {  	[sflag:s30] =	ssyncadd.s32 $0xFFFFC000  }
0x78: {  	[spmem:s2] =	stream.indirect.scatter.add.f32 [tilespmem:s26], [sflag:$0x7], $0x80, s31, s23, $0xb8;
	[tilespmem:$0x1C000] =	vst v63  }
0x79: {  	_ =	swait.ge [sflag:s18], $0x4000  }
0x7a: {  	[sflag:s18] =	ssyncset.done $0x0  }
0x7b: {  	s13 =	sadd.s32 $0xFFFFFFC0, s7;
	[sflag:s18] =	ssyncadd.s32 $0xFFFFC000  }
0x7c: {  	[tilespmem:s19], [sflag:$0x2] =	stream.linear.gather [hbm4b:s13+s4], $0x100, $0x38;
	[tilespmem:$0x1C000] =	vst v63  }
0x7d: {  	_ =	swait.ge [sflag:s0], $0x100  }
0x7e: {  	[sflag:s0] =	ssyncset.done $0x0  }
0x7f: {  	[sflag:s0] =	ssyncadd.s32 $0xFFFFFF00  }
0x80: {  	[tilespmem:s26], [sflag:$0x6] =	stream.indirect.gather [hbm4b:s5+s23], $0x80, s21, s23, $0xb8;
	[tilespmem:$0x1C000] =	vst v63  }
0x81: {  	_ =	swait.ge [sflag:s28], $0x4000  }
0x82: {  	[sflag:s28] =	ssyncset.done $0x0  }
0x83: {  	[sflag:s28] =	ssyncadd.s32 $0xFFFFC000  }
0x84: {  	[spmem:s2] =	stream.indirect.scatter.add.f32 [tilespmem:s24], [sflag:$0x7], $0x80, s3, s23, $0xb8;
	[tilespmem:$0x1C000] =	vst v63  }
0x85: {  	_ =	swait.ge [sflag:s18], $0x4000  }
0x86: {  	[sflag:s18] =	ssyncset.done $0x0  }
0x87: {  	[sflag:s18] =	ssyncadd.s32 $0xFFFFC000  }
0x88: {  	[tilespmem:s20], [sflag:$0x3] =	stream.linear.gather [hbm4b:s12+s4], $0x100, $0x38;
	[tilespmem:$0x1C000] =	vst v63  }
0x89: {  	_ =	swait.ge [sflag:s22], $0x100  }
0x8a: {  	[sflag:s22] =	ssyncset.done $0x0  }
0x8b: {  	[sflag:s22] =	ssyncadd.s32 $0xFFFFFF00  }
0x8c: {  	[tilespmem:s24], [sflag:$0x5] =	stream.indirect.gather [hbm4b:s5+s23], $0x80, s4, s23, $0xb8;
	[tilespmem:$0x1C000] =	vst v63  }
0x8d: {  	_ =	swait.ge [sflag:s30], $0x4000  }
0x8e: {  	[sflag:s30] =	ssyncset.done $0x0  }
0x8f: {  	[sflag:s30] =	ssyncadd.s32 $0xFFFFC000  }
0x90: {  	[spmem:s2] =	stream.indirect.scatter.add.f32 [tilespmem:s26], [sflag:$0x7], $0x80, s1, s23, $0xb8;
	[tilespmem:$0x1C000] =	vst v63  }
0x91: {  	_ =	swait.ge [sflag:s18], $0x4000  }
0x92: {  	[sflag:s18] =	ssyncset.done $0x0  }
.Ltmp4:
0x93: {  	[sflag:s18] =	ssyncadd.s32 $0xFFFFC000;
	(pc) =	sbr.rel @p1 .LBB2_3-.Ltmp4, $4  }
0x94: {  	[tilespmem:s21], [sflag:$0x4] =	stream.linear.gather [hbm4b:s7+s4], $0x100, $0x38;
	[tilespmem:$0x1C000] =	vst v63  }
0x95: {  	_ =	swait.ge [sflag:s25], $0x100  }
0x96: {  	s11 =	sadd.s32 $0x80, s11;
	[sflag:s25] =	ssyncset.done $0x0  }
0x97: {  	s12 =	sadd.s32 $0x80, s12;
	s7 =	sadd.s32 $0x80, s7;
	[sflag:s25] =	ssyncadd.s32 $0xFFFFFF00  }
.LBB2_4:
0x98: {  	[tilespmem:s26], [sflag:$0x6] =	stream.indirect.gather [hbm4b:s5+s23], $0x80, s19, s23, $0xb8;
	[tilespmem:$0x1C000] =	vst v63  }
0x99: {  	_ =	swait.ge [sflag:s28], $0x4000  }
0x9a: {  	[sflag:s28] =	ssyncset.done $0x0  }
0x9b: {  	[sflag:s28] =	ssyncadd.s32 $0xFFFFC000  }
0x9c: {  	_ =	swait.ge [sflag:s30], $0x4000  }
0x9d: {  	[sflag:s30] =	ssyncset.done $0x0  }
0x9e: {  	[sflag:s30] =	ssyncadd.s32 $0xFFFFC000  }
0x9f: {  	_ =	swait.ge [sflag:s29], $0x100  }
.Ltmp5:
0xa0: {  	[sflag:s29] =	ssyncset.done $0x0;
	(pc) =	sbr.rel .LBB2_6-.Ltmp5, $4  }
0xa1: {  	[sflag:s29] =	ssyncadd.s32 $0xFFFFFF00  }
0xa2: {  	_ =	swait.ge [sflag:s0], $0x100  }
0xa3: {  	[sflag:s0] =	ssyncset.done $0x0  }
0xa4: {  	[sflag:s0] =	ssyncadd.s32 $0xFFFFFF00  }
.LBB2_7:
0xa5: {  	_ =	sfence.sel $0x180000  }
0xa6: {  	[bflag:$0x0] =	sbarrier.arrive $0xFFFF  }
0xa7: {  	_ =	strace $0x9000004A  }
0xa8: {  	s0 =	stileid.u32;
	[bflag:$0x2] =	sbarrier.arrive $0xFFFF  }
0xa9: {  	p0 =	sne.s32 s0, $0x0;
	s0 =	rddreg [dreg:$0x3]  }
0xaa: {  	s0 =	sadd.s32 @!p0 $0x100000, s0  }
0xab: {  	[sflag:s0] =	ssyncadd.tile.s32 @!p0 $0x1;
	_ =	shalt  }
.Lfunc_end2:
_tile_overlayer_lowered:
.L_overlay_start_2:
0xac: {  	(tag) =	ssettag $0x2  }
0xad: {  	s0 =	rddreg [dreg:$0x0];
	s2 =	stileid.u32  }
0xae: {  	s1 =	rddreg [dreg:$0x1];
	p0 =	sne.s32 s2, $0x0  }
0xaf: {  	s3 =	rddreg [dreg:$0x2];
	[bflag:$0x3] =	sbarrier.arrive $0xFFFF;
	s2 =	simm.s32 @!p0 $0x1C07  }
0xb0: {  	[timem:s3], [sflag:s2] =	dma.local @!p0 [hbm:s0], s1  }
0xb1: {  	s0 =	simm.s32 @!p0 $0x7  }
0xb2: {  	_ =	swait.ge @!p0 [sflag:s0], s1  }
0xb3: {  	s1 =	ssub.s32 @!p0 $0x0, s1;
	[sflag:s0] =	ssyncset.done @!p0 $0x0  }
0xb4: {  	[sflag:s0] =	ssyncadd.s32 @!p0 s1  }
0xb5: {  	[bflag:$0x3] =	sbarrier.arrive $0xFFFF  }
0xb6: {  	_ =	shalt  }

// kernel: kernel.14.cloned.1.call-start
scs
__scs_entry_jumppad:
0x0: {  	(pc) =	sbr.rel $0x88, $3  }
0x1: {  	(tag) =	ssettag $0x0;
	lr =	simm.s32 $0x1  }
0x2: {  	[smem:$0x3F95] =	sst lr;
	_ =	strace $0xD0000000  }
0x3: {  	_ = 	snop  }
0x4: {  	_ = 	snop  }
0x5: {  	_ = 	snop  }
0x6: {  	_ = 	snop  }
0x7: {  	_ = 	snop  }
__scs_overlays_trampoline_lowered:
0x8: {  	[smem:$0x3FA4] =	sst s0  }
0x9: {  	[smem:$0x3FA5] =	sst s1  }
0xa: {  	[smem:$0x3FA6] =	sst s2  }
0xb: {  	[smem:$0x3FA7] =	sst s3  }
0xc: {  	[smem:$0x3FA8] =	sst s4  }
0xd: {  	[smem:$0x3FA9] =	sst s5  }
0xe: {  	[smem:$0x3FAA] =	sst s6  }
0xf: {  	[smem:$0x3FAB] =	sst s7  }
0x10: {  	[smem:$0x3FAC] =	sst s8  }
0x11: {  	[smem:$0x3FAD] =	sst s9;
	s0 =	simm.s32 @!p0 $0x0  }
0x12: {  	s1 =	sld [smem:$0x3F93];
	s0 =	simm.s32 @p0 $0x1  }
0x13: {  	[smem:$0x3FAE] =	sst s0;
	s0 =	simm.s32 @!p1 $0x0  }
0x14: {  	s2 =	sld [smem:$0x3F92];
	s0 =	simm.s32 @p1 $0x1  }
0x15: {  	[smem:$0x3FAF] =	sst s0;
	s0 =	simm.s32 @!p2 $0x0  }
0x16: {  	s3 =	sld [smem:$0x3FDB];
	s0 =	simm.s32 @p2 $0x1  }
0x17: {  	s4 =	simm.s32 $0x1BF5;
	[smem:$0x3FB1] =	sst s0  }
0x18: {  	s0 =	sld [smem:$0x3F94];
	_ =	swait.ge [sflag:s4], $0x0  }
0x19: {  	s7 =	sld [smem:$0x3F95]  }
0x1a: {  	s8 =	sadd.s32 $0xFFFFE003, lr  }
0x1b: {  	s9 =	sadd.s32 $0xFFFFFEF7, lr;
	s5 =	simm.s32 $0xFFFFFFFF;
	p2 =	slt.u32 s8, $0xFFFFF086  }
0x1c: {  	p1 =	slt.u32 s9, $0xF7A;
	s5 =	simm.s32 @!p2 $0x0  }
0x1d: {  	s5 =	simm.s32 @p1 $0x1;
	p0 =	seq.s32 s7, s2  }
0x1e: {  	s7 =	smul.u32 @!p0 $0xF7A, s2;
	p2 =	seq.s32 @!p0 s5, $0x0  }
0x1f: {  	s9 =	smul.u32 $0xF7A, s1;
	s8 =	simm.s32 @!p0 $0x1BF5;
	p2 =	por !p2, p0  }
0x20: {  	[sflag:s8] =	ssyncset.s32 @!p0 $0xFFFFF086;
	s6 =	sadd.s32 @!p0 s3, s7;
	s7 =	simm.s32 @!p0 $0x108  }
0x21: {  	s3 =	sadd.s32 s3, s9;
	s6 =	sadd.s32 @!p0 $0x88, s6;
	s7 =	simm.s32 @p2 $0x1082  }
0x22: {  	[simem:s7], [sflag:s8] =	dma.local @!p0 [hbm:s6], $0xF7A  }
0x23: {  	s9 =	sor.u32 $0xD0000000, s2;
	s6 =	simm.s32 $0x108;
	_ =	swait.ge @!p0 [sflag:s8], $0x0  }
0x24: {  	s3 =	sadd.s32 $0x88, s3;
	s6 =	simm.s32 @!p1 $0x1082;
	[sflag:s4] =	ssyncset.s32 $0xFFFFF086  }
0x25: {  	[simem:s6], [sflag:s4] =	dma.local [hbm:s3], $0xF7A  }
0x26: {  	[smem:$0x3F95] =	sst s1;
	(tag) =	ssettag s2;
	_ =	strace s9  }
0x27: {  	s1 =	sld [smem:$0x3FA5]  }
0x28: {  	s2 =	sld [smem:$0x3FA6]  }
0x29: {  	s4 =	sld [smem:$0x3FA8]  }
0x2a: {  	p0 =	seq.s32 s5, $0x0;
	s5 =	sld [smem:$0x3FA9]  }
0x2b: {  	s6 =	sld [smem:$0x3FAA]  }
0x2c: {  	s7 =	sld [smem:$0x3FAB]  }
0x2d: {  	s3 =	simm.s32 $0x108;
	s8 =	sld [smem:$0x3FAC]  }
0x2e: {  	s3 =	simm.s32 @!p0 $0x1082;
	s9 =	sld [smem:$0x3FAD]  }
0x2f: {  	lr =	sadd.s32 s0, s3;
	s0 =	sld [smem:$0x3FA4]  }
0x30: {  	s3 =	sld [smem:$0x3FA7]  }
0x31: {  	[smem:$0x3FB0] =	sst s10  }
0x32: {  	s10 =	sld [smem:$0x3FAE];
	_ =	sdelay $0x3  }
0x33: {  	p0 =	seq.s32 s10, $0x1;
	s10 =	sld [smem:$0x3FB0];
	_ =	sdelay $0x3  }
0x34: {  	[smem:$0x3FB0] =	sst s10  }
0x35: {  	s10 =	sld [smem:$0x3FAF];
	_ =	sdelay $0x3  }
0x36: {  	p1 =	seq.s32 s10, $0x1;
	s10 =	sld [smem:$0x3FB0];
	_ =	sdelay $0x3  }
0x37: {  	[smem:$0x3FB0] =	sst s10  }
0x38: {  	s10 =	sld [smem:$0x3FB1]  }
0x39: {  	_ = 	snop;
	(pc) =	sbr.ind lr, $3  }
0x3a: {  	_ = 	snop  }
0x3b: {  	_ = 	snop  }
0x3c: {  	p2 =	seq.s32 s10, $0x1;
	s10 =	sld [smem:$0x3FB0]  }
0x3d: {  	_ =	shalt  }
0x3e: {  	_ =	shalt  }
0x3f: {  	_ =	shalt  }
0x40: {  	_ =	shalt  }
0x41: {  	_ =	shalt  }
0x42: {  	_ =	shalt  }
0x43: {  	_ =	shalt  }
0x44: {  	_ =	shalt  }
0x45: {  	_ =	shalt  }
0x46: {  	_ =	shalt  }
0x47: {  	_ =	shalt  }
0x48: {  	_ =	shalt  }
0x49: {  	_ =	shalt  }
0x4a: {  	_ =	shalt  }
0x4b: {  	_ =	shalt  }
0x4c: {  	_ =	shalt  }
0x4d: {  	_ =	shalt  }
0x4e: {  	_ =	shalt  }
0x4f: {  	_ =	shalt  }
0x50: {  	_ =	shalt  }
0x51: {  	_ =	shalt  }
0x52: {  	_ =	shalt  }
0x53: {  	_ =	shalt  }
0x54: {  	_ =	shalt  }
0x55: {  	_ =	shalt  }
0x56: {  	_ =	shalt  }
0x57: {  	_ =	shalt  }
0x58: {  	_ =	shalt  }
0x59: {  	_ =	shalt  }
0x5a: {  	_ =	shalt  }
0x5b: {  	_ =	shalt  }
0x5c: {  	_ =	shalt  }
0x5d: {  	_ =	shalt  }
0x5e: {  	_ =	shalt  }
0x5f: {  	_ =	shalt  }
0x60: {  	_ =	shalt  }
0x61: {  	_ =	shalt  }
0x62: {  	_ =	shalt  }
0x63: {  	_ =	shalt  }
0x64: {  	_ =	shalt  }
0x65: {  	_ =	shalt  }
0x66: {  	_ =	shalt  }
0x67: {  	_ =	shalt  }
0x68: {  	_ =	shalt  }
0x69: {  	_ =	shalt  }
0x6a: {  	_ =	shalt  }
0x6b: {  	_ =	shalt  }
0x6c: {  	_ =	shalt  }
0x6d: {  	_ =	shalt  }
0x6e: {  	_ =	shalt  }
0x6f: {  	_ =	shalt  }
0x70: {  	_ =	shalt  }
0x71: {  	_ =	shalt  }
0x72: {  	_ =	shalt  }
0x73: {  	_ =	shalt  }
0x74: {  	_ =	shalt  }
0x75: {  	_ =	shalt  }
0x76: {  	_ =	shalt  }
0x77: {  	_ =	shalt  }
0x78: {  	_ =	shalt  }
0x79: {  	_ =	shalt  }
0x7a: {  	_ =	shalt  }
0x7b: {  	_ =	shalt  }
0x7c: {  	_ =	shalt  }
0x7d: {  	_ =	shalt  }
0x7e: {  	_ =	shalt  }
0x7f: {  	_ =	shalt  }
0x80: {  	_ =	shalt  }
0x81: {  	_ =	shalt  }
0x82: {  	_ =	shalt  }
0x83: {  	_ =	shalt  }
0x84: {  	_ =	shalt  }
0x85: {  	_ =	shalt  }
0x86: {  	_ =	shalt  }
0x87: {  	_ =	shalt  }
.Lfunc_end0:
.L_simem_size_0:
called_computation.2_lowered:
.L_overlay_start_0:
0x88: {  	s2 =	sld [smem:$0x3FD9]  }
0x89: {  	s3 =	sld [smem:$0x3FFE];
	_ =	sdelay $0x1  }
0x8a: {  	s1 =	srdreg.scid  }
0x8b: {  	s0 =	sand.u32 $0x1, s1  }
0x8c: {  	s17 =	sshll.u32 s0, $0xA;
	s2 =	sadd.s32 s3, s2  }
0x8d: {  	s2 =	sadd.s32 s2, s17  }
0x8e: {  	[smem:$0x3FBC] =	sst s2  }
0x8f: {  	_ = 	snop  }
0x90: {  	s2 =	sld [smem:$0x3FD0];
	(tm) =	ssettm $0x1  }
0x91: {  	s18 =	sld [smem:$0x3FFB];
	_ =	sdelay $0x3  }
0x92: {  	_ =	strace s18  }
0x93: {  	s3 =	sld [smem:$0x3FFC];
	_ =	sdelay $0x3  }
0x94: {  	_ =	strace s3  }
0x95: {  	s3 =	sld [smem:$0x3FFD];
	_ =	sdelay $0x3  }
0x96: {  	_ =	strace s3  }
0x97: {  	_ =	strace $0x8FFFFFFF  }
0x98: {  	s19 =	sld [smem:$0x3FDB];
	_ =	sdelay $0x1  }
0x99: {  	s4 =	simm.s32 $_scs_section_size  }
0x9a: {  	s5 =	simm.s32 $_size__tile_overlayer_lowered;
	s6 =	simm.s32 $_tile_overlayer_lowered  }
0x9b: {  	s22 =	simm.s32 $0x1BFF;
	s21 =	sshll.u32 s6, $0x1;
	s3 =	sadd.s32 s4, s19  }
0x9c: {  	s7 =	simm.s32 $0x0;
	s20 =	sshll.u32 s5, $0x1;
	s5 =	sadd.s32 s21, s3  }
0x9d: {  	[timem:s7], [sflag:s22] =	dma.local [hbm:s5], s20  }
0x9e: {  	_ =	swait.ge [sflag:s22], s20  }
0x9f: {  	s4 =	ssub.s32 $0x0, s20;
	[sflag:s22] =	ssyncset.done $0x0  }
0xa0: {  	[sflag:s22] =	ssyncadd.s32 s4;
	_ =	sdelay $0x1  }
0xa1: {  	s23 =	simm.s32 $0x1B8B  }
0xa2: {  	_ =	swait.ge [sflag:s23], $0x1  }
0xa3: {  	[sflag:s23] =	ssyncset.done $0x0  }
0xa4: {  	s25 =	simm.s32 $0x1B8E;
	s24 =	sld [smem:$0x3FFE];
	[sflag:s23] =	ssyncadd.s32 $0xFFFFFFFF  }
0xa5: {  	s26 =	simm.s32 $execute0_lowered;
	[smem:$0x3FD2] =	sst s25  }
0xa6: {  	s5 =	sshll.u32 s26, $0x1;
	_ =	strace $0x8000004C;
	[dreg:$0x1] =	wrdreg $0xFFFFFFFF  }
0xa7: {  	s28 =	simm.s32 $_size_execute0_lowered;
	s3 =	sadd.s32 s3, s5;
	[dreg:$0x0] =	wrdreg $0x0  }
0xa8: {  	s5 =	sshll.u32 s28, $0x1;
	[dreg:$0x2] =	wrdreg s3  }
0xa9: {  	[dreg:$0x3] =	wrdreg s5  }
0xaa: {  	[dreg:$0x4] =	wrdreg $0xC0  }
0xab: {  	_ =	task [dreg:s7], $0x5FFFF  }
0xac: {  	[dreg:$0x1] =	wrdreg $0xFFFFFFFF  }
0xad: {  	[dreg:$0x0] =	wrdreg $0x60  }
0xae: {  	[dreg:$0x2] =	wrdreg s24  }
0xaf: {  	[dreg:$0x3] =	wrdreg s2  }
0xb0: {  	[dreg:$0x4] =	wrdreg $0x84000  }
0xb1: {  	[dreg:$0x5] =	wrdreg $0x9  }
0xb2: {  	_ =	task.clear_ibuf [dreg:s7], $0x6FFFF;
	_ =	strace $0x9000004C  }
0xb3: {  	s29 =	simm.s32 $0x9;
	_ =	strace $0x8000004E  }
0xb4: {  	_ =	swait.ge [sflag:s29], $0x1  }
0xb5: {  	[sflag:s29] =	ssyncadd.s32 $0xFFFFFFFF  }
0xb6: {  	_ =	strace $0x9000004E  }
0xb7: {  	_ =	sfence  }
0xb8: {  	s30 =	sld [smem:$0x0];
	_ =	sdelay $0x2  }
0xb9: {  	s31 =	sshll.u32 s1, $0xD;
	s1 =	sshrl.u32 s1, $0x2  }
0xba: {  	s3 =	sand.u32 $0x4000, s31;
	s1 =	sadd.s32 s1, s30  }
0xbb: {  	s0 =	sor.u32 s3, s0;
	s1 =	sshll.u32 s1, $0x11  }
0xbc: {  	s0 =	sor.u32 s1, s0  }
0xbd: {  	s0 =	sadd.s32 $0x8F2B, s0  }
0xbe: {  	[sflag:s0] =	ssyncadd.remote.s32 $0x1  }
0xbf: {  	_ =	sfence.sel $0xFFFF  }
0xc0: {  	[dreg:$0x0] =	wrdreg $0xFFFFFFFF;
	(pc) =	sbr.abs _section_cstart, $3  }
0xc1: {  	[dreg:$0x1] =	wrdreg $0xFFFFFFFF  }
0xc2: {  	_ =	task.clear_ibuf [dreg:s7], $0x2FFFF;
	_ =	strace $0x9FFFFFFF  }
0xc3: {  	(tm) =	ssettm $0x7FFFFFFF  }
tec
execute0_lowered:
.L_overlay_start_1:
0x0: {  	(tag) =	ssettag $0x1  }
0x1: {  	s0 =	rddreg [dreg:$0x0]  }
0x2: {  	s15 =	rddreg [dreg:$0x1]  }
0x3: {  	s2 =	rddreg [dreg:$0x2];
	s1 =	srdreg.scid;
	s4 =	simm.s32 $0x0  }
0x4: {  	s13 =	stileid.u32;
	s28 =	simm.s32 $0x5;
	s29 =	simm.s32 $0x3  }
0x5: {  	s30 =	simm.s32 $0x6;
	s31 =	simm.s32 $0x180;
	s6 =	smul.u32 $0x13C00, s13  }
0x6: {  	s1 =	sand.u32 $0x1, s1;
	[smem:$0x7FF] =	sst s4;
	s9 =	smul.u32 $0x4F000, s13  }
0x7: {  	s5 =	sadd.s32 $0x80800, s0;
	s7 =	sadd.s32 $0x67800, s0;
	s19 =	smul.u32 $0x320, s13  }
0x8: {  	s18 =	sshll.u32 s13, $0x6;
	s3 =	smul.u32 $0x13C000, s1;
	_ =	strace $0x8000004D  }
0x9: {  	s12 =	sshll.u32 s1, $0x1;
	s8 =	ssub.s32 $0x2, s1;
	s16 =	smul.u32 $0x640, s1  }
0xa: {  	p0 =	seq.s32 s1, $0x0;
	s10 =	sshrl.u32 s8, $0x1;
	s17 =	sshrl.u32 s9, $0x2  }
0xb: {  	s3 =	sadd.s32 s6, s3;
	s6 =	sadd.s32 s13, s12;
	s14 =	ssub.s32 s8, s10  }
0xc: {  	s12 =	sadd.s32 s17, s2;
	s22 =	sadd.s32 s19, s16;
	s10 =	simm.s32 $0xC7  }
0xd: {  	s19 =	simm.s32 $0x100;
	s8 =	simm.s32 $0x0;
	s3 =	sshrl.u32 s3, $0x3  }
0xe: {  	s11 =	smul.u32 $0x6400, s6;
	s6 =	sor.u32 $0x1C07, s18;
	s1 =	sshll.u32 s22, $0x5  }
0xf: {  	s10 =	simm.s32 @!p0 $0x79;
	p0 =	sgt.u32 s13, $0x1;
	s17 =	sshrl.u32 s12, $0x3  }
0x10: {  	s18 =	simm.s32 $0x7;
	s22 =	simm.s32 $0x1;
	s0 =	sadd.s32 s3, s0  }
0x11: {  	[dreg:$0x8] =	wrdreg s10;
	s1 =	sadd.s32 s1, s7;
	s10 =	smax.u32 s14, $0x1  }
0x12: {  	s3 =	simm.s32 $0x280;
	s20 =	sadd.s32 s7, s11;
	s16 =	sadd.s32 $0xA7A00, s0  }
0x13: {  	s14 =	sadd.s32 $0xE0, s1;
	s25 =	sadd.s32 $0xC0, s1;
	[dreg:$0x4] =	wrdreg s20  }
0x14: {  	s26 =	sadd.s32 $0x80, s1;
	s0 =	simm.s32 $0x4;
	[dreg:$0x9] =	wrdreg s25  }
.Ltmp0:
0x15: {  	s21 =	sadd.s32 $0x20, s20;
	[dreg:$0xa] =	wrdreg s26;
	(pc) =	sbr.rel .LBB2_1-.Ltmp0, $4  }
0x16: {  	s1 =	simm.s32 $0x380;
	s23 =	sadd.s32 $0x40, s20;
	[dreg:$0x5] =	wrdreg s21  }
0x17: {  	s24 =	sadd.s32 $0x60, s20;
	s20 =	simm.s32 $0x200;
	[dreg:$0x6] =	wrdreg s23  }
0x18: {  	s25 =	simm.s32 $0x2;
	s26 =	simm.s32 $0x4400;
	[dreg:$0x7] =	wrdreg s24  }
0x19: {  	s21 =	simm.s32 $0x300;
	s23 =	simm.s32 $0x80;
	s24 =	simm.s32 $0x400  }
.LBB2_5:
0x1a: {  	[bflag:$0x0] =	sbarrier.arrive $0xFFFF  }
.LBB2_6:
0x1b: {  	s8 =	sadd.s32 $0x1, s8  }
0x1c: {  	p1 =	sne.s32 s8, s10  }
.Ltmp1:
0x1d: {  	[bflag:$0x0] =	sbarrier.arrive $0xFFFF;
	(pc) =	sbr.rel @!p1 .LBB2_7-.Ltmp1, $4  }
0x1e: {  	[hbm:s16], [sflag:s6] =	dma.local [spmem:s17], $0x2780  }
0x1f: {  	_ =	swait.ge [sflag:s18], $0x2780  }
0x20: {  	[sflag:s18] =	ssyncset.done $0x0  }
0x21: {  	[sflag:s18] =	ssyncadd.s32 $0xFFFFD880  }
.LBB2_1:
.Ltmp2:
0x22: {  	(pc) =	sbr.rel @p0 .LBB2_5-.Ltmp2, $4  }
0x23: {  	[spmem:s17], [sflag:s6] =	dma.local [hbm:s15], $0x2780  }
0x24: {  	_ =	swait.ge [sflag:s18], $0x2780  }
0x25: {  	[sflag:s18] =	ssyncset.done $0x0  }
0x26: {  	[sflag:s18] =	ssyncadd.s32 $0xFFFFD880  }
0x27: {  	s7 =	rddreg [dreg:$0x4]  }
0x28: {  	[tilespmem:s4], [sflag:$0x1] =	stream.linear.gather [hbm4b:s7+s4], $0x100, $0x38;
	[tilespmem:$0x1C000] =	vst v63  }
0x29: {  	s13 =	rddreg [dreg:$0x5]  }
0x2a: {  	[tilespmem:s19], [sflag:$0x2] =	stream.linear.gather [hbm4b:s13+s4], $0x100, $0x38;
	[tilespmem:$0x1C000] =	vst v63  }
0x2b: {  	s9 =	rddreg [dreg:$0x6]  }
0x2c: {  	[tilespmem:s20], [sflag:$0x3] =	stream.linear.gather [hbm4b:s9+s4], $0x100, $0x38;
	[tilespmem:$0x1C000] =	vst v63  }
0x2d: {  	s11 =	rddreg [dreg:$0x7]  }
0x2e: {  	[tilespmem:s21], [sflag:$0x4] =	stream.linear.gather [hbm4b:s11+s4], $0x100, $0x38;
	[tilespmem:$0x1C000] =	vst v63  }
0x2f: {  	[bflag:$0x0] =	sbarrier.arrive $0xFFFF  }
0x30: {  	_ =	swait.ge [sflag:s22], $0x100  }
0x31: {  	[sflag:s22] =	ssyncset.done $0x0  }
0x32: {  	[sflag:s22] =	ssyncadd.s32 $0xFFFFFF00  }
0x33: {  	[tilespmem:s24], [sflag:$0x5] =	stream.indirect.gather [hbm4b:s5+s23], $0x80, s4, s23, $0xb8;
	[tilespmem:$0x1C000] =	vst v63  }
0x34: {  	_ =	swait.ge [sflag:s25], $0x100  }
0x35: {  	[sflag:s25] =	ssyncset.done $0x0  }
0x36: {  	[sflag:s25] =	ssyncadd.s32 $0xFFFFFF00  }
0x37: {  	[tilespmem:s26], [sflag:$0x6] =	stream.indirect.gather [hbm4b:s5+s23], $0x80, s19, s23, $0xb8;
	[tilespmem:$0x1C000] =	vst v63  }
0x38: {  	_ =	swait.ge [sflag:s28], $0x4000  }
0x39: {  	[sflag:s28] =	ssyncset.done $0x0  }
0x3a: {  	[sflag:s28] =	ssyncadd.s32 $0xFFFFC000  }
0x3b: {  	[spmem:s2] =	stream.indirect.scatter.add.f32 [tilespmem:s24], [sflag:$0x7], $0x80, s23, s23, $0xb8;
	[tilespmem:$0x1C000] =	vst v63  }
0x3c: {  	_ =	swait.ge [sflag:s18], $0x4000  }
0x3d: {  	[sflag:s18] =	ssyncset.done $0x0  }
0x3e: {  	s11 =	rddreg [dreg:$0xa];
	[sflag:s18] =	ssyncadd.s32 $0xFFFFC000  }
0x3f: {  	[tilespmem:s4], [sflag:$0x1] =	stream.linear.gather [hbm4b:s11+s4], $0x100, $0x38;
	[tilespmem:$0x1C000] =	vst v63  }
0x40: {  	_ =	swait.ge [sflag:s29], $0x100  }
0x41: {  	[sflag:s29] =	ssyncset.done $0x0  }
0x42: {  	[sflag:s29] =	ssyncadd.s32 $0xFFFFFF00  }
0x43: {  	[tilespmem:s24], [sflag:$0x5] =	stream.indirect.gather [hbm4b:s5+s23], $0x80, s20, s23, $0xb8;
	[tilespmem:$0x1C000] =	vst v63  }
0x44: {  	_ =	swait.ge [sflag:s30], $0x4000  }
0x45: {  	[sflag:s30] =	ssyncset.done $0x0  }
0x46: {  	[sflag:s30] =	ssyncadd.s32 $0xFFFFC000  }
0x47: {  	[spmem:s2] =	stream.indirect.scatter.add.f32 [tilespmem:s26], [sflag:$0x7], $0x80, s31, s23, $0xb8;
	[tilespmem:$0x1C000] =	vst v63  }
0x48: {  	_ =	swait.ge [sflag:s18], $0x4000  }
0x49: {  	[sflag:s18] =	ssyncset.done $0x0  }
0x4a: {  	s12 =	sadd.s32 $0xFFFFFFC0, s14;
	[sflag:s18] =	ssyncadd.s32 $0xFFFFC000  }
0x4b: {  	[tilespmem:s19], [sflag:$0x2] =	stream.linear.gather [hbm4b:s12+s4], $0x100, $0x38;
	[tilespmem:$0x1C000] =	vst v63  }
0x4c: {  	_ =	swait.ge [sflag:s0], $0x100  }
0x4d: {  	[sflag:s0] =	ssyncset.done $0x0  }
0x4e: {  	[sflag:s0] =	ssyncadd.s32 $0xFFFFFF00  }
0x4f: {  	[tilespmem:s26], [sflag:$0x6] =	stream.indirect.gather [hbm4b:s5+s23], $0x80, s21, s23, $0xb8;
	[tilespmem:$0x1C000] =	vst v63  }
0x50: {  	_ =	swait.ge [sflag:s28], $0x4000  }
0x51: {  	[sflag:s28] =	ssyncset.done $0x0  }
0x52: {  	[sflag:s28] =	ssyncadd.s32 $0xFFFFC000  }
0x53: {  	[spmem:s2] =	stream.indirect.scatter.add.f32 [tilespmem:s24], [sflag:$0x7], $0x80, s3, s23, $0xb8;
	[tilespmem:$0x1C000] =	vst v63  }
0x54: {  	_ =	swait.ge [sflag:s18], $0x4000  }
0x55: {  	[sflag:s18] =	ssyncset.done $0x0  }
0x56: {  	s12 =	rddreg [dreg:$0x9];
	[sflag:s18] =	ssyncadd.s32 $0xFFFFC000  }
0x57: {  	[tilespmem:s20], [sflag:$0x3] =	stream.linear.gather [hbm4b:s12+s4], $0x100, $0x38;
	[tilespmem:$0x1C000] =	vst v63  }
0x58: {  	_ =	swait.ge [sflag:s22], $0x100  }
0x59: {  	[sflag:s22] =	ssyncset.done $0x0  }
0x5a: {  	[sflag:s22] =	ssyncadd.s32 $0xFFFFFF00  }
0x5b: {  	[tilespmem:s24], [sflag:$0x5] =	stream.indirect.gather [hbm4b:s5+s23], $0x80, s4, s23, $0xb8;
	[tilespmem:$0x1C000] =	vst v63  }
0x5c: {  	_ =	swait.ge [sflag:s30], $0x4000  }
0x5d: {  	[sflag:s30] =	ssyncset.done $0x0  }
0x5e: {  	[sflag:s30] =	ssyncadd.s32 $0xFFFFC000  }
0x5f: {  	[spmem:s2] =	stream.indirect.scatter.add.f32 [tilespmem:s26], [sflag:$0x7], $0x80, s1, s23, $0xb8;
	[tilespmem:$0x1C000] =	vst v63  }
0x60: {  	_ =	swait.ge [sflag:s18], $0x4000  }
0x61: {  	s13 =	rddreg [dreg:$0x8]  }
0x62: {  	[sflag:s18] =	ssyncset.done $0x0;
	p1 =	sne.s32 s13, $0x1  }
.Ltmp3:
0x63: {  	[sflag:s18] =	ssyncadd.s32 $0xFFFFC000;
	(pc) =	sbr.rel @!p1 .LBB2_4-.Ltmp3, $4  }
0x64: {  	[tilespmem:s21], [sflag:$0x4] =	stream.linear.gather [hbm4b:s14+s4], $0x100, $0x38;
	[tilespmem:$0x1C000] =	vst v63  }
0x65: {  	_ =	swait.ge [sflag:s25], $0x100  }
0x66: {  	s7 =	sadd.s32 $0x80, s14;
	s11 =	sadd.s32 $0x80, s11;
	[sflag:s25] =	ssyncset.done $0x0  }
0x67: {  	s12 =	sadd.s32 $0x80, s12;
	s9 =	sadd.s32 $0xFFFFFFFF, s13;
	[sflag:s25] =	ssyncadd.s32 $0xFFFFFF00  }
.LBB2_3:
0x68: {  	[tilespmem:s26], [sflag:$0x6] =	stream.indirect.gather [hbm4b:s5+s23], $0x80, s19, s23, $0xb8;
	[tilespmem:$0x1C000] =	vst v63  }
0x69: {  	p1 =	sne.s32 s9, $0x1;
	s9 =	sadd.s32 $0xFFFFFFFF, s9;
	_ =	swait.ge [sflag:s28], $0x4000  }
0x6a: {  	[sflag:s28] =	ssyncset.done $0x0  }
0x6b: {  	[sflag:s28] =	ssyncadd.s32 $0xFFFFC000  }
0x6c: {  	[spmem:s2] =	stream.indirect.scatter.add.f32 [tilespmem:s24], [sflag:$0x7], $0x80, s23, s23, $0xb8;
	[tilespmem:$0x1C000] =	vst v63  }
0x6d: {  	_ =	swait.ge [sflag:s18], $0x4000  }
0x6e: {  	[sflag:s18] =	ssyncset.done $0x0  }
0x6f: {  	[sflag:s18] =	ssyncadd.s32 $0xFFFFC000  }
0x70: {  	[tilespmem:s4], [sflag:$0x1] =	stream.linear.gather [hbm4b:s11+s4], $0x100, $0x38;
	[tilespmem:$0x1C000] =	vst v63  }
0x71: {  	_ =	swait.ge [sflag:s29], $0x100  }
0x72: {  	[sflag:s29] =	ssyncset.done $0x0  }
0x73: {  	[sflag:s29] =	ssyncadd.s32 $0xFFFFFF00  }
0x74: {  	[tilespmem:s24], [sflag:$0x5] =	stream.indirect.gather [hbm4b:s5+s23], $0x80, s20, s23, $0xb8;
	[tilespmem:$0x1C000] =	vst v63  }
0x75: {  	_ =	swait.ge [sflag:s30], $0x4000  }
0x76: {  	[sflag:s30] =	ssyncset.done $0x0  }
0x77: {  	[sflag:s30] =	ssyncadd.s32 $0xFFFFC000  }
0x78: {  	[spmem:s2] =	stream.indirect.scatter.add.f32 [tilespmem:s26], [sflag:$0x7], $0x80, s31, s23, $0xb8;
	[tilespmem:$0x1C000] =	vst v63  }
0x79: {  	_ =	swait.ge [sflag:s18], $0x4000  }
0x7a: {  	[sflag:s18] =	ssyncset.done $0x0  }
0x7b: {  	s13 =	sadd.s32 $0xFFFFFFC0, s7;
	[sflag:s18] =	ssyncadd.s32 $0xFFFFC000  }
0x7c: {  	[tilespmem:s19], [sflag:$0x2] =	stream.linear.gather [hbm4b:s13+s4], $0x100, $0x38;
	[tilespmem:$0x1C000] =	vst v63  }
0x7d: {  	_ =	swait.ge [sflag:s0], $0x100  }
0x7e: {  	[sflag:s0] =	ssyncset.done $0x0  }
0x7f: {  	[sflag:s0] =	ssyncadd.s32 $0xFFFFFF00  }
0x80: {  	[tilespmem:s26], [sflag:$0x6] =	stream.indirect.gather [hbm4b:s5+s23], $0x80, s21, s23, $0xb8;
	[tilespmem:$0x1C000] =	vst v63  }
0x81: {  	_ =	swait.ge [sflag:s28], $0x4000  }
0x82: {  	[sflag:s28] =	ssyncset.done $0x0  }
0x83: {  	[sflag:s28] =	ssyncadd.s32 $0xFFFFC000  }
0x84: {  	[spmem:s2] =	stream.indirect.scatter.add.f32 [tilespmem:s24], [sflag:$0x7], $0x80, s3, s23, $0xb8;
	[tilespmem:$0x1C000] =	vst v63  }
0x85: {  	_ =	swait.ge [sflag:s18], $0x4000  }
0x86: {  	[sflag:s18] =	ssyncset.done $0x0  }
0x87: {  	[sflag:s18] =	ssyncadd.s32 $0xFFFFC000  }
0x88: {  	[tilespmem:s20], [sflag:$0x3] =	stream.linear.gather [hbm4b:s12+s4], $0x100, $0x38;
	[tilespmem:$0x1C000] =	vst v63  }
0x89: {  	_ =	swait.ge [sflag:s22], $0x100  }
0x8a: {  	[sflag:s22] =	ssyncset.done $0x0  }
0x8b: {  	[sflag:s22] =	ssyncadd.s32 $0xFFFFFF00  }
0x8c: {  	[tilespmem:s24], [sflag:$0x5] =	stream.indirect.gather [hbm4b:s5+s23], $0x80, s4, s23, $0xb8;
	[tilespmem:$0x1C000] =	vst v63  }
0x8d: {  	_ =	swait.ge [sflag:s30], $0x4000  }
0x8e: {  	[sflag:s30] =	ssyncset.done $0x0  }
0x8f: {  	[sflag:s30] =	ssyncadd.s32 $0xFFFFC000  }
0x90: {  	[spmem:s2] =	stream.indirect.scatter.add.f32 [tilespmem:s26], [sflag:$0x7], $0x80, s1, s23, $0xb8;
	[tilespmem:$0x1C000] =	vst v63  }
0x91: {  	_ =	swait.ge [sflag:s18], $0x4000  }
0x92: {  	[sflag:s18] =	ssyncset.done $0x0  }
.Ltmp4:
0x93: {  	[sflag:s18] =	ssyncadd.s32 $0xFFFFC000;
	(pc) =	sbr.rel @p1 .LBB2_3-.Ltmp4, $4  }
0x94: {  	[tilespmem:s21], [sflag:$0x4] =	stream.linear.gather [hbm4b:s7+s4], $0x100, $0x38;
	[tilespmem:$0x1C000] =	vst v63  }
0x95: {  	_ =	swait.ge [sflag:s25], $0x100  }
0x96: {  	s11 =	sadd.s32 $0x80, s11;
	[sflag:s25] =	ssyncset.done $0x0  }
0x97: {  	s12 =	sadd.s32 $0x80, s12;
	s7 =	sadd.s32 $0x80, s7;
	[sflag:s25] =	ssyncadd.s32 $0xFFFFFF00  }
.LBB2_4:
0x98: {  	[tilespmem:s26], [sflag:$0x6] =	stream.indirect.gather [hbm4b:s5+s23], $0x80, s19, s23, $0xb8;
	[tilespmem:$0x1C000] =	vst v63  }
0x99: {  	_ =	swait.ge [sflag:s28], $0x4000  }
0x9a: {  	[sflag:s28] =	ssyncset.done $0x0  }
0x9b: {  	[sflag:s28] =	ssyncadd.s32 $0xFFFFC000  }
0x9c: {  	_ =	swait.ge [sflag:s30], $0x4000  }
0x9d: {  	[sflag:s30] =	ssyncset.done $0x0  }
0x9e: {  	[sflag:s30] =	ssyncadd.s32 $0xFFFFC000  }
0x9f: {  	_ =	swait.ge [sflag:s29], $0x100  }
.Ltmp5:
0xa0: {  	[sflag:s29] =	ssyncset.done $0x0;
	(pc) =	sbr.rel .LBB2_6-.Ltmp5, $4  }
0xa1: {  	[sflag:s29] =	ssyncadd.s32 $0xFFFFFF00  }
0xa2: {  	_ =	swait.ge [sflag:s0], $0x100  }
0xa3: {  	[sflag:s0] =	ssyncset.done $0x0  }
0xa4: {  	[sflag:s0] =	ssyncadd.s32 $0xFFFFFF00  }
.LBB2_7:
0xa5: {  	_ =	sfence.sel $0x180000  }
0xa6: {  	[bflag:$0x0] =	sbarrier.arrive $0xFFFF  }
0xa7: {  	_ =	strace $0x9000004D  }
0xa8: {  	s0 =	stileid.u32;
	[bflag:$0x2] =	sbarrier.arrive $0xFFFF  }
0xa9: {  	p0 =	sne.s32 s0, $0x0;
	s0 =	rddreg [dreg:$0x3]  }
0xaa: {  	s0 =	sadd.s32 @!p0 $0x100000, s0  }
0xab: {  	[sflag:s0] =	ssyncadd.tile.s32 @!p0 $0x1;
	_ =	shalt  }
.Lfunc_end2:
_tile_overlayer_lowered:
.L_overlay_start_2:
0xac: {  	(tag) =	ssettag $0x2  }
0xad: {  	s0 =	rddreg [dreg:$0x0];
	s2 =	stileid.u32  }
0xae: {  	s1 =	rddreg [dreg:$0x1];
	p0 =	sne.s32 s2, $0x0  }
0xaf: {  	s3 =	rddreg [dreg:$0x2];
	[bflag:$0x3] =	sbarrier.arrive $0xFFFF;
	s2 =	simm.s32 @!p0 $0x1C07  }
0xb0: {  	[timem:s3], [sflag:s2] =	dma.local @!p0 [hbm:s0], s1  }
0xb1: {  	s0 =	simm.s32 @!p0 $0x7  }
0xb2: {  	_ =	swait.ge @!p0 [sflag:s0], s1  }
0xb3: {  	s1 =	ssub.s32 @!p0 $0x0, s1;
	[sflag:s0] =	ssyncset.done @!p0 $0x0  }
0xb4: {  	[sflag:s0] =	ssyncadd.s32 @!p0 s1  }
0xb5: {  	[bflag:$0x3] =	sbarrier.arrive $0xFFFF  }
0xb6: {  	_ =	shalt  }

// kernel: kernel.8.cloned.1.call-start
scs
__scs_entry_jumppad:
0x0: {  	(pc) =	sbr.rel $0x88, $3  }
0x1: {  	(tag) =	ssettag $0x0;
	lr =	simm.s32 $0x1  }
0x2: {  	[smem:$0x3F95] =	sst lr;
	_ =	strace $0xD0000000  }
0x3: {  	_ = 	snop  }
0x4: {  	_ = 	snop  }
0x5: {  	_ = 	snop  }
0x6: {  	_ = 	snop  }
0x7: {  	_ = 	snop  }
__scs_overlays_trampoline_lowered:
0x8: {  	[smem:$0x3FA4] =	sst s0  }
0x9: {  	[smem:$0x3FA5] =	sst s1  }
0xa: {  	[smem:$0x3FA6] =	sst s2  }
0xb: {  	[smem:$0x3FA7] =	sst s3  }
0xc: {  	[smem:$0x3FA8] =	sst s4  }
0xd: {  	[smem:$0x3FA9] =	sst s5  }
0xe: {  	[smem:$0x3FAA] =	sst s6  }
0xf: {  	[smem:$0x3FAB] =	sst s7  }
0x10: {  	[smem:$0x3FAC] =	sst s8  }
0x11: {  	[smem:$0x3FAD] =	sst s9;
	s0 =	simm.s32 @!p0 $0x0  }
0x12: {  	s1 =	sld [smem:$0x3F93];
	s0 =	simm.s32 @p0 $0x1  }
0x13: {  	[smem:$0x3FAE] =	sst s0;
	s0 =	simm.s32 @!p1 $0x0  }
0x14: {  	s2 =	sld [smem:$0x3F92];
	s0 =	simm.s32 @p1 $0x1  }
0x15: {  	[smem:$0x3FAF] =	sst s0;
	s0 =	simm.s32 @!p2 $0x0  }
0x16: {  	s3 =	sld [smem:$0x3FDB];
	s0 =	simm.s32 @p2 $0x1  }
0x17: {  	s4 =	simm.s32 $0x1BF5;
	[smem:$0x3FB1] =	sst s0  }
0x18: {  	s0 =	sld [smem:$0x3F94];
	_ =	swait.ge [sflag:s4], $0x0  }
0x19: {  	s7 =	sld [smem:$0x3F95]  }
0x1a: {  	s8 =	sadd.s32 $0xFFFFE003, lr  }
0x1b: {  	s9 =	sadd.s32 $0xFFFFFEF7, lr;
	s5 =	simm.s32 $0xFFFFFFFF;
	p2 =	slt.u32 s8, $0xFFFFF086  }
0x1c: {  	p1 =	slt.u32 s9, $0xF7A;
	s5 =	simm.s32 @!p2 $0x0  }
0x1d: {  	s5 =	simm.s32 @p1 $0x1;
	p0 =	seq.s32 s7, s2  }
0x1e: {  	s7 =	smul.u32 @!p0 $0xF7A, s2;
	p2 =	seq.s32 @!p0 s5, $0x0  }
0x1f: {  	s9 =	smul.u32 $0xF7A, s1;
	s8 =	simm.s32 @!p0 $0x1BF5;
	p2 =	por !p2, p0  }
0x20: {  	[sflag:s8] =	ssyncset.s32 @!p0 $0xFFFFF086;
	s6 =	sadd.s32 @!p0 s3, s7;
	s7 =	simm.s32 @!p0 $0x108  }
0x21: {  	s3 =	sadd.s32 s3, s9;
	s6 =	sadd.s32 @!p0 $0x88, s6;
	s7 =	simm.s32 @p2 $0x1082  }
0x22: {  	[simem:s7], [sflag:s8] =	dma.local @!p0 [hbm:s6], $0xF7A  }
0x23: {  	s9 =	sor.u32 $0xD0000000, s2;
	s6 =	simm.s32 $0x108;
	_ =	swait.ge @!p0 [sflag:s8], $0x0  }
0x24: {  	s3 =	sadd.s32 $0x88, s3;
	s6 =	simm.s32 @!p1 $0x1082;
	[sflag:s4] =	ssyncset.s32 $0xFFFFF086  }
0x25: {  	[simem:s6], [sflag:s4] =	dma.local [hbm:s3], $0xF7A  }
0x26: {  	[smem:$0x3F95] =	sst s1;
	(tag) =	ssettag s2;
	_ =	strace s9  }
0x27: {  	s1 =	sld [smem:$0x3FA5]  }
0x28: {  	s2 =	sld [smem:$0x3FA6]  }
0x29: {  	s4 =	sld [smem:$0x3FA8]  }
0x2a: {  	p0 =	seq.s32 s5, $0x0;
	s5 =	sld [smem:$0x3FA9]  }
0x2b: {  	s6 =	sld [smem:$0x3FAA]  }
0x2c: {  	s7 =	sld [smem:$0x3FAB]  }
0x2d: {  	s3 =	simm.s32 $0x108;
	s8 =	sld [smem:$0x3FAC]  }
0x2e: {  	s3 =	simm.s32 @!p0 $0x1082;
	s9 =	sld [smem:$0x3FAD]  }
0x2f: {  	lr =	sadd.s32 s0, s3;
	s0 =	sld [smem:$0x3FA4]  }
0x30: {  	s3 =	sld [smem:$0x3FA7]  }
0x31: {  	[smem:$0x3FB0] =	sst s10  }
0x32: {  	s10 =	sld [smem:$0x3FAE];
	_ =	sdelay $0x3  }
0x33: {  	p0 =	seq.s32 s10, $0x1;
	s10 =	sld [smem:$0x3FB0];
	_ =	sdelay $0x3  }
0x34: {  	[smem:$0x3FB0] =	sst s10  }
0x35: {  	s10 =	sld [smem:$0x3FAF];
	_ =	sdelay $0x3  }
0x36: {  	p1 =	seq.s32 s10, $0x1;
	s10 =	sld [smem:$0x3FB0];
	_ =	sdelay $0x3  }
0x37: {  	[smem:$0x3FB0] =	sst s10  }
0x38: {  	s10 =	sld [smem:$0x3FB1]  }
0x39: {  	_ = 	snop;
	(pc) =	sbr.ind lr, $3  }
0x3a: {  	_ = 	snop  }
0x3b: {  	_ = 	snop  }
0x3c: {  	p2 =	seq.s32 s10, $0x1;
	s10 =	sld [smem:$0x3FB0]  }
0x3d: {  	_ =	shalt  }
0x3e: {  	_ =	shalt  }
0x3f: {  	_ =	shalt  }
0x40: {  	_ =	shalt  }
0x41: {  	_ =	shalt  }
0x42: {  	_ =	shalt  }
0x43: {  	_ =	shalt  }
0x44: {  	_ =	shalt  }
0x45: {  	_ =	shalt  }
0x46: {  	_ =	shalt  }
0x47: {  	_ =	shalt  }
0x48: {  	_ =	shalt  }
0x49: {  	_ =	shalt  }
0x4a: {  	_ =	shalt  }
0x4b: {  	_ =	shalt  }
0x4c: {  	_ =	shalt  }
0x4d: {  	_ =	shalt  }
0x4e: {  	_ =	shalt  }
0x4f: {  	_ =	shalt  }
0x50: {  	_ =	shalt  }
0x51: {  	_ =	shalt  }
0x52: {  	_ =	shalt  }
0x53: {  	_ =	shalt  }
0x54: {  	_ =	shalt  }
0x55: {  	_ =	shalt  }
0x56: {  	_ =	shalt  }
0x57: {  	_ =	shalt  }
0x58: {  	_ =	shalt  }
0x59: {  	_ =	shalt  }
0x5a: {  	_ =	shalt  }
0x5b: {  	_ =	shalt  }
0x5c: {  	_ =	shalt  }
0x5d: {  	_ =	shalt  }
0x5e: {  	_ =	shalt  }
0x5f: {  	_ =	shalt  }
0x60: {  	_ =	shalt  }
0x61: {  	_ =	shalt  }
0x62: {  	_ =	shalt  }
0x63: {  	_ =	shalt  }
0x64: {  	_ =	shalt  }
0x65: {  	_ =	shalt  }
0x66: {  	_ =	shalt  }
0x67: {  	_ =	shalt  }
0x68: {  	_ =	shalt  }
0x69: {  	_ =	shalt  }
0x6a: {  	_ =	shalt  }
0x6b: {  	_ =	shalt  }
0x6c: {  	_ =	shalt  }
0x6d: {  	_ =	shalt  }
0x6e: {  	_ =	shalt  }
0x6f: {  	_ =	shalt  }
0x70: {  	_ =	shalt  }
0x71: {  	_ =	shalt  }
0x72: {  	_ =	shalt  }
0x73: {  	_ =	shalt  }
0x74: {  	_ =	shalt  }
0x75: {  	_ =	shalt  }
0x76: {  	_ =	shalt  }
0x77: {  	_ =	shalt  }
0x78: {  	_ =	shalt  }
0x79: {  	_ =	shalt  }
0x7a: {  	_ =	shalt  }
0x7b: {  	_ =	shalt  }
0x7c: {  	_ =	shalt  }
0x7d: {  	_ =	shalt  }
0x7e: {  	_ =	shalt  }
0x7f: {  	_ =	shalt  }
0x80: {  	_ =	shalt  }
0x81: {  	_ =	shalt  }
0x82: {  	_ =	shalt  }
0x83: {  	_ =	shalt  }
0x84: {  	_ =	shalt  }
0x85: {  	_ =	shalt  }
0x86: {  	_ =	shalt  }
0x87: {  	_ =	shalt  }
.Lfunc_end0:
.L_simem_size_0:
called_computation_lowered:
.L_overlay_start_0:
0x88: {  	s2 =	sld [smem:$0x3FD9]  }
0x89: {  	s3 =	sld [smem:$0x3FFE];
	_ =	sdelay $0x1  }
0x8a: {  	s1 =	srdreg.scid  }
0x8b: {  	s0 =	sand.u32 $0x1, s1  }
0x8c: {  	s17 =	sshll.u32 s0, $0xA;
	s2 =	sadd.s32 s3, s2  }
0x8d: {  	s2 =	sadd.s32 s2, s17  }
0x8e: {  	[smem:$0x3FBC] =	sst s2  }
0x8f: {  	_ = 	snop  }
0x90: {  	s2 =	sld [smem:$0x3FD0];
	(tm) =	ssettm $0x1  }
0x91: {  	s18 =	sld [smem:$0x3FFB];
	_ =	sdelay $0x3  }
0x92: {  	_ =	strace s18  }
0x93: {  	s3 =	sld [smem:$0x3FFC];
	_ =	sdelay $0x3  }
0x94: {  	_ =	strace s3  }
0x95: {  	s3 =	sld [smem:$0x3FFD];
	_ =	sdelay $0x3  }
0x96: {  	_ =	strace s3  }
0x97: {  	_ =	strace $0x8FFFFFFF  }
0x98: {  	s19 =	sld [smem:$0x3FDB];
	_ =	sdelay $0x1  }
0x99: {  	s4 =	simm.s32 $_scs_section_size  }
0x9a: {  	s5 =	simm.s32 $_size__tile_overlayer_lowered;
	s6 =	simm.s32 $_tile_overlayer_lowered  }
0x9b: {  	s22 =	simm.s32 $0x1BFF;
	s21 =	sshll.u32 s6, $0x1;
	s3 =	sadd.s32 s4, s19  }
0x9c: {  	s7 =	simm.s32 $0x0;
	s20 =	sshll.u32 s5, $0x1;
	s5 =	sadd.s32 s21, s3  }
0x9d: {  	[timem:s7], [sflag:s22] =	dma.local [hbm:s5], s20  }
0x9e: {  	_ =	swait.ge [sflag:s22], s20  }
0x9f: {  	s4 =	ssub.s32 $0x0, s20;
	[sflag:s22] =	ssyncset.done $0x0  }
0xa0: {  	[sflag:s22] =	ssyncadd.s32 s4;
	_ =	sdelay $0x1  }
0xa1: {  	s23 =	simm.s32 $0x1B8B  }
0xa2: {  	_ =	swait.ge [sflag:s23], $0x1  }
0xa3: {  	[sflag:s23] =	ssyncset.done $0x0  }
0xa4: {  	s25 =	simm.s32 $0x1B8E;
	s24 =	sld [smem:$0x3FFE];
	[sflag:s23] =	ssyncadd.s32 $0xFFFFFFFF  }
0xa5: {  	s26 =	simm.s32 $execute0_lowered;
	[smem:$0x3FD2] =	sst s25  }
0xa6: {  	s5 =	sshll.u32 s26, $0x1;
	_ =	strace $0x80000046;
	[dreg:$0x1] =	wrdreg $0xFFFFFFFF  }
0xa7: {  	s28 =	simm.s32 $_size_execute0_lowered;
	s3 =	sadd.s32 s3, s5;
	[dreg:$0x0] =	wrdreg $0x0  }
0xa8: {  	s5 =	sshll.u32 s28, $0x1;
	[dreg:$0x2] =	wrdreg s3  }
0xa9: {  	[dreg:$0x3] =	wrdreg s5  }
0xaa: {  	[dreg:$0x4] =	wrdreg $0xC0  }
0xab: {  	_ =	task [dreg:s7], $0x5FFFF  }
0xac: {  	[dreg:$0x1] =	wrdreg $0xFFFFFFFF  }
0xad: {  	[dreg:$0x0] =	wrdreg $0x60  }
0xae: {  	[dreg:$0x2] =	wrdreg s24  }
0xaf: {  	[dreg:$0x3] =	wrdreg s2  }
0xb0: {  	[dreg:$0x4] =	wrdreg $0x44000  }
0xb1: {  	[dreg:$0x5] =	wrdreg $0x9  }
0xb2: {  	_ =	task.clear_ibuf [dreg:s7], $0x6FFFF;
	_ =	strace $0x90000046  }
0xb3: {  	s29 =	simm.s32 $0x9;
	_ =	strace $0x80000048  }
0xb4: {  	_ =	swait.ge [sflag:s29], $0x1  }
0xb5: {  	[sflag:s29] =	ssyncadd.s32 $0xFFFFFFFF  }
0xb6: {  	_ =	strace $0x90000048  }
0xb7: {  	_ =	sfence  }
0xb8: {  	s30 =	sld [smem:$0x0];
	_ =	sdelay $0x2  }
0xb9: {  	s31 =	sshll.u32 s1, $0xD;
	s1 =	sshrl.u32 s1, $0x2  }
0xba: {  	s3 =	sand.u32 $0x4000, s31;
	s1 =	sadd.s32 s1, s30  }
0xbb: {  	s0 =	sor.u32 s3, s0;
	s1 =	sshll.u32 s1, $0x11  }
0xbc: {  	s0 =	sor.u32 s1, s0  }
0xbd: {  	s0 =	sadd.s32 $0x8F2B, s0  }
0xbe: {  	[sflag:s0] =	ssyncadd.remote.s32 $0x1  }
0xbf: {  	_ =	sfence.sel $0xFFFF  }
0xc0: {  	[dreg:$0x0] =	wrdreg $0xFFFFFFFF;
	(pc) =	sbr.abs _section_cstart, $3  }
0xc1: {  	[dreg:$0x1] =	wrdreg $0xFFFFFFFF  }
0xc2: {  	_ =	task.clear_ibuf [dreg:s7], $0x2FFFF;
	_ =	strace $0x9FFFFFFF  }
0xc3: {  	(tm) =	ssettm $0x7FFFFFFF  }
tec
execute0_lowered:
.L_overlay_start_1:
0x0: {  	(tag) =	ssettag $0x1  }
0x1: {  	s0 =	rddreg [dreg:$0x0]  }
0x2: {  	s1 =	rddreg [dreg:$0x1]  }
0x3: {  	s2 =	rddreg [dreg:$0x2];
	s3 =	srdreg.scid  }
0x4: {  	s4 =	simm.s32 $0x0;
	s19 =	stileid.u32;
	s15 =	simm.s32 $0x5  }
0x5: {  	s18 =	simm.s32 $0x100;
	s28 =	simm.s32 $0x4;
	s29 =	simm.s32 $0x380  }
0x6: {  	s30 =	simm.s32 $0x0;
	s6 =	sand.u32 $0x1, s3;
	s8 =	smul.u32 $0x13C00, s19  }
0x7: {  	[smem:$0x7FF] =	sst s4;
	s10 =	smul.u32 $0x4F000, s19;
	s11 =	sadd.s32 $0x3E00, s0  }
0x8: {  	s13 =	smul.u32 $0x284, s19;
	p0 =	sgt.u32 s19, $0x1;
	s31 =	sshll.u32 s19, $0x6  }
0x9: {  	s7 =	smul.u32 $0x13C000, s6;
	s5 =	sshll.u32 s6, $0x1;
	_ =	strace $0x80000047  }
0xa: {  	s20 =	ssub.s32 $0x2, s6;
	s12 =	smul.u32 $0x508, s6;
	s16 =	sor.u32 $0x1C05, s31  }
0xb: {  	s9 =	sadd.s32 s19, s5;
	s5 =	sadd.s32 $0x18000, s0;
	s22 =	sshrl.u32 s20, $0x1  }
0xc: {  	s23 =	sshrl.u32 s10, $0x2;
	s19 =	simm.s32 $0x200;
	s9 =	smul.u32 $0x5080, s9  }
0xd: {  	s7 =	sadd.s32 s8, s7;
	s14 =	ssub.s32 s20, s22;
	s17 =	sadd.s32 s23, s2  }
0xe: {  	s24 =	sadd.s32 s13, s12;
	s20 =	simm.s32 $0x300;
	s22 =	simm.s32 $0x80  }
0xf: {  	s23 =	simm.s32 $0x2;
	s21 =	sshrl.u32 s7, $0x3;
	s12 =	sshll.u32 s24, $0x5  }
0x10: {  	s17 =	sshrl.u32 s17, $0x3;
	s24 =	simm.s32 $0x180;
	s0 =	sadd.s32 s21, s0  }
.Ltmp0:
0x11: {  	s6 =	sadd.s32 s11, s9;
	s26 =	sadd.s32 s11, s12;
	(pc) =	sbr.rel .LBB2_1-.Ltmp0, $4  }
0x12: {  	s11 =	smax.u32 s14, $0x1;
	s14 =	simm.s32 $0x400;
	s21 =	simm.s32 $0x1  }
0x13: {  	s25 =	sadd.s32 $0x20, s6;
	s8 =	sadd.s32 $0x40, s6;
	s9 =	sadd.s32 $0x60, s6  }
0x14: {  	s10 =	sadd.s32 $0x18800, s0;
	s12 =	sadd.s32 $0x80, s26;
	s13 =	sadd.s32 $0xC0, s26  }
0x15: {  	s26 =	simm.s32 $0x280;
	[dreg:$0x4] =	wrdreg s25;
	s25 =	simm.s32 $0x3  }
.LBB2_5:
0x16: {  	[bflag:$0x0] =	sbarrier.arrive $0xFFFF  }
.LBB2_6:
0x17: {  	s30 =	sadd.s32 $0x1, s30  }
0x18: {  	p1 =	sne.s32 s30, s11  }
.Ltmp1:
0x19: {  	[bflag:$0x0] =	sbarrier.arrive $0xFFFF;
	(pc) =	sbr.rel @!p1 .LBB2_7-.Ltmp1, $4  }
0x1a: {  	[hbm:s10], [sflag:s16] =	dma.local [spmem:s17], $0x2780  }
0x1b: {  	_ =	swait.ge [sflag:s15], $0x2780  }
0x1c: {  	[sflag:s15] =	ssyncset.done $0x0  }
0x1d: {  	[sflag:s15] =	ssyncadd.s32 $0xFFFFD880  }
.LBB2_1:
0x1e: {  	[tilespmem:s14], [sflag:$0x5] =	stream.linear.gather [hbm4b:s5+s4], $0x4000, $0x38;
	[tilespmem:$0x18000] =	vst v63  }
0x1f: {  	_ =	swait.ge [sflag:s15], $0x4000  }
0x20: {  	[sflag:s15] =	ssyncset.done $0x0  }
.Ltmp2:
0x21: {  	[sflag:s15] =	ssyncadd.s32 $0xFFFFC000;
	(pc) =	sbr.rel @p0 .LBB2_5-.Ltmp2, $4  }
0x22: {  	[spmem:s17], [sflag:s16] =	dma.local [hbm:s1], $0x2780  }
0x23: {  	_ =	swait.ge [sflag:s15], $0x2780  }
0x24: {  	[sflag:s15] =	ssyncset.done $0x0  }
0x25: {  	[sflag:s15] =	ssyncadd.s32 $0xFFFFD880  }
0x26: {  	s0 =	simm.s32 $0x0  }
0x27: {  	[tilespmem:s0], [sflag:$0x1] =	stream.linear.gather [hbm4b:s6+s0], $0x100, $0x38;
	[tilespmem:$0x18000] =	vst v63  }
0x28: {  	s3 =	rddreg [dreg:$0x4]  }
0x29: {  	[tilespmem:s18], [sflag:$0x2] =	stream.linear.gather [hbm4b:s3+s0], $0x100, $0x38;
	[tilespmem:$0x18000] =	vst v63  }
0x2a: {  	_ = 	snop  }
0x2b: {  	[tilespmem:s19], [sflag:$0x3] =	stream.linear.gather [hbm4b:s8+s0], $0x100, $0x38;
	[tilespmem:$0x18000] =	vst v63  }
0x2c: {  	_ = 	snop  }
0x2d: {  	[tilespmem:s20], [sflag:$0x4] =	stream.linear.gather [hbm4b:s9+s0], $0x100, $0x38;
	[tilespmem:$0x18000] =	vst v63  }
0x2e: {  	[bflag:$0x0] =	sbarrier.arrive $0xFFFF  }
0x2f: {  	_ =	swait.ge [sflag:s21], $0x100  }
0x30: {  	[sflag:s21] =	ssyncset.done $0x0  }
0x31: {  	[sflag:s21] =	ssyncadd.s32 $0xFFFFFF00  }
0x32: {  	[spmem:s2] =	stream.indirect.scatter.add.f32 [tilespmem:s14], [sflag:$0x5], $0x80, s22, s22, $0xb8;
	[tilespmem:$0x18000] =	vst v63  }
0x33: {  	_ =	swait.ge [sflag:s15], $0x4000  }
0x34: {  	[sflag:s15] =	ssyncset.done $0x0  }
0x35: {  	s3 =	sadd.s32 $0x0, s12;
	[sflag:s15] =	ssyncadd.s32 $0xFFFFC000  }
0x36: {  	[tilespmem:s4], [sflag:$0x1] =	stream.linear.gather [hbm4b:s3+s4], $0x100, $0x38;
	[tilespmem:$0x18000] =	vst v63  }
0x37: {  	_ =	swait.ge [sflag:s23], $0x100  }
0x38: {  	[sflag:s23] =	ssyncset.done $0x0  }
0x39: {  	[sflag:s23] =	ssyncadd.s32 $0xFFFFFF00  }
0x3a: {  	[spmem:s2] =	stream.indirect.scatter.add.f32 [tilespmem:s14], [sflag:$0x5], $0x80, s24, s22, $0xb8;
	[tilespmem:$0x18000] =	vst v63  }
0x3b: {  	_ =	swait.ge [sflag:s15], $0x4000  }
0x3c: {  	[sflag:s15] =	ssyncset.done $0x0  }
0x3d: {  	s31 =	sadd.s32 $0x20, s3;
	[sflag:s15] =	ssyncadd.s32 $0xFFFFC000  }
0x3e: {  	[tilespmem:s18], [sflag:$0x2] =	stream.linear.gather [hbm4b:s31+s4], $0x100, $0x38;
	[tilespmem:$0x18000] =	vst v63  }
0x3f: {  	_ =	swait.ge [sflag:s25], $0x100  }
0x40: {  	[sflag:s25] =	ssyncset.done $0x0  }
0x41: {  	[sflag:s25] =	ssyncadd.s32 $0xFFFFFF00  }
0x42: {  	[spmem:s2] =	stream.indirect.scatter.add.f32 [tilespmem:s14], [sflag:$0x5], $0x80, s26, s22, $0xb8;
	[tilespmem:$0x18000] =	vst v63  }
0x43: {  	_ =	swait.ge [sflag:s15], $0x4000  }
0x44: {  	[sflag:s15] =	ssyncset.done $0x0  }
0x45: {  	s31 =	sadd.s32 $0x0, s13;
	[sflag:s15] =	ssyncadd.s32 $0xFFFFC000  }
0x46: {  	[tilespmem:s19], [sflag:$0x3] =	stream.linear.gather [hbm4b:s31+s4], $0x100, $0x38;
	[tilespmem:$0x18000] =	vst v63  }
0x47: {  	_ =	swait.ge [sflag:s28], $0x100  }
0x48: {  	[sflag:s28] =	ssyncset.done $0x0  }
0x49: {  	[sflag:s28] =	ssyncadd.s32 $0xFFFFFF00  }
0x4a: {  	[spmem:s2] =	stream.indirect.scatter.add.f32 [tilespmem:s14], [sflag:$0x5], $0x80, s29, s22, $0xb8;
	[tilespmem:$0x18000] =	vst v63  }
0x4b: {  	_ =	swait.ge [sflag:s15], $0x4000  }
0x4c: {  	s7 =	smov.u32 s1;
	[sflag:s15] =	ssyncset.done $0x0  }
0x4d: {  	s0 =	sadd.s32 $0x60, s3;
	s31 =	simm.s32 $0x80;
	[sflag:s15] =	ssyncadd.s32 $0xFFFFC000  }
.LBB2_3:
0x4e: {  	[tilespmem:s20], [sflag:$0x4] =	stream.linear.gather [hbm4b:s0+s4], $0x100, $0x38;
	[tilespmem:$0x18000] =	vst v63  }
0x4f: {  	s0 =	smov.u32 s31  }
0x50: {  	p1 =	sne.s32 s31, $0x4F80;
	s31 =	sadd.s32 $0x80, s31;
	_ =	swait.ge [sflag:s21], $0x100  }
0x51: {  	[sflag:s21] =	ssyncset.done $0x0  }
0x52: {  	[sflag:s21] =	ssyncadd.s32 $0xFFFFFF00  }
0x53: {  	[spmem:s2] =	stream.indirect.scatter.add.f32 [tilespmem:s14], [sflag:$0x5], $0x80, s22, s22, $0xb8;
	[tilespmem:$0x18000] =	vst v63  }
0x54: {  	_ =	swait.ge [sflag:s15], $0x4000  }
0x55: {  	[sflag:s15] =	ssyncset.done $0x0  }
0x56: {  	s3 =	sadd.s32 s0, s12;
	[sflag:s15] =	ssyncadd.s32 $0xFFFFC000  }
0x57: {  	[tilespmem:s4], [sflag:$0x1] =	stream.linear.gather [hbm4b:s3+s4], $0x100, $0x38;
	[tilespmem:$0x18000] =	vst v63  }
0x58: {  	_ =	swait.ge [sflag:s23], $0x100  }
0x59: {  	[sflag:s23] =	ssyncset.done $0x0  }
0x5a: {  	[sflag:s23] =	ssyncadd.s32 $0xFFFFFF00  }
0x5b: {  	[spmem:s2] =	stream.indirect.scatter.add.f32 [tilespmem:s14], [sflag:$0x5], $0x80, s24, s22, $0xb8;
	[tilespmem:$0x18000] =	vst v63  }
0x5c: {  	_ =	swait.ge [sflag:s15], $0x4000  }
0x5d: {  	[sflag:s15] =	ssyncset.done $0x0  }
0x5e: {  	s1 =	sadd.s32 $0x20, s3;
	[sflag:s15] =	ssyncadd.s32 $0xFFFFC000  }
0x5f: {  	[tilespmem:s18], [sflag:$0x2] =	stream.linear.gather [hbm4b:s1+s4], $0x100, $0x38;
	[tilespmem:$0x18000] =	vst v63  }
0x60: {  	_ =	swait.ge [sflag:s25], $0x100  }
0x61: {  	[sflag:s25] =	ssyncset.done $0x0  }
0x62: {  	[sflag:s25] =	ssyncadd.s32 $0xFFFFFF00  }
0x63: {  	[spmem:s2] =	stream.indirect.scatter.add.f32 [tilespmem:s14], [sflag:$0x5], $0x80, s26, s22, $0xb8;
	[tilespmem:$0x18000] =	vst v63  }
0x64: {  	_ =	swait.ge [sflag:s15], $0x4000  }
0x65: {  	[sflag:s15] =	ssyncset.done $0x0  }
0x66: {  	s0 =	sadd.s32 s0, s13;
	[sflag:s15] =	ssyncadd.s32 $0xFFFFC000  }
0x67: {  	[tilespmem:s19], [sflag:$0x3] =	stream.linear.gather [hbm4b:s0+s4], $0x100, $0x38;
	[tilespmem:$0x18000] =	vst v63  }
0x68: {  	_ =	swait.ge [sflag:s28], $0x100  }
0x69: {  	[sflag:s28] =	ssyncset.done $0x0  }
.Ltmp3:
0x6a: {  	[sflag:s28] =	ssyncadd.s32 $0xFFFFFF00;
	(pc) =	sbr.rel @p1 .LBB2_3-.Ltmp3, $4  }
0x6b: {  	[spmem:s2] =	stream.indirect.scatter.add.f32 [tilespmem:s14], [sflag:$0x5], $0x80, s29, s22, $0xb8;
	[tilespmem:$0x18000] =	vst v63  }
0x6c: {  	_ =	swait.ge [sflag:s15], $0x4000  }
0x6d: {  	[sflag:s15] =	ssyncset.done $0x0  }
0x6e: {  	s0 =	sadd.s32 $0x60, s3;
	[sflag:s15] =	ssyncadd.s32 $0xFFFFC000  }
0x6f: {  	[tilespmem:s20], [sflag:$0x4] =	stream.linear.gather [hbm4b:s0+s4], $0x100, $0x38;
	[tilespmem:$0x18000] =	vst v63  }
0x70: {  	_ =	swait.ge [sflag:s21], $0x100  }
0x71: {  	[sflag:s21] =	ssyncset.done $0x0  }
0x72: {  	[sflag:s21] =	ssyncadd.s32 $0xFFFFFF00  }
0x73: {  	_ =	swait.ge [sflag:s23], $0x100  }
0x74: {  	[sflag:s23] =	ssyncset.done $0x0  }
0x75: {  	[sflag:s23] =	ssyncadd.s32 $0xFFFFFF00  }
0x76: {  	_ =	swait.ge [sflag:s25], $0x100  }
.Ltmp4:
0x77: {  	[sflag:s25] =	ssyncset.done $0x0;
	(pc) =	sbr.rel .LBB2_6-.Ltmp4, $4  }
0x78: {  	[sflag:s25] =	ssyncadd.s32 $0xFFFFFF00  }
0x79: {  	_ =	swait.ge [sflag:s28], $0x100  }
0x7a: {  	[sflag:s28] =	ssyncset.done $0x0  }
0x7b: {  	s1 =	smov.u32 s7;
	[sflag:s28] =	ssyncadd.s32 $0xFFFFFF00  }
.LBB2_7:
0x7c: {  	_ =	sfence.sel $0x180000  }
0x7d: {  	[bflag:$0x0] =	sbarrier.arrive $0xFFFF  }
0x7e: {  	_ =	strace $0x90000047  }
0x7f: {  	s0 =	stileid.u32;
	[bflag:$0x2] =	sbarrier.arrive $0xFFFF  }
0x80: {  	p0 =	sne.s32 s0, $0x0;
	s0 =	rddreg [dreg:$0x3]  }
0x81: {  	s0 =	sadd.s32 @!p0 $0x100000, s0  }
0x82: {  	[sflag:s0] =	ssyncadd.tile.s32 @!p0 $0x1;
	_ =	shalt  }
.Lfunc_end2:
_tile_overlayer_lowered:
.L_overlay_start_2:
0x83: {  	(tag) =	ssettag $0x2  }
0x84: {  	s0 =	rddreg [dreg:$0x0];
	s2 =	stileid.u32  }
0x85: {  	s1 =	rddreg [dreg:$0x1];
	p0 =	sne.s32 s2, $0x0  }
0x86: {  	s3 =	rddreg [dreg:$0x2];
	[bflag:$0x3] =	sbarrier.arrive $0xFFFF;
	s2 =	simm.s32 @!p0 $0x1C05  }
0x87: {  	[timem:s3], [sflag:s2] =	dma.local @!p0 [hbm:s0], s1  }
0x88: {  	s0 =	simm.s32 @!p0 $0x5  }
0x89: {  	_ =	swait.ge @!p0 [sflag:s0], s1  }
0x8a: {  	s1 =	ssub.s32 @!p0 $0x0, s1;
	[sflag:s0] =	ssyncset.done @!p0 $0x0  }
0x8b: {  	[sflag:s0] =	ssyncadd.s32 @!p0 s1  }
0x8c: {  	[bflag:$0x3] =	sbarrier.arrive $0xFFFF  }
0x8d: {  	_ =	shalt  }

</sc_bundles>
